<compile_context>
chip_gen: v7x
topology: tpu7x:2x2x1
jax: 0.10.2.dev20260603
libtpu: 0.0.44.dev20260713+nightly
codegen_flags: <defaults>
</compile_context>

<pallas_src>
import functools
import jax
import jax.numpy as jnp
from jax import lax
from jax.experimental import pallas as pl
from jax.experimental.pallas import tpu as pltpu
from jax.experimental.pallas import tpu_sc as plsc

N = 200000
NP = 200704
CHUNK = NP // 16
NSUB = CHUNK // 128
MAXP = 35
MAXV = 20000
GX, GY, GZ = 1408, 1600, 40
GXY = GX * GY
SENT = GXY * GZ
K1 = 8192
SHIFT2 = 13
K2B = 12288
HSTRIDE = 12288
VOXROWS = MAXV * MAXP
R4 = 704512
RC = 24576
DMASK = 4095
IMIN = -2147483647 - 1

_mesh = plsc.VectorSubcoreMesh(
    core_axis_name="c", subcore_axis_name="s", num_cores=1, num_subcores=16
)


@functools.partial(
    pl.kernel,
    mesh=_mesh,
    compiler_params=pltpu.CompilerParams(needs_layout_passes=False),
    out_type=[
        jax.ShapeDtypeStruct((R4 * 4,), jnp.float32),
        jax.ShapeDtypeStruct((RC,), jnp.int32),
        jax.ShapeDtypeStruct((RC * 3,), jnp.int32),
    ],
    scratch_types=[
        pltpu.VMEM_SHARED((NP + 16,), jnp.int32),
        pltpu.VMEM_SHARED((NP,), jnp.int32),
        pltpu.VMEM_SHARED((NP,), jnp.int32),
        pltpu.VMEM_SHARED((NP,), jnp.int32),
        pltpu.VMEM_SHARED((16 * HSTRIDE,), jnp.int32),
        pltpu.VMEM_SHARED((HSTRIDE,), jnp.int32),
        pltpu.VMEM_SHARED((256,), jnp.int32),
        pltpu.VMEM((CHUNK,), jnp.float32),
        pltpu.VMEM((CHUNK,), jnp.float32),
        pltpu.VMEM((CHUNK,), jnp.float32),
        pltpu.VMEM((CHUNK,), jnp.int32),
        pltpu.VMEM((HSTRIDE,), jnp.int32),
        pltpu.VMEM((1024,), jnp.int32),
        pltpu.VMEM((144,), jnp.int32),
        pltpu.VMEM((128,), jnp.int32),
        pltpu.VMEM((256,), jnp.int32),
        pltpu.VMEM((16,), jnp.int32),
        pltpu.VMEM((16,), jnp.int32),
        pltpu.VMEM((128,), jnp.int32),
        pltpu.VMEM((128,), jnp.int32),
        pltpu.VMEM((128,), jnp.int32),
        pltpu.VMEM((128,), jnp.int32),
        pltpu.VMEM((128,), jnp.int32),
        pltpu.VMEM((512,), jnp.int32),
        pltpu.VMEM((512,), jnp.int32),
        pltpu.VMEM((384,), jnp.int32),
        pltpu.VMEM((512,), jnp.float32),
        pltpu.VMEM((128,), jnp.int32),
        pltpu.VMEM((128,), jnp.int32),
        pltpu.VMEM((128,), jnp.int32),
        pltpu.SemaphoreType.DMA,
        pltpu.SemaphoreType.DMA,
        pltpu.SemaphoreType.DMA,
        pltpu.SemaphoreType.DMA,
        pltpu.SemaphoreType.DMA,
        pltpu.SemaphoreType.DMA,
        pltpu.SemaphoreType.DMA,
        pltpu.SemaphoreType.DMA,
    ],
)
def _voxelize_sc(pfl_hbm,
                 vox, counts, coors,
                 keya, key1, idx1, idxb, htab, gh, stat,
                 pxb, pyb, pzb, keyb, hist, hbuf, bufk, ibuf, statv,
                 tmp16, s16,
                 destr, sidxr, stg1, stg2, crdb, gidxb, dstb, cdstb, bcol,
                 cz, cy, cx,
                 sem0, sem1, sem2, sem3, sem4, sem5, sem6, sem7):
    w = lax.axis_index("s")
    iota = lax.iota(jnp.int32, 16)
    base = w * CHUNK

    dn = lax.GatherDimensionNumbers(
        offset_dims=(), collapsed_slice_dims=(0,), start_index_map=(0,))

    def take16(x, i):
        return lax.gather(x, i[:, None], dn, (1,),
                          mode=lax.GatherScatterMode.PROMISE_IN_BOUNDS)

    def rank_dedup(d):
        ks2, _ = plsc.sort_key_val(d * 16 + iota, iota)
        dsd = ks2 >> 4
        perm = ks2 & 15
        prev = take16(dsd, jnp.maximum(iota - 1, 0))
        firstm = (iota == 0) | (dsd != prev)
        starts = plsc.cummax(jnp.where(firstm, iota, 0))
        rank_s = iota - starts
        nxt = take16(dsd, jnp.minimum(iota + 1, 15))
        lastm = (iota == 15) | (dsd != nxt)
        plsc.store_scatter(tmp16, [perm], rank_s)
        return tmp16[...], dsd, rank_s + 1, lastm

    def zero_hist(n):
        def zh(i, _):
            hist[pl.ds(16 * i, 16)] = iota * 0
            return 0
        lax.fori_loop(0, n // 16, zh, 0)

    def private_hist(dig):
        def hv(i, _):
            kv = keyb[pl.ds(16 * i, 16)]
            _ro, dsd, cnt, lastm = rank_dedup(dig(kv))
            plsc.addupdate_scatter(hist, [dsd], cnt, mask=lastm)
            return 0
        lax.fori_loop(0, CHUNK // 16, hv, 0)

    def scan_hist(n):
        def sv(i, carry):
            v = hist[pl.ds(16 * i, 16)]
            c = plsc.cumsum(v)
            hist[pl.ds(16 * i, 16)] = c - v + carry
            return carry + jnp.max(c)
        lax.fori_loop(0, n // 16, sv, jnp.int32(0))

    def combine_scan(nblk):
        def cb(b, _):
            off = b * 1024
            def wadd(wp, _2):
                pltpu.sync_copy(htab.at[pl.ds(wp * HSTRIDE + off, 1024)], hbuf)
                def av(i, _3):
                    prev = jnp.where((iota * 0 + wp) > 0,
                                     hist[pl.ds(off + 16 * i, 16)], 0)
                    hist[pl.ds(off + 16 * i, 16)] = (
                        prev + hbuf[pl.ds(16 * i, 16)])
                    return 0
                lax.fori_loop(0, 64, av, 0)
                return 0
            lax.fori_loop(0, 16, wadd, 0)
            return 0
        lax.fori_loop(0, nblk, cb, 0)
        scan_hist(nblk * 1024)
        pltpu.sync_copy(hist.at[pl.ds(0, nblk * 1024)],
                        gh.at[pl.ds(0, nblk * 1024)])

    def build_offsets(nblk):
        pltpu.sync_copy(gh.at[pl.ds(0, nblk * 1024)],
                        hist.at[pl.ds(0, nblk * 1024)])
        def ob(b, _):
            off = b * 1024
            def wadd(wp, _2):
                pltpu.sync_copy(htab.at[pl.ds(wp * HSTRIDE + off, 1024)], hbuf)
                def av(i, _3):
                    m = (iota * 0 + wp) < w
                    hist[pl.ds(off + 16 * i, 16)] = (
                        hist[pl.ds(off + 16 * i, 16)]
                        + jnp.where(m, hbuf[pl.ds(16 * i, 16)], 0))
                    return 0
                lax.fori_loop(0, 64, av, 0)
                return 0
            lax.fori_loop(0, 16, wadd, 0)
            return 0
        lax.fori_loop(0, nblk, ob, 0)

    def private_permute(dstk, dsti, dig, use_seq_idx):
        def sub(mm, _):
            if not use_seq_idx:
                pltpu.sync_copy(idx1.at[pl.ds(base + mm * 128, 128)], ibuf)
            def vec(j, _2):
                o = mm * 128 + 16 * j
                kv = keyb[pl.ds(o, 16)]
                d = dig(kv)
                ro, dsd, cnt, lastm = rank_dedup(d)
                dest = plsc.load_gather(hist, [d]) + ro
                plsc.addupdate_scatter(hist, [dsd], cnt, mask=lastm)
                destr[pl.ds(16 * j, 16)] = dest
                stg1[pl.ds(16 * j, 16)] = kv
                if use_seq_idx:
                    stg2[pl.ds(16 * j, 16)] = base + o + iota
                else:
                    stg2[pl.ds(16 * j, 16)] = ibuf[pl.ds(16 * j, 16)]
                return 0
            lax.fori_loop(0, 8, vec, 0)
            pltpu.sync_copy(stg1, dstk.at[destr])
            pltpu.sync_copy(stg2, dsti.at[destr])
            return 0
        lax.fori_loop(0, NSUB, sub, 0)

    dig1 = lambda kv: kv & (K1 - 1)
    dig2 = lambda kv: kv >> SHIFT2

    def zsrc(i, _):
        pxb[pl.ds(16 * i, 16)] = (iota * 0).astype(jnp.float32)
        keyb[pl.ds(16 * i, 16)] = iota * 0
        return 0
    lax.fori_loop(0, 256, zsrc, 0)

    def zvox(i, _):
        pltpu.sync_copy(pxb.at[pl.ds(0, 4096)],
                        vox.at[pl.ds((w * 43 + i) * 4096, 4096)])
        return 0
    lax.fori_loop(0, 43, zvox, 0)

    pltpu.sync_copy(keyb.at[pl.ds(0, 1536)],
                    counts.at[pl.ds(w * 1536, 1536)])
    pltpu.sync_copy(keyb.at[pl.ds(0, 4096)], coors.at[pl.ds(w * 4608, 4096)])
    pltpu.sync_copy(keyb.at[pl.ds(0, 512)],
                    coors.at[pl.ds(w * 4608 + 4096, 512)])

    pltpu.sync_copy(pfl_hbm.at[pl.ds(base, CHUNK)], pxb)
    pltpu.sync_copy(pfl_hbm.at[pl.ds(NP + base, CHUNK)], pyb)
    pltpu.sync_copy(pfl_hbm.at[pl.ds(2 * NP + base, CHUNK)], pzb)

    def hashvec(i, _):
        o = 16 * i
        cxv = ((pxb[pl.ds(o, 16)] - 0.0) / 0.05).astype(jnp.int32)
        cyv = ((pyb[pl.ds(o, 16)] - (-40.0)) / 0.05).astype(jnp.int32)
        czv = ((pzb[pl.ds(o, 16)] - (-3.0)) / 0.1).astype(jnp.int32)
        inr = ((cxv >= 0) & (cxv < GX) & (cyv >= 0) & (cyv < GY)
               & (czv >= 0) & (czv < GZ))
        k = czv * GXY + cyv * GX + cxv
        keyb[pl.ds(o, 16)] = jnp.where(inr, k, SENT)
        return 0
    lax.fori_loop(0, CHUNK // 16, hashvec, 0)
    pltpu.sync_copy(keyb, keya.at[pl.ds(base, CHUNK)])

    zero_hist(K1)
    private_hist(dig1)
    pltpu.sync_copy(hist.at[pl.ds(0, K1)], htab.at[pl.ds(w * HSTRIDE, K1)])

    @pl.when(w == 0)
    def _tail():
        s16[...] = iota * 0 + SENT
        pltpu.sync_copy(s16, keya.at[pl.ds(NP, 16)])

    plsc.subcore_barrier()

    @pl.when(w == 0)
    def _comb1():
        combine_scan(8)
    plsc.subcore_barrier()

    build_offsets(8)
    private_permute(key1, idx1, dig1, True)
    plsc.subcore_barrier()

    pltpu.sync_copy(key1.at[pl.ds(base, CHUNK)], keyb)
    zero_hist(K2B)
    private_hist(dig2)
    pltpu.sync_copy(hist.at[pl.ds(0, K2B)],
                    htab.at[pl.ds(w * HSTRIDE, K2B)])
    plsc.subcore_barrier()

    @pl.when(w == 0)
    def _comb2():
        combine_scan(12)
    plsc.subcore_barrier()

    build_offsets(12)
    private_permute(keya, idxb, dig2, False)
    plsc.subcore_barrier()

    prev_off = (jnp.maximum(w, 1) - 1) * CHUNK + (CHUNK - 16)
    pltpu.sync_copy(keya.at[pl.ds(prev_off, 16)], s16)
    pvv = s16[...]
    prevl0 = jnp.max(jnp.where(iota == 15, pvv, IMIN))
    prevl0 = jnp.where(w == 0, jnp.int32(-1), prevl0)

    def stat_sub(mm, c2):
        pltpu.sync_copy(keya.at[pl.ds(base + mm * 128, 128)],
                        bufk.at[pl.ds(0, 128)])
        def vec(j, c3):
            nd2, ls2, pvl2 = c3
            kv = bufk[pl.ds(16 * j, 16)]
            pv = jnp.where(iota == 0, pvl2,
                           take16(kv, jnp.maximum(iota - 1, 0)))
            newg = kv != pv
            nd3 = nd2 + jnp.sum(newg.astype(jnp.int32))
            gidx = base + mm * 128 + 16 * j + iota
            ls3 = jnp.maximum(ls2, jnp.max(jnp.where(newg, gidx, -1)))
            npl = jnp.max(jnp.where(iota == 15, kv, IMIN))
            return (nd3, ls3, npl)
        return lax.fori_loop(0, 8, vec, c2)
    nd, ls, _pv = lax.fori_loop(0, NSUB, stat_sub,
                                (jnp.int32(0), jnp.int32(-1), prevl0))
    s16[...] = jnp.where(iota == 0, nd, jnp.where(iota == 1, ls, 0))
    pltpu.sync_copy(s16, stat.at[pl.ds(w * 16, 16)])
    plsc.subcore_barrier()

    pltpu.sync_copy(stat, statv)
    ndv = plsc.load_gather(statv, [iota * 16])
    lsv = plsc.load_gather(statv, [iota * 16 + 1])
    wm = iota < w
    vidbase0 = jnp.sum(jnp.where(wm, ndv, 0))
    gsc0 = jnp.max(jnp.where(wm, lsv, -1))

    def out_sub(mm, carry2):
        pltpu.sync_copy(keya.at[pl.ds(base + mm * 128, 144)], bufk)
        pltpu.sync_copy(idxb.at[pl.ds(base + mm * 128, 128)], ibuf)
        def vec(j, c3):
            vidbase, gsc, prevl = c3
            g0 = base + mm * 128 + 16 * j
            kv = bufk[pl.ds(16 * j, 16)]
            nx = bufk[pl.ds(16 * j + 1, 16)]
            pv = jnp.where(iota == 0, prevl,
                           take16(kv, jnp.maximum(iota - 1, 0)))
            newg = kv != pv
            s = plsc.cumsum(newg.astype(jnp.int32))
            vid = vidbase + s - 1
            gidx = g0 + iota
            gs = jnp.maximum(plsc.cummax(jnp.where(newg, gidx, -1)), gsc)
            pos = gidx - gs
            validk = kv < SENT
            vv = vid < MAXV
            valid = validk & vv & (pos < MAXP)
            dump = gidx & DMASK
            destr[pl.ds(16 * j, 16)] = jnp.where(
                valid, (vid * MAXP + pos) * 4, (VOXROWS + dump) * 4)
            sidxr[pl.ds(16 * j, 16)] = ibuf[pl.ds(16 * j, 16)]
            lastm = kv != nx
            stg2[pl.ds(16 * j, 16)] = jnp.where(
                validk & vv & lastm, vid, MAXV + dump)
            stg1[pl.ds(16 * j, 16)] = jnp.minimum(pos + 1, MAXP)
            fm = newg & validk & vv
            crdb[pl.ds(16 * j, 16)] = jnp.where(
                fm, vid * 3, (MAXV + dump) * 3)
            zv = kv // GXY
            rem = kv - zv * GXY
            yv = rem // GX
            xv = rem - yv * GX
            cz[pl.ds(16 * j, 16)] = zv
            cy[pl.ds(16 * j, 16)] = yv
            cx[pl.ds(16 * j, 16)] = xv
            nvb = vidbase + jnp.max(s)
            ngs = jnp.max(gs)
            npl = jnp.max(jnp.where(iota == 15, kv, IMIN))
            return (nvb, ngs, npl)
        c3 = lax.fori_loop(0, 8, vec, carry2)
        def fill(j, _4):
            for c in range(4):
                gidxb[pl.ds(c * 128 + 16 * j, 16)] = (
                    sidxr[pl.ds(16 * j, 16)] + c * NP)
                dstb[pl.ds(c * 128 + 16 * j, 16)] = (
                    destr[pl.ds(16 * j, 16)] + c)
            for c in range(3):
                cdstb[pl.ds(c * 128 + 16 * j, 16)] = (
                    crdb[pl.ds(16 * j, 16)] + c)
            return 0
        lax.fori_loop(0, 8, fill, 0)
        gsems = (sem0, sem1, sem2, sem3)
        hs = []
        for c in range(4):
            hs.append(pltpu.async_copy(
                pfl_hbm.at[gidxb.at[pl.ds(c * 128, 128)]],
                bcol.at[pl.ds(c * 128, 128)], gsems[c]))
        for h in hs:
            h.wait()
        h2 = []
        for c in range(4):
            h2.append(pltpu.async_copy(
                bcol.at[pl.ds(c * 128, 128)],
                vox.at[dstb.at[pl.ds(c * 128, 128)]], gsems[c]))
        h2.append(pltpu.async_copy(stg1, counts.at[stg2], sem4))
        for c, (col, sm) in enumerate(((cz, sem5), (cy, sem6), (cx, sem7))):
            h2.append(pltpu.async_copy(
                col, coors.at[cdstb.at[pl.ds(c * 128, 128)]], sm))
        for h in h2:
            h.wait()
        return c3
    lax.fori_loop(0, NSUB, out_sub, (vidbase0, gsc0, prevl0))


def kernel(points):
    pad = NP - N
    px = jnp.pad(points[:, 0], (0, pad), constant_values=-100.0)
    py = jnp.pad(points[:, 1], (0, pad), constant_values=-100.0)
    pz = jnp.pad(points[:, 2], (0, pad), constant_values=-100.0)
    pi = jnp.pad(points[:, 3], (0, pad), constant_values=0.0)
    pfl = jnp.concatenate([px, py, pz, pi])
    voxf, counts, coorsf = _voxelize_sc(pfl)
    voxels = voxf[:VOXROWS * 4].reshape(MAXV, MAXP, 4)
    coors = coorsf[:MAXV * 3].reshape(MAXV, 3)
    return voxels, coors, counts[:MAXV]

# --- scband reference (transcript-rebuilt; emitter-appended) ---
"""Pipeline reference for scband-voxelization-87136296501765 (READ-ONLY COPY).

The authoritative reference and input builder live on the scoring server;
editing this copy changes nothing except your own understanding.
"""

import jax, jax.numpy as jnp
import numpy as np

VOXEL_SIZE = np.array([0.05, 0.05, 0.1], dtype=np.float32)
PC_RANGE = np.array([0.0, -40.0, -3.0, 70.4, 40.0, 1.0], dtype=np.float32)
MAX_POINTS = 35
MAX_VOXELS = 20000
GRID = np.round((PC_RANGE[3:] - PC_RANGE[:3]) / VOXEL_SIZE).astype(np.int64)  # [1408, 1600, 40] (x, y, z)
N_POINTS = 200000


def setup_inputs(seed: int = 0) -> dict:
    key = jax.random.key(seed)
    k1, k2 = jax.random.split(key)
    xyz = jax.random.uniform(k1, (N_POINTS, 3), dtype=jnp.float32)
    xyz = xyz * jnp.asarray(PC_RANGE[3:] - PC_RANGE[:3]) + jnp.asarray(PC_RANGE[:3])
    inten = jax.random.uniform(k2, (N_POINTS, 1), dtype=jnp.float32)
    points = jnp.concatenate([xyz, inten], axis=1).astype(jnp.float32)
    return {"points": points}


def reference(points):
    # Hard voxelization (mmcv hard_voxelize semantics, deterministic):
    # 1) bin each point into an integer voxel coordinate
    # 2) keep at most MAX_POINTS points per voxel, at most MAX_VOXELS voxels
    # Returns fixed-size buffers (voxels, coors, num_points_per_voxel);
    # unoccupied voxel slots are zero-filled (static-shape analogue of [:voxel_num]).
    N = points.shape[0]
    gx, gy, gz = int(GRID[0]), int(GRID[1]), int(GRID[2])
    grid = jnp.asarray(GRID)
    c = jnp.floor((points[:, :3] - jnp.asarray(PC_RANGE[:3])) / jnp.asarray(VOXEL_SIZE)).astype(jnp.int64)
    in_range = jnp.all((c >= 0) & (c < grid), axis=1)
    flat = c[:, 2] * (gx * gy) + c[:, 1] * gx + c[:, 0]
    sentinel = gx * gy * gz
    flat = jnp.where(in_range, flat, sentinel)
    # stable sort by voxel hash -> deterministic intra-voxel point order
    order = jnp.argsort(flat)
    fs = flat[order]
    ps = points[order]
    cs = c[order]
    idx = jnp.arange(N)
    new_group = jnp.concatenate([jnp.array([True]), fs[1:] != fs[:-1]])
    voxel_id = jnp.cumsum(new_group.astype(jnp.int64)) - 1
    group_start = jax.lax.cummax(jnp.where(new_group, idx, 0), axis=0)
    pos = idx - group_start  # rank of point within its voxel
    valid = (fs < sentinel) & (pos < MAX_POINTS) & (voxel_id < MAX_VOXELS)
    vid = jnp.where(valid, voxel_id, MAX_VOXELS)  # dump invalid into extra row
    pid = jnp.where(valid, pos, 0)
    voxels = jnp.zeros((MAX_VOXELS + 1, MAX_POINTS, points.shape[1]), points.dtype)
    voxels = voxels.at[vid, pid].set(ps)[:MAX_VOXELS]
    counts = jnp.zeros((MAX_VOXELS + 1,), jnp.int32).at[vid].add(valid.astype(jnp.int32))[:MAX_VOXELS]
    czyx = jnp.stack([cs[:, 2], cs[:, 1], cs[:, 0]], axis=1).astype(jnp.int32)  # coors in (z, y, x)
    vid2 = jnp.where(valid & new_group, voxel_id, MAX_VOXELS)
    coors = jnp.zeros((MAX_VOXELS + 1, 3), jnp.int32).at[vid2].set(czyx)[:MAX_VOXELS]
    return voxels, coors, counts

if __name__ == "__main__":
    import jax
    _d = setup_inputs()
    print(jax.jit(kernel)(*tuple(_d.values())))

</pallas_src>

<mosaic_0001>
#map = affine_map<(d0, d1) -> (0)>
module attributes {stable_mosaic.version = 14 : i64} {
  func.func @_voxelize_sc(%arg0: i32, %arg1: i32, %arg2: memref<802816xf32, #tpu.memory_space<hbm>>, %arg3: memref<2818048xf32, #tpu.memory_space<hbm>>, %arg4: memref<24576xi32, #tpu.memory_space<hbm>>, %arg5: memref<73728xi32, #tpu.memory_space<hbm>>, %arg6: memref<200720xi32, #tpu.memory_space<vmem_shared>>, %arg7: memref<200704xi32, #tpu.memory_space<vmem_shared>>, %arg8: memref<200704xi32, #tpu.memory_space<vmem_shared>>, %arg9: memref<200704xi32, #tpu.memory_space<vmem_shared>>, %arg10: memref<196608xi32, #tpu.memory_space<vmem_shared>>, %arg11: memref<12288xi32, #tpu.memory_space<vmem_shared>>, %arg12: memref<256xi32, #tpu.memory_space<vmem_shared>>, %arg13: memref<12544xf32, #tpu.memory_space<vmem>>, %arg14: memref<12544xf32, #tpu.memory_space<vmem>>, %arg15: memref<12544xf32, #tpu.memory_space<vmem>>, %arg16: memref<12544xi32, #tpu.memory_space<vmem>>, %arg17: memref<12288xi32, #tpu.memory_space<vmem>>, %arg18: memref<1024xi32, #tpu.memory_space<vmem>>, %arg19: memref<144xi32, #tpu.memory_space<vmem>>, %arg20: memref<128xi32, #tpu.memory_space<vmem>>, %arg21: memref<256xi32, #tpu.memory_space<vmem>>, %arg22: memref<16xi32, #tpu.memory_space<vmem>>, %arg23: memref<16xi32, #tpu.memory_space<vmem>>, %arg24: memref<128xi32, #tpu.memory_space<vmem>>, %arg25: memref<128xi32, #tpu.memory_space<vmem>>, %arg26: memref<128xi32, #tpu.memory_space<vmem>>, %arg27: memref<128xi32, #tpu.memory_space<vmem>>, %arg28: memref<128xi32, #tpu.memory_space<vmem>>, %arg29: memref<512xi32, #tpu.memory_space<vmem>>, %arg30: memref<512xi32, #tpu.memory_space<vmem>>, %arg31: memref<384xi32, #tpu.memory_space<vmem>>, %arg32: memref<512xf32, #tpu.memory_space<vmem>>, %arg33: memref<128xi32, #tpu.memory_space<vmem>>, %arg34: memref<128xi32, #tpu.memory_space<vmem>>, %arg35: memref<128xi32, #tpu.memory_space<vmem>>, %arg36: memref<!tpu.dma_semaphore, #tpu.memory_space<semaphore_mem>>, %arg37: memref<!tpu.dma_semaphore, #tpu.memory_space<semaphore_mem>>, %arg38: memref<!tpu.dma_semaphore, #tpu.memory_space<semaphore_mem>>, %arg39: memref<!tpu.dma_semaphore, #tpu.memory_space<semaphore_mem>>, %arg40: memref<!tpu.dma_semaphore, #tpu.memory_space<semaphore_mem>>, %arg41: memref<!tpu.dma_semaphore, #tpu.memory_space<semaphore_mem>>, %arg42: memref<!tpu.dma_semaphore, #tpu.memory_space<semaphore_mem>>, %arg43: memref<!tpu.dma_semaphore, #tpu.memory_space<semaphore_mem>>) attributes {dimension_semantics = [#tpu.dimension_semantics<core_parallel>, #tpu.dimension_semantics<subcore_parallel>], iteration_bounds = array<i64: 1, 16>, scalar_prefetch = 0 : i64, scratch_operands = 38 : i64, tpu.core_type = #tpu.core_type<sc_vector_subcore>, window_params = [{transform_indices = #map}, {transform_indices = #map}, {transform_indices = #map}, {transform_indices = #map}]} {
    %iota3A = tpu.iota {dimensions = array<i32: 0>} : vector<16xi32>
    %mul3A = arith.constant 12544 : i32
    %mul3A_0 = arith.muli %arg1, %mul3A : i32
    %scan3A = arith.constant 0 : i32
    %scan3A_1 = arith.constant 0 : i32
    %scan3A_2 = arith.constant 256 : i32
    %scan3A_3 = arith.addi %scan3A_1, %scan3A_2 : i32
    %scan3A_4 = arith.constant 1 : i32
    %scan3A_5 = scf.for %scan3A_188 = %scan3A_1 to %scan3A_3 step %scan3A_4 iter_args(%scan3A_189 = %scan3A) -> (i32)  : i32 {
      %mul3A_190 = arith.constant 0 : i32
      %mul3A_191 = vector.broadcast %mul3A_190 : i32 to vector<16xi32>
      %mul3A_192 = arith.muli %iota3A, %mul3A_191 : vector<16xi32>
      %convert_element_type3A_193 = arith.sitofp %mul3A_192 : vector<16xi32> to vector<16xf32>
      %mul3A_194 = arith.constant 16 : i32
      %mul3A_195 = arith.muli %mul3A_194, %scan3A_188 : i32
      %swap3A_196 = arith.index_cast %mul3A_195 : i32 to index
      %swap3A_197 = tpu.vector_load %arg13[%swap3A_196] {strides = array<i32>} : memref<12544xf32, #tpu.memory_space<vmem>>, vector<16xf32>,
      tpu.vector_store %arg13[%swap3A_196], %convert_element_type3A_193 {strides = array<i32>} : memref<12544xf32, #tpu.memory_space<vmem>>, vector<16xf32>,
      %mul3A_198 = arith.constant 0 : i32
      %mul3A_199 = vector.broadcast %mul3A_198 : i32 to vector<16xi32>
      %mul3A_200 = arith.muli %iota3A, %mul3A_199 : vector<16xi32>
      %mul3A_201 = arith.constant 16 : i32
      %mul3A_202 = arith.muli %mul3A_201, %scan3A_188 : i32
      %swap3A_203 = arith.index_cast %mul3A_202 : i32 to index
      %swap3A_204 = tpu.vector_load %arg16[%swap3A_203] {strides = array<i32>} : memref<12544xi32, #tpu.memory_space<vmem>>, vector<16xi32>,
      tpu.vector_store %arg16[%swap3A_203], %mul3A_200 {strides = array<i32>} : memref<12544xi32, #tpu.memory_space<vmem>>, vector<16xi32>,
      %scan3A_205 = arith.constant 0 : i32
      scf.yield %scan3A_205 : i32
    }
    %scan3A_6 = arith.constant 256 : i32
    %scan3A_7 = arith.constant 0 : i32
    %scan3A_8 = arith.constant 0 : i32
    %scan3A_9 = arith.constant 43 : i32
    %scan3A_10 = arith.addi %scan3A_8, %scan3A_9 : i32
    %scan3A_11 = arith.constant 1 : i32
    %scan3A_12 = scf.for %scan3A_188 = %scan3A_8 to %scan3A_10 step %scan3A_11 iter_args(%scan3A_189 = %scan3A_7) -> (i32)  : i32 {
      %mul3A_190 = arith.constant 43 : i32
      %mul3A_191 = arith.muli %arg1, %mul3A_190 : i32
      %add3A_192 = arith.addi %mul3A_191, %scan3A_188 : i32
      %mul3A_193 = arith.constant 4096 : i32
      %mul3A_194 = arith.muli %add3A_192, %mul3A_193 : i32
      "tpu.region"() ({
        %run_scoped3A = tpu.sem_alloc : memref<!tpu.dma_semaphore, #tpu.memory_space<semaphore_mem>>
        %dma_start3A = arith.constant 0 : i32
        %dma_start3A_196 = tpu.memref_slice %arg13[%dma_start3A] : memref<12544xf32, #tpu.memory_space<vmem>> -> memref<4096xf32, #tpu.memory_space<vmem>>
        %dma_start3A_197 = tpu.memref_slice %arg3[%mul3A_194] : memref<2818048xf32, #tpu.memory_space<hbm>> -> memref<4096xf32, #tpu.memory_space<hbm>>
        %dma_start3A_198 = tpu.memref_slice %arg3[%mul3A_194] : memref<2818048xf32, #tpu.memory_space<hbm>> -> memref<4096xf32, #tpu.memory_space<hbm>>
        %dma_start3A_199 = arith.constant 0 : i32
        %dma_start3A_200 = tpu.memref_slice %arg13[%dma_start3A_199] : memref<12544xf32, #tpu.memory_space<vmem>> -> memref<4096xf32, #tpu.memory_space<vmem>>
        tpu.enqueue_dma source(%dma_start3A_200 : memref<4096xf32, #tpu.memory_space<vmem>>) target(%dma_start3A_198 : memref<4096xf32, #tpu.memory_space<hbm>>) target_semaphore(%run_scoped3A : memref<!tpu.dma_semaphore, #tpu.memory_space<semaphore_mem>>)
        %dma_wait3A = arith.constant 0 : i32
        %dma_wait3A_201 = tpu.memref_slice %arg13[%dma_wait3A] : memref<12544xf32, #tpu.memory_space<vmem>> -> memref<4096xf32, #tpu.memory_space<vmem>>
        %dma_wait3A_202 = tpu.memref_slice %arg3[%mul3A_194] : memref<2818048xf32, #tpu.memory_space<hbm>> -> memref<4096xf32, #tpu.memory_space<hbm>>
        %dma_wait3A_203 = tpu.memref_slice %arg3[%mul3A_194] : memref<2818048xf32, #tpu.memory_space<hbm>> -> memref<4096xf32, #tpu.memory_space<hbm>>
        %dma_wait3A_204 = arith.constant 0 : i32
        %dma_wait3A_205 = tpu.memref_slice %arg13[%dma_wait3A_204] : memref<12544xf32, #tpu.memory_space<vmem>> -> memref<4096xf32, #tpu.memory_space<vmem>>
        tpu.wait_dma2 semaphore(%run_scoped3A : memref<!tpu.dma_semaphore, #tpu.memory_space<semaphore_mem>>) src(%dma_wait3A_205 : memref<4096xf32, #tpu.memory_space<vmem>>) dst(%dma_wait3A_203 : memref<4096xf32, #tpu.memory_space<hbm>>)
        tpu.yield
      }) : () -> ()
      %scan3A_195 = arith.constant 0 : i32
      scf.yield %scan3A_195 : i32
    }
    %scan3A_13 = arith.constant 43 : i32
    %mul3A_14 = arith.constant 1536 : i32
    %mul3A_15 = arith.muli %arg1, %mul3A_14 : i32
    "tpu.region"() ({
      %run_scoped3A = tpu.sem_alloc : memref<!tpu.dma_semaphore, #tpu.memory_space<semaphore_mem>>
      %dma_start3A = arith.constant 0 : i32
      %dma_start3A_188 = tpu.memref_slice %arg16[%dma_start3A] : memref<12544xi32, #tpu.memory_space<vmem>> -> memref<1536xi32, #tpu.memory_space<vmem>>
      %dma_start3A_189 = tpu.memref_slice %arg4[%mul3A_15] : memref<24576xi32, #tpu.memory_space<hbm>> -> memref<1536xi32, #tpu.memory_space<hbm>>
      %dma_start3A_190 = tpu.memref_slice %arg4[%mul3A_15] : memref<24576xi32, #tpu.memory_space<hbm>> -> memref<1536xi32, #tpu.memory_space<hbm>>
      %dma_start3A_191 = arith.constant 0 : i32
      %dma_start3A_192 = tpu.memref_slice %arg16[%dma_start3A_191] : memref<12544xi32, #tpu.memory_space<vmem>> -> memref<1536xi32, #tpu.memory_space<vmem>>
      tpu.enqueue_dma source(%dma_start3A_192 : memref<1536xi32, #tpu.memory_space<vmem>>) target(%dma_start3A_190 : memref<1536xi32, #tpu.memory_space<hbm>>) target_semaphore(%run_scoped3A : memref<!tpu.dma_semaphore, #tpu.memory_space<semaphore_mem>>)
      %dma_wait3A = arith.constant 0 : i32
      %dma_wait3A_193 = tpu.memref_slice %arg16[%dma_wait3A] : memref<12544xi32, #tpu.memory_space<vmem>> -> memref<1536xi32, #tpu.memory_space<vmem>>
      %dma_wait3A_194 = tpu.memref_slice %arg4[%mul3A_15] : memref<24576xi32, #tpu.memory_space<hbm>> -> memref<1536xi32, #tpu.memory_space<hbm>>
      %dma_wait3A_195 = tpu.memref_slice %arg4[%mul3A_15] : memref<24576xi32, #tpu.memory_space<hbm>> -> memref<1536xi32, #tpu.memory_space<hbm>>
      %dma_wait3A_196 = arith.constant 0 : i32
      %dma_wait3A_197 = tpu.memref_slice %arg16[%dma_wait3A_196] : memref<12544xi32, #tpu.memory_space<vmem>> -> memref<1536xi32, #tpu.memory_space<vmem>>
      tpu.wait_dma2 semaphore(%run_scoped3A : memref<!tpu.dma_semaphore, #tpu.memory_space<semaphore_mem>>) src(%dma_wait3A_197 : memref<1536xi32, #tpu.memory_space<vmem>>) dst(%dma_wait3A_195 : memref<1536xi32, #tpu.memory_space<hbm>>)
      tpu.yield
    }) : () -> ()
    %mul3A_16 = arith.constant 4608 : i32
    %mul3A_17 = arith.muli %arg1, %mul3A_16 : i32
    "tpu.region"() ({
      %run_scoped3A = tpu.sem_alloc : memref<!tpu.dma_semaphore, #tpu.memory_space<semaphore_mem>>
      %dma_start3A = arith.constant 0 : i32
      %dma_start3A_188 = tpu.memref_slice %arg16[%dma_start3A] : memref<12544xi32, #tpu.memory_space<vmem>> -> memref<4096xi32, #tpu.memory_space<vmem>>
      %dma_start3A_189 = tpu.memref_slice %arg5[%mul3A_17] : memref<73728xi32, #tpu.memory_space<hbm>> -> memref<4096xi32, #tpu.memory_space<hbm>>
      %dma_start3A_190 = tpu.memref_slice %arg5[%mul3A_17] : memref<73728xi32, #tpu.memory_space<hbm>> -> memref<4096xi32, #tpu.memory_space<hbm>>
      %dma_start3A_191 = arith.constant 0 : i32
      %dma_start3A_192 = tpu.memref_slice %arg16[%dma_start3A_191] : memref<12544xi32, #tpu.memory_space<vmem>> -> memref<4096xi32, #tpu.memory_space<vmem>>
      tpu.enqueue_dma source(%dma_start3A_192 : memref<4096xi32, #tpu.memory_space<vmem>>) target(%dma_start3A_190 : memref<4096xi32, #tpu.memory_space<hbm>>) target_semaphore(%run_scoped3A : memref<!tpu.dma_semaphore, #tpu.memory_space<semaphore_mem>>)
      %dma_wait3A = arith.constant 0 : i32
      %dma_wait3A_193 = tpu.memref_slice %arg16[%dma_wait3A] : memref<12544xi32, #tpu.memory_space<vmem>> -> memref<4096xi32, #tpu.memory_space<vmem>>
      %dma_wait3A_194 = tpu.memref_slice %arg5[%mul3A_17] : memref<73728xi32, #tpu.memory_space<hbm>> -> memref<4096xi32, #tpu.memory_space<hbm>>
      %dma_wait3A_195 = tpu.memref_slice %arg5[%mul3A_17] : memref<73728xi32, #tpu.memory_space<hbm>> -> memref<4096xi32, #tpu.memory_space<hbm>>
      %dma_wait3A_196 = arith.constant 0 : i32
      %dma_wait3A_197 = tpu.memref_slice %arg16[%dma_wait3A_196] : memref<12544xi32, #tpu.memory_space<vmem>> -> memref<4096xi32, #tpu.memory_space<vmem>>
      tpu.wait_dma2 semaphore(%run_scoped3A : memref<!tpu.dma_semaphore, #tpu.memory_space<semaphore_mem>>) src(%dma_wait3A_197 : memref<4096xi32, #tpu.memory_space<vmem>>) dst(%dma_wait3A_195 : memref<4096xi32, #tpu.memory_space<hbm>>)
      tpu.yield
    }) : () -> ()
    %mul3A_18 = arith.constant 4608 : i32
    %mul3A_19 = arith.muli %arg1, %mul3A_18 : i32
    %add3A = arith.constant 4096 : i32
    %add3A_20 = arith.addi %mul3A_19, %add3A : i32
    "tpu.region"() ({
      %run_scoped3A = tpu.sem_alloc : memref<!tpu.dma_semaphore, #tpu.memory_space<semaphore_mem>>
      %dma_start3A = arith.constant 0 : i32
      %dma_start3A_188 = tpu.memref_slice %arg16[%dma_start3A] : memref<12544xi32, #tpu.memory_space<vmem>> -> memref<512xi32, #tpu.memory_space<vmem>>
      %dma_start3A_189 = tpu.memref_slice %arg5[%add3A_20] : memref<73728xi32, #tpu.memory_space<hbm>> -> memref<512xi32, #tpu.memory_space<hbm>>
      %dma_start3A_190 = tpu.memref_slice %arg5[%add3A_20] : memref<73728xi32, #tpu.memory_space<hbm>> -> memref<512xi32, #tpu.memory_space<hbm>>
      %dma_start3A_191 = arith.constant 0 : i32
      %dma_start3A_192 = tpu.memref_slice %arg16[%dma_start3A_191] : memref<12544xi32, #tpu.memory_space<vmem>> -> memref<512xi32, #tpu.memory_space<vmem>>
      tpu.enqueue_dma source(%dma_start3A_192 : memref<512xi32, #tpu.memory_space<vmem>>) target(%dma_start3A_190 : memref<512xi32, #tpu.memory_space<hbm>>) target_semaphore(%run_scoped3A : memref<!tpu.dma_semaphore, #tpu.memory_space<semaphore_mem>>)
      %dma_wait3A = arith.constant 0 : i32
      %dma_wait3A_193 = tpu.memref_slice %arg16[%dma_wait3A] : memref<12544xi32, #tpu.memory_space<vmem>> -> memref<512xi32, #tpu.memory_space<vmem>>
      %dma_wait3A_194 = tpu.memref_slice %arg5[%add3A_20] : memref<73728xi32, #tpu.memory_space<hbm>> -> memref<512xi32, #tpu.memory_space<hbm>>
      %dma_wait3A_195 = tpu.memref_slice %arg5[%add3A_20] : memref<73728xi32, #tpu.memory_space<hbm>> -> memref<512xi32, #tpu.memory_space<hbm>>
      %dma_wait3A_196 = arith.constant 0 : i32
      %dma_wait3A_197 = tpu.memref_slice %arg16[%dma_wait3A_196] : memref<12544xi32, #tpu.memory_space<vmem>> -> memref<512xi32, #tpu.memory_space<vmem>>
      tpu.wait_dma2 semaphore(%run_scoped3A : memref<!tpu.dma_semaphore, #tpu.memory_space<semaphore_mem>>) src(%dma_wait3A_197 : memref<512xi32, #tpu.memory_space<vmem>>) dst(%dma_wait3A_195 : memref<512xi32, #tpu.memory_space<hbm>>)
      tpu.yield
    }) : () -> ()
    "tpu.region"() ({
      %run_scoped3A = tpu.sem_alloc : memref<!tpu.dma_semaphore, #tpu.memory_space<semaphore_mem>>
      %dma_start3A = tpu.memref_slice %arg2[%mul3A_0] : memref<802816xf32, #tpu.memory_space<hbm>> -> memref<12544xf32, #tpu.memory_space<hbm>>
      %dma_start3A_188 = tpu.memref_slice %arg2[%mul3A_0] : memref<802816xf32, #tpu.memory_space<hbm>> -> memref<12544xf32, #tpu.memory_space<hbm>>
      tpu.enqueue_dma source(%dma_start3A_188 : memref<12544xf32, #tpu.memory_space<hbm>>) target(%arg13 : memref<12544xf32, #tpu.memory_space<vmem>>) target_semaphore(%run_scoped3A : memref<!tpu.dma_semaphore, #tpu.memory_space<semaphore_mem>>)
      %dma_wait3A = tpu.memref_slice %arg2[%mul3A_0] : memref<802816xf32, #tpu.memory_space<hbm>> -> memref<12544xf32, #tpu.memory_space<hbm>>
      %dma_wait3A_189 = tpu.memref_slice %arg2[%mul3A_0] : memref<802816xf32, #tpu.memory_space<hbm>> -> memref<12544xf32, #tpu.memory_space<hbm>>
      tpu.wait_dma2 semaphore(%run_scoped3A : memref<!tpu.dma_semaphore, #tpu.memory_space<semaphore_mem>>) src(%dma_wait3A_189 : memref<12544xf32, #tpu.memory_space<hbm>>) dst(%arg13 : memref<12544xf32, #tpu.memory_space<vmem>>)
      tpu.yield
    }) : () -> ()
    %add3A_21 = arith.constant 200704 : i32
    %add3A_22 = arith.addi %add3A_21, %mul3A_0 : i32
    "tpu.region"() ({
      %run_scoped3A = tpu.sem_alloc : memref<!tpu.dma_semaphore, #tpu.memory_space<semaphore_mem>>
      %dma_start3A = tpu.memref_slice %arg2[%add3A_22] : memref<802816xf32, #tpu.memory_space<hbm>> -> memref<12544xf32, #tpu.memory_space<hbm>>
      %dma_start3A_188 = tpu.memref_slice %arg2[%add3A_22] : memref<802816xf32, #tpu.memory_space<hbm>> -> memref<12544xf32, #tpu.memory_space<hbm>>
      tpu.enqueue_dma source(%dma_start3A_188 : memref<12544xf32, #tpu.memory_space<hbm>>) target(%arg14 : memref<12544xf32, #tpu.memory_space<vmem>>) target_semaphore(%run_scoped3A : memref<!tpu.dma_semaphore, #tpu.memory_space<semaphore_mem>>)
      %dma_wait3A = tpu.memref_slice %arg2[%add3A_22] : memref<802816xf32, #tpu.memory_space<hbm>> -> memref<12544xf32, #tpu.memory_space<hbm>>
      %dma_wait3A_189 = tpu.memref_slice %arg2[%add3A_22] : memref<802816xf32, #tpu.memory_space<hbm>> -> memref<12544xf32, #tpu.memory_space<hbm>>
      tpu.wait_dma2 semaphore(%run_scoped3A : memref<!tpu.dma_semaphore, #tpu.memory_space<semaphore_mem>>) src(%dma_wait3A_189 : memref<12544xf32, #tpu.memory_space<hbm>>) dst(%arg14 : memref<12544xf32, #tpu.memory_space<vmem>>)
      tpu.yield
    }) : () -> ()
    %add3A_23 = arith.constant 401408 : i32
    %add3A_24 = arith.addi %add3A_23, %mul3A_0 : i32
    "tpu.region"() ({
      %run_scoped3A = tpu.sem_alloc : memref<!tpu.dma_semaphore, #tpu.memory_space<semaphore_mem>>
      %dma_start3A = tpu.memref_slice %arg2[%add3A_24] : memref<802816xf32, #tpu.memory_space<hbm>> -> memref<12544xf32, #tpu.memory_space<hbm>>
      %dma_start3A_188 = tpu.memref_slice %arg2[%add3A_24] : memref<802816xf32, #tpu.memory_space<hbm>> -> memref<12544xf32, #tpu.memory_space<hbm>>
      tpu.enqueue_dma source(%dma_start3A_188 : memref<12544xf32, #tpu.memory_space<hbm>>) target(%arg15 : memref<12544xf32, #tpu.memory_space<vmem>>) target_semaphore(%run_scoped3A : memref<!tpu.dma_semaphore, #tpu.memory_space<semaphore_mem>>)
      %dma_wait3A = tpu.memref_slice %arg2[%add3A_24] : memref<802816xf32, #tpu.memory_space<hbm>> -> memref<12544xf32, #tpu.memory_space<hbm>>
      %dma_wait3A_189 = tpu.memref_slice %arg2[%add3A_24] : memref<802816xf32, #tpu.memory_space<hbm>> -> memref<12544xf32, #tpu.memory_space<hbm>>
      tpu.wait_dma2 semaphore(%run_scoped3A : memref<!tpu.dma_semaphore, #tpu.memory_space<semaphore_mem>>) src(%dma_wait3A_189 : memref<12544xf32, #tpu.memory_space<hbm>>) dst(%arg15 : memref<12544xf32, #tpu.memory_space<vmem>>)
      tpu.yield
    }) : () -> ()
    %scan3A_25 = arith.constant 0 : i32
    %scan3A_26 = arith.constant 0 : i32
    %scan3A_27 = arith.constant 784 : i32
    %scan3A_28 = arith.addi %scan3A_26, %scan3A_27 : i32
    %scan3A_29 = arith.constant 1 : i32
    %scan3A_30 = scf.for %scan3A_188 = %scan3A_26 to %scan3A_28 step %scan3A_29 iter_args(%scan3A_189 = %scan3A_25) -> (i32)  : i32 {
      %mul3A_190 = arith.constant 16 : i32
      %mul3A_191 = arith.muli %mul3A_190, %scan3A_188 : i32
      %get3A_192 = arith.index_cast %mul3A_191 : i32 to index
      %get3A_193 = tpu.vector_load %arg13[%get3A_192] {strides = array<i32>} : memref<12544xf32, #tpu.memory_space<vmem>>, vector<16xf32>,
      %sub3A_194 = arith.constant 0.000000e+00 : f32
      %sub3A_195 = vector.broadcast %sub3A_194 : f32 to vector<16xf32>
      %sub3A_196 = arith.subf %get3A_193, %sub3A_195 : vector<16xf32>
      %div3A = arith.constant 5.000000e-02 : f32
      %div3A_197 = vector.broadcast %div3A : f32 to vector<16xf32>
      %div3A_198 = arith.divf %sub3A_196, %div3A_197 : vector<16xf32>
      %convert_element_type3A_199 = arith.fptosi %div3A_198 : vector<16xf32> to vector<16xi32>
      %get3A_200 = arith.index_cast %mul3A_191 : i32 to index
      %get3A_201 = tpu.vector_load %arg14[%get3A_200] {strides = array<i32>} : memref<12544xf32, #tpu.memory_space<vmem>>, vector<16xf32>,
      %sub3A_202 = arith.constant -4.000000e+01 : f32
      %sub3A_203 = vector.broadcast %sub3A_202 : f32 to vector<16xf32>
      %sub3A_204 = arith.subf %get3A_201, %sub3A_203 : vector<16xf32>
      %div3A_205 = arith.constant 5.000000e-02 : f32
      %div3A_206 = vector.broadcast %div3A_205 : f32 to vector<16xf32>
      %div3A_207 = arith.divf %sub3A_204, %div3A_206 : vector<16xf32>
      %convert_element_type3A_208 = arith.fptosi %div3A_207 : vector<16xf32> to vector<16xi32>
      %get3A_209 = arith.index_cast %mul3A_191 : i32 to index
      %get3A_210 = tpu.vector_load %arg15[%get3A_209] {strides = array<i32>} : memref<12544xf32, #tpu.memory_space<vmem>>, vector<16xf32>,
      %sub3A_211 = arith.constant -3.000000e+00 : f32
      %sub3A_212 = vector.broadcast %sub3A_211 : f32 to vector<16xf32>
      %sub3A_213 = arith.subf %get3A_210, %sub3A_212 : vector<16xf32>
      %div3A_214 = arith.constant 1.000000e-01 : f32
      %div3A_215 = vector.broadcast %div3A_214 : f32 to vector<16xf32>
      %div3A_216 = arith.divf %sub3A_213, %div3A_215 : vector<16xf32>
      %convert_element_type3A_217 = arith.fptosi %div3A_216 : vector<16xf32> to vector<16xi32>
      %ge3A = arith.constant 0 : i32
      %ge3A_218 = vector.broadcast %ge3A : i32 to vector<16xi32>
      %ge3A_219 = arith.cmpi sge, %convert_element_type3A_199, %ge3A_218 : vector<16xi32>
      %lt3A_220 = arith.constant 1408 : i32
      %lt3A_221 = vector.broadcast %lt3A_220 : i32 to vector<16xi32>
      %lt3A_222 = arith.cmpi slt, %convert_element_type3A_199, %lt3A_221 : vector<16xi32>
      %and3A = arith.andi %ge3A_219, %lt3A_222 : vector<16xi1>
      %ge3A_223 = arith.constant 0 : i32
      %ge3A_224 = vector.broadcast %ge3A_223 : i32 to vector<16xi32>
      %ge3A_225 = arith.cmpi sge, %convert_element_type3A_208, %ge3A_224 : vector<16xi32>
      %and3A_226 = arith.andi %and3A, %ge3A_225 : vector<16xi1>
      %lt3A_227 = arith.constant 1600 : i32
      %lt3A_228 = vector.broadcast %lt3A_227 : i32 to vector<16xi32>
      %lt3A_229 = arith.cmpi slt, %convert_element_type3A_208, %lt3A_228 : vector<16xi32>
      %and3A_230 = arith.andi %and3A_226, %lt3A_229 : vector<16xi1>
      %ge3A_231 = arith.constant 0 : i32
      %ge3A_232 = vector.broadcast %ge3A_231 : i32 to vector<16xi32>
      %ge3A_233 = arith.cmpi sge, %convert_element_type3A_217, %ge3A_232 : vector<16xi32>
      %and3A_234 = arith.andi %and3A_230, %ge3A_233 : vector<16xi1>
      %lt3A_235 = arith.constant 40 : i32
      %lt3A_236 = vector.broadcast %lt3A_235 : i32 to vector<16xi32>
      %lt3A_237 = arith.cmpi slt, %convert_element_type3A_217, %lt3A_236 : vector<16xi32>
      %and3A_238 = arith.andi %and3A_234, %lt3A_237 : vector<16xi1>
      %mul3A_239 = arith.constant 2252800 : i32
      %mul3A_240 = vector.broadcast %mul3A_239 : i32 to vector<16xi32>
      %mul3A_241 = arith.muli %convert_element_type3A_217, %mul3A_240 : vector<16xi32>
      %mul3A_242 = arith.constant 1408 : i32
      %mul3A_243 = vector.broadcast %mul3A_242 : i32 to vector<16xi32>
      %mul3A_244 = arith.muli %convert_element_type3A_208, %mul3A_243 : vector<16xi32>
      %add3A_245 = arith.addi %mul3A_241, %mul3A_244 : vector<16xi32>
      %add3A_246 = arith.addi %add3A_245, %convert_element_type3A_199 : vector<16xi32>
      %jit3A_247 = arith.constant 90112000 : i32
      %broadcast_in_dim3A_248 = vector.broadcast %jit3A_247 : i32 to vector<16xi32>
      %select_n3A_249 = arith.select %and3A_238, %add3A_246, %broadcast_in_dim3A_248 : vector<16xi1>, vector<16xi32>
      %swap3A_250 = arith.index_cast %mul3A_191 : i32 to index
      %swap3A_251 = tpu.vector_load %arg16[%swap3A_250] {strides = array<i32>} : memref<12544xi32, #tpu.memory_space<vmem>>, vector<16xi32>,
      tpu.vector_store %arg16[%swap3A_250], %select_n3A_249 {strides = array<i32>} : memref<12544xi32, #tpu.memory_space<vmem>>, vector<16xi32>,
      %scan3A_252 = arith.constant 0 : i32
      scf.yield %scan3A_252 : i32
    }
    %scan3A_31 = arith.constant 784 : i32
    "tpu.region"() ({
      %run_scoped3A = tpu.sem_alloc : memref<!tpu.dma_semaphore, #tpu.memory_space<semaphore_mem>>
      %dma_start3A = tpu.memref_slice %arg6[%mul3A_0] : memref<200720xi32, #tpu.memory_space<vmem_shared>> -> memref<12544xi32, #tpu.memory_space<vmem_shared>>
      %dma_start3A_188 = tpu.memref_slice %arg6[%mul3A_0] : memref<200720xi32, #tpu.memory_space<vmem_shared>> -> memref<12544xi32, #tpu.memory_space<vmem_shared>>
      tpu.enqueue_dma source(%arg16 : memref<12544xi32, #tpu.memory_space<vmem>>) target(%dma_start3A_188 : memref<12544xi32, #tpu.memory_space<vmem_shared>>) target_semaphore(%run_scoped3A : memref<!tpu.dma_semaphore, #tpu.memory_space<semaphore_mem>>)
      %dma_wait3A = tpu.memref_slice %arg6[%mul3A_0] : memref<200720xi32, #tpu.memory_space<vmem_shared>> -> memref<12544xi32, #tpu.memory_space<vmem_shared>>
      %dma_wait3A_189 = tpu.memref_slice %arg6[%mul3A_0] : memref<200720xi32, #tpu.memory_space<vmem_shared>> -> memref<12544xi32, #tpu.memory_space<vmem_shared>>
      tpu.wait_dma2 semaphore(%run_scoped3A : memref<!tpu.dma_semaphore, #tpu.memory_space<semaphore_mem>>) src(%arg16 : memref<12544xi32, #tpu.memory_space<vmem>>) dst(%dma_wait3A_189 : memref<12544xi32, #tpu.memory_space<vmem_shared>>)
      tpu.yield
    }) : () -> ()
    %scan3A_32 = arith.constant 0 : i32
    %scan3A_33 = arith.constant 0 : i32
    %scan3A_34 = arith.constant 512 : i32
    %scan3A_35 = arith.addi %scan3A_33, %scan3A_34 : i32
    %scan3A_36 = arith.constant 1 : i32
    %scan3A_37 = scf.for %scan3A_188 = %scan3A_33 to %scan3A_35 step %scan3A_36 iter_args(%scan3A_189 = %scan3A_32) -> (i32)  : i32 {
      %mul3A_190 = arith.constant 0 : i32
      %mul3A_191 = vector.broadcast %mul3A_190 : i32 to vector<16xi32>
      %mul3A_192 = arith.muli %iota3A, %mul3A_191 : vector<16xi32>
      %mul3A_193 = arith.constant 16 : i32
      %mul3A_194 = arith.muli %mul3A_193, %scan3A_188 : i32
      %swap3A_195 = arith.index_cast %mul3A_194 : i32 to index
      %swap3A_196 = tpu.vector_load %arg17[%swap3A_195] {strides = array<i32>} : memref<12288xi32, #tpu.memory_space<vmem>>, vector<16xi32>,
      tpu.vector_store %arg17[%swap3A_195], %mul3A_192 {strides = array<i32>} : memref<12288xi32, #tpu.memory_space<vmem>>, vector<16xi32>,
      %scan3A_197 = arith.constant 0 : i32
      scf.yield %scan3A_197 : i32
    }
    %scan3A_38 = arith.constant 512 : i32
    %scan3A_39 = arith.constant 0 : i32
    %scan3A_40 = arith.constant 0 : i32
    %scan3A_41 = arith.constant 784 : i32
    %scan3A_42 = arith.addi %scan3A_40, %scan3A_41 : i32
    %scan3A_43 = arith.constant 1 : i32
    %scan3A_44 = scf.for %scan3A_188 = %scan3A_40 to %scan3A_42 step %scan3A_43 iter_args(%scan3A_189 = %scan3A_39) -> (i32)  : i32 {
      %mul3A_190 = arith.constant 16 : i32
      %mul3A_191 = arith.muli %mul3A_190, %scan3A_188 : i32
      %get3A_192 = arith.index_cast %mul3A_191 : i32 to index
      %get3A_193 = tpu.vector_load %arg16[%get3A_192] {strides = array<i32>} : memref<12544xi32, #tpu.memory_space<vmem>>, vector<16xi32>,
      %and3A = arith.constant 8191 : i32
      %and3A_194 = vector.broadcast %and3A : i32 to vector<16xi32>
      %and3A_195 = arith.andi %get3A_193, %and3A_194 : vector<16xi32>
      %mul3A_196 = arith.constant 16 : i32
      %mul3A_197 = vector.broadcast %mul3A_196 : i32 to vector<16xi32>
      %mul3A_198 = arith.muli %and3A_195, %mul3A_197 : vector<16xi32>
      %add3A_199 = arith.addi %mul3A_198, %iota3A : vector<16xi32>
      %masked_sort3A = arith.constant dense<true> : vector<16xi1>
      %masked_sort3A_200 = arith.constant -2147483648 : i32
      %masked_sort3A_201 = vector.broadcast %masked_sort3A_200 : i32 to vector<16xi32>
      %masked_sort3A_202 = arith.xori %add3A_199, %masked_sort3A_201 : vector<16xi32>
      %masked_sort3A_203, %masked_sort3A_204, %masked_sort3A_205 = tpu.sort %masked_sort3A_202, %iota3A masked %masked_sort3A : (vector<16xi32>, vector<16xi32>, vector<16xi1>) -> (vector<16xi1>, vector<16xi32>, vector<16xi32>)
      %masked_sort3A_206 = arith.xori %masked_sort3A_204, %masked_sort3A_201 : vector<16xi32>
      %shift_right_arithmetic3A = arith.constant 4 : i32
      %shift_right_arithmetic3A_207 = vector.broadcast %shift_right_arithmetic3A : i32 to vector<16xi32>
      %shift_right_arithmetic3A_208 = arith.shrsi %masked_sort3A_206, %shift_right_arithmetic3A_207 : vector<16xi32>
      %and3A_209 = arith.constant 15 : i32
      %and3A_210 = vector.broadcast %and3A_209 : i32 to vector<16xi32>
      %and3A_211 = arith.andi %masked_sort3A_206, %and3A_210 : vector<16xi32>
      %sub3A_212 = arith.constant 1 : i32
      %sub3A_213 = vector.broadcast %sub3A_212 : i32 to vector<16xi32>
      %sub3A_214 = arith.subi %iota3A, %sub3A_213 : vector<16xi32>
      %max3A_215 = arith.constant 0 : i32
      %max3A_216 = vector.broadcast %max3A_215 : i32 to vector<16xi32>
      %max3A_217 = arith.maxsi %sub3A_214, %max3A_216 : vector<16xi32>
      %broadcast_in_dim3A_218 = vector.shape_cast %max3A_217 : vector<16xi32> to vector<16x1xi32>
      %gather3A_219 = vector.shape_cast %broadcast_in_dim3A_218 : vector<16x1xi32> to vector<16xi32>
      %gather3A_220 = tpu.dynamic_gather %shift_right_arithmetic3A_208[%gather3A_219] in [0] : vector<16xi32>, vector<16xi32> -> vector<16xi32>
      %eq3A_221 = arith.constant 0 : i32
      %eq3A_222 = vector.broadcast %eq3A_221 : i32 to vector<16xi32>
      %eq3A_223 = arith.cmpi eq, %iota3A, %eq3A_222 : vector<16xi32>
      %ne3A = arith.cmpi ne, %shift_right_arithmetic3A_208, %gather3A_220 : vector<16xi32>
      %or3A = arith.ori %eq3A_223, %ne3A : vector<16xi1>
      %jit3A_224 = arith.constant 0 : i32
      %broadcast_in_dim3A_225 = vector.broadcast %jit3A_224 : i32 to vector<16xi32>
      %select_n3A_226 = arith.select %or3A, %iota3A, %broadcast_in_dim3A_225 : vector<16xi1>, vector<16xi32>
      %broadcast_in_dim3A_227 = arith.constant true
      %broadcast_in_dim3A_228 = vector.broadcast %broadcast_in_dim3A_227 : i1 to vector<16xi1>
      %masked_cummax3A = arith.constant -2147483648 : i32
      %masked_cummax3A_229 = vector.broadcast %masked_cummax3A : i32 to vector<16xi32>
      %masked_cummax3A_230 = arith.xori %select_n3A_226, %masked_cummax3A_229 : vector<16xi32>
      %masked_cummax3A_231 = tpu.scan <max>, %masked_cummax3A_230 masked %broadcast_in_dim3A_228 : vector<16xi32>, vector<16xi1> -> vector<16xi32>
      %masked_cummax3A_232 = arith.xori %masked_cummax3A_231, %masked_cummax3A_229 : vector<16xi32>
      %sub3A_233 = arith.subi %iota3A, %masked_cummax3A_232 : vector<16xi32>
      %add3A_234 = arith.constant 1 : i32
      %add3A_235 = vector.broadcast %add3A_234 : i32 to vector<16xi32>
      %add3A_236 = arith.addi %iota3A, %add3A_235 : vector<16xi32>
      %min3A = arith.constant 15 : i32
      %min3A_237 = vector.broadcast %min3A : i32 to vector<16xi32>
      %min3A_238 = arith.minsi %add3A_236, %min3A_237 : vector<16xi32>
      %broadcast_in_dim3A_239 = vector.shape_cast %min3A_238 : vector<16xi32> to vector<16x1xi32>
      %gather3A_240 = vector.shape_cast %broadcast_in_dim3A_239 : vector<16x1xi32> to vector<16xi32>
      %gather3A_241 = tpu.dynamic_gather %shift_right_arithmetic3A_208[%gather3A_240] in [0] : vector<16xi32>, vector<16xi32> -> vector<16xi32>
      %eq3A_242 = arith.constant 15 : i32
      %eq3A_243 = vector.broadcast %eq3A_242 : i32 to vector<16xi32>
      %eq3A_244 = arith.cmpi eq, %iota3A, %eq3A_243 : vector<16xi32>
      %ne3A_245 = arith.cmpi ne, %shift_right_arithmetic3A_208, %gather3A_241 : vector<16xi32>
      %or3A_246 = arith.ori %eq3A_244, %ne3A_245 : vector<16xi1>
      tpu.vector_store_idx %arg22[%and3A_211], %sub3A_233 : memref<16xi32, #tpu.memory_space<vmem>>[vector<16xi32>], vector<16xi32>,
      %get3A_247 = arith.constant 0 : index
      %get3A_248 = tpu.vector_load %arg22[%get3A_247] {strides = array<i32>} : memref<16xi32, #tpu.memory_space<vmem>>, vector<16xi32>,
      %add3A_249 = arith.constant 1 : i32
      %add3A_250 = vector.broadcast %add3A_249 : i32 to vector<16xi32>
      %add3A_251 = arith.addi %sub3A_233, %add3A_250 : vector<16xi32>
      tpu.vector_store_idx %arg17[%shift_right_arithmetic3A_208], %add3A_251 masked %or3A_246 {add = true} : memref<12288xi32, #tpu.memory_space<vmem>>[vector<16xi32>], vector<16xi32>, vector<16xi1>
      %scan3A_252 = arith.constant 0 : i32
      scf.yield %scan3A_252 : i32
    }
    %scan3A_45 = arith.constant 784 : i32
    %mul3A_46 = arith.constant 12288 : i32
    %mul3A_47 = arith.muli %arg1, %mul3A_46 : i32
    "tpu.region"() ({
      %run_scoped3A = tpu.sem_alloc : memref<!tpu.dma_semaphore, #tpu.memory_space<semaphore_mem>>
      %dma_start3A = arith.constant 0 : i32
      %dma_start3A_188 = tpu.memref_slice %arg17[%dma_start3A] : memref<12288xi32, #tpu.memory_space<vmem>> -> memref<8192xi32, #tpu.memory_space<vmem>>
      %dma_start3A_189 = tpu.memref_slice %arg10[%mul3A_47] : memref<196608xi32, #tpu.memory_space<vmem_shared>> -> memref<8192xi32, #tpu.memory_space<vmem_shared>>
      %dma_start3A_190 = tpu.memref_slice %arg10[%mul3A_47] : memref<196608xi32, #tpu.memory_space<vmem_shared>> -> memref<8192xi32, #tpu.memory_space<vmem_shared>>
      %dma_start3A_191 = arith.constant 0 : i32
      %dma_start3A_192 = tpu.memref_slice %arg17[%dma_start3A_191] : memref<12288xi32, #tpu.memory_space<vmem>> -> memref<8192xi32, #tpu.memory_space<vmem>>
      tpu.enqueue_dma source(%dma_start3A_192 : memref<8192xi32, #tpu.memory_space<vmem>>) target(%dma_start3A_190 : memref<8192xi32, #tpu.memory_space<vmem_shared>>) target_semaphore(%run_scoped3A : memref<!tpu.dma_semaphore, #tpu.memory_space<semaphore_mem>>)
      %dma_wait3A = arith.constant 0 : i32
      %dma_wait3A_193 = tpu.memref_slice %arg17[%dma_wait3A] : memref<12288xi32, #tpu.memory_space<vmem>> -> memref<8192xi32, #tpu.memory_space<vmem>>
      %dma_wait3A_194 = tpu.memref_slice %arg10[%mul3A_47] : memref<196608xi32, #tpu.memory_space<vmem_shared>> -> memref<8192xi32, #tpu.memory_space<vmem_shared>>
      %dma_wait3A_195 = tpu.memref_slice %arg10[%mul3A_47] : memref<196608xi32, #tpu.memory_space<vmem_shared>> -> memref<8192xi32, #tpu.memory_space<vmem_shared>>
      %dma_wait3A_196 = arith.constant 0 : i32
      %dma_wait3A_197 = tpu.memref_slice %arg17[%dma_wait3A_196] : memref<12288xi32, #tpu.memory_space<vmem>> -> memref<8192xi32, #tpu.memory_space<vmem>>
      tpu.wait_dma2 semaphore(%run_scoped3A : memref<!tpu.dma_semaphore, #tpu.memory_space<semaphore_mem>>) src(%dma_wait3A_197 : memref<8192xi32, #tpu.memory_space<vmem>>) dst(%dma_wait3A_195 : memref<8192xi32, #tpu.memory_space<vmem_shared>>)
      tpu.yield
    }) : () -> ()
    %eq3A = arith.constant 0 : i32
    %eq3A_48 = arith.cmpi eq, %arg1, %eq3A : i32
    %convert_element_type3A = arith.extui %eq3A_48 : i1 to i32
    %cond3A = arith.constant 0 : i32
    %cond3A_49 = arith.cmpi ne, %convert_element_type3A, %cond3A : i32
    scf.if %cond3A_49 {
      %mul3A_188 = arith.constant 0 : i32
      %mul3A_189 = vector.broadcast %mul3A_188 : i32 to vector<16xi32>
      %mul3A_190 = arith.muli %iota3A, %mul3A_189 : vector<16xi32>
      %add3A_191 = arith.constant 90112000 : i32
      %add3A_192 = vector.broadcast %add3A_191 : i32 to vector<16xi32>
      %add3A_193 = arith.addi %mul3A_190, %add3A_192 : vector<16xi32>
      %swap3A_194 = arith.constant 0 : index
      %swap3A_195 = tpu.vector_load %arg23[%swap3A_194] {strides = array<i32>} : memref<16xi32, #tpu.memory_space<vmem>>, vector<16xi32>,
      tpu.vector_store %arg23[%swap3A_194], %add3A_193 {strides = array<i32>} : memref<16xi32, #tpu.memory_space<vmem>>, vector<16xi32>,
      "tpu.region"() ({
        %run_scoped3A = tpu.sem_alloc : memref<!tpu.dma_semaphore, #tpu.memory_space<semaphore_mem>>
        %dma_start3A = arith.constant 200704 : i32
        %dma_start3A_196 = tpu.memref_slice %arg6[%dma_start3A] : memref<200720xi32, #tpu.memory_space<vmem_shared>> -> memref<16xi32, #tpu.memory_space<vmem_shared>>
        %dma_start3A_197 = arith.constant 200704 : i32
        %dma_start3A_198 = tpu.memref_slice %arg6[%dma_start3A_197] : memref<200720xi32, #tpu.memory_space<vmem_shared>> -> memref<16xi32, #tpu.memory_space<vmem_shared>>
        tpu.enqueue_dma source(%arg23 : memref<16xi32, #tpu.memory_space<vmem>>) target(%dma_start3A_198 : memref<16xi32, #tpu.memory_space<vmem_shared>>) target_semaphore(%run_scoped3A : memref<!tpu.dma_semaphore, #tpu.memory_space<semaphore_mem>>)
        %dma_wait3A = arith.constant 200704 : i32
        %dma_wait3A_199 = tpu.memref_slice %arg6[%dma_wait3A] : memref<200720xi32, #tpu.memory_space<vmem_shared>> -> memref<16xi32, #tpu.memory_space<vmem_shared>>
        %dma_wait3A_200 = arith.constant 200704 : i32
        %dma_wait3A_201 = tpu.memref_slice %arg6[%dma_wait3A_200] : memref<200720xi32, #tpu.memory_space<vmem_shared>> -> memref<16xi32, #tpu.memory_space<vmem_shared>>
        tpu.wait_dma2 semaphore(%run_scoped3A : memref<!tpu.dma_semaphore, #tpu.memory_space<semaphore_mem>>) src(%arg23 : memref<16xi32, #tpu.memory_space<vmem>>) dst(%dma_wait3A_201 : memref<16xi32, #tpu.memory_space<vmem_shared>>)
        tpu.yield
      }) : () -> ()
    } else {
    }
    %barrier3A = arith.constant 0 : index
    tpu.barrier barrier_id(%barrier3A)
    %eq3A_50 = arith.constant 0 : i32
    %eq3A_51 = arith.cmpi eq, %arg1, %eq3A_50 : i32
    %convert_element_type3A_52 = arith.extui %eq3A_51 : i1 to i32
    %cond3A_53 = arith.constant 0 : i32
    %cond3A_54 = arith.cmpi ne, %convert_element_type3A_52, %cond3A_53 : i32
    scf.if %cond3A_54 {
      %scan3A_188 = arith.constant 0 : i32
      %scan3A_189 = arith.constant 0 : i32
      %scan3A_190 = arith.constant 8 : i32
      %scan3A_191 = arith.addi %scan3A_189, %scan3A_190 : i32
      %scan3A_192 = arith.constant 1 : i32
      %scan3A_193 = scf.for %scan3A_202 = %scan3A_189 to %scan3A_191 step %scan3A_192 iter_args(%scan3A_203 = %scan3A_188) -> (i32)  : i32 {
        %mul3A_204 = arith.constant 1024 : i32
        %mul3A_205 = arith.muli %scan3A_202, %mul3A_204 : i32
        %scan3A_206 = arith.constant 0 : i32
        %scan3A_207 = arith.constant 0 : i32
        %scan3A_208 = arith.constant 16 : i32
        %scan3A_209 = arith.addi %scan3A_207, %scan3A_208 : i32
        %scan3A_210 = arith.constant 1 : i32
        %scan3A_211 = scf.for %scan3A_214 = %scan3A_207 to %scan3A_209 step %scan3A_210 iter_args(%scan3A_215 = %scan3A_206) -> (i32)  : i32 {
          %mul3A_216 = arith.constant 12288 : i32
          %mul3A_217 = arith.muli %scan3A_214, %mul3A_216 : i32
          %add3A_218 = arith.addi %mul3A_217, %mul3A_205 : i32
          "tpu.region"() ({
            %run_scoped3A = tpu.sem_alloc : memref<!tpu.dma_semaphore, #tpu.memory_space<semaphore_mem>>
            %dma_start3A = tpu.memref_slice %arg10[%add3A_218] : memref<196608xi32, #tpu.memory_space<vmem_shared>> -> memref<1024xi32, #tpu.memory_space<vmem_shared>>
            %dma_start3A_227 = tpu.memref_slice %arg10[%add3A_218] : memref<196608xi32, #tpu.memory_space<vmem_shared>> -> memref<1024xi32, #tpu.memory_space<vmem_shared>>
            tpu.enqueue_dma source(%dma_start3A_227 : memref<1024xi32, #tpu.memory_space<vmem_shared>>) target(%arg18 : memref<1024xi32, #tpu.memory_space<vmem>>) target_semaphore(%run_scoped3A : memref<!tpu.dma_semaphore, #tpu.memory_space<semaphore_mem>>)
            %dma_wait3A = tpu.memref_slice %arg10[%add3A_218] : memref<196608xi32, #tpu.memory_space<vmem_shared>> -> memref<1024xi32, #tpu.memory_space<vmem_shared>>
            %dma_wait3A_228 = tpu.memref_slice %arg10[%add3A_218] : memref<196608xi32, #tpu.memory_space<vmem_shared>> -> memref<1024xi32, #tpu.memory_space<vmem_shared>>
            tpu.wait_dma2 semaphore(%run_scoped3A : memref<!tpu.dma_semaphore, #tpu.memory_space<semaphore_mem>>) src(%dma_wait3A_228 : memref<1024xi32, #tpu.memory_space<vmem_shared>>) dst(%arg18 : memref<1024xi32, #tpu.memory_space<vmem>>)
            tpu.yield
          }) : () -> ()
          %scan3A_219 = arith.constant 0 : i32
          %scan3A_220 = arith.constant 0 : i32
          %scan3A_221 = arith.constant 64 : i32
          %scan3A_222 = arith.addi %scan3A_220, %scan3A_221 : i32
          %scan3A_223 = arith.constant 1 : i32
          %scan3A_224 = scf.for %scan3A_227 = %scan3A_220 to %scan3A_222 step %scan3A_223 iter_args(%scan3A_228 = %scan3A_219) -> (i32)  : i32 {
            %mul3A_229 = arith.constant 0 : i32
            %mul3A_230 = vector.broadcast %mul3A_229 : i32 to vector<16xi32>
            %mul3A_231 = arith.muli %iota3A, %mul3A_230 : vector<16xi32>
            %add3A_232 = vector.broadcast %scan3A_214 : i32 to vector<16xi32>
            %add3A_233 = arith.addi %mul3A_231, %add3A_232 : vector<16xi32>
            %gt3A = arith.constant 0 : i32
            %gt3A_234 = vector.broadcast %gt3A : i32 to vector<16xi32>
            %gt3A_235 = arith.cmpi sgt, %add3A_233, %gt3A_234 : vector<16xi32>
            %mul3A_236 = arith.constant 16 : i32
            %mul3A_237 = arith.muli %mul3A_236, %scan3A_227 : i32
            %add3A_238 = arith.addi %mul3A_205, %mul3A_237 : i32
            %get3A_239 = arith.index_cast %add3A_238 : i32 to index
            %get3A_240 = tpu.vector_load %arg17[%get3A_239] {strides = array<i32>} : memref<12288xi32, #tpu.memory_space<vmem>>, vector<16xi32>,
            %jit3A_241 = arith.constant 0 : i32
            %broadcast_in_dim3A_242 = vector.broadcast %jit3A_241 : i32 to vector<16xi32>
            %select_n3A_243 = arith.select %gt3A_235, %get3A_240, %broadcast_in_dim3A_242 : vector<16xi1>, vector<16xi32>
            %mul3A_244 = arith.constant 16 : i32
            %mul3A_245 = arith.muli %mul3A_244, %scan3A_227 : i32
            %get3A_246 = arith.index_cast %mul3A_245 : i32 to index
            %get3A_247 = tpu.vector_load %arg18[%get3A_246] {strides = array<i32>} : memref<1024xi32, #tpu.memory_space<vmem>>, vector<16xi32>,
            %add3A_248 = arith.addi %select_n3A_243, %get3A_247 : vector<16xi32>
            %mul3A_249 = arith.constant 16 : i32
            %mul3A_250 = arith.muli %mul3A_249, %scan3A_227 : i32
            %add3A_251 = arith.addi %mul3A_205, %mul3A_250 : i32
            %swap3A_252 = arith.index_cast %add3A_251 : i32 to index
            %swap3A_253 = tpu.vector_load %arg17[%swap3A_252] {strides = array<i32>} : memref<12288xi32, #tpu.memory_space<vmem>>, vector<16xi32>,
            tpu.vector_store %arg17[%swap3A_252], %add3A_248 {strides = array<i32>} : memref<12288xi32, #tpu.memory_space<vmem>>, vector<16xi32>,
            %scan3A_254 = arith.constant 0 : i32
            scf.yield %scan3A_254 : i32
          }
          %scan3A_225 = arith.constant 64 : i32
          %scan3A_226 = arith.constant 0 : i32
          scf.yield %scan3A_226 : i32
        }
        %scan3A_212 = arith.constant 16 : i32
        %scan3A_213 = arith.constant 0 : i32
        scf.yield %scan3A_213 : i32
      }
      %scan3A_194 = arith.constant 8 : i32
      %scan3A_195 = arith.constant 0 : i32
      %scan3A_196 = arith.constant 0 : i32
      %scan3A_197 = arith.constant 512 : i32
      %scan3A_198 = arith.addi %scan3A_196, %scan3A_197 : i32
      %scan3A_199 = arith.constant 1 : i32
      %scan3A_200 = scf.for %scan3A_202 = %scan3A_196 to %scan3A_198 step %scan3A_199 iter_args(%scan3A_203 = %scan3A_195) -> (i32)  : i32 {
        %mul3A_204 = arith.constant 16 : i32
        %mul3A_205 = arith.muli %mul3A_204, %scan3A_202 : i32
        %get3A_206 = arith.index_cast %mul3A_205 : i32 to index
        %get3A_207 = tpu.vector_load %arg17[%get3A_206] {strides = array<i32>} : memref<12288xi32, #tpu.memory_space<vmem>>, vector<16xi32>,
        %broadcast_in_dim3A_208 = arith.constant true
        %broadcast_in_dim3A_209 = vector.broadcast %broadcast_in_dim3A_208 : i1 to vector<16xi1>
        %masked_cumsum3A = tpu.scan <sum>, %get3A_207 masked %broadcast_in_dim3A_209 : vector<16xi32>, vector<16xi1> -> vector<16xi32>
        %sub3A_210 = arith.subi %masked_cumsum3A, %get3A_207 : vector<16xi32>
        %add3A_211 = vector.broadcast %scan3A_203 : i32 to vector<16xi32>
        %add3A_212 = arith.addi %sub3A_210, %add3A_211 : vector<16xi32>
        %mul3A_213 = arith.constant 16 : i32
        %mul3A_214 = arith.muli %mul3A_213, %scan3A_202 : i32
        %swap3A_215 = arith.index_cast %mul3A_214 : i32 to index
        %swap3A_216 = tpu.vector_load %arg17[%swap3A_215] {strides = array<i32>} : memref<12288xi32, #tpu.memory_space<vmem>>, vector<16xi32>,
        tpu.vector_store %arg17[%swap3A_215], %add3A_212 {strides = array<i32>} : memref<12288xi32, #tpu.memory_space<vmem>>, vector<16xi32>,
        %reduce_max3A_217 = arith.constant true
        %reduce_max3A_218 = vector.broadcast %reduce_max3A_217 : i1 to vector<16xi1>
        %reduce_max3A_219 = arith.constant -2147483648 : i32
        %reduce_max3A_220 = vector.broadcast %reduce_max3A_219 : i32 to vector<16xi32>
        %reduce_max3A_221 = arith.xori %masked_cumsum3A, %reduce_max3A_220 : vector<16xi32>
        %reduce_max3A_222 = tpu.scan <max>, %reduce_max3A_221 masked %reduce_max3A_218 : vector<16xi32>, vector<16xi1> -> vector<16xi32>
        %reduce_max3A_223 = arith.xori %reduce_max3A_222, %reduce_max3A_220 : vector<16xi32>
        %reduce_max3A_224 = vector.extract %reduce_max3A_223[15] : i32 from vector<16xi32>
        %add3A_225 = arith.addi %scan3A_203, %reduce_max3A_224 : i32
        scf.yield %add3A_225 : i32
      }
      %scan3A_201 = arith.constant 512 : i32
      "tpu.region"() ({
        %run_scoped3A = tpu.sem_alloc : memref<!tpu.dma_semaphore, #tpu.memory_space<semaphore_mem>>
        %dma_start3A = arith.constant 0 : i32
        %dma_start3A_202 = tpu.memref_slice %arg17[%dma_start3A] : memref<12288xi32, #tpu.memory_space<vmem>> -> memref<8192xi32, #tpu.memory_space<vmem>>
        %dma_start3A_203 = arith.constant 0 : i32
        %dma_start3A_204 = tpu.memref_slice %arg11[%dma_start3A_203] : memref<12288xi32, #tpu.memory_space<vmem_shared>> -> memref<8192xi32, #tpu.memory_space<vmem_shared>>
        %dma_start3A_205 = arith.constant 0 : i32
        %dma_start3A_206 = tpu.memref_slice %arg11[%dma_start3A_205] : memref<12288xi32, #tpu.memory_space<vmem_shared>> -> memref<8192xi32, #tpu.memory_space<vmem_shared>>
        %dma_start3A_207 = arith.constant 0 : i32
        %dma_start3A_208 = tpu.memref_slice %arg17[%dma_start3A_207] : memref<12288xi32, #tpu.memory_space<vmem>> -> memref<8192xi32, #tpu.memory_space<vmem>>
        tpu.enqueue_dma source(%dma_start3A_208 : memref<8192xi32, #tpu.memory_space<vmem>>) target(%dma_start3A_206 : memref<8192xi32, #tpu.memory_space<vmem_shared>>) target_semaphore(%run_scoped3A : memref<!tpu.dma_semaphore, #tpu.memory_space<semaphore_mem>>)
        %dma_wait3A = arith.constant 0 : i32
        %dma_wait3A_209 = tpu.memref_slice %arg17[%dma_wait3A] : memref<12288xi32, #tpu.memory_space<vmem>> -> memref<8192xi32, #tpu.memory_space<vmem>>
        %dma_wait3A_210 = arith.constant 0 : i32
        %dma_wait3A_211 = tpu.memref_slice %arg11[%dma_wait3A_210] : memref<12288xi32, #tpu.memory_space<vmem_shared>> -> memref<8192xi32, #tpu.memory_space<vmem_shared>>
        %dma_wait3A_212 = arith.constant 0 : i32
        %dma_wait3A_213 = tpu.memref_slice %arg11[%dma_wait3A_212] : memref<12288xi32, #tpu.memory_space<vmem_shared>> -> memref<8192xi32, #tpu.memory_space<vmem_shared>>
        %dma_wait3A_214 = arith.constant 0 : i32
        %dma_wait3A_215 = tpu.memref_slice %arg17[%dma_wait3A_214] : memref<12288xi32, #tpu.memory_space<vmem>> -> memref<8192xi32, #tpu.memory_space<vmem>>
        tpu.wait_dma2 semaphore(%run_scoped3A : memref<!tpu.dma_semaphore, #tpu.memory_space<semaphore_mem>>) src(%dma_wait3A_215 : memref<8192xi32, #tpu.memory_space<vmem>>) dst(%dma_wait3A_213 : memref<8192xi32, #tpu.memory_space<vmem_shared>>)
        tpu.yield
      }) : () -> ()
    } else {
    }
    %barrier3A_55 = arith.constant 0 : index
    tpu.barrier barrier_id(%barrier3A_55)
    "tpu.region"() ({
      %run_scoped3A = tpu.sem_alloc : memref<!tpu.dma_semaphore, #tpu.memory_space<semaphore_mem>>
      %dma_start3A = arith.constant 0 : i32
      %dma_start3A_188 = tpu.memref_slice %arg17[%dma_start3A] : memref<12288xi32, #tpu.memory_space<vmem>> -> memref<8192xi32, #tpu.memory_space<vmem>>
      %dma_start3A_189 = arith.constant 0 : i32
      %dma_start3A_190 = tpu.memref_slice %arg11[%dma_start3A_189] : memref<12288xi32, #tpu.memory_space<vmem_shared>> -> memref<8192xi32, #tpu.memory_space<vmem_shared>>
      %dma_start3A_191 = arith.constant 0 : i32
      %dma_start3A_192 = tpu.memref_slice %arg17[%dma_start3A_191] : memref<12288xi32, #tpu.memory_space<vmem>> -> memref<8192xi32, #tpu.memory_space<vmem>>
      %dma_start3A_193 = arith.constant 0 : i32
      %dma_start3A_194 = tpu.memref_slice %arg11[%dma_start3A_193] : memref<12288xi32, #tpu.memory_space<vmem_shared>> -> memref<8192xi32, #tpu.memory_space<vmem_shared>>
      tpu.enqueue_dma source(%dma_start3A_194 : memref<8192xi32, #tpu.memory_space<vmem_shared>>) target(%dma_start3A_192 : memref<8192xi32, #tpu.memory_space<vmem>>) target_semaphore(%run_scoped3A : memref<!tpu.dma_semaphore, #tpu.memory_space<semaphore_mem>>)
      %dma_wait3A = arith.constant 0 : i32
      %dma_wait3A_195 = tpu.memref_slice %arg17[%dma_wait3A] : memref<12288xi32, #tpu.memory_space<vmem>> -> memref<8192xi32, #tpu.memory_space<vmem>>
      %dma_wait3A_196 = arith.constant 0 : i32
      %dma_wait3A_197 = tpu.memref_slice %arg11[%dma_wait3A_196] : memref<12288xi32, #tpu.memory_space<vmem_shared>> -> memref<8192xi32, #tpu.memory_space<vmem_shared>>
      %dma_wait3A_198 = arith.constant 0 : i32
      %dma_wait3A_199 = tpu.memref_slice %arg17[%dma_wait3A_198] : memref<12288xi32, #tpu.memory_space<vmem>> -> memref<8192xi32, #tpu.memory_space<vmem>>
      %dma_wait3A_200 = arith.constant 0 : i32
      %dma_wait3A_201 = tpu.memref_slice %arg11[%dma_wait3A_200] : memref<12288xi32, #tpu.memory_space<vmem_shared>> -> memref<8192xi32, #tpu.memory_space<vmem_shared>>
      tpu.wait_dma2 semaphore(%run_scoped3A : memref<!tpu.dma_semaphore, #tpu.memory_space<semaphore_mem>>) src(%dma_wait3A_201 : memref<8192xi32, #tpu.memory_space<vmem_shared>>) dst(%dma_wait3A_199 : memref<8192xi32, #tpu.memory_space<vmem>>)
      tpu.yield
    }) : () -> ()
    %scan3A_56 = arith.constant 0 : i32
    %scan3A_57 = arith.constant 0 : i32
    %scan3A_58 = arith.constant 8 : i32
    %scan3A_59 = arith.addi %scan3A_57, %scan3A_58 : i32
    %scan3A_60 = arith.constant 1 : i32
    %scan3A_61 = scf.for %scan3A_188 = %scan3A_57 to %scan3A_59 step %scan3A_60 iter_args(%scan3A_189 = %scan3A_56) -> (i32)  : i32 {
      %mul3A_190 = arith.constant 1024 : i32
      %mul3A_191 = arith.muli %scan3A_188, %mul3A_190 : i32
      %scan3A_192 = arith.constant 0 : i32
      %scan3A_193 = arith.constant 0 : i32
      %scan3A_194 = arith.constant 16 : i32
      %scan3A_195 = arith.addi %scan3A_193, %scan3A_194 : i32
      %scan3A_196 = arith.constant 1 : i32
      %scan3A_197 = scf.for %scan3A_200 = %scan3A_193 to %scan3A_195 step %scan3A_196 iter_args(%scan3A_201 = %scan3A_192) -> (i32)  : i32 {
        %mul3A_202 = arith.constant 12288 : i32
        %mul3A_203 = arith.muli %scan3A_200, %mul3A_202 : i32
        %add3A_204 = arith.addi %mul3A_203, %mul3A_191 : i32
        "tpu.region"() ({
          %run_scoped3A = tpu.sem_alloc : memref<!tpu.dma_semaphore, #tpu.memory_space<semaphore_mem>>
          %dma_start3A = tpu.memref_slice %arg10[%add3A_204] : memref<196608xi32, #tpu.memory_space<vmem_shared>> -> memref<1024xi32, #tpu.memory_space<vmem_shared>>
          %dma_start3A_213 = tpu.memref_slice %arg10[%add3A_204] : memref<196608xi32, #tpu.memory_space<vmem_shared>> -> memref<1024xi32, #tpu.memory_space<vmem_shared>>
          tpu.enqueue_dma source(%dma_start3A_213 : memref<1024xi32, #tpu.memory_space<vmem_shared>>) target(%arg18 : memref<1024xi32, #tpu.memory_space<vmem>>) target_semaphore(%run_scoped3A : memref<!tpu.dma_semaphore, #tpu.memory_space<semaphore_mem>>)
          %dma_wait3A = tpu.memref_slice %arg10[%add3A_204] : memref<196608xi32, #tpu.memory_space<vmem_shared>> -> memref<1024xi32, #tpu.memory_space<vmem_shared>>
          %dma_wait3A_214 = tpu.memref_slice %arg10[%add3A_204] : memref<196608xi32, #tpu.memory_space<vmem_shared>> -> memref<1024xi32, #tpu.memory_space<vmem_shared>>
          tpu.wait_dma2 semaphore(%run_scoped3A : memref<!tpu.dma_semaphore, #tpu.memory_space<semaphore_mem>>) src(%dma_wait3A_214 : memref<1024xi32, #tpu.memory_space<vmem_shared>>) dst(%arg18 : memref<1024xi32, #tpu.memory_space<vmem>>)
          tpu.yield
        }) : () -> ()
        %scan3A_205 = arith.constant 0 : i32
        %scan3A_206 = arith.constant 0 : i32
        %scan3A_207 = arith.constant 64 : i32
        %scan3A_208 = arith.addi %scan3A_206, %scan3A_207 : i32
        %scan3A_209 = arith.constant 1 : i32
        %scan3A_210 = scf.for %scan3A_213 = %scan3A_206 to %scan3A_208 step %scan3A_209 iter_args(%scan3A_214 = %scan3A_205) -> (i32)  : i32 {
          %mul3A_215 = arith.constant 0 : i32
          %mul3A_216 = vector.broadcast %mul3A_215 : i32 to vector<16xi32>
          %mul3A_217 = arith.muli %iota3A, %mul3A_216 : vector<16xi32>
          %add3A_218 = vector.broadcast %scan3A_200 : i32 to vector<16xi32>
          %add3A_219 = arith.addi %mul3A_217, %add3A_218 : vector<16xi32>
          %lt3A_220 = vector.broadcast %arg1 : i32 to vector<16xi32>
          %lt3A_221 = arith.cmpi slt, %add3A_219, %lt3A_220 : vector<16xi32>
          %mul3A_222 = arith.constant 16 : i32
          %mul3A_223 = arith.muli %mul3A_222, %scan3A_213 : i32
          %add3A_224 = arith.addi %mul3A_191, %mul3A_223 : i32
          %get3A_225 = arith.index_cast %add3A_224 : i32 to index
          %get3A_226 = tpu.vector_load %arg17[%get3A_225] {strides = array<i32>} : memref<12288xi32, #tpu.memory_space<vmem>>, vector<16xi32>,
          %mul3A_227 = arith.constant 16 : i32
          %mul3A_228 = arith.muli %mul3A_227, %scan3A_213 : i32
          %get3A_229 = arith.index_cast %mul3A_228 : i32 to index
          %get3A_230 = tpu.vector_load %arg18[%get3A_229] {strides = array<i32>} : memref<1024xi32, #tpu.memory_space<vmem>>, vector<16xi32>,
          %jit3A_231 = arith.constant 0 : i32
          %broadcast_in_dim3A_232 = vector.broadcast %jit3A_231 : i32 to vector<16xi32>
          %select_n3A_233 = arith.select %lt3A_221, %get3A_230, %broadcast_in_dim3A_232 : vector<16xi1>, vector<16xi32>
          %add3A_234 = arith.addi %get3A_226, %select_n3A_233 : vector<16xi32>
          %mul3A_235 = arith.constant 16 : i32
          %mul3A_236 = arith.muli %mul3A_235, %scan3A_213 : i32
          %add3A_237 = arith.addi %mul3A_191, %mul3A_236 : i32
          %swap3A_238 = arith.index_cast %add3A_237 : i32 to index
          %swap3A_239 = tpu.vector_load %arg17[%swap3A_238] {strides = array<i32>} : memref<12288xi32, #tpu.memory_space<vmem>>, vector<16xi32>,
          tpu.vector_store %arg17[%swap3A_238], %add3A_234 {strides = array<i32>} : memref<12288xi32, #tpu.memory_space<vmem>>, vector<16xi32>,
          %scan3A_240 = arith.constant 0 : i32
          scf.yield %scan3A_240 : i32
        }
        %scan3A_211 = arith.constant 64 : i32
        %scan3A_212 = arith.constant 0 : i32
        scf.yield %scan3A_212 : i32
      }
      %scan3A_198 = arith.constant 16 : i32
      %scan3A_199 = arith.constant 0 : i32
      scf.yield %scan3A_199 : i32
    }
    %scan3A_62 = arith.constant 8 : i32
    %scan3A_63 = arith.constant 0 : i32
    %scan3A_64 = arith.constant 0 : i32
    %scan3A_65 = arith.constant 98 : i32
    %scan3A_66 = arith.addi %scan3A_64, %scan3A_65 : i32
    %scan3A_67 = arith.constant 1 : i32
    %scan3A_68 = scf.for %scan3A_188 = %scan3A_64 to %scan3A_66 step %scan3A_67 iter_args(%scan3A_189 = %scan3A_63) -> (i32)  : i32 {
      %scan3A_190 = arith.constant 0 : i32
      %scan3A_191 = arith.constant 0 : i32
      %scan3A_192 = arith.constant 8 : i32
      %scan3A_193 = arith.addi %scan3A_191, %scan3A_192 : i32
      %scan3A_194 = arith.constant 1 : i32
      %scan3A_195 = scf.for %scan3A_198 = %scan3A_191 to %scan3A_193 step %scan3A_194 iter_args(%scan3A_199 = %scan3A_190) -> (i32)  : i32 {
        %mul3A_200 = arith.constant 128 : i32
        %mul3A_201 = arith.muli %scan3A_188, %mul3A_200 : i32
        %mul3A_202 = arith.constant 16 : i32
        %mul3A_203 = arith.muli %mul3A_202, %scan3A_198 : i32
        %add3A_204 = arith.addi %mul3A_201, %mul3A_203 : i32
        %get3A_205 = arith.index_cast %add3A_204 : i32 to index
        %get3A_206 = tpu.vector_load %arg16[%get3A_205] {strides = array<i32>} : memref<12544xi32, #tpu.memory_space<vmem>>, vector<16xi32>,
        %and3A = arith.constant 8191 : i32
        %and3A_207 = vector.broadcast %and3A : i32 to vector<16xi32>
        %and3A_208 = arith.andi %get3A_206, %and3A_207 : vector<16xi32>
        %mul3A_209 = arith.constant 16 : i32
        %mul3A_210 = vector.broadcast %mul3A_209 : i32 to vector<16xi32>
        %mul3A_211 = arith.muli %and3A_208, %mul3A_210 : vector<16xi32>
        %add3A_212 = arith.addi %mul3A_211, %iota3A : vector<16xi32>
        %masked_sort3A = arith.constant dense<true> : vector<16xi1>
        %masked_sort3A_213 = arith.constant -2147483648 : i32
        %masked_sort3A_214 = vector.broadcast %masked_sort3A_213 : i32 to vector<16xi32>
        %masked_sort3A_215 = arith.xori %add3A_212, %masked_sort3A_214 : vector<16xi32>
        %masked_sort3A_216, %masked_sort3A_217, %masked_sort3A_218 = tpu.sort %masked_sort3A_215, %iota3A masked %masked_sort3A : (vector<16xi32>, vector<16xi32>, vector<16xi1>) -> (vector<16xi1>, vector<16xi32>, vector<16xi32>)
        %masked_sort3A_219 = arith.xori %masked_sort3A_217, %masked_sort3A_214 : vector<16xi32>
        %shift_right_arithmetic3A = arith.constant 4 : i32
        %shift_right_arithmetic3A_220 = vector.broadcast %shift_right_arithmetic3A : i32 to vector<16xi32>
        %shift_right_arithmetic3A_221 = arith.shrsi %masked_sort3A_219, %shift_right_arithmetic3A_220 : vector<16xi32>
        %and3A_222 = arith.constant 15 : i32
        %and3A_223 = vector.broadcast %and3A_222 : i32 to vector<16xi32>
        %and3A_224 = arith.andi %masked_sort3A_219, %and3A_223 : vector<16xi32>
        %sub3A_225 = arith.constant 1 : i32
        %sub3A_226 = vector.broadcast %sub3A_225 : i32 to vector<16xi32>
        %sub3A_227 = arith.subi %iota3A, %sub3A_226 : vector<16xi32>
        %max3A_228 = arith.constant 0 : i32
        %max3A_229 = vector.broadcast %max3A_228 : i32 to vector<16xi32>
        %max3A_230 = arith.maxsi %sub3A_227, %max3A_229 : vector<16xi32>
        %broadcast_in_dim3A_231 = vector.shape_cast %max3A_230 : vector<16xi32> to vector<16x1xi32>
        %gather3A_232 = vector.shape_cast %broadcast_in_dim3A_231 : vector<16x1xi32> to vector<16xi32>
        %gather3A_233 = tpu.dynamic_gather %shift_right_arithmetic3A_221[%gather3A_232] in [0] : vector<16xi32>, vector<16xi32> -> vector<16xi32>
        %eq3A_234 = arith.constant 0 : i32
        %eq3A_235 = vector.broadcast %eq3A_234 : i32 to vector<16xi32>
        %eq3A_236 = arith.cmpi eq, %iota3A, %eq3A_235 : vector<16xi32>
        %ne3A = arith.cmpi ne, %shift_right_arithmetic3A_221, %gather3A_233 : vector<16xi32>
        %or3A = arith.ori %eq3A_236, %ne3A : vector<16xi1>
        %jit3A_237 = arith.constant 0 : i32
        %broadcast_in_dim3A_238 = vector.broadcast %jit3A_237 : i32 to vector<16xi32>
        %select_n3A_239 = arith.select %or3A, %iota3A, %broadcast_in_dim3A_238 : vector<16xi1>, vector<16xi32>
        %broadcast_in_dim3A_240 = arith.constant true
        %broadcast_in_dim3A_241 = vector.broadcast %broadcast_in_dim3A_240 : i1 to vector<16xi1>
        %masked_cummax3A = arith.constant -2147483648 : i32
        %masked_cummax3A_242 = vector.broadcast %masked_cummax3A : i32 to vector<16xi32>
        %masked_cummax3A_243 = arith.xori %select_n3A_239, %masked_cummax3A_242 : vector<16xi32>
        %masked_cummax3A_244 = tpu.scan <max>, %masked_cummax3A_243 masked %broadcast_in_dim3A_241 : vector<16xi32>, vector<16xi1> -> vector<16xi32>
        %masked_cummax3A_245 = arith.xori %masked_cummax3A_244, %masked_cummax3A_242 : vector<16xi32>
        %sub3A_246 = arith.subi %iota3A, %masked_cummax3A_245 : vector<16xi32>
        %add3A_247 = arith.constant 1 : i32
        %add3A_248 = vector.broadcast %add3A_247 : i32 to vector<16xi32>
        %add3A_249 = arith.addi %iota3A, %add3A_248 : vector<16xi32>
        %min3A = arith.constant 15 : i32
        %min3A_250 = vector.broadcast %min3A : i32 to vector<16xi32>
        %min3A_251 = arith.minsi %add3A_249, %min3A_250 : vector<16xi32>
        %broadcast_in_dim3A_252 = vector.shape_cast %min3A_251 : vector<16xi32> to vector<16x1xi32>
        %gather3A_253 = vector.shape_cast %broadcast_in_dim3A_252 : vector<16x1xi32> to vector<16xi32>
        %gather3A_254 = tpu.dynamic_gather %shift_right_arithmetic3A_221[%gather3A_253] in [0] : vector<16xi32>, vector<16xi32> -> vector<16xi32>
        %eq3A_255 = arith.constant 15 : i32
        %eq3A_256 = vector.broadcast %eq3A_255 : i32 to vector<16xi32>
        %eq3A_257 = arith.cmpi eq, %iota3A, %eq3A_256 : vector<16xi32>
        %ne3A_258 = arith.cmpi ne, %shift_right_arithmetic3A_221, %gather3A_254 : vector<16xi32>
        %or3A_259 = arith.ori %eq3A_257, %ne3A_258 : vector<16xi1>
        tpu.vector_store_idx %arg22[%and3A_224], %sub3A_246 : memref<16xi32, #tpu.memory_space<vmem>>[vector<16xi32>], vector<16xi32>,
        %get3A_260 = arith.constant 0 : index
        %get3A_261 = tpu.vector_load %arg22[%get3A_260] {strides = array<i32>} : memref<16xi32, #tpu.memory_space<vmem>>, vector<16xi32>,
        %add3A_262 = arith.constant 1 : i32
        %add3A_263 = vector.broadcast %add3A_262 : i32 to vector<16xi32>
        %add3A_264 = arith.addi %sub3A_246, %add3A_263 : vector<16xi32>
        %gather3A_265 = tpu.vector_load_idx %arg17[%and3A_208] : memref<12288xi32, #tpu.memory_space<vmem>>[vector<16xi32>], vector<16xi32>,
        %add3A_266 = arith.addi %gather3A_265, %get3A_261 : vector<16xi32>
        tpu.vector_store_idx %arg17[%shift_right_arithmetic3A_221], %add3A_264 masked %or3A_259 {add = true} : memref<12288xi32, #tpu.memory_space<vmem>>[vector<16xi32>], vector<16xi32>, vector<16xi1>
        %mul3A_267 = arith.constant 16 : i32
        %mul3A_268 = arith.muli %mul3A_267, %scan3A_198 : i32
        %swap3A_269 = arith.index_cast %mul3A_268 : i32 to index
        %swap3A_270 = tpu.vector_load %arg24[%swap3A_269] {strides = array<i32>} : memref<128xi32, #tpu.memory_space<vmem>>, vector<16xi32>,
        tpu.vector_store %arg24[%swap3A_269], %add3A_266 {strides = array<i32>} : memref<128xi32, #tpu.memory_space<vmem>>, vector<16xi32>,
        %mul3A_271 = arith.constant 16 : i32
        %mul3A_272 = arith.muli %mul3A_271, %scan3A_198 : i32
        %swap3A_273 = arith.index_cast %mul3A_272 : i32 to index
        %swap3A_274 = tpu.vector_load %arg26[%swap3A_273] {strides = array<i32>} : memref<128xi32, #tpu.memory_space<vmem>>, vector<16xi32>,
        tpu.vector_store %arg26[%swap3A_273], %get3A_206 {strides = array<i32>} : memref<128xi32, #tpu.memory_space<vmem>>, vector<16xi32>,
        %add3A_275 = arith.addi %mul3A_0, %add3A_204 : i32
        %add3A_276 = vector.broadcast %add3A_275 : i32 to vector<16xi32>
        %add3A_277 = arith.addi %add3A_276, %iota3A : vector<16xi32>
        %mul3A_278 = arith.constant 16 : i32
        %mul3A_279 = arith.muli %mul3A_278, %scan3A_198 : i32
        %swap3A_280 = arith.index_cast %mul3A_279 : i32 to index
        %swap3A_281 = tpu.vector_load %arg27[%swap3A_280] {strides = array<i32>} : memref<128xi32, #tpu.memory_space<vmem>>, vector<16xi32>,
        tpu.vector_store %arg27[%swap3A_280], %add3A_277 {strides = array<i32>} : memref<128xi32, #tpu.memory_space<vmem>>, vector<16xi32>,
        %scan3A_282 = arith.constant 0 : i32
        scf.yield %scan3A_282 : i32
      }
      %scan3A_196 = arith.constant 8 : i32
      "tpu.region"() ({
        %run_scoped3A = tpu.sem_alloc : memref<!tpu.dma_semaphore, #tpu.memory_space<semaphore_mem>>
        %dma_start3A = arith.constant 0 : i32
        %dma_start3A_198 = tpu.memref_slice %arg7[%dma_start3A] : memref<200704xi32, #tpu.memory_space<vmem_shared>> -> memref<200704xi32, #tpu.memory_space<vmem_shared>>
        tpu.enqueue_indirect_dma source(%arg26 : memref<128xi32, #tpu.memory_space<vmem>>) target(%dma_start3A_198 : memref<200704xi32, #tpu.memory_space<vmem_shared>>) offsets(%arg24 : memref<128xi32, #tpu.memory_space<vmem>>) semaphore(%run_scoped3A : memref<!tpu.dma_semaphore, #tpu.memory_space<semaphore_mem>>)
        %dma_wait3A = arith.constant 0 : i32
        %dma_wait3A_199 = tpu.memref_slice %arg7[%dma_wait3A] : memref<200704xi32, #tpu.memory_space<vmem_shared>> -> memref<200704xi32, #tpu.memory_space<vmem_shared>>
        tpu.wait_indirect_dma semaphore(%run_scoped3A : memref<!tpu.dma_semaphore, #tpu.memory_space<semaphore_mem>>) src(%arg26 : memref<128xi32, #tpu.memory_space<vmem>>) dst(%dma_wait3A_199 : memref<200704xi32, #tpu.memory_space<vmem_shared>>)
        tpu.yield
      }) : () -> ()
      "tpu.region"() ({
        %run_scoped3A = tpu.sem_alloc : memref<!tpu.dma_semaphore, #tpu.memory_space<semaphore_mem>>
        %dma_start3A = arith.constant 0 : i32
        %dma_start3A_198 = tpu.memref_slice %arg8[%dma_start3A] : memref<200704xi32, #tpu.memory_space<vmem_shared>> -> memref<200704xi32, #tpu.memory_space<vmem_shared>>
        tpu.enqueue_indirect_dma source(%arg27 : memref<128xi32, #tpu.memory_space<vmem>>) target(%dma_start3A_198 : memref<200704xi32, #tpu.memory_space<vmem_shared>>) offsets(%arg24 : memref<128xi32, #tpu.memory_space<vmem>>) semaphore(%run_scoped3A : memref<!tpu.dma_semaphore, #tpu.memory_space<semaphore_mem>>)
        %dma_wait3A = arith.constant 0 : i32
        %dma_wait3A_199 = tpu.memref_slice %arg8[%dma_wait3A] : memref<200704xi32, #tpu.memory_space<vmem_shared>> -> memref<200704xi32, #tpu.memory_space<vmem_shared>>
        tpu.wait_indirect_dma semaphore(%run_scoped3A : memref<!tpu.dma_semaphore, #tpu.memory_space<semaphore_mem>>) src(%arg27 : memref<128xi32, #tpu.memory_space<vmem>>) dst(%dma_wait3A_199 : memref<200704xi32, #tpu.memory_space<vmem_shared>>)
        tpu.yield
      }) : () -> ()
      %scan3A_197 = arith.constant 0 : i32
      scf.yield %scan3A_197 : i32
    }
    %scan3A_69 = arith.constant 98 : i32
    %barrier3A_70 = arith.constant 0 : index
    tpu.barrier barrier_id(%barrier3A_70)
    "tpu.region"() ({
      %run_scoped3A = tpu.sem_alloc : memref<!tpu.dma_semaphore, #tpu.memory_space<semaphore_mem>>
      %dma_start3A = tpu.memref_slice %arg7[%mul3A_0] : memref<200704xi32, #tpu.memory_space<vmem_shared>> -> memref<12544xi32, #tpu.memory_space<vmem_shared>>
      %dma_start3A_188 = tpu.memref_slice %arg7[%mul3A_0] : memref<200704xi32, #tpu.memory_space<vmem_shared>> -> memref<12544xi32, #tpu.memory_space<vmem_shared>>
      tpu.enqueue_dma source(%dma_start3A_188 : memref<12544xi32, #tpu.memory_space<vmem_shared>>) target(%arg16 : memref<12544xi32, #tpu.memory_space<vmem>>) target_semaphore(%run_scoped3A : memref<!tpu.dma_semaphore, #tpu.memory_space<semaphore_mem>>)
      %dma_wait3A = tpu.memref_slice %arg7[%mul3A_0] : memref<200704xi32, #tpu.memory_space<vmem_shared>> -> memref<12544xi32, #tpu.memory_space<vmem_shared>>
      %dma_wait3A_189 = tpu.memref_slice %arg7[%mul3A_0] : memref<200704xi32, #tpu.memory_space<vmem_shared>> -> memref<12544xi32, #tpu.memory_space<vmem_shared>>
      tpu.wait_dma2 semaphore(%run_scoped3A : memref<!tpu.dma_semaphore, #tpu.memory_space<semaphore_mem>>) src(%dma_wait3A_189 : memref<12544xi32, #tpu.memory_space<vmem_shared>>) dst(%arg16 : memref<12544xi32, #tpu.memory_space<vmem>>)
      tpu.yield
    }) : () -> ()
    %scan3A_71 = arith.constant 0 : i32
    %scan3A_72 = arith.constant 0 : i32
    %scan3A_73 = arith.constant 768 : i32
    %scan3A_74 = arith.addi %scan3A_72, %scan3A_73 : i32
    %scan3A_75 = arith.constant 1 : i32
    %scan3A_76 = scf.for %scan3A_188 = %scan3A_72 to %scan3A_74 step %scan3A_75 iter_args(%scan3A_189 = %scan3A_71) -> (i32)  : i32 {
      %mul3A_190 = arith.constant 0 : i32
      %mul3A_191 = vector.broadcast %mul3A_190 : i32 to vector<16xi32>
      %mul3A_192 = arith.muli %iota3A, %mul3A_191 : vector<16xi32>
      %mul3A_193 = arith.constant 16 : i32
      %mul3A_194 = arith.muli %mul3A_193, %scan3A_188 : i32
      %swap3A_195 = arith.index_cast %mul3A_194 : i32 to index
      %swap3A_196 = tpu.vector_load %arg17[%swap3A_195] {strides = array<i32>} : memref<12288xi32, #tpu.memory_space<vmem>>, vector<16xi32>,
      tpu.vector_store %arg17[%swap3A_195], %mul3A_192 {strides = array<i32>} : memref<12288xi32, #tpu.memory_space<vmem>>, vector<16xi32>,
      %scan3A_197 = arith.constant 0 : i32
      scf.yield %scan3A_197 : i32
    }
    %scan3A_77 = arith.constant 768 : i32
    %scan3A_78 = arith.constant 0 : i32
    %scan3A_79 = arith.constant 0 : i32
    %scan3A_80 = arith.constant 784 : i32
    %scan3A_81 = arith.addi %scan3A_79, %scan3A_80 : i32
    %scan3A_82 = arith.constant 1 : i32
    %scan3A_83 = scf.for %scan3A_188 = %scan3A_79 to %scan3A_81 step %scan3A_82 iter_args(%scan3A_189 = %scan3A_78) -> (i32)  : i32 {
      %mul3A_190 = arith.constant 16 : i32
      %mul3A_191 = arith.muli %mul3A_190, %scan3A_188 : i32
      %get3A_192 = arith.index_cast %mul3A_191 : i32 to index
      %get3A_193 = tpu.vector_load %arg16[%get3A_192] {strides = array<i32>} : memref<12544xi32, #tpu.memory_space<vmem>>, vector<16xi32>,
      %shift_right_arithmetic3A = arith.constant 13 : i32
      %shift_right_arithmetic3A_194 = vector.broadcast %shift_right_arithmetic3A : i32 to vector<16xi32>
      %shift_right_arithmetic3A_195 = arith.shrsi %get3A_193, %shift_right_arithmetic3A_194 : vector<16xi32>
      %mul3A_196 = arith.constant 16 : i32
      %mul3A_197 = vector.broadcast %mul3A_196 : i32 to vector<16xi32>
      %mul3A_198 = arith.muli %shift_right_arithmetic3A_195, %mul3A_197 : vector<16xi32>
      %add3A_199 = arith.addi %mul3A_198, %iota3A : vector<16xi32>
      %masked_sort3A = arith.constant dense<true> : vector<16xi1>
      %masked_sort3A_200 = arith.constant -2147483648 : i32
      %masked_sort3A_201 = vector.broadcast %masked_sort3A_200 : i32 to vector<16xi32>
      %masked_sort3A_202 = arith.xori %add3A_199, %masked_sort3A_201 : vector<16xi32>
      %masked_sort3A_203, %masked_sort3A_204, %masked_sort3A_205 = tpu.sort %masked_sort3A_202, %iota3A masked %masked_sort3A : (vector<16xi32>, vector<16xi32>, vector<16xi1>) -> (vector<16xi1>, vector<16xi32>, vector<16xi32>)
      %masked_sort3A_206 = arith.xori %masked_sort3A_204, %masked_sort3A_201 : vector<16xi32>
      %shift_right_arithmetic3A_207 = arith.constant 4 : i32
      %shift_right_arithmetic3A_208 = vector.broadcast %shift_right_arithmetic3A_207 : i32 to vector<16xi32>
      %shift_right_arithmetic3A_209 = arith.shrsi %masked_sort3A_206, %shift_right_arithmetic3A_208 : vector<16xi32>
      %and3A = arith.constant 15 : i32
      %and3A_210 = vector.broadcast %and3A : i32 to vector<16xi32>
      %and3A_211 = arith.andi %masked_sort3A_206, %and3A_210 : vector<16xi32>
      %sub3A_212 = arith.constant 1 : i32
      %sub3A_213 = vector.broadcast %sub3A_212 : i32 to vector<16xi32>
      %sub3A_214 = arith.subi %iota3A, %sub3A_213 : vector<16xi32>
      %max3A_215 = arith.constant 0 : i32
      %max3A_216 = vector.broadcast %max3A_215 : i32 to vector<16xi32>
      %max3A_217 = arith.maxsi %sub3A_214, %max3A_216 : vector<16xi32>
      %broadcast_in_dim3A_218 = vector.shape_cast %max3A_217 : vector<16xi32> to vector<16x1xi32>
      %gather3A_219 = vector.shape_cast %broadcast_in_dim3A_218 : vector<16x1xi32> to vector<16xi32>
      %gather3A_220 = tpu.dynamic_gather %shift_right_arithmetic3A_209[%gather3A_219] in [0] : vector<16xi32>, vector<16xi32> -> vector<16xi32>
      %eq3A_221 = arith.constant 0 : i32
      %eq3A_222 = vector.broadcast %eq3A_221 : i32 to vector<16xi32>
      %eq3A_223 = arith.cmpi eq, %iota3A, %eq3A_222 : vector<16xi32>
      %ne3A = arith.cmpi ne, %shift_right_arithmetic3A_209, %gather3A_220 : vector<16xi32>
      %or3A = arith.ori %eq3A_223, %ne3A : vector<16xi1>
      %jit3A_224 = arith.constant 0 : i32
      %broadcast_in_dim3A_225 = vector.broadcast %jit3A_224 : i32 to vector<16xi32>
      %select_n3A_226 = arith.select %or3A, %iota3A, %broadcast_in_dim3A_225 : vector<16xi1>, vector<16xi32>
      %broadcast_in_dim3A_227 = arith.constant true
      %broadcast_in_dim3A_228 = vector.broadcast %broadcast_in_dim3A_227 : i1 to vector<16xi1>
      %masked_cummax3A = arith.constant -2147483648 : i32
      %masked_cummax3A_229 = vector.broadcast %masked_cummax3A : i32 to vector<16xi32>
      %masked_cummax3A_230 = arith.xori %select_n3A_226, %masked_cummax3A_229 : vector<16xi32>
      %masked_cummax3A_231 = tpu.scan <max>, %masked_cummax3A_230 masked %broadcast_in_dim3A_228 : vector<16xi32>, vector<16xi1> -> vector<16xi32>
      %masked_cummax3A_232 = arith.xori %masked_cummax3A_231, %masked_cummax3A_229 : vector<16xi32>
      %sub3A_233 = arith.subi %iota3A, %masked_cummax3A_232 : vector<16xi32>
      %add3A_234 = arith.constant 1 : i32
      %add3A_235 = vector.broadcast %add3A_234 : i32 to vector<16xi32>
      %add3A_236 = arith.addi %iota3A, %add3A_235 : vector<16xi32>
      %min3A = arith.constant 15 : i32
      %min3A_237 = vector.broadcast %min3A : i32 to vector<16xi32>
      %min3A_238 = arith.minsi %add3A_236, %min3A_237 : vector<16xi32>
      %broadcast_in_dim3A_239 = vector.shape_cast %min3A_238 : vector<16xi32> to vector<16x1xi32>
      %gather3A_240 = vector.shape_cast %broadcast_in_dim3A_239 : vector<16x1xi32> to vector<16xi32>
      %gather3A_241 = tpu.dynamic_gather %shift_right_arithmetic3A_209[%gather3A_240] in [0] : vector<16xi32>, vector<16xi32> -> vector<16xi32>
      %eq3A_242 = arith.constant 15 : i32
      %eq3A_243 = vector.broadcast %eq3A_242 : i32 to vector<16xi32>
      %eq3A_244 = arith.cmpi eq, %iota3A, %eq3A_243 : vector<16xi32>
      %ne3A_245 = arith.cmpi ne, %shift_right_arithmetic3A_209, %gather3A_241 : vector<16xi32>
      %or3A_246 = arith.ori %eq3A_244, %ne3A_245 : vector<16xi1>
      tpu.vector_store_idx %arg22[%and3A_211], %sub3A_233 : memref<16xi32, #tpu.memory_space<vmem>>[vector<16xi32>], vector<16xi32>,
      %get3A_247 = arith.constant 0 : index
      %get3A_248 = tpu.vector_load %arg22[%get3A_247] {strides = array<i32>} : memref<16xi32, #tpu.memory_space<vmem>>, vector<16xi32>,
      %add3A_249 = arith.constant 1 : i32
      %add3A_250 = vector.broadcast %add3A_249 : i32 to vector<16xi32>
      %add3A_251 = arith.addi %sub3A_233, %add3A_250 : vector<16xi32>
      tpu.vector_store_idx %arg17[%shift_right_arithmetic3A_209], %add3A_251 masked %or3A_246 {add = true} : memref<12288xi32, #tpu.memory_space<vmem>>[vector<16xi32>], vector<16xi32>, vector<16xi1>
      %scan3A_252 = arith.constant 0 : i32
      scf.yield %scan3A_252 : i32
    }
    %scan3A_84 = arith.constant 784 : i32
    %mul3A_85 = arith.constant 12288 : i32
    %mul3A_86 = arith.muli %arg1, %mul3A_85 : i32
    "tpu.region"() ({
      %run_scoped3A = tpu.sem_alloc : memref<!tpu.dma_semaphore, #tpu.memory_space<semaphore_mem>>
      %dma_start3A = arith.constant 0 : i32
      %dma_start3A_188 = tpu.memref_slice %arg17[%dma_start3A] : memref<12288xi32, #tpu.memory_space<vmem>> -> memref<12288xi32, #tpu.memory_space<vmem>>
      %dma_start3A_189 = tpu.memref_slice %arg10[%mul3A_86] : memref<196608xi32, #tpu.memory_space<vmem_shared>> -> memref<12288xi32, #tpu.memory_space<vmem_shared>>
      %dma_start3A_190 = tpu.memref_slice %arg10[%mul3A_86] : memref<196608xi32, #tpu.memory_space<vmem_shared>> -> memref<12288xi32, #tpu.memory_space<vmem_shared>>
      %dma_start3A_191 = arith.constant 0 : i32
      %dma_start3A_192 = tpu.memref_slice %arg17[%dma_start3A_191] : memref<12288xi32, #tpu.memory_space<vmem>> -> memref<12288xi32, #tpu.memory_space<vmem>>
      tpu.enqueue_dma source(%dma_start3A_192 : memref<12288xi32, #tpu.memory_space<vmem>>) target(%dma_start3A_190 : memref<12288xi32, #tpu.memory_space<vmem_shared>>) target_semaphore(%run_scoped3A : memref<!tpu.dma_semaphore, #tpu.memory_space<semaphore_mem>>)
      %dma_wait3A = arith.constant 0 : i32
      %dma_wait3A_193 = tpu.memref_slice %arg17[%dma_wait3A] : memref<12288xi32, #tpu.memory_space<vmem>> -> memref<12288xi32, #tpu.memory_space<vmem>>
      %dma_wait3A_194 = tpu.memref_slice %arg10[%mul3A_86] : memref<196608xi32, #tpu.memory_space<vmem_shared>> -> memref<12288xi32, #tpu.memory_space<vmem_shared>>
      %dma_wait3A_195 = tpu.memref_slice %arg10[%mul3A_86] : memref<196608xi32, #tpu.memory_space<vmem_shared>> -> memref<12288xi32, #tpu.memory_space<vmem_shared>>
      %dma_wait3A_196 = arith.constant 0 : i32
      %dma_wait3A_197 = tpu.memref_slice %arg17[%dma_wait3A_196] : memref<12288xi32, #tpu.memory_space<vmem>> -> memref<12288xi32, #tpu.memory_space<vmem>>
      tpu.wait_dma2 semaphore(%run_scoped3A : memref<!tpu.dma_semaphore, #tpu.memory_space<semaphore_mem>>) src(%dma_wait3A_197 : memref<12288xi32, #tpu.memory_space<vmem>>) dst(%dma_wait3A_195 : memref<12288xi32, #tpu.memory_space<vmem_shared>>)
      tpu.yield
    }) : () -> ()
    %barrier3A_87 = arith.constant 0 : index
    tpu.barrier barrier_id(%barrier3A_87)
    %eq3A_88 = arith.constant 0 : i32
    %eq3A_89 = arith.cmpi eq, %arg1, %eq3A_88 : i32
    %convert_element_type3A_90 = arith.extui %eq3A_89 : i1 to i32
    %cond3A_91 = arith.constant 0 : i32
    %cond3A_92 = arith.cmpi ne, %convert_element_type3A_90, %cond3A_91 : i32
    scf.if %cond3A_92 {
      %scan3A_188 = arith.constant 0 : i32
      %scan3A_189 = arith.constant 0 : i32
      %scan3A_190 = arith.constant 12 : i32
      %scan3A_191 = arith.addi %scan3A_189, %scan3A_190 : i32
      %scan3A_192 = arith.constant 1 : i32
      %scan3A_193 = scf.for %scan3A_202 = %scan3A_189 to %scan3A_191 step %scan3A_192 iter_args(%scan3A_203 = %scan3A_188) -> (i32)  : i32 {
        %mul3A_204 = arith.constant 1024 : i32
        %mul3A_205 = arith.muli %scan3A_202, %mul3A_204 : i32
        %scan3A_206 = arith.constant 0 : i32
        %scan3A_207 = arith.constant 0 : i32
        %scan3A_208 = arith.constant 16 : i32
        %scan3A_209 = arith.addi %scan3A_207, %scan3A_208 : i32
        %scan3A_210 = arith.constant 1 : i32
        %scan3A_211 = scf.for %scan3A_214 = %scan3A_207 to %scan3A_209 step %scan3A_210 iter_args(%scan3A_215 = %scan3A_206) -> (i32)  : i32 {
          %mul3A_216 = arith.constant 12288 : i32
          %mul3A_217 = arith.muli %scan3A_214, %mul3A_216 : i32
          %add3A_218 = arith.addi %mul3A_217, %mul3A_205 : i32
          "tpu.region"() ({
            %run_scoped3A = tpu.sem_alloc : memref<!tpu.dma_semaphore, #tpu.memory_space<semaphore_mem>>
            %dma_start3A = tpu.memref_slice %arg10[%add3A_218] : memref<196608xi32, #tpu.memory_space<vmem_shared>> -> memref<1024xi32, #tpu.memory_space<vmem_shared>>
            %dma_start3A_227 = tpu.memref_slice %arg10[%add3A_218] : memref<196608xi32, #tpu.memory_space<vmem_shared>> -> memref<1024xi32, #tpu.memory_space<vmem_shared>>
            tpu.enqueue_dma source(%dma_start3A_227 : memref<1024xi32, #tpu.memory_space<vmem_shared>>) target(%arg18 : memref<1024xi32, #tpu.memory_space<vmem>>) target_semaphore(%run_scoped3A : memref<!tpu.dma_semaphore, #tpu.memory_space<semaphore_mem>>)
            %dma_wait3A = tpu.memref_slice %arg10[%add3A_218] : memref<196608xi32, #tpu.memory_space<vmem_shared>> -> memref<1024xi32, #tpu.memory_space<vmem_shared>>
            %dma_wait3A_228 = tpu.memref_slice %arg10[%add3A_218] : memref<196608xi32, #tpu.memory_space<vmem_shared>> -> memref<1024xi32, #tpu.memory_space<vmem_shared>>
            tpu.wait_dma2 semaphore(%run_scoped3A : memref<!tpu.dma_semaphore, #tpu.memory_space<semaphore_mem>>) src(%dma_wait3A_228 : memref<1024xi32, #tpu.memory_space<vmem_shared>>) dst(%arg18 : memref<1024xi32, #tpu.memory_space<vmem>>)
            tpu.yield
          }) : () -> ()
          %scan3A_219 = arith.constant 0 : i32
          %scan3A_220 = arith.constant 0 : i32
          %scan3A_221 = arith.constant 64 : i32
          %scan3A_222 = arith.addi %scan3A_220, %scan3A_221 : i32
          %scan3A_223 = arith.constant 1 : i32
          %scan3A_224 = scf.for %scan3A_227 = %scan3A_220 to %scan3A_222 step %scan3A_223 iter_args(%scan3A_228 = %scan3A_219) -> (i32)  : i32 {
            %mul3A_229 = arith.constant 0 : i32
            %mul3A_230 = vector.broadcast %mul3A_229 : i32 to vector<16xi32>
            %mul3A_231 = arith.muli %iota3A, %mul3A_230 : vector<16xi32>
            %add3A_232 = vector.broadcast %scan3A_214 : i32 to vector<16xi32>
            %add3A_233 = arith.addi %mul3A_231, %add3A_232 : vector<16xi32>
            %gt3A = arith.constant 0 : i32
            %gt3A_234 = vector.broadcast %gt3A : i32 to vector<16xi32>
            %gt3A_235 = arith.cmpi sgt, %add3A_233, %gt3A_234 : vector<16xi32>
            %mul3A_236 = arith.constant 16 : i32
            %mul3A_237 = arith.muli %mul3A_236, %scan3A_227 : i32
            %add3A_238 = arith.addi %mul3A_205, %mul3A_237 : i32
            %get3A_239 = arith.index_cast %add3A_238 : i32 to index
            %get3A_240 = tpu.vector_load %arg17[%get3A_239] {strides = array<i32>} : memref<12288xi32, #tpu.memory_space<vmem>>, vector<16xi32>,
            %jit3A_241 = arith.constant 0 : i32
            %broadcast_in_dim3A_242 = vector.broadcast %jit3A_241 : i32 to vector<16xi32>
            %select_n3A_243 = arith.select %gt3A_235, %get3A_240, %broadcast_in_dim3A_242 : vector<16xi1>, vector<16xi32>
            %mul3A_244 = arith.constant 16 : i32
            %mul3A_245 = arith.muli %mul3A_244, %scan3A_227 : i32
            %get3A_246 = arith.index_cast %mul3A_245 : i32 to index
            %get3A_247 = tpu.vector_load %arg18[%get3A_246] {strides = array<i32>} : memref<1024xi32, #tpu.memory_space<vmem>>, vector<16xi32>,
            %add3A_248 = arith.addi %select_n3A_243, %get3A_247 : vector<16xi32>
            %mul3A_249 = arith.constant 16 : i32
            %mul3A_250 = arith.muli %mul3A_249, %scan3A_227 : i32
            %add3A_251 = arith.addi %mul3A_205, %mul3A_250 : i32
            %swap3A_252 = arith.index_cast %add3A_251 : i32 to index
            %swap3A_253 = tpu.vector_load %arg17[%swap3A_252] {strides = array<i32>} : memref<12288xi32, #tpu.memory_space<vmem>>, vector<16xi32>,
            tpu.vector_store %arg17[%swap3A_252], %add3A_248 {strides = array<i32>} : memref<12288xi32, #tpu.memory_space<vmem>>, vector<16xi32>,
            %scan3A_254 = arith.constant 0 : i32
            scf.yield %scan3A_254 : i32
          }
          %scan3A_225 = arith.constant 64 : i32
          %scan3A_226 = arith.constant 0 : i32
          scf.yield %scan3A_226 : i32
        }
        %scan3A_212 = arith.constant 16 : i32
        %scan3A_213 = arith.constant 0 : i32
        scf.yield %scan3A_213 : i32
      }
      %scan3A_194 = arith.constant 12 : i32
      %scan3A_195 = arith.constant 0 : i32
      %scan3A_196 = arith.constant 0 : i32
      %scan3A_197 = arith.constant 768 : i32
      %scan3A_198 = arith.addi %scan3A_196, %scan3A_197 : i32
      %scan3A_199 = arith.constant 1 : i32
      %scan3A_200 = scf.for %scan3A_202 = %scan3A_196 to %scan3A_198 step %scan3A_199 iter_args(%scan3A_203 = %scan3A_195) -> (i32)  : i32 {
        %mul3A_204 = arith.constant 16 : i32
        %mul3A_205 = arith.muli %mul3A_204, %scan3A_202 : i32
        %get3A_206 = arith.index_cast %mul3A_205 : i32 to index
        %get3A_207 = tpu.vector_load %arg17[%get3A_206] {strides = array<i32>} : memref<12288xi32, #tpu.memory_space<vmem>>, vector<16xi32>,
        %broadcast_in_dim3A_208 = arith.constant true
        %broadcast_in_dim3A_209 = vector.broadcast %broadcast_in_dim3A_208 : i1 to vector<16xi1>
        %masked_cumsum3A = tpu.scan <sum>, %get3A_207 masked %broadcast_in_dim3A_209 : vector<16xi32>, vector<16xi1> -> vector<16xi32>
        %sub3A_210 = arith.subi %masked_cumsum3A, %get3A_207 : vector<16xi32>
        %add3A_211 = vector.broadcast %scan3A_203 : i32 to vector<16xi32>
        %add3A_212 = arith.addi %sub3A_210, %add3A_211 : vector<16xi32>
        %mul3A_213 = arith.constant 16 : i32
        %mul3A_214 = arith.muli %mul3A_213, %scan3A_202 : i32
        %swap3A_215 = arith.index_cast %mul3A_214 : i32 to index
        %swap3A_216 = tpu.vector_load %arg17[%swap3A_215] {strides = array<i32>} : memref<12288xi32, #tpu.memory_space<vmem>>, vector<16xi32>,
        tpu.vector_store %arg17[%swap3A_215], %add3A_212 {strides = array<i32>} : memref<12288xi32, #tpu.memory_space<vmem>>, vector<16xi32>,
        %reduce_max3A_217 = arith.constant true
        %reduce_max3A_218 = vector.broadcast %reduce_max3A_217 : i1 to vector<16xi1>
        %reduce_max3A_219 = arith.constant -2147483648 : i32
        %reduce_max3A_220 = vector.broadcast %reduce_max3A_219 : i32 to vector<16xi32>
        %reduce_max3A_221 = arith.xori %masked_cumsum3A, %reduce_max3A_220 : vector<16xi32>
        %reduce_max3A_222 = tpu.scan <max>, %reduce_max3A_221 masked %reduce_max3A_218 : vector<16xi32>, vector<16xi1> -> vector<16xi32>
        %reduce_max3A_223 = arith.xori %reduce_max3A_222, %reduce_max3A_220 : vector<16xi32>
        %reduce_max3A_224 = vector.extract %reduce_max3A_223[15] : i32 from vector<16xi32>
        %add3A_225 = arith.addi %scan3A_203, %reduce_max3A_224 : i32
        scf.yield %add3A_225 : i32
      }
      %scan3A_201 = arith.constant 768 : i32
      "tpu.region"() ({
        %run_scoped3A = tpu.sem_alloc : memref<!tpu.dma_semaphore, #tpu.memory_space<semaphore_mem>>
        %dma_start3A = arith.constant 0 : i32
        %dma_start3A_202 = tpu.memref_slice %arg17[%dma_start3A] : memref<12288xi32, #tpu.memory_space<vmem>> -> memref<12288xi32, #tpu.memory_space<vmem>>
        %dma_start3A_203 = arith.constant 0 : i32
        %dma_start3A_204 = tpu.memref_slice %arg11[%dma_start3A_203] : memref<12288xi32, #tpu.memory_space<vmem_shared>> -> memref<12288xi32, #tpu.memory_space<vmem_shared>>
        %dma_start3A_205 = arith.constant 0 : i32
        %dma_start3A_206 = tpu.memref_slice %arg11[%dma_start3A_205] : memref<12288xi32, #tpu.memory_space<vmem_shared>> -> memref<12288xi32, #tpu.memory_space<vmem_shared>>
        %dma_start3A_207 = arith.constant 0 : i32
        %dma_start3A_208 = tpu.memref_slice %arg17[%dma_start3A_207] : memref<12288xi32, #tpu.memory_space<vmem>> -> memref<12288xi32, #tpu.memory_space<vmem>>
        tpu.enqueue_dma source(%dma_start3A_208 : memref<12288xi32, #tpu.memory_space<vmem>>) target(%dma_start3A_206 : memref<12288xi32, #tpu.memory_space<vmem_shared>>) target_semaphore(%run_scoped3A : memref<!tpu.dma_semaphore, #tpu.memory_space<semaphore_mem>>)
        %dma_wait3A = arith.constant 0 : i32
        %dma_wait3A_209 = tpu.memref_slice %arg17[%dma_wait3A] : memref<12288xi32, #tpu.memory_space<vmem>> -> memref<12288xi32, #tpu.memory_space<vmem>>
        %dma_wait3A_210 = arith.constant 0 : i32
        %dma_wait3A_211 = tpu.memref_slice %arg11[%dma_wait3A_210] : memref<12288xi32, #tpu.memory_space<vmem_shared>> -> memref<12288xi32, #tpu.memory_space<vmem_shared>>
        %dma_wait3A_212 = arith.constant 0 : i32
        %dma_wait3A_213 = tpu.memref_slice %arg11[%dma_wait3A_212] : memref<12288xi32, #tpu.memory_space<vmem_shared>> -> memref<12288xi32, #tpu.memory_space<vmem_shared>>
        %dma_wait3A_214 = arith.constant 0 : i32
        %dma_wait3A_215 = tpu.memref_slice %arg17[%dma_wait3A_214] : memref<12288xi32, #tpu.memory_space<vmem>> -> memref<12288xi32, #tpu.memory_space<vmem>>
        tpu.wait_dma2 semaphore(%run_scoped3A : memref<!tpu.dma_semaphore, #tpu.memory_space<semaphore_mem>>) src(%dma_wait3A_215 : memref<12288xi32, #tpu.memory_space<vmem>>) dst(%dma_wait3A_213 : memref<12288xi32, #tpu.memory_space<vmem_shared>>)
        tpu.yield
      }) : () -> ()
    } else {
    }
    %barrier3A_93 = arith.constant 0 : index
    tpu.barrier barrier_id(%barrier3A_93)
    "tpu.region"() ({
      %run_scoped3A = tpu.sem_alloc : memref<!tpu.dma_semaphore, #tpu.memory_space<semaphore_mem>>
      %dma_start3A = arith.constant 0 : i32
      %dma_start3A_188 = tpu.memref_slice %arg17[%dma_start3A] : memref<12288xi32, #tpu.memory_space<vmem>> -> memref<12288xi32, #tpu.memory_space<vmem>>
      %dma_start3A_189 = arith.constant 0 : i32
      %dma_start3A_190 = tpu.memref_slice %arg11[%dma_start3A_189] : memref<12288xi32, #tpu.memory_space<vmem_shared>> -> memref<12288xi32, #tpu.memory_space<vmem_shared>>
      %dma_start3A_191 = arith.constant 0 : i32
      %dma_start3A_192 = tpu.memref_slice %arg17[%dma_start3A_191] : memref<12288xi32, #tpu.memory_space<vmem>> -> memref<12288xi32, #tpu.memory_space<vmem>>
      %dma_start3A_193 = arith.constant 0 : i32
      %dma_start3A_194 = tpu.memref_slice %arg11[%dma_start3A_193] : memref<12288xi32, #tpu.memory_space<vmem_shared>> -> memref<12288xi32, #tpu.memory_space<vmem_shared>>
      tpu.enqueue_dma source(%dma_start3A_194 : memref<12288xi32, #tpu.memory_space<vmem_shared>>) target(%dma_start3A_192 : memref<12288xi32, #tpu.memory_space<vmem>>) target_semaphore(%run_scoped3A : memref<!tpu.dma_semaphore, #tpu.memory_space<semaphore_mem>>)
      %dma_wait3A = arith.constant 0 : i32
      %dma_wait3A_195 = tpu.memref_slice %arg17[%dma_wait3A] : memref<12288xi32, #tpu.memory_space<vmem>> -> memref<12288xi32, #tpu.memory_space<vmem>>
      %dma_wait3A_196 = arith.constant 0 : i32
      %dma_wait3A_197 = tpu.memref_slice %arg11[%dma_wait3A_196] : memref<12288xi32, #tpu.memory_space<vmem_shared>> -> memref<12288xi32, #tpu.memory_space<vmem_shared>>
      %dma_wait3A_198 = arith.constant 0 : i32
      %dma_wait3A_199 = tpu.memref_slice %arg17[%dma_wait3A_198] : memref<12288xi32, #tpu.memory_space<vmem>> -> memref<12288xi32, #tpu.memory_space<vmem>>
      %dma_wait3A_200 = arith.constant 0 : i32
      %dma_wait3A_201 = tpu.memref_slice %arg11[%dma_wait3A_200] : memref<12288xi32, #tpu.memory_space<vmem_shared>> -> memref<12288xi32, #tpu.memory_space<vmem_shared>>
      tpu.wait_dma2 semaphore(%run_scoped3A : memref<!tpu.dma_semaphore, #tpu.memory_space<semaphore_mem>>) src(%dma_wait3A_201 : memref<12288xi32, #tpu.memory_space<vmem_shared>>) dst(%dma_wait3A_199 : memref<12288xi32, #tpu.memory_space<vmem>>)
      tpu.yield
    }) : () -> ()
    %scan3A_94 = arith.constant 0 : i32
    %scan3A_95 = arith.constant 0 : i32
    %scan3A_96 = arith.constant 12 : i32
    %scan3A_97 = arith.addi %scan3A_95, %scan3A_96 : i32
    %scan3A_98 = arith.constant 1 : i32
    %scan3A_99 = scf.for %scan3A_188 = %scan3A_95 to %scan3A_97 step %scan3A_98 iter_args(%scan3A_189 = %scan3A_94) -> (i32)  : i32 {
      %mul3A_190 = arith.constant 1024 : i32
      %mul3A_191 = arith.muli %scan3A_188, %mul3A_190 : i32
      %scan3A_192 = arith.constant 0 : i32
      %scan3A_193 = arith.constant 0 : i32
      %scan3A_194 = arith.constant 16 : i32
      %scan3A_195 = arith.addi %scan3A_193, %scan3A_194 : i32
      %scan3A_196 = arith.constant 1 : i32
      %scan3A_197 = scf.for %scan3A_200 = %scan3A_193 to %scan3A_195 step %scan3A_196 iter_args(%scan3A_201 = %scan3A_192) -> (i32)  : i32 {
        %mul3A_202 = arith.constant 12288 : i32
        %mul3A_203 = arith.muli %scan3A_200, %mul3A_202 : i32
        %add3A_204 = arith.addi %mul3A_203, %mul3A_191 : i32
        "tpu.region"() ({
          %run_scoped3A = tpu.sem_alloc : memref<!tpu.dma_semaphore, #tpu.memory_space<semaphore_mem>>
          %dma_start3A = tpu.memref_slice %arg10[%add3A_204] : memref<196608xi32, #tpu.memory_space<vmem_shared>> -> memref<1024xi32, #tpu.memory_space<vmem_shared>>
          %dma_start3A_213 = tpu.memref_slice %arg10[%add3A_204] : memref<196608xi32, #tpu.memory_space<vmem_shared>> -> memref<1024xi32, #tpu.memory_space<vmem_shared>>
          tpu.enqueue_dma source(%dma_start3A_213 : memref<1024xi32, #tpu.memory_space<vmem_shared>>) target(%arg18 : memref<1024xi32, #tpu.memory_space<vmem>>) target_semaphore(%run_scoped3A : memref<!tpu.dma_semaphore, #tpu.memory_space<semaphore_mem>>)
          %dma_wait3A = tpu.memref_slice %arg10[%add3A_204] : memref<196608xi32, #tpu.memory_space<vmem_shared>> -> memref<1024xi32, #tpu.memory_space<vmem_shared>>
          %dma_wait3A_214 = tpu.memref_slice %arg10[%add3A_204] : memref<196608xi32, #tpu.memory_space<vmem_shared>> -> memref<1024xi32, #tpu.memory_space<vmem_shared>>
          tpu.wait_dma2 semaphore(%run_scoped3A : memref<!tpu.dma_semaphore, #tpu.memory_space<semaphore_mem>>) src(%dma_wait3A_214 : memref<1024xi32, #tpu.memory_space<vmem_shared>>) dst(%arg18 : memref<1024xi32, #tpu.memory_space<vmem>>)
          tpu.yield
        }) : () -> ()
        %scan3A_205 = arith.constant 0 : i32
        %scan3A_206 = arith.constant 0 : i32
        %scan3A_207 = arith.constant 64 : i32
        %scan3A_208 = arith.addi %scan3A_206, %scan3A_207 : i32
        %scan3A_209 = arith.constant 1 : i32
        %scan3A_210 = scf.for %scan3A_213 = %scan3A_206 to %scan3A_208 step %scan3A_209 iter_args(%scan3A_214 = %scan3A_205) -> (i32)  : i32 {
          %mul3A_215 = arith.constant 0 : i32
          %mul3A_216 = vector.broadcast %mul3A_215 : i32 to vector<16xi32>
          %mul3A_217 = arith.muli %iota3A, %mul3A_216 : vector<16xi32>
          %add3A_218 = vector.broadcast %scan3A_200 : i32 to vector<16xi32>
          %add3A_219 = arith.addi %mul3A_217, %add3A_218 : vector<16xi32>
          %lt3A_220 = vector.broadcast %arg1 : i32 to vector<16xi32>
          %lt3A_221 = arith.cmpi slt, %add3A_219, %lt3A_220 : vector<16xi32>
          %mul3A_222 = arith.constant 16 : i32
          %mul3A_223 = arith.muli %mul3A_222, %scan3A_213 : i32
          %add3A_224 = arith.addi %mul3A_191, %mul3A_223 : i32
          %get3A_225 = arith.index_cast %add3A_224 : i32 to index
          %get3A_226 = tpu.vector_load %arg17[%get3A_225] {strides = array<i32>} : memref<12288xi32, #tpu.memory_space<vmem>>, vector<16xi32>,
          %mul3A_227 = arith.constant 16 : i32
          %mul3A_228 = arith.muli %mul3A_227, %scan3A_213 : i32
          %get3A_229 = arith.index_cast %mul3A_228 : i32 to index
          %get3A_230 = tpu.vector_load %arg18[%get3A_229] {strides = array<i32>} : memref<1024xi32, #tpu.memory_space<vmem>>, vector<16xi32>,
          %jit3A_231 = arith.constant 0 : i32
          %broadcast_in_dim3A_232 = vector.broadcast %jit3A_231 : i32 to vector<16xi32>
          %select_n3A_233 = arith.select %lt3A_221, %get3A_230, %broadcast_in_dim3A_232 : vector<16xi1>, vector<16xi32>
          %add3A_234 = arith.addi %get3A_226, %select_n3A_233 : vector<16xi32>
          %mul3A_235 = arith.constant 16 : i32
          %mul3A_236 = arith.muli %mul3A_235, %scan3A_213 : i32
          %add3A_237 = arith.addi %mul3A_191, %mul3A_236 : i32
          %swap3A_238 = arith.index_cast %add3A_237 : i32 to index
          %swap3A_239 = tpu.vector_load %arg17[%swap3A_238] {strides = array<i32>} : memref<12288xi32, #tpu.memory_space<vmem>>, vector<16xi32>,
          tpu.vector_store %arg17[%swap3A_238], %add3A_234 {strides = array<i32>} : memref<12288xi32, #tpu.memory_space<vmem>>, vector<16xi32>,
          %scan3A_240 = arith.constant 0 : i32
          scf.yield %scan3A_240 : i32
        }
        %scan3A_211 = arith.constant 64 : i32
        %scan3A_212 = arith.constant 0 : i32
        scf.yield %scan3A_212 : i32
      }
      %scan3A_198 = arith.constant 16 : i32
      %scan3A_199 = arith.constant 0 : i32
      scf.yield %scan3A_199 : i32
    }
    %scan3A_100 = arith.constant 12 : i32
    %scan3A_101 = arith.constant 0 : i32
    %scan3A_102 = arith.constant 0 : i32
    %scan3A_103 = arith.constant 98 : i32
    %scan3A_104 = arith.addi %scan3A_102, %scan3A_103 : i32
    %scan3A_105 = arith.constant 1 : i32
    %scan3A_106 = scf.for %scan3A_188 = %scan3A_102 to %scan3A_104 step %scan3A_105 iter_args(%scan3A_189 = %scan3A_101) -> (i32)  : i32 {
      %mul3A_190 = arith.constant 128 : i32
      %mul3A_191 = arith.muli %scan3A_188, %mul3A_190 : i32
      %add3A_192 = arith.addi %mul3A_0, %mul3A_191 : i32
      "tpu.region"() ({
        %run_scoped3A = tpu.sem_alloc : memref<!tpu.dma_semaphore, #tpu.memory_space<semaphore_mem>>
        %dma_start3A = tpu.memref_slice %arg8[%add3A_192] : memref<200704xi32, #tpu.memory_space<vmem_shared>> -> memref<128xi32, #tpu.memory_space<vmem_shared>>
        %dma_start3A_201 = tpu.memref_slice %arg8[%add3A_192] : memref<200704xi32, #tpu.memory_space<vmem_shared>> -> memref<128xi32, #tpu.memory_space<vmem_shared>>
        tpu.enqueue_dma source(%dma_start3A_201 : memref<128xi32, #tpu.memory_space<vmem_shared>>) target(%arg20 : memref<128xi32, #tpu.memory_space<vmem>>) target_semaphore(%run_scoped3A : memref<!tpu.dma_semaphore, #tpu.memory_space<semaphore_mem>>)
        %dma_wait3A = tpu.memref_slice %arg8[%add3A_192] : memref<200704xi32, #tpu.memory_space<vmem_shared>> -> memref<128xi32, #tpu.memory_space<vmem_shared>>
        %dma_wait3A_202 = tpu.memref_slice %arg8[%add3A_192] : memref<200704xi32, #tpu.memory_space<vmem_shared>> -> memref<128xi32, #tpu.memory_space<vmem_shared>>
        tpu.wait_dma2 semaphore(%run_scoped3A : memref<!tpu.dma_semaphore, #tpu.memory_space<semaphore_mem>>) src(%dma_wait3A_202 : memref<128xi32, #tpu.memory_space<vmem_shared>>) dst(%arg20 : memref<128xi32, #tpu.memory_space<vmem>>)
        tpu.yield
      }) : () -> ()
      %scan3A_193 = arith.constant 0 : i32
      %scan3A_194 = arith.constant 0 : i32
      %scan3A_195 = arith.constant 8 : i32
      %scan3A_196 = arith.addi %scan3A_194, %scan3A_195 : i32
      %scan3A_197 = arith.constant 1 : i32
      %scan3A_198 = scf.for %scan3A_201 = %scan3A_194 to %scan3A_196 step %scan3A_197 iter_args(%scan3A_202 = %scan3A_193) -> (i32)  : i32 {
        %mul3A_203 = arith.constant 128 : i32
        %mul3A_204 = arith.muli %scan3A_188, %mul3A_203 : i32
        %mul3A_205 = arith.constant 16 : i32
        %mul3A_206 = arith.muli %mul3A_205, %scan3A_201 : i32
        %add3A_207 = arith.addi %mul3A_204, %mul3A_206 : i32
        %get3A_208 = arith.index_cast %add3A_207 : i32 to index
        %get3A_209 = tpu.vector_load %arg16[%get3A_208] {strides = array<i32>} : memref<12544xi32, #tpu.memory_space<vmem>>, vector<16xi32>,
        %shift_right_arithmetic3A = arith.constant 13 : i32
        %shift_right_arithmetic3A_210 = vector.broadcast %shift_right_arithmetic3A : i32 to vector<16xi32>
        %shift_right_arithmetic3A_211 = arith.shrsi %get3A_209, %shift_right_arithmetic3A_210 : vector<16xi32>
        %mul3A_212 = arith.constant 16 : i32
        %mul3A_213 = vector.broadcast %mul3A_212 : i32 to vector<16xi32>
        %mul3A_214 = arith.muli %shift_right_arithmetic3A_211, %mul3A_213 : vector<16xi32>
        %add3A_215 = arith.addi %mul3A_214, %iota3A : vector<16xi32>
        %masked_sort3A = arith.constant dense<true> : vector<16xi1>
        %masked_sort3A_216 = arith.constant -2147483648 : i32
        %masked_sort3A_217 = vector.broadcast %masked_sort3A_216 : i32 to vector<16xi32>
        %masked_sort3A_218 = arith.xori %add3A_215, %masked_sort3A_217 : vector<16xi32>
        %masked_sort3A_219, %masked_sort3A_220, %masked_sort3A_221 = tpu.sort %masked_sort3A_218, %iota3A masked %masked_sort3A : (vector<16xi32>, vector<16xi32>, vector<16xi1>) -> (vector<16xi1>, vector<16xi32>, vector<16xi32>)
        %masked_sort3A_222 = arith.xori %masked_sort3A_220, %masked_sort3A_217 : vector<16xi32>
        %shift_right_arithmetic3A_223 = arith.constant 4 : i32
        %shift_right_arithmetic3A_224 = vector.broadcast %shift_right_arithmetic3A_223 : i32 to vector<16xi32>
        %shift_right_arithmetic3A_225 = arith.shrsi %masked_sort3A_222, %shift_right_arithmetic3A_224 : vector<16xi32>
        %and3A = arith.constant 15 : i32
        %and3A_226 = vector.broadcast %and3A : i32 to vector<16xi32>
        %and3A_227 = arith.andi %masked_sort3A_222, %and3A_226 : vector<16xi32>
        %sub3A_228 = arith.constant 1 : i32
        %sub3A_229 = vector.broadcast %sub3A_228 : i32 to vector<16xi32>
        %sub3A_230 = arith.subi %iota3A, %sub3A_229 : vector<16xi32>
        %max3A_231 = arith.constant 0 : i32
        %max3A_232 = vector.broadcast %max3A_231 : i32 to vector<16xi32>
        %max3A_233 = arith.maxsi %sub3A_230, %max3A_232 : vector<16xi32>
        %broadcast_in_dim3A_234 = vector.shape_cast %max3A_233 : vector<16xi32> to vector<16x1xi32>
        %gather3A_235 = vector.shape_cast %broadcast_in_dim3A_234 : vector<16x1xi32> to vector<16xi32>
        %gather3A_236 = tpu.dynamic_gather %shift_right_arithmetic3A_225[%gather3A_235] in [0] : vector<16xi32>, vector<16xi32> -> vector<16xi32>
        %eq3A_237 = arith.constant 0 : i32
        %eq3A_238 = vector.broadcast %eq3A_237 : i32 to vector<16xi32>
        %eq3A_239 = arith.cmpi eq, %iota3A, %eq3A_238 : vector<16xi32>
        %ne3A = arith.cmpi ne, %shift_right_arithmetic3A_225, %gather3A_236 : vector<16xi32>
        %or3A = arith.ori %eq3A_239, %ne3A : vector<16xi1>
        %jit3A_240 = arith.constant 0 : i32
        %broadcast_in_dim3A_241 = vector.broadcast %jit3A_240 : i32 to vector<16xi32>
        %select_n3A_242 = arith.select %or3A, %iota3A, %broadcast_in_dim3A_241 : vector<16xi1>, vector<16xi32>
        %broadcast_in_dim3A_243 = arith.constant true
        %broadcast_in_dim3A_244 = vector.broadcast %broadcast_in_dim3A_243 : i1 to vector<16xi1>
        %masked_cummax3A = arith.constant -2147483648 : i32
        %masked_cummax3A_245 = vector.broadcast %masked_cummax3A : i32 to vector<16xi32>
        %masked_cummax3A_246 = arith.xori %select_n3A_242, %masked_cummax3A_245 : vector<16xi32>
        %masked_cummax3A_247 = tpu.scan <max>, %masked_cummax3A_246 masked %broadcast_in_dim3A_244 : vector<16xi32>, vector<16xi1> -> vector<16xi32>
        %masked_cummax3A_248 = arith.xori %masked_cummax3A_247, %masked_cummax3A_245 : vector<16xi32>
        %sub3A_249 = arith.subi %iota3A, %masked_cummax3A_248 : vector<16xi32>
        %add3A_250 = arith.constant 1 : i32
        %add3A_251 = vector.broadcast %add3A_250 : i32 to vector<16xi32>
        %add3A_252 = arith.addi %iota3A, %add3A_251 : vector<16xi32>
        %min3A = arith.constant 15 : i32
        %min3A_253 = vector.broadcast %min3A : i32 to vector<16xi32>
        %min3A_254 = arith.minsi %add3A_252, %min3A_253 : vector<16xi32>
        %broadcast_in_dim3A_255 = vector.shape_cast %min3A_254 : vector<16xi32> to vector<16x1xi32>
        %gather3A_256 = vector.shape_cast %broadcast_in_dim3A_255 : vector<16x1xi32> to vector<16xi32>
        %gather3A_257 = tpu.dynamic_gather %shift_right_arithmetic3A_225[%gather3A_256] in [0] : vector<16xi32>, vector<16xi32> -> vector<16xi32>
        %eq3A_258 = arith.constant 15 : i32
        %eq3A_259 = vector.broadcast %eq3A_258 : i32 to vector<16xi32>
        %eq3A_260 = arith.cmpi eq, %iota3A, %eq3A_259 : vector<16xi32>
        %ne3A_261 = arith.cmpi ne, %shift_right_arithmetic3A_225, %gather3A_257 : vector<16xi32>
        %or3A_262 = arith.ori %eq3A_260, %ne3A_261 : vector<16xi1>
        tpu.vector_store_idx %arg22[%and3A_227], %sub3A_249 : memref<16xi32, #tpu.memory_space<vmem>>[vector<16xi32>], vector<16xi32>,
        %get3A_263 = arith.constant 0 : index
        %get3A_264 = tpu.vector_load %arg22[%get3A_263] {strides = array<i32>} : memref<16xi32, #tpu.memory_space<vmem>>, vector<16xi32>,
        %add3A_265 = arith.constant 1 : i32
        %add3A_266 = vector.broadcast %add3A_265 : i32 to vector<16xi32>
        %add3A_267 = arith.addi %sub3A_249, %add3A_266 : vector<16xi32>
        %gather3A_268 = tpu.vector_load_idx %arg17[%shift_right_arithmetic3A_211] : memref<12288xi32, #tpu.memory_space<vmem>>[vector<16xi32>], vector<16xi32>,
        %add3A_269 = arith.addi %gather3A_268, %get3A_264 : vector<16xi32>
        tpu.vector_store_idx %arg17[%shift_right_arithmetic3A_225], %add3A_267 masked %or3A_262 {add = true} : memref<12288xi32, #tpu.memory_space<vmem>>[vector<16xi32>], vector<16xi32>, vector<16xi1>
        %mul3A_270 = arith.constant 16 : i32
        %mul3A_271 = arith.muli %mul3A_270, %scan3A_201 : i32
        %swap3A_272 = arith.index_cast %mul3A_271 : i32 to index
        %swap3A_273 = tpu.vector_load %arg24[%swap3A_272] {strides = array<i32>} : memref<128xi32, #tpu.memory_space<vmem>>, vector<16xi32>,
        tpu.vector_store %arg24[%swap3A_272], %add3A_269 {strides = array<i32>} : memref<128xi32, #tpu.memory_space<vmem>>, vector<16xi32>,
        %mul3A_274 = arith.constant 16 : i32
        %mul3A_275 = arith.muli %mul3A_274, %scan3A_201 : i32
        %swap3A_276 = arith.index_cast %mul3A_275 : i32 to index
        %swap3A_277 = tpu.vector_load %arg26[%swap3A_276] {strides = array<i32>} : memref<128xi32, #tpu.memory_space<vmem>>, vector<16xi32>,
        tpu.vector_store %arg26[%swap3A_276], %get3A_209 {strides = array<i32>} : memref<128xi32, #tpu.memory_space<vmem>>, vector<16xi32>,
        %mul3A_278 = arith.constant 16 : i32
        %mul3A_279 = arith.muli %mul3A_278, %scan3A_201 : i32
        %get3A_280 = arith.index_cast %mul3A_279 : i32 to index
        %get3A_281 = tpu.vector_load %arg20[%get3A_280] {strides = array<i32>} : memref<128xi32, #tpu.memory_space<vmem>>, vector<16xi32>,
        %mul3A_282 = arith.constant 16 : i32
        %mul3A_283 = arith.muli %mul3A_282, %scan3A_201 : i32
        %swap3A_284 = arith.index_cast %mul3A_283 : i32 to index
        %swap3A_285 = tpu.vector_load %arg27[%swap3A_284] {strides = array<i32>} : memref<128xi32, #tpu.memory_space<vmem>>, vector<16xi32>,
        tpu.vector_store %arg27[%swap3A_284], %get3A_281 {strides = array<i32>} : memref<128xi32, #tpu.memory_space<vmem>>, vector<16xi32>,
        %scan3A_286 = arith.constant 0 : i32
        scf.yield %scan3A_286 : i32
      }
      %scan3A_199 = arith.constant 8 : i32
      "tpu.region"() ({
        %run_scoped3A = tpu.sem_alloc : memref<!tpu.dma_semaphore, #tpu.memory_space<semaphore_mem>>
        %dma_start3A = arith.constant 0 : i32
        %dma_start3A_201 = tpu.memref_slice %arg6[%dma_start3A] : memref<200720xi32, #tpu.memory_space<vmem_shared>> -> memref<200720xi32, #tpu.memory_space<vmem_shared>>
        tpu.enqueue_indirect_dma source(%arg26 : memref<128xi32, #tpu.memory_space<vmem>>) target(%dma_start3A_201 : memref<200720xi32, #tpu.memory_space<vmem_shared>>) offsets(%arg24 : memref<128xi32, #tpu.memory_space<vmem>>) semaphore(%run_scoped3A : memref<!tpu.dma_semaphore, #tpu.memory_space<semaphore_mem>>)
        %dma_wait3A = arith.constant 0 : i32
        %dma_wait3A_202 = tpu.memref_slice %arg6[%dma_wait3A] : memref<200720xi32, #tpu.memory_space<vmem_shared>> -> memref<200720xi32, #tpu.memory_space<vmem_shared>>
        tpu.wait_indirect_dma semaphore(%run_scoped3A : memref<!tpu.dma_semaphore, #tpu.memory_space<semaphore_mem>>) src(%arg26 : memref<128xi32, #tpu.memory_space<vmem>>) dst(%dma_wait3A_202 : memref<200720xi32, #tpu.memory_space<vmem_shared>>)
        tpu.yield
      }) : () -> ()
      "tpu.region"() ({
        %run_scoped3A = tpu.sem_alloc : memref<!tpu.dma_semaphore, #tpu.memory_space<semaphore_mem>>
        %dma_start3A = arith.constant 0 : i32
        %dma_start3A_201 = tpu.memref_slice %arg9[%dma_start3A] : memref<200704xi32, #tpu.memory_space<vmem_shared>> -> memref<200704xi32, #tpu.memory_space<vmem_shared>>
        tpu.enqueue_indirect_dma source(%arg27 : memref<128xi32, #tpu.memory_space<vmem>>) target(%dma_start3A_201 : memref<200704xi32, #tpu.memory_space<vmem_shared>>) offsets(%arg24 : memref<128xi32, #tpu.memory_space<vmem>>) semaphore(%run_scoped3A : memref<!tpu.dma_semaphore, #tpu.memory_space<semaphore_mem>>)
        %dma_wait3A = arith.constant 0 : i32
        %dma_wait3A_202 = tpu.memref_slice %arg9[%dma_wait3A] : memref<200704xi32, #tpu.memory_space<vmem_shared>> -> memref<200704xi32, #tpu.memory_space<vmem_shared>>
        tpu.wait_indirect_dma semaphore(%run_scoped3A : memref<!tpu.dma_semaphore, #tpu.memory_space<semaphore_mem>>) src(%arg27 : memref<128xi32, #tpu.memory_space<vmem>>) dst(%dma_wait3A_202 : memref<200704xi32, #tpu.memory_space<vmem_shared>>)
        tpu.yield
      }) : () -> ()
      %scan3A_200 = arith.constant 0 : i32
      scf.yield %scan3A_200 : i32
    }
    %scan3A_107 = arith.constant 98 : i32
    %barrier3A_108 = arith.constant 0 : index
    tpu.barrier barrier_id(%barrier3A_108)
    %max3A = arith.constant 1 : i32
    %max3A_109 = arith.maxsi %arg1, %max3A : i32
    %sub3A = arith.constant 1 : i32
    %sub3A_110 = arith.subi %max3A_109, %sub3A : i32
    %mul3A_111 = arith.constant 12544 : i32
    %mul3A_112 = arith.muli %sub3A_110, %mul3A_111 : i32
    %add3A_113 = arith.constant 12528 : i32
    %add3A_114 = arith.addi %mul3A_112, %add3A_113 : i32
    "tpu.region"() ({
      %run_scoped3A = tpu.sem_alloc : memref<!tpu.dma_semaphore, #tpu.memory_space<semaphore_mem>>
      %dma_start3A = tpu.memref_slice %arg6[%add3A_114] : memref<200720xi32, #tpu.memory_space<vmem_shared>> -> memref<16xi32, #tpu.memory_space<vmem_shared>>
      %dma_start3A_188 = tpu.memref_slice %arg6[%add3A_114] : memref<200720xi32, #tpu.memory_space<vmem_shared>> -> memref<16xi32, #tpu.memory_space<vmem_shared>>
      tpu.enqueue_dma source(%dma_start3A_188 : memref<16xi32, #tpu.memory_space<vmem_shared>>) target(%arg23 : memref<16xi32, #tpu.memory_space<vmem>>) target_semaphore(%run_scoped3A : memref<!tpu.dma_semaphore, #tpu.memory_space<semaphore_mem>>)
      %dma_wait3A = tpu.memref_slice %arg6[%add3A_114] : memref<200720xi32, #tpu.memory_space<vmem_shared>> -> memref<16xi32, #tpu.memory_space<vmem_shared>>
      %dma_wait3A_189 = tpu.memref_slice %arg6[%add3A_114] : memref<200720xi32, #tpu.memory_space<vmem_shared>> -> memref<16xi32, #tpu.memory_space<vmem_shared>>
      tpu.wait_dma2 semaphore(%run_scoped3A : memref<!tpu.dma_semaphore, #tpu.memory_space<semaphore_mem>>) src(%dma_wait3A_189 : memref<16xi32, #tpu.memory_space<vmem_shared>>) dst(%arg23 : memref<16xi32, #tpu.memory_space<vmem>>)
      tpu.yield
    }) : () -> ()
    %get3A = arith.constant 0 : index
    %get3A_115 = tpu.vector_load %arg23[%get3A] {strides = array<i32>} : memref<16xi32, #tpu.memory_space<vmem>>, vector<16xi32>,
    %eq3A_116 = arith.constant 15 : i32
    %eq3A_117 = vector.broadcast %eq3A_116 : i32 to vector<16xi32>
    %eq3A_118 = arith.cmpi eq, %iota3A, %eq3A_117 : vector<16xi32>
    %jit3A = arith.constant -2147483648 : i32
    %broadcast_in_dim3A = vector.broadcast %jit3A : i32 to vector<16xi32>
    %select_n3A = arith.select %eq3A_118, %get3A_115, %broadcast_in_dim3A : vector<16xi1>, vector<16xi32>
    %reduce_max3A = arith.constant true
    %reduce_max3A_119 = vector.broadcast %reduce_max3A : i1 to vector<16xi1>
    %reduce_max3A_120 = arith.constant -2147483648 : i32
    %reduce_max3A_121 = vector.broadcast %reduce_max3A_120 : i32 to vector<16xi32>
    %reduce_max3A_122 = arith.xori %select_n3A, %reduce_max3A_121 : vector<16xi32>
    %reduce_max3A_123 = tpu.scan <max>, %reduce_max3A_122 masked %reduce_max3A_119 : vector<16xi32>, vector<16xi1> -> vector<16xi32>
    %reduce_max3A_124 = arith.xori %reduce_max3A_123, %reduce_max3A_121 : vector<16xi32>
    %reduce_max3A_125 = vector.extract %reduce_max3A_124[15] : i32 from vector<16xi32>
    %eq3A_126 = arith.constant 0 : i32
    %eq3A_127 = arith.cmpi eq, %arg1, %eq3A_126 : i32
    %jit3A_128 = arith.constant -1 : i32
    %select_n3A_129 = arith.select %eq3A_127, %jit3A_128, %reduce_max3A_125 : i32
    %scan3A_130 = arith.constant 0 : i32
    %scan3A_131 = arith.constant -1 : i32
    %scan3A_132 = arith.constant 0 : i32
    %scan3A_133 = arith.constant 98 : i32
    %scan3A_134 = arith.addi %scan3A_132, %scan3A_133 : i32
    %scan3A_135 = arith.constant 1 : i32
    %scan3A_136:3 = scf.for %scan3A_188 = %scan3A_132 to %scan3A_134 step %scan3A_135 iter_args(%scan3A_189 = %scan3A_130, %scan3A_190 = %scan3A_131, %scan3A_191 = %select_n3A_129) -> (i32, i32, i32)  : i32 {
      %mul3A_192 = arith.constant 128 : i32
      %mul3A_193 = arith.muli %scan3A_188, %mul3A_192 : i32
      %add3A_194 = arith.addi %mul3A_0, %mul3A_193 : i32
      "tpu.region"() ({
        %run_scoped3A = tpu.sem_alloc : memref<!tpu.dma_semaphore, #tpu.memory_space<semaphore_mem>>
        %dma_start3A = arith.constant 0 : i32
        %dma_start3A_201 = tpu.memref_slice %arg19[%dma_start3A] : memref<144xi32, #tpu.memory_space<vmem>> -> memref<128xi32, #tpu.memory_space<vmem>>
        %dma_start3A_202 = tpu.memref_slice %arg6[%add3A_194] : memref<200720xi32, #tpu.memory_space<vmem_shared>> -> memref<128xi32, #tpu.memory_space<vmem_shared>>
        %dma_start3A_203 = arith.constant 0 : i32
        %dma_start3A_204 = tpu.memref_slice %arg19[%dma_start3A_203] : memref<144xi32, #tpu.memory_space<vmem>> -> memref<128xi32, #tpu.memory_space<vmem>>
        %dma_start3A_205 = tpu.memref_slice %arg6[%add3A_194] : memref<200720xi32, #tpu.memory_space<vmem_shared>> -> memref<128xi32, #tpu.memory_space<vmem_shared>>
        tpu.enqueue_dma source(%dma_start3A_205 : memref<128xi32, #tpu.memory_space<vmem_shared>>) target(%dma_start3A_204 : memref<128xi32, #tpu.memory_space<vmem>>) target_semaphore(%run_scoped3A : memref<!tpu.dma_semaphore, #tpu.memory_space<semaphore_mem>>)
        %dma_wait3A = arith.constant 0 : i32
        %dma_wait3A_206 = tpu.memref_slice %arg19[%dma_wait3A] : memref<144xi32, #tpu.memory_space<vmem>> -> memref<128xi32, #tpu.memory_space<vmem>>
        %dma_wait3A_207 = tpu.memref_slice %arg6[%add3A_194] : memref<200720xi32, #tpu.memory_space<vmem_shared>> -> memref<128xi32, #tpu.memory_space<vmem_shared>>
        %dma_wait3A_208 = arith.constant 0 : i32
        %dma_wait3A_209 = tpu.memref_slice %arg19[%dma_wait3A_208] : memref<144xi32, #tpu.memory_space<vmem>> -> memref<128xi32, #tpu.memory_space<vmem>>
        %dma_wait3A_210 = tpu.memref_slice %arg6[%add3A_194] : memref<200720xi32, #tpu.memory_space<vmem_shared>> -> memref<128xi32, #tpu.memory_space<vmem_shared>>
        tpu.wait_dma2 semaphore(%run_scoped3A : memref<!tpu.dma_semaphore, #tpu.memory_space<semaphore_mem>>) src(%dma_wait3A_210 : memref<128xi32, #tpu.memory_space<vmem_shared>>) dst(%dma_wait3A_209 : memref<128xi32, #tpu.memory_space<vmem>>)
        tpu.yield
      }) : () -> ()
      %scan3A_195 = arith.constant 0 : i32
      %scan3A_196 = arith.constant 8 : i32
      %scan3A_197 = arith.addi %scan3A_195, %scan3A_196 : i32
      %scan3A_198 = arith.constant 1 : i32
      %scan3A_199:3 = scf.for %scan3A_201 = %scan3A_195 to %scan3A_197 step %scan3A_198 iter_args(%scan3A_202 = %scan3A_189, %scan3A_203 = %scan3A_190, %scan3A_204 = %scan3A_191) -> (i32, i32, i32)  : i32 {
        %mul3A_205 = arith.constant 16 : i32
        %mul3A_206 = arith.muli %mul3A_205, %scan3A_201 : i32
        %get3A_207 = arith.index_cast %mul3A_206 : i32 to index
        %get3A_208 = tpu.vector_load %arg19[%get3A_207] {strides = array<i32>} : memref<144xi32, #tpu.memory_space<vmem>>, vector<16xi32>,
        %eq3A_209 = arith.constant 0 : i32
        %eq3A_210 = vector.broadcast %eq3A_209 : i32 to vector<16xi32>
        %eq3A_211 = arith.cmpi eq, %iota3A, %eq3A_210 : vector<16xi32>
        %sub3A_212 = arith.constant 1 : i32
        %sub3A_213 = vector.broadcast %sub3A_212 : i32 to vector<16xi32>
        %sub3A_214 = arith.subi %iota3A, %sub3A_213 : vector<16xi32>
        %max3A_215 = arith.constant 0 : i32
        %max3A_216 = vector.broadcast %max3A_215 : i32 to vector<16xi32>
        %max3A_217 = arith.maxsi %sub3A_214, %max3A_216 : vector<16xi32>
        %broadcast_in_dim3A_218 = vector.shape_cast %max3A_217 : vector<16xi32> to vector<16x1xi32>
        %gather3A_219 = vector.shape_cast %broadcast_in_dim3A_218 : vector<16x1xi32> to vector<16xi32>
        %gather3A_220 = tpu.dynamic_gather %get3A_208[%gather3A_219] in [0] : vector<16xi32>, vector<16xi32> -> vector<16xi32>
        %broadcast_in_dim3A_221 = vector.broadcast %scan3A_204 : i32 to vector<16xi32>
        %select_n3A_222 = arith.select %eq3A_211, %broadcast_in_dim3A_221, %gather3A_220 : vector<16xi1>, vector<16xi32>
        %ne3A = arith.cmpi ne, %get3A_208, %select_n3A_222 : vector<16xi32>
        %convert_element_type3A_223 = arith.extui %ne3A : vector<16xi1> to vector<16xi32>
        %reduce_sum3A_224 = arith.constant true
        %reduce_sum3A_225 = vector.broadcast %reduce_sum3A_224 : i1 to vector<16xi1>
        %reduce_sum3A_226 = tpu.scan <sum>, %convert_element_type3A_223 masked %reduce_sum3A_225 : vector<16xi32>, vector<16xi1> -> vector<16xi32>
        %reduce_sum3A_227 = vector.extract %reduce_sum3A_226[15] : i32 from vector<16xi32>
        %add3A_228 = arith.addi %scan3A_202, %reduce_sum3A_227 : i32
        %mul3A_229 = arith.constant 128 : i32
        %mul3A_230 = arith.muli %scan3A_188, %mul3A_229 : i32
        %add3A_231 = arith.addi %mul3A_0, %mul3A_230 : i32
        %mul3A_232 = arith.constant 16 : i32
        %mul3A_233 = arith.muli %mul3A_232, %scan3A_201 : i32
        %add3A_234 = arith.addi %add3A_231, %mul3A_233 : i32
        %add3A_235 = vector.broadcast %add3A_234 : i32 to vector<16xi32>
        %add3A_236 = arith.addi %add3A_235, %iota3A : vector<16xi32>
        %jit3A_237 = arith.constant -1 : i32
        %broadcast_in_dim3A_238 = vector.broadcast %jit3A_237 : i32 to vector<16xi32>
        %select_n3A_239 = arith.select %ne3A, %add3A_236, %broadcast_in_dim3A_238 : vector<16xi1>, vector<16xi32>
        %reduce_max3A_240 = arith.constant true
        %reduce_max3A_241 = vector.broadcast %reduce_max3A_240 : i1 to vector<16xi1>
        %reduce_max3A_242 = arith.constant -2147483648 : i32
        %reduce_max3A_243 = vector.broadcast %reduce_max3A_242 : i32 to vector<16xi32>
        %reduce_max3A_244 = arith.xori %select_n3A_239, %reduce_max3A_243 : vector<16xi32>
        %reduce_max3A_245 = tpu.scan <max>, %reduce_max3A_244 masked %reduce_max3A_241 : vector<16xi32>, vector<16xi1> -> vector<16xi32>
        %reduce_max3A_246 = arith.xori %reduce_max3A_245, %reduce_max3A_243 : vector<16xi32>
        %reduce_max3A_247 = vector.extract %reduce_max3A_246[15] : i32 from vector<16xi32>
        %max3A_248 = arith.maxsi %scan3A_203, %reduce_max3A_247 : i32
        %eq3A_249 = arith.constant 15 : i32
        %eq3A_250 = vector.broadcast %eq3A_249 : i32 to vector<16xi32>
        %eq3A_251 = arith.cmpi eq, %iota3A, %eq3A_250 : vector<16xi32>
        %jit3A_252 = arith.constant -2147483648 : i32
        %broadcast_in_dim3A_253 = vector.broadcast %jit3A_252 : i32 to vector<16xi32>
        %select_n3A_254 = arith.select %eq3A_251, %get3A_208, %broadcast_in_dim3A_253 : vector<16xi1>, vector<16xi32>
        %reduce_max3A_255 = arith.constant true
        %reduce_max3A_256 = vector.broadcast %reduce_max3A_255 : i1 to vector<16xi1>
        %reduce_max3A_257 = arith.constant -2147483648 : i32
        %reduce_max3A_258 = vector.broadcast %reduce_max3A_257 : i32 to vector<16xi32>
        %reduce_max3A_259 = arith.xori %select_n3A_254, %reduce_max3A_258 : vector<16xi32>
        %reduce_max3A_260 = tpu.scan <max>, %reduce_max3A_259 masked %reduce_max3A_256 : vector<16xi32>, vector<16xi1> -> vector<16xi32>
        %reduce_max3A_261 = arith.xori %reduce_max3A_260, %reduce_max3A_258 : vector<16xi32>
        %reduce_max3A_262 = vector.extract %reduce_max3A_261[15] : i32 from vector<16xi32>
        scf.yield %add3A_228, %max3A_248, %reduce_max3A_262 : i32, i32, i32
      }
      %scan3A_200 = arith.constant 8 : i32
      scf.yield %scan3A_199#0, %scan3A_199#1, %scan3A_199#2 : i32, i32, i32
    }
    %scan3A_137 = arith.constant 98 : i32
    %eq3A_138 = arith.constant 0 : i32
    %eq3A_139 = vector.broadcast %eq3A_138 : i32 to vector<16xi32>
    %eq3A_140 = arith.cmpi eq, %iota3A, %eq3A_139 : vector<16xi32>
    %eq3A_141 = arith.constant 1 : i32
    %eq3A_142 = vector.broadcast %eq3A_141 : i32 to vector<16xi32>
    %eq3A_143 = arith.cmpi eq, %iota3A, %eq3A_142 : vector<16xi32>
    %jit3A_144 = arith.constant 0 : i32
    %broadcast_in_dim3A_145 = vector.broadcast %scan3A_136#1 : i32 to vector<16xi32>
    %broadcast_in_dim3A_146 = vector.broadcast %jit3A_144 : i32 to vector<16xi32>
    %select_n3A_147 = arith.select %eq3A_143, %broadcast_in_dim3A_145, %broadcast_in_dim3A_146 : vector<16xi1>, vector<16xi32>
    %broadcast_in_dim3A_148 = vector.broadcast %scan3A_136#0 : i32 to vector<16xi32>
    %select_n3A_149 = arith.select %eq3A_140, %broadcast_in_dim3A_148, %select_n3A_147 : vector<16xi1>, vector<16xi32>
    %swap3A = arith.constant 0 : index
    %swap3A_150 = tpu.vector_load %arg23[%swap3A] {strides = array<i32>} : memref<16xi32, #tpu.memory_space<vmem>>, vector<16xi32>,
    tpu.vector_store %arg23[%swap3A], %select_n3A_149 {strides = array<i32>} : memref<16xi32, #tpu.memory_space<vmem>>, vector<16xi32>,
    %mul3A_151 = arith.constant 16 : i32
    %mul3A_152 = arith.muli %arg1, %mul3A_151 : i32
    "tpu.region"() ({
      %run_scoped3A = tpu.sem_alloc : memref<!tpu.dma_semaphore, #tpu.memory_space<semaphore_mem>>
      %dma_start3A = tpu.memref_slice %arg12[%mul3A_152] : memref<256xi32, #tpu.memory_space<vmem_shared>> -> memref<16xi32, #tpu.memory_space<vmem_shared>>
      %dma_start3A_188 = tpu.memref_slice %arg12[%mul3A_152] : memref<256xi32, #tpu.memory_space<vmem_shared>> -> memref<16xi32, #tpu.memory_space<vmem_shared>>
      tpu.enqueue_dma source(%arg23 : memref<16xi32, #tpu.memory_space<vmem>>) target(%dma_start3A_188 : memref<16xi32, #tpu.memory_space<vmem_shared>>) target_semaphore(%run_scoped3A : memref<!tpu.dma_semaphore, #tpu.memory_space<semaphore_mem>>)
      %dma_wait3A = tpu.memref_slice %arg12[%mul3A_152] : memref<256xi32, #tpu.memory_space<vmem_shared>> -> memref<16xi32, #tpu.memory_space<vmem_shared>>
      %dma_wait3A_189 = tpu.memref_slice %arg12[%mul3A_152] : memref<256xi32, #tpu.memory_space<vmem_shared>> -> memref<16xi32, #tpu.memory_space<vmem_shared>>
      tpu.wait_dma2 semaphore(%run_scoped3A : memref<!tpu.dma_semaphore, #tpu.memory_space<semaphore_mem>>) src(%arg23 : memref<16xi32, #tpu.memory_space<vmem>>) dst(%dma_wait3A_189 : memref<16xi32, #tpu.memory_space<vmem_shared>>)
      tpu.yield
    }) : () -> ()
    %barrier3A_153 = arith.constant 0 : index
    tpu.barrier barrier_id(%barrier3A_153)
    "tpu.region"() ({
      %run_scoped3A = tpu.sem_alloc : memref<!tpu.dma_semaphore, #tpu.memory_space<semaphore_mem>>
      tpu.enqueue_dma source(%arg12 : memref<256xi32, #tpu.memory_space<vmem_shared>>) target(%arg21 : memref<256xi32, #tpu.memory_space<vmem>>) target_semaphore(%run_scoped3A : memref<!tpu.dma_semaphore, #tpu.memory_space<semaphore_mem>>)
      tpu.wait_dma2 semaphore(%run_scoped3A : memref<!tpu.dma_semaphore, #tpu.memory_space<semaphore_mem>>) src(%arg12 : memref<256xi32, #tpu.memory_space<vmem_shared>>) dst(%arg21 : memref<256xi32, #tpu.memory_space<vmem>>)
      tpu.yield
    }) : () -> ()
    %mul3A_154 = arith.constant 16 : i32
    %mul3A_155 = vector.broadcast %mul3A_154 : i32 to vector<16xi32>
    %mul3A_156 = arith.muli %iota3A, %mul3A_155 : vector<16xi32>
    %gather3A = tpu.vector_load_idx %arg21[%mul3A_156] : memref<256xi32, #tpu.memory_space<vmem>>[vector<16xi32>], vector<16xi32>,
    %mul3A_157 = arith.constant 16 : i32
    %mul3A_158 = vector.broadcast %mul3A_157 : i32 to vector<16xi32>
    %mul3A_159 = arith.muli %iota3A, %mul3A_158 : vector<16xi32>
    %add3A_160 = arith.constant 1 : i32
    %add3A_161 = vector.broadcast %add3A_160 : i32 to vector<16xi32>
    %add3A_162 = arith.addi %mul3A_159, %add3A_161 : vector<16xi32>
    %gather3A_163 = tpu.vector_load_idx %arg21[%add3A_162] : memref<256xi32, #tpu.memory_space<vmem>>[vector<16xi32>], vector<16xi32>,
    %lt3A = vector.broadcast %arg1 : i32 to vector<16xi32>
    %lt3A_164 = arith.cmpi slt, %iota3A, %lt3A : vector<16xi32>
    %jit3A_165 = arith.constant 0 : i32
    %broadcast_in_dim3A_166 = vector.broadcast %jit3A_165 : i32 to vector<16xi32>
    %select_n3A_167 = arith.select %lt3A_164, %gather3A, %broadcast_in_dim3A_166 : vector<16xi1>, vector<16xi32>
    %reduce_sum3A = arith.constant true
    %reduce_sum3A_168 = vector.broadcast %reduce_sum3A : i1 to vector<16xi1>
    %reduce_sum3A_169 = tpu.scan <sum>, %select_n3A_167 masked %reduce_sum3A_168 : vector<16xi32>, vector<16xi1> -> vector<16xi32>
    %reduce_sum3A_170 = vector.extract %reduce_sum3A_169[15] : i32 from vector<16xi32>
    %jit3A_171 = arith.constant -1 : i32
    %broadcast_in_dim3A_172 = vector.broadcast %jit3A_171 : i32 to vector<16xi32>
    %select_n3A_173 = arith.select %lt3A_164, %gather3A_163, %broadcast_in_dim3A_172 : vector<16xi1>, vector<16xi32>
    %reduce_max3A_174 = arith.constant true
    %reduce_max3A_175 = vector.broadcast %reduce_max3A_174 : i1 to vector<16xi1>
    %reduce_max3A_176 = arith.constant -2147483648 : i32
    %reduce_max3A_177 = vector.broadcast %reduce_max3A_176 : i32 to vector<16xi32>
    %reduce_max3A_178 = arith.xori %select_n3A_173, %reduce_max3A_177 : vector<16xi32>
    %reduce_max3A_179 = tpu.scan <max>, %reduce_max3A_178 masked %reduce_max3A_175 : vector<16xi32>, vector<16xi1> -> vector<16xi32>
    %reduce_max3A_180 = arith.xori %reduce_max3A_179, %reduce_max3A_177 : vector<16xi32>
    %reduce_max3A_181 = vector.extract %reduce_max3A_180[15] : i32 from vector<16xi32>
    %scan3A_182 = arith.constant 0 : i32
    %scan3A_183 = arith.constant 98 : i32
    %scan3A_184 = arith.addi %scan3A_182, %scan3A_183 : i32
    %scan3A_185 = arith.constant 1 : i32
    %scan3A_186:3 = scf.for %scan3A_188 = %scan3A_182 to %scan3A_184 step %scan3A_185 iter_args(%scan3A_189 = %reduce_sum3A_170, %scan3A_190 = %reduce_max3A_181, %scan3A_191 = %select_n3A_129) -> (i32, i32, i32)  : i32 {
      %mul3A_192 = arith.constant 128 : i32
      %mul3A_193 = arith.muli %scan3A_188, %mul3A_192 : i32
      %add3A_194 = arith.addi %mul3A_0, %mul3A_193 : i32
      "tpu.region"() ({
        %run_scoped3A = tpu.sem_alloc : memref<!tpu.dma_semaphore, #tpu.memory_space<semaphore_mem>>
        %dma_start3A_333 = tpu.memref_slice %arg6[%add3A_194] : memref<200720xi32, #tpu.memory_space<vmem_shared>> -> memref<144xi32, #tpu.memory_space<vmem_shared>>
        %dma_start3A_334 = tpu.memref_slice %arg6[%add3A_194] : memref<200720xi32, #tpu.memory_space<vmem_shared>> -> memref<144xi32, #tpu.memory_space<vmem_shared>>
        tpu.enqueue_dma source(%dma_start3A_334 : memref<144xi32, #tpu.memory_space<vmem_shared>>) target(%arg19 : memref<144xi32, #tpu.memory_space<vmem>>) target_semaphore(%run_scoped3A : memref<!tpu.dma_semaphore, #tpu.memory_space<semaphore_mem>>)
        %dma_wait3A_335 = tpu.memref_slice %arg6[%add3A_194] : memref<200720xi32, #tpu.memory_space<vmem_shared>> -> memref<144xi32, #tpu.memory_space<vmem_shared>>
        %dma_wait3A_336 = tpu.memref_slice %arg6[%add3A_194] : memref<200720xi32, #tpu.memory_space<vmem_shared>> -> memref<144xi32, #tpu.memory_space<vmem_shared>>
        tpu.wait_dma2 semaphore(%run_scoped3A : memref<!tpu.dma_semaphore, #tpu.memory_space<semaphore_mem>>) src(%dma_wait3A_336 : memref<144xi32, #tpu.memory_space<vmem_shared>>) dst(%arg19 : memref<144xi32, #tpu.memory_space<vmem>>)
        tpu.yield
      }) : () -> ()
      %mul3A_195 = arith.constant 128 : i32
      %mul3A_196 = arith.muli %scan3A_188, %mul3A_195 : i32
      %add3A_197 = arith.addi %mul3A_0, %mul3A_196 : i32
      "tpu.region"() ({
        %run_scoped3A = tpu.sem_alloc : memref<!tpu.dma_semaphore, #tpu.memory_space<semaphore_mem>>
        %dma_start3A_333 = tpu.memref_slice %arg9[%add3A_197] : memref<200704xi32, #tpu.memory_space<vmem_shared>> -> memref<128xi32, #tpu.memory_space<vmem_shared>>
        %dma_start3A_334 = tpu.memref_slice %arg9[%add3A_197] : memref<200704xi32, #tpu.memory_space<vmem_shared>> -> memref<128xi32, #tpu.memory_space<vmem_shared>>
        tpu.enqueue_dma source(%dma_start3A_334 : memref<128xi32, #tpu.memory_space<vmem_shared>>) target(%arg20 : memref<128xi32, #tpu.memory_space<vmem>>) target_semaphore(%run_scoped3A : memref<!tpu.dma_semaphore, #tpu.memory_space<semaphore_mem>>)
        %dma_wait3A_335 = tpu.memref_slice %arg9[%add3A_197] : memref<200704xi32, #tpu.memory_space<vmem_shared>> -> memref<128xi32, #tpu.memory_space<vmem_shared>>
        %dma_wait3A_336 = tpu.memref_slice %arg9[%add3A_197] : memref<200704xi32, #tpu.memory_space<vmem_shared>> -> memref<128xi32, #tpu.memory_space<vmem_shared>>
        tpu.wait_dma2 semaphore(%run_scoped3A : memref<!tpu.dma_semaphore, #tpu.memory_space<semaphore_mem>>) src(%dma_wait3A_336 : memref<128xi32, #tpu.memory_space<vmem_shared>>) dst(%arg20 : memref<128xi32, #tpu.memory_space<vmem>>)
        tpu.yield
      }) : () -> ()
      %scan3A_198 = arith.constant 0 : i32
      %scan3A_199 = arith.constant 8 : i32
      %scan3A_200 = arith.addi %scan3A_198, %scan3A_199 : i32
      %scan3A_201 = arith.constant 1 : i32
      %scan3A_202:3 = scf.for %scan3A_333 = %scan3A_198 to %scan3A_200 step %scan3A_201 iter_args(%scan3A_334 = %scan3A_189, %scan3A_335 = %scan3A_190, %scan3A_336 = %scan3A_191) -> (i32, i32, i32)  : i32 {
        %mul3A_337 = arith.constant 128 : i32
        %mul3A_338 = arith.muli %scan3A_188, %mul3A_337 : i32
        %add3A_339 = arith.addi %mul3A_0, %mul3A_338 : i32
        %mul3A_340 = arith.constant 16 : i32
        %mul3A_341 = arith.muli %mul3A_340, %scan3A_333 : i32
        %add3A_342 = arith.addi %add3A_339, %mul3A_341 : i32
        %mul3A_343 = arith.constant 16 : i32
        %mul3A_344 = arith.muli %mul3A_343, %scan3A_333 : i32
        %get3A_345 = arith.index_cast %mul3A_344 : i32 to index
        %get3A_346 = tpu.vector_load %arg19[%get3A_345] {strides = array<i32>} : memref<144xi32, #tpu.memory_space<vmem>>, vector<16xi32>,
        %mul3A_347 = arith.constant 16 : i32
        %mul3A_348 = arith.muli %mul3A_347, %scan3A_333 : i32
        %add3A_349 = arith.constant 1 : i32
        %add3A_350 = arith.addi %mul3A_348, %add3A_349 : i32
        %get3A_351 = arith.index_cast %add3A_350 : i32 to index
        %get3A_352 = tpu.vector_load %arg19[%get3A_351] {strides = array<i32>} : memref<144xi32, #tpu.memory_space<vmem>>, vector<16xi32>,
        %eq3A_353 = arith.constant 0 : i32
        %eq3A_354 = vector.broadcast %eq3A_353 : i32 to vector<16xi32>
        %eq3A_355 = arith.cmpi eq, %iota3A, %eq3A_354 : vector<16xi32>
        %sub3A_356 = arith.constant 1 : i32
        %sub3A_357 = vector.broadcast %sub3A_356 : i32 to vector<16xi32>
        %sub3A_358 = arith.subi %iota3A, %sub3A_357 : vector<16xi32>
        %max3A_359 = arith.constant 0 : i32
        %max3A_360 = vector.broadcast %max3A_359 : i32 to vector<16xi32>
        %max3A_361 = arith.maxsi %sub3A_358, %max3A_360 : vector<16xi32>
        %broadcast_in_dim3A_362 = vector.shape_cast %max3A_361 : vector<16xi32> to vector<16x1xi32>
        %gather3A_363 = vector.shape_cast %broadcast_in_dim3A_362 : vector<16x1xi32> to vector<16xi32>
        %gather3A_364 = tpu.dynamic_gather %get3A_346[%gather3A_363] in [0] : vector<16xi32>, vector<16xi32> -> vector<16xi32>
        %broadcast_in_dim3A_365 = vector.broadcast %scan3A_336 : i32 to vector<16xi32>
        %select_n3A_366 = arith.select %eq3A_355, %broadcast_in_dim3A_365, %gather3A_364 : vector<16xi1>, vector<16xi32>
        %ne3A = arith.cmpi ne, %get3A_346, %select_n3A_366 : vector<16xi32>
        %convert_element_type3A_367 = arith.extui %ne3A : vector<16xi1> to vector<16xi32>
        %broadcast_in_dim3A_368 = arith.constant true
        %broadcast_in_dim3A_369 = vector.broadcast %broadcast_in_dim3A_368 : i1 to vector<16xi1>
        %masked_cumsum3A = tpu.scan <sum>, %convert_element_type3A_367 masked %broadcast_in_dim3A_369 : vector<16xi32>, vector<16xi1> -> vector<16xi32>
        %add3A_370 = vector.broadcast %scan3A_334 : i32 to vector<16xi32>
        %add3A_371 = arith.addi %add3A_370, %masked_cumsum3A : vector<16xi32>
        %sub3A_372 = arith.constant 1 : i32
        %sub3A_373 = vector.broadcast %sub3A_372 : i32 to vector<16xi32>
        %sub3A_374 = arith.subi %add3A_371, %sub3A_373 : vector<16xi32>
        %add3A_375 = vector.broadcast %add3A_342 : i32 to vector<16xi32>
        %add3A_376 = arith.addi %add3A_375, %iota3A : vector<16xi32>
        %jit3A_377 = arith.constant -1 : i32
        %broadcast_in_dim3A_378 = vector.broadcast %jit3A_377 : i32 to vector<16xi32>
        %select_n3A_379 = arith.select %ne3A, %add3A_376, %broadcast_in_dim3A_378 : vector<16xi1>, vector<16xi32>
        %broadcast_in_dim3A_380 = arith.constant true
        %broadcast_in_dim3A_381 = vector.broadcast %broadcast_in_dim3A_380 : i1 to vector<16xi1>
        %masked_cummax3A = arith.constant -2147483648 : i32
        %masked_cummax3A_382 = vector.broadcast %masked_cummax3A : i32 to vector<16xi32>
        %masked_cummax3A_383 = arith.xori %select_n3A_379, %masked_cummax3A_382 : vector<16xi32>
        %masked_cummax3A_384 = tpu.scan <max>, %masked_cummax3A_383 masked %broadcast_in_dim3A_381 : vector<16xi32>, vector<16xi1> -> vector<16xi32>
        %masked_cummax3A_385 = arith.xori %masked_cummax3A_384, %masked_cummax3A_382 : vector<16xi32>
        %max3A_386 = vector.broadcast %scan3A_335 : i32 to vector<16xi32>
        %max3A_387 = arith.maxsi %masked_cummax3A_385, %max3A_386 : vector<16xi32>
        %sub3A_388 = arith.subi %add3A_376, %max3A_387 : vector<16xi32>
        %lt3A_389 = arith.constant 90112000 : i32
        %lt3A_390 = vector.broadcast %lt3A_389 : i32 to vector<16xi32>
        %lt3A_391 = arith.cmpi slt, %get3A_346, %lt3A_390 : vector<16xi32>
        %lt3A_392 = arith.constant 20000 : i32
        %lt3A_393 = vector.broadcast %lt3A_392 : i32 to vector<16xi32>
        %lt3A_394 = arith.cmpi slt, %sub3A_374, %lt3A_393 : vector<16xi32>
        %and3A = arith.andi %lt3A_391, %lt3A_394 : vector<16xi1>
        %lt3A_395 = arith.constant 35 : i32
        %lt3A_396 = vector.broadcast %lt3A_395 : i32 to vector<16xi32>
        %lt3A_397 = arith.cmpi slt, %sub3A_388, %lt3A_396 : vector<16xi32>
        %and3A_398 = arith.andi %and3A, %lt3A_397 : vector<16xi1>
        %and3A_399 = arith.constant 4095 : i32
        %and3A_400 = vector.broadcast %and3A_399 : i32 to vector<16xi32>
        %and3A_401 = arith.andi %add3A_376, %and3A_400 : vector<16xi32>
        %mul3A_402 = arith.constant 35 : i32
        %mul3A_403 = vector.broadcast %mul3A_402 : i32 to vector<16xi32>
        %mul3A_404 = arith.muli %sub3A_374, %mul3A_403 : vector<16xi32>
        %add3A_405 = arith.addi %mul3A_404, %sub3A_388 : vector<16xi32>
        %mul3A_406 = arith.constant 4 : i32
        %mul3A_407 = vector.broadcast %mul3A_406 : i32 to vector<16xi32>
        %mul3A_408 = arith.muli %add3A_405, %mul3A_407 : vector<16xi32>
        %add3A_409 = arith.constant 700000 : i32
        %add3A_410 = vector.broadcast %add3A_409 : i32 to vector<16xi32>
        %add3A_411 = arith.addi %add3A_410, %and3A_401 : vector<16xi32>
        %mul3A_412 = arith.constant 4 : i32
        %mul3A_413 = vector.broadcast %mul3A_412 : i32 to vector<16xi32>
        %mul3A_414 = arith.muli %add3A_411, %mul3A_413 : vector<16xi32>
        %select_n3A_415 = arith.select %and3A_398, %mul3A_408, %mul3A_414 : vector<16xi1>, vector<16xi32>
        %mul3A_416 = arith.constant 16 : i32
        %mul3A_417 = arith.muli %mul3A_416, %scan3A_333 : i32
        %swap3A_418 = arith.index_cast %mul3A_417 : i32 to index
        %swap3A_419 = tpu.vector_load %arg24[%swap3A_418] {strides = array<i32>} : memref<128xi32, #tpu.memory_space<vmem>>, vector<16xi32>,
        tpu.vector_store %arg24[%swap3A_418], %select_n3A_415 {strides = array<i32>} : memref<128xi32, #tpu.memory_space<vmem>>, vector<16xi32>,
        %mul3A_420 = arith.constant 16 : i32
        %mul3A_421 = arith.muli %mul3A_420, %scan3A_333 : i32
        %get3A_422 = arith.index_cast %mul3A_421 : i32 to index
        %get3A_423 = tpu.vector_load %arg20[%get3A_422] {strides = array<i32>} : memref<128xi32, #tpu.memory_space<vmem>>, vector<16xi32>,
        %mul3A_424 = arith.constant 16 : i32
        %mul3A_425 = arith.muli %mul3A_424, %scan3A_333 : i32
        %swap3A_426 = arith.index_cast %mul3A_425 : i32 to index
        %swap3A_427 = tpu.vector_load %arg25[%swap3A_426] {strides = array<i32>} : memref<128xi32, #tpu.memory_space<vmem>>, vector<16xi32>,
        tpu.vector_store %arg25[%swap3A_426], %get3A_423 {strides = array<i32>} : memref<128xi32, #tpu.memory_space<vmem>>, vector<16xi32>,
        %ne3A_428 = arith.cmpi ne, %get3A_346, %get3A_352 : vector<16xi32>
        %and3A_429 = arith.andi %lt3A_391, %lt3A_394 : vector<16xi1>
        %and3A_430 = arith.andi %and3A_429, %ne3A_428 : vector<16xi1>
        %add3A_431 = arith.constant 20000 : i32
        %add3A_432 = vector.broadcast %add3A_431 : i32 to vector<16xi32>
        %add3A_433 = arith.addi %add3A_432, %and3A_401 : vector<16xi32>
        %select_n3A_434 = arith.select %and3A_430, %sub3A_374, %add3A_433 : vector<16xi1>, vector<16xi32>
        %mul3A_435 = arith.constant 16 : i32
        %mul3A_436 = arith.muli %mul3A_435, %scan3A_333 : i32
        %swap3A_437 = arith.index_cast %mul3A_436 : i32 to index
        %swap3A_438 = tpu.vector_load %arg27[%swap3A_437] {strides = array<i32>} : memref<128xi32, #tpu.memory_space<vmem>>, vector<16xi32>,
        tpu.vector_store %arg27[%swap3A_437], %select_n3A_434 {strides = array<i32>} : memref<128xi32, #tpu.memory_space<vmem>>, vector<16xi32>,
        %add3A_439 = arith.constant 1 : i32
        %add3A_440 = vector.broadcast %add3A_439 : i32 to vector<16xi32>
        %add3A_441 = arith.addi %sub3A_388, %add3A_440 : vector<16xi32>
        %min3A = arith.constant 35 : i32
        %min3A_442 = vector.broadcast %min3A : i32 to vector<16xi32>
        %min3A_443 = arith.minsi %add3A_441, %min3A_442 : vector<16xi32>
        %mul3A_444 = arith.constant 16 : i32
        %mul3A_445 = arith.muli %mul3A_444, %scan3A_333 : i32
        %swap3A_446 = arith.index_cast %mul3A_445 : i32 to index
        %swap3A_447 = tpu.vector_load %arg26[%swap3A_446] {strides = array<i32>} : memref<128xi32, #tpu.memory_space<vmem>>, vector<16xi32>,
        tpu.vector_store %arg26[%swap3A_446], %min3A_443 {strides = array<i32>} : memref<128xi32, #tpu.memory_space<vmem>>, vector<16xi32>,
        %and3A_448 = arith.andi %ne3A, %lt3A_391 : vector<16xi1>
        %and3A_449 = arith.andi %and3A_448, %lt3A_394 : vector<16xi1>
        %mul3A_450 = arith.constant 3 : i32
        %mul3A_451 = vector.broadcast %mul3A_450 : i32 to vector<16xi32>
        %mul3A_452 = arith.muli %sub3A_374, %mul3A_451 : vector<16xi32>
        %add3A_453 = arith.constant 20000 : i32
        %add3A_454 = vector.broadcast %add3A_453 : i32 to vector<16xi32>
        %add3A_455 = arith.addi %add3A_454, %and3A_401 : vector<16xi32>
        %mul3A_456 = arith.constant 3 : i32
        %mul3A_457 = vector.broadcast %mul3A_456 : i32 to vector<16xi32>
        %mul3A_458 = arith.muli %add3A_455, %mul3A_457 : vector<16xi32>
        %select_n3A_459 = arith.select %and3A_449, %mul3A_452, %mul3A_458 : vector<16xi1>, vector<16xi32>
        %mul3A_460 = arith.constant 16 : i32
        %mul3A_461 = arith.muli %mul3A_460, %scan3A_333 : i32
        %swap3A_462 = arith.index_cast %mul3A_461 : i32 to index
        %swap3A_463 = tpu.vector_load %arg28[%swap3A_462] {strides = array<i32>} : memref<128xi32, #tpu.memory_space<vmem>>, vector<16xi32>,
        tpu.vector_store %arg28[%swap3A_462], %select_n3A_459 {strides = array<i32>} : memref<128xi32, #tpu.memory_space<vmem>>, vector<16xi32>,
        %jit3A_464 = arith.constant 2252800 : i32
        %div3A = vector.broadcast %jit3A_464 : i32 to vector<16xi32>
        %div3A_465 = arith.divsi %get3A_346, %div3A : vector<16xi32>
        %sign3A = arith.constant 0 : i32
        %sign3A_466 = vector.broadcast %sign3A : i32 to vector<16xi32>
        %sign3A_467 = arith.cmpi sgt, %get3A_346, %sign3A_466 : vector<16xi32>
        %sign3A_468 = arith.extui %sign3A_467 : vector<16xi1> to vector<16xi32>
        %sign3A_469 = arith.constant 0 : i32
        %sign3A_470 = vector.broadcast %sign3A_469 : i32 to vector<16xi32>
        %sign3A_471 = arith.cmpi slt, %get3A_346, %sign3A_470 : vector<16xi32>
        %sign3A_472 = arith.extui %sign3A_471 : vector<16xi1> to vector<16xi32>
        %sign3A_473 = arith.subi %sign3A_468, %sign3A_472 : vector<16xi32>
        %sign3A_474 = arith.constant 0 : i32
        %sign3A_475 = arith.cmpi sgt, %jit3A_464, %sign3A_474 : i32
        %sign3A_476 = arith.extui %sign3A_475 : i1 to i32
        %sign3A_477 = arith.constant 0 : i32
        %sign3A_478 = arith.cmpi slt, %jit3A_464, %sign3A_477 : i32
        %sign3A_479 = arith.extui %sign3A_478 : i1 to i32
        %sign3A_480 = arith.subi %sign3A_476, %sign3A_479 : i32
        %ne3A_481 = vector.broadcast %sign3A_480 : i32 to vector<16xi32>
        %ne3A_482 = arith.cmpi ne, %sign3A_473, %ne3A_481 : vector<16xi32>
        %rem3A = vector.broadcast %jit3A_464 : i32 to vector<16xi32>
        %rem3A_483 = arith.remsi %get3A_346, %rem3A : vector<16xi32>
        %ne3A_484 = arith.constant 0 : i32
        %ne3A_485 = vector.broadcast %ne3A_484 : i32 to vector<16xi32>
        %ne3A_486 = arith.cmpi ne, %rem3A_483, %ne3A_485 : vector<16xi32>
        %and3A_487 = arith.andi %ne3A_482, %ne3A_486 : vector<16xi1>
        %sub3A_488 = arith.constant 1 : i32
        %sub3A_489 = vector.broadcast %sub3A_488 : i32 to vector<16xi32>
        %sub3A_490 = arith.subi %div3A_465, %sub3A_489 : vector<16xi32>
        %select_n3A_491 = arith.select %and3A_487, %sub3A_490, %div3A_465 : vector<16xi1>, vector<16xi32>
        %mul3A_492 = arith.constant 2252800 : i32
        %mul3A_493 = vector.broadcast %mul3A_492 : i32 to vector<16xi32>
        %mul3A_494 = arith.muli %select_n3A_491, %mul3A_493 : vector<16xi32>
        %sub3A_495 = arith.subi %get3A_346, %mul3A_494 : vector<16xi32>
        %jit3A_496 = arith.constant 1408 : i32
        %div3A_497 = vector.broadcast %jit3A_496 : i32 to vector<16xi32>
        %div3A_498 = arith.divsi %sub3A_495, %div3A_497 : vector<16xi32>
        %sign3A_499 = arith.constant 0 : i32
        %sign3A_500 = vector.broadcast %sign3A_499 : i32 to vector<16xi32>
        %sign3A_501 = arith.cmpi sgt, %sub3A_495, %sign3A_500 : vector<16xi32>
        %sign3A_502 = arith.extui %sign3A_501 : vector<16xi1> to vector<16xi32>
        %sign3A_503 = arith.constant 0 : i32
        %sign3A_504 = vector.broadcast %sign3A_503 : i32 to vector<16xi32>
        %sign3A_505 = arith.cmpi slt, %sub3A_495, %sign3A_504 : vector<16xi32>
        %sign3A_506 = arith.extui %sign3A_505 : vector<16xi1> to vector<16xi32>
        %sign3A_507 = arith.subi %sign3A_502, %sign3A_506 : vector<16xi32>
        %sign3A_508 = arith.constant 0 : i32
        %sign3A_509 = arith.cmpi sgt, %jit3A_496, %sign3A_508 : i32
        %sign3A_510 = arith.extui %sign3A_509 : i1 to i32
        %sign3A_511 = arith.constant 0 : i32
        %sign3A_512 = arith.cmpi slt, %jit3A_496, %sign3A_511 : i32
        %sign3A_513 = arith.extui %sign3A_512 : i1 to i32
        %sign3A_514 = arith.subi %sign3A_510, %sign3A_513 : i32
        %ne3A_515 = vector.broadcast %sign3A_514 : i32 to vector<16xi32>
        %ne3A_516 = arith.cmpi ne, %sign3A_507, %ne3A_515 : vector<16xi32>
        %rem3A_517 = vector.broadcast %jit3A_496 : i32 to vector<16xi32>
        %rem3A_518 = arith.remsi %sub3A_495, %rem3A_517 : vector<16xi32>
        %ne3A_519 = arith.constant 0 : i32
        %ne3A_520 = vector.broadcast %ne3A_519 : i32 to vector<16xi32>
        %ne3A_521 = arith.cmpi ne, %rem3A_518, %ne3A_520 : vector<16xi32>
        %and3A_522 = arith.andi %ne3A_516, %ne3A_521 : vector<16xi1>
        %sub3A_523 = arith.constant 1 : i32
        %sub3A_524 = vector.broadcast %sub3A_523 : i32 to vector<16xi32>
        %sub3A_525 = arith.subi %div3A_498, %sub3A_524 : vector<16xi32>
        %select_n3A_526 = arith.select %and3A_522, %sub3A_525, %div3A_498 : vector<16xi1>, vector<16xi32>
        %mul3A_527 = arith.constant 1408 : i32
        %mul3A_528 = vector.broadcast %mul3A_527 : i32 to vector<16xi32>
        %mul3A_529 = arith.muli %select_n3A_526, %mul3A_528 : vector<16xi32>
        %sub3A_530 = arith.subi %sub3A_495, %mul3A_529 : vector<16xi32>
        %mul3A_531 = arith.constant 16 : i32
        %mul3A_532 = arith.muli %mul3A_531, %scan3A_333 : i32
        %swap3A_533 = arith.index_cast %mul3A_532 : i32 to index
        %swap3A_534 = tpu.vector_load %arg33[%swap3A_533] {strides = array<i32>} : memref<128xi32, #tpu.memory_space<vmem>>, vector<16xi32>,
        tpu.vector_store %arg33[%swap3A_533], %select_n3A_491 {strides = array<i32>} : memref<128xi32, #tpu.memory_space<vmem>>, vector<16xi32>,
        %mul3A_535 = arith.constant 16 : i32
        %mul3A_536 = arith.muli %mul3A_535, %scan3A_333 : i32
        %swap3A_537 = arith.index_cast %mul3A_536 : i32 to index
        %swap3A_538 = tpu.vector_load %arg34[%swap3A_537] {strides = array<i32>} : memref<128xi32, #tpu.memory_space<vmem>>, vector<16xi32>,
        tpu.vector_store %arg34[%swap3A_537], %select_n3A_526 {strides = array<i32>} : memref<128xi32, #tpu.memory_space<vmem>>, vector<16xi32>,
        %mul3A_539 = arith.constant 16 : i32
        %mul3A_540 = arith.muli %mul3A_539, %scan3A_333 : i32
        %swap3A_541 = arith.index_cast %mul3A_540 : i32 to index
        %swap3A_542 = tpu.vector_load %arg35[%swap3A_541] {strides = array<i32>} : memref<128xi32, #tpu.memory_space<vmem>>, vector<16xi32>,
        tpu.vector_store %arg35[%swap3A_541], %sub3A_530 {strides = array<i32>} : memref<128xi32, #tpu.memory_space<vmem>>, vector<16xi32>,
        %reduce_max3A_543 = arith.constant true
        %reduce_max3A_544 = vector.broadcast %reduce_max3A_543 : i1 to vector<16xi1>
        %reduce_max3A_545 = arith.constant -2147483648 : i32
        %reduce_max3A_546 = vector.broadcast %reduce_max3A_545 : i32 to vector<16xi32>
        %reduce_max3A_547 = arith.xori %masked_cumsum3A, %reduce_max3A_546 : vector<16xi32>
        %reduce_max3A_548 = tpu.scan <max>, %reduce_max3A_547 masked %reduce_max3A_544 : vector<16xi32>, vector<16xi1> -> vector<16xi32>
        %reduce_max3A_549 = arith.xori %reduce_max3A_548, %reduce_max3A_546 : vector<16xi32>
        %reduce_max3A_550 = vector.extract %reduce_max3A_549[15] : i32 from vector<16xi32>
        %add3A_551 = arith.addi %scan3A_334, %reduce_max3A_550 : i32
        %reduce_max3A_552 = arith.constant true
        %reduce_max3A_553 = vector.broadcast %reduce_max3A_552 : i1 to vector<16xi1>
        %reduce_max3A_554 = arith.constant -2147483648 : i32
        %reduce_max3A_555 = vector.broadcast %reduce_max3A_554 : i32 to vector<16xi32>
        %reduce_max3A_556 = arith.xori %max3A_387, %reduce_max3A_555 : vector<16xi32>
        %reduce_max3A_557 = tpu.scan <max>, %reduce_max3A_556 masked %reduce_max3A_553 : vector<16xi32>, vector<16xi1> -> vector<16xi32>
        %reduce_max3A_558 = arith.xori %reduce_max3A_557, %reduce_max3A_555 : vector<16xi32>
        %reduce_max3A_559 = vector.extract %reduce_max3A_558[15] : i32 from vector<16xi32>
        %eq3A_560 = arith.constant 15 : i32
        %eq3A_561 = vector.broadcast %eq3A_560 : i32 to vector<16xi32>
        %eq3A_562 = arith.cmpi eq, %iota3A, %eq3A_561 : vector<16xi32>
        %jit3A_563 = arith.constant -2147483648 : i32
        %broadcast_in_dim3A_564 = vector.broadcast %jit3A_563 : i32 to vector<16xi32>
        %select_n3A_565 = arith.select %eq3A_562, %get3A_346, %broadcast_in_dim3A_564 : vector<16xi1>, vector<16xi32>
        %reduce_max3A_566 = arith.constant true
        %reduce_max3A_567 = vector.broadcast %reduce_max3A_566 : i1 to vector<16xi1>
        %reduce_max3A_568 = arith.constant -2147483648 : i32
        %reduce_max3A_569 = vector.broadcast %reduce_max3A_568 : i32 to vector<16xi32>
        %reduce_max3A_570 = arith.xori %select_n3A_565, %reduce_max3A_569 : vector<16xi32>
        %reduce_max3A_571 = tpu.scan <max>, %reduce_max3A_570 masked %reduce_max3A_567 : vector<16xi32>, vector<16xi1> -> vector<16xi32>
        %reduce_max3A_572 = arith.xori %reduce_max3A_571, %reduce_max3A_569 : vector<16xi32>
        %reduce_max3A_573 = vector.extract %reduce_max3A_572[15] : i32 from vector<16xi32>
        scf.yield %add3A_551, %reduce_max3A_559, %reduce_max3A_573 : i32, i32, i32
      }
      %scan3A_203 = arith.constant 8 : i32
      %scan3A_204 = arith.constant 0 : i32
      %scan3A_205 = arith.constant 0 : i32
      %scan3A_206 = arith.constant 8 : i32
      %scan3A_207 = arith.addi %scan3A_205, %scan3A_206 : i32
      %scan3A_208 = arith.constant 1 : i32
      %scan3A_209 = scf.for %scan3A_333 = %scan3A_205 to %scan3A_207 step %scan3A_208 iter_args(%scan3A_334 = %scan3A_204) -> (i32)  : i32 {
        %mul3A_335 = arith.constant 16 : i32
        %mul3A_336 = arith.muli %mul3A_335, %scan3A_333 : i32
        %get3A_337 = arith.index_cast %mul3A_336 : i32 to index
        %get3A_338 = tpu.vector_load %arg25[%get3A_337] {strides = array<i32>} : memref<128xi32, #tpu.memory_space<vmem>>, vector<16xi32>,
        %add3A_339 = arith.constant 0 : i32
        %add3A_340 = vector.broadcast %add3A_339 : i32 to vector<16xi32>
        %add3A_341 = arith.addi %get3A_338, %add3A_340 : vector<16xi32>
        %mul3A_342 = arith.constant 16 : i32
        %mul3A_343 = arith.muli %mul3A_342, %scan3A_333 : i32
        %add3A_344 = arith.constant 0 : i32
        %add3A_345 = arith.addi %add3A_344, %mul3A_343 : i32
        %swap3A_346 = arith.index_cast %add3A_345 : i32 to index
        %swap3A_347 = tpu.vector_load %arg29[%swap3A_346] {strides = array<i32>} : memref<512xi32, #tpu.memory_space<vmem>>, vector<16xi32>,
        tpu.vector_store %arg29[%swap3A_346], %add3A_341 {strides = array<i32>} : memref<512xi32, #tpu.memory_space<vmem>>, vector<16xi32>,
        %mul3A_348 = arith.constant 16 : i32
        %mul3A_349 = arith.muli %mul3A_348, %scan3A_333 : i32
        %get3A_350 = arith.index_cast %mul3A_349 : i32 to index
        %get3A_351 = tpu.vector_load %arg24[%get3A_350] {strides = array<i32>} : memref<128xi32, #tpu.memory_space<vmem>>, vector<16xi32>,
        %add3A_352 = arith.constant 0 : i32
        %add3A_353 = vector.broadcast %add3A_352 : i32 to vector<16xi32>
        %add3A_354 = arith.addi %get3A_351, %add3A_353 : vector<16xi32>
        %mul3A_355 = arith.constant 16 : i32
        %mul3A_356 = arith.muli %mul3A_355, %scan3A_333 : i32
        %add3A_357 = arith.constant 0 : i32
        %add3A_358 = arith.addi %add3A_357, %mul3A_356 : i32
        %swap3A_359 = arith.index_cast %add3A_358 : i32 to index
        %swap3A_360 = tpu.vector_load %arg30[%swap3A_359] {strides = array<i32>} : memref<512xi32, #tpu.memory_space<vmem>>, vector<16xi32>,
        tpu.vector_store %arg30[%swap3A_359], %add3A_354 {strides = array<i32>} : memref<512xi32, #tpu.memory_space<vmem>>, vector<16xi32>,
        %mul3A_361 = arith.constant 16 : i32
        %mul3A_362 = arith.muli %mul3A_361, %scan3A_333 : i32
        %get3A_363 = arith.index_cast %mul3A_362 : i32 to index
        %get3A_364 = tpu.vector_load %arg25[%get3A_363] {strides = array<i32>} : memref<128xi32, #tpu.memory_space<vmem>>, vector<16xi32>,
        %add3A_365 = arith.constant 200704 : i32
        %add3A_366 = vector.broadcast %add3A_365 : i32 to vector<16xi32>
        %add3A_367 = arith.addi %get3A_364, %add3A_366 : vector<16xi32>
        %mul3A_368 = arith.constant 16 : i32
        %mul3A_369 = arith.muli %mul3A_368, %scan3A_333 : i32
        %add3A_370 = arith.constant 128 : i32
        %add3A_371 = arith.addi %add3A_370, %mul3A_369 : i32
        %swap3A_372 = arith.index_cast %add3A_371 : i32 to index
        %swap3A_373 = tpu.vector_load %arg29[%swap3A_372] {strides = array<i32>} : memref<512xi32, #tpu.memory_space<vmem>>, vector<16xi32>,
        tpu.vector_store %arg29[%swap3A_372], %add3A_367 {strides = array<i32>} : memref<512xi32, #tpu.memory_space<vmem>>, vector<16xi32>,
        %mul3A_374 = arith.constant 16 : i32
        %mul3A_375 = arith.muli %mul3A_374, %scan3A_333 : i32
        %get3A_376 = arith.index_cast %mul3A_375 : i32 to index
        %get3A_377 = tpu.vector_load %arg24[%get3A_376] {strides = array<i32>} : memref<128xi32, #tpu.memory_space<vmem>>, vector<16xi32>,
        %add3A_378 = arith.constant 1 : i32
        %add3A_379 = vector.broadcast %add3A_378 : i32 to vector<16xi32>
        %add3A_380 = arith.addi %get3A_377, %add3A_379 : vector<16xi32>
        %mul3A_381 = arith.constant 16 : i32
        %mul3A_382 = arith.muli %mul3A_381, %scan3A_333 : i32
        %add3A_383 = arith.constant 128 : i32
        %add3A_384 = arith.addi %add3A_383, %mul3A_382 : i32
        %swap3A_385 = arith.index_cast %add3A_384 : i32 to index
        %swap3A_386 = tpu.vector_load %arg30[%swap3A_385] {strides = array<i32>} : memref<512xi32, #tpu.memory_space<vmem>>, vector<16xi32>,
        tpu.vector_store %arg30[%swap3A_385], %add3A_380 {strides = array<i32>} : memref<512xi32, #tpu.memory_space<vmem>>, vector<16xi32>,
        %mul3A_387 = arith.constant 16 : i32
        %mul3A_388 = arith.muli %mul3A_387, %scan3A_333 : i32
        %get3A_389 = arith.index_cast %mul3A_388 : i32 to index
        %get3A_390 = tpu.vector_load %arg25[%get3A_389] {strides = array<i32>} : memref<128xi32, #tpu.memory_space<vmem>>, vector<16xi32>,
        %add3A_391 = arith.constant 401408 : i32
        %add3A_392 = vector.broadcast %add3A_391 : i32 to vector<16xi32>
        %add3A_393 = arith.addi %get3A_390, %add3A_392 : vector<16xi32>
        %mul3A_394 = arith.constant 16 : i32
        %mul3A_395 = arith.muli %mul3A_394, %scan3A_333 : i32
        %add3A_396 = arith.constant 256 : i32
        %add3A_397 = arith.addi %add3A_396, %mul3A_395 : i32
        %swap3A_398 = arith.index_cast %add3A_397 : i32 to index
        %swap3A_399 = tpu.vector_load %arg29[%swap3A_398] {strides = array<i32>} : memref<512xi32, #tpu.memory_space<vmem>>, vector<16xi32>,
        tpu.vector_store %arg29[%swap3A_398], %add3A_393 {strides = array<i32>} : memref<512xi32, #tpu.memory_space<vmem>>, vector<16xi32>,
        %mul3A_400 = arith.constant 16 : i32
        %mul3A_401 = arith.muli %mul3A_400, %scan3A_333 : i32
        %get3A_402 = arith.index_cast %mul3A_401 : i32 to index
        %get3A_403 = tpu.vector_load %arg24[%get3A_402] {strides = array<i32>} : memref<128xi32, #tpu.memory_space<vmem>>, vector<16xi32>,
        %add3A_404 = arith.constant 2 : i32
        %add3A_405 = vector.broadcast %add3A_404 : i32 to vector<16xi32>
        %add3A_406 = arith.addi %get3A_403, %add3A_405 : vector<16xi32>
        %mul3A_407 = arith.constant 16 : i32
        %mul3A_408 = arith.muli %mul3A_407, %scan3A_333 : i32
        %add3A_409 = arith.constant 256 : i32
        %add3A_410 = arith.addi %add3A_409, %mul3A_408 : i32
        %swap3A_411 = arith.index_cast %add3A_410 : i32 to index
        %swap3A_412 = tpu.vector_load %arg30[%swap3A_411] {strides = array<i32>} : memref<512xi32, #tpu.memory_space<vmem>>, vector<16xi32>,
        tpu.vector_store %arg30[%swap3A_411], %add3A_406 {strides = array<i32>} : memref<512xi32, #tpu.memory_space<vmem>>, vector<16xi32>,
        %mul3A_413 = arith.constant 16 : i32
        %mul3A_414 = arith.muli %mul3A_413, %scan3A_333 : i32
        %get3A_415 = arith.index_cast %mul3A_414 : i32 to index
        %get3A_416 = tpu.vector_load %arg25[%get3A_415] {strides = array<i32>} : memref<128xi32, #tpu.memory_space<vmem>>, vector<16xi32>,
        %add3A_417 = arith.constant 602112 : i32
        %add3A_418 = vector.broadcast %add3A_417 : i32 to vector<16xi32>
        %add3A_419 = arith.addi %get3A_416, %add3A_418 : vector<16xi32>
        %mul3A_420 = arith.constant 16 : i32
        %mul3A_421 = arith.muli %mul3A_420, %scan3A_333 : i32
        %add3A_422 = arith.constant 384 : i32
        %add3A_423 = arith.addi %add3A_422, %mul3A_421 : i32
        %swap3A_424 = arith.index_cast %add3A_423 : i32 to index
        %swap3A_425 = tpu.vector_load %arg29[%swap3A_424] {strides = array<i32>} : memref<512xi32, #tpu.memory_space<vmem>>, vector<16xi32>,
        tpu.vector_store %arg29[%swap3A_424], %add3A_419 {strides = array<i32>} : memref<512xi32, #tpu.memory_space<vmem>>, vector<16xi32>,
        %mul3A_426 = arith.constant 16 : i32
        %mul3A_427 = arith.muli %mul3A_426, %scan3A_333 : i32
        %get3A_428 = arith.index_cast %mul3A_427 : i32 to index
        %get3A_429 = tpu.vector_load %arg24[%get3A_428] {strides = array<i32>} : memref<128xi32, #tpu.memory_space<vmem>>, vector<16xi32>,
        %add3A_430 = arith.constant 3 : i32
        %add3A_431 = vector.broadcast %add3A_430 : i32 to vector<16xi32>
        %add3A_432 = arith.addi %get3A_429, %add3A_431 : vector<16xi32>
        %mul3A_433 = arith.constant 16 : i32
        %mul3A_434 = arith.muli %mul3A_433, %scan3A_333 : i32
        %add3A_435 = arith.constant 384 : i32
        %add3A_436 = arith.addi %add3A_435, %mul3A_434 : i32
        %swap3A_437 = arith.index_cast %add3A_436 : i32 to index
        %swap3A_438 = tpu.vector_load %arg30[%swap3A_437] {strides = array<i32>} : memref<512xi32, #tpu.memory_space<vmem>>, vector<16xi32>,
        tpu.vector_store %arg30[%swap3A_437], %add3A_432 {strides = array<i32>} : memref<512xi32, #tpu.memory_space<vmem>>, vector<16xi32>,
        %mul3A_439 = arith.constant 16 : i32
        %mul3A_440 = arith.muli %mul3A_439, %scan3A_333 : i32
        %get3A_441 = arith.index_cast %mul3A_440 : i32 to index
        %get3A_442 = tpu.vector_load %arg28[%get3A_441] {strides = array<i32>} : memref<128xi32, #tpu.memory_space<vmem>>, vector<16xi32>,
        %add3A_443 = arith.constant 0 : i32
        %add3A_444 = vector.broadcast %add3A_443 : i32 to vector<16xi32>
        %add3A_445 = arith.addi %get3A_442, %add3A_444 : vector<16xi32>
        %mul3A_446 = arith.constant 16 : i32
        %mul3A_447 = arith.muli %mul3A_446, %scan3A_333 : i32
        %add3A_448 = arith.constant 0 : i32
        %add3A_449 = arith.addi %add3A_448, %mul3A_447 : i32
        %swap3A_450 = arith.index_cast %add3A_449 : i32 to index
        %swap3A_451 = tpu.vector_load %arg31[%swap3A_450] {strides = array<i32>} : memref<384xi32, #tpu.memory_space<vmem>>, vector<16xi32>,
        tpu.vector_store %arg31[%swap3A_450], %add3A_445 {strides = array<i32>} : memref<384xi32, #tpu.memory_space<vmem>>, vector<16xi32>,
        %mul3A_452 = arith.constant 16 : i32
        %mul3A_453 = arith.muli %mul3A_452, %scan3A_333 : i32
        %get3A_454 = arith.index_cast %mul3A_453 : i32 to index
        %get3A_455 = tpu.vector_load %arg28[%get3A_454] {strides = array<i32>} : memref<128xi32, #tpu.memory_space<vmem>>, vector<16xi32>,
        %add3A_456 = arith.constant 1 : i32
        %add3A_457 = vector.broadcast %add3A_456 : i32 to vector<16xi32>
        %add3A_458 = arith.addi %get3A_455, %add3A_457 : vector<16xi32>
        %mul3A_459 = arith.constant 16 : i32
        %mul3A_460 = arith.muli %mul3A_459, %scan3A_333 : i32
        %add3A_461 = arith.constant 128 : i32
        %add3A_462 = arith.addi %add3A_461, %mul3A_460 : i32
        %swap3A_463 = arith.index_cast %add3A_462 : i32 to index
        %swap3A_464 = tpu.vector_load %arg31[%swap3A_463] {strides = array<i32>} : memref<384xi32, #tpu.memory_space<vmem>>, vector<16xi32>,
        tpu.vector_store %arg31[%swap3A_463], %add3A_458 {strides = array<i32>} : memref<384xi32, #tpu.memory_space<vmem>>, vector<16xi32>,
        %mul3A_465 = arith.constant 16 : i32
        %mul3A_466 = arith.muli %mul3A_465, %scan3A_333 : i32
        %get3A_467 = arith.index_cast %mul3A_466 : i32 to index
        %get3A_468 = tpu.vector_load %arg28[%get3A_467] {strides = array<i32>} : memref<128xi32, #tpu.memory_space<vmem>>, vector<16xi32>,
        %add3A_469 = arith.constant 2 : i32
        %add3A_470 = vector.broadcast %add3A_469 : i32 to vector<16xi32>
        %add3A_471 = arith.addi %get3A_468, %add3A_470 : vector<16xi32>
        %mul3A_472 = arith.constant 16 : i32
        %mul3A_473 = arith.muli %mul3A_472, %scan3A_333 : i32
        %add3A_474 = arith.constant 256 : i32
        %add3A_475 = arith.addi %add3A_474, %mul3A_473 : i32
        %swap3A_476 = arith.index_cast %add3A_475 : i32 to index
        %swap3A_477 = tpu.vector_load %arg31[%swap3A_476] {strides = array<i32>} : memref<384xi32, #tpu.memory_space<vmem>>, vector<16xi32>,
        tpu.vector_store %arg31[%swap3A_476], %add3A_471 {strides = array<i32>} : memref<384xi32, #tpu.memory_space<vmem>>, vector<16xi32>,
        %scan3A_478 = arith.constant 0 : i32
        scf.yield %scan3A_478 : i32
      }
      %scan3A_210 = arith.constant 8 : i32
      %dma_start3A = arith.constant 0 : i32
      %dma_start3A_211 = tpu.memref_slice %arg32[%dma_start3A] : memref<512xf32, #tpu.memory_space<vmem>> -> memref<128xf32, #tpu.memory_space<vmem>>
      %dma_start3A_212 = arith.constant 0 : i32
      %dma_start3A_213 = tpu.memref_slice %arg29[%dma_start3A_212] : memref<512xi32, #tpu.memory_space<vmem>> -> memref<128xi32, #tpu.memory_space<vmem>>
      %dma_start3A_214 = arith.constant 0 : i32
      %dma_start3A_215 = tpu.memref_slice %arg2[%dma_start3A_214] : memref<802816xf32, #tpu.memory_space<hbm>> -> memref<802816xf32, #tpu.memory_space<hbm>>
      tpu.enqueue_indirect_dma source(%dma_start3A_215 : memref<802816xf32, #tpu.memory_space<hbm>>) target(%dma_start3A_211 : memref<128xf32, #tpu.memory_space<vmem>>) offsets(%dma_start3A_213 : memref<128xi32, #tpu.memory_space<vmem>>) semaphore(%arg36 : memref<!tpu.dma_semaphore, #tpu.memory_space<semaphore_mem>>)
      %dma_start3A_216 = arith.constant 128 : i32
      %dma_start3A_217 = tpu.memref_slice %arg32[%dma_start3A_216] : memref<512xf32, #tpu.memory_space<vmem>> -> memref<128xf32, #tpu.memory_space<vmem>>
      %dma_start3A_218 = arith.constant 128 : i32
      %dma_start3A_219 = tpu.memref_slice %arg29[%dma_start3A_218] : memref<512xi32, #tpu.memory_space<vmem>> -> memref<128xi32, #tpu.memory_space<vmem>>
      %dma_start3A_220 = arith.constant 0 : i32
      %dma_start3A_221 = tpu.memref_slice %arg2[%dma_start3A_220] : memref<802816xf32, #tpu.memory_space<hbm>> -> memref<802816xf32, #tpu.memory_space<hbm>>
      tpu.enqueue_indirect_dma source(%dma_start3A_221 : memref<802816xf32, #tpu.memory_space<hbm>>) target(%dma_start3A_217 : memref<128xf32, #tpu.memory_space<vmem>>) offsets(%dma_start3A_219 : memref<128xi32, #tpu.memory_space<vmem>>) semaphore(%arg37 : memref<!tpu.dma_semaphore, #tpu.memory_space<semaphore_mem>>)
      %dma_start3A_222 = arith.constant 256 : i32
      %dma_start3A_223 = tpu.memref_slice %arg32[%dma_start3A_222] : memref<512xf32, #tpu.memory_space<vmem>> -> memref<128xf32, #tpu.memory_space<vmem>>
      %dma_start3A_224 = arith.constant 256 : i32
      %dma_start3A_225 = tpu.memref_slice %arg29[%dma_start3A_224] : memref<512xi32, #tpu.memory_space<vmem>> -> memref<128xi32, #tpu.memory_space<vmem>>
      %dma_start3A_226 = arith.constant 0 : i32
      %dma_start3A_227 = tpu.memref_slice %arg2[%dma_start3A_226] : memref<802816xf32, #tpu.memory_space<hbm>> -> memref<802816xf32, #tpu.memory_space<hbm>>
      tpu.enqueue_indirect_dma source(%dma_start3A_227 : memref<802816xf32, #tpu.memory_space<hbm>>) target(%dma_start3A_223 : memref<128xf32, #tpu.memory_space<vmem>>) offsets(%dma_start3A_225 : memref<128xi32, #tpu.memory_space<vmem>>) semaphore(%arg38 : memref<!tpu.dma_semaphore, #tpu.memory_space<semaphore_mem>>)
      %dma_start3A_228 = arith.constant 384 : i32
      %dma_start3A_229 = tpu.memref_slice %arg32[%dma_start3A_228] : memref<512xf32, #tpu.memory_space<vmem>> -> memref<128xf32, #tpu.memory_space<vmem>>
      %dma_start3A_230 = arith.constant 384 : i32
      %dma_start3A_231 = tpu.memref_slice %arg29[%dma_start3A_230] : memref<512xi32, #tpu.memory_space<vmem>> -> memref<128xi32, #tpu.memory_space<vmem>>
      %dma_start3A_232 = arith.constant 0 : i32
      %dma_start3A_233 = tpu.memref_slice %arg2[%dma_start3A_232] : memref<802816xf32, #tpu.memory_space<hbm>> -> memref<802816xf32, #tpu.memory_space<hbm>>
      tpu.enqueue_indirect_dma source(%dma_start3A_233 : memref<802816xf32, #tpu.memory_space<hbm>>) target(%dma_start3A_229 : memref<128xf32, #tpu.memory_space<vmem>>) offsets(%dma_start3A_231 : memref<128xi32, #tpu.memory_space<vmem>>) semaphore(%arg39 : memref<!tpu.dma_semaphore, #tpu.memory_space<semaphore_mem>>)
      %dma_wait3A = arith.constant 0 : i32
      %dma_wait3A_234 = tpu.memref_slice %arg32[%dma_wait3A] : memref<512xf32, #tpu.memory_space<vmem>> -> memref<128xf32, #tpu.memory_space<vmem>>
      %dma_wait3A_235 = arith.constant 0 : i32
      %dma_wait3A_236 = tpu.memref_slice %arg29[%dma_wait3A_235] : memref<512xi32, #tpu.memory_space<vmem>> -> memref<128xi32, #tpu.memory_space<vmem>>
      %dma_wait3A_237 = arith.constant 0 : i32
      %dma_wait3A_238 = tpu.memref_slice %arg2[%dma_wait3A_237] : memref<802816xf32, #tpu.memory_space<hbm>> -> memref<802816xf32, #tpu.memory_space<hbm>>
      tpu.wait_indirect_dma semaphore(%arg36 : memref<!tpu.dma_semaphore, #tpu.memory_space<semaphore_mem>>) src(%dma_wait3A_238 : memref<802816xf32, #tpu.memory_space<hbm>>) dst(%dma_wait3A_234 : memref<128xf32, #tpu.memory_space<vmem>>)
      %dma_wait3A_239 = arith.constant 128 : i32
      %dma_wait3A_240 = tpu.memref_slice %arg32[%dma_wait3A_239] : memref<512xf32, #tpu.memory_space<vmem>> -> memref<128xf32, #tpu.memory_space<vmem>>
      %dma_wait3A_241 = arith.constant 128 : i32
      %dma_wait3A_242 = tpu.memref_slice %arg29[%dma_wait3A_241] : memref<512xi32, #tpu.memory_space<vmem>> -> memref<128xi32, #tpu.memory_space<vmem>>
      %dma_wait3A_243 = arith.constant 0 : i32
      %dma_wait3A_244 = tpu.memref_slice %arg2[%dma_wait3A_243] : memref<802816xf32, #tpu.memory_space<hbm>> -> memref<802816xf32, #tpu.memory_space<hbm>>
      tpu.wait_indirect_dma semaphore(%arg37 : memref<!tpu.dma_semaphore, #tpu.memory_space<semaphore_mem>>) src(%dma_wait3A_244 : memref<802816xf32, #tpu.memory_space<hbm>>) dst(%dma_wait3A_240 : memref<128xf32, #tpu.memory_space<vmem>>)
      %dma_wait3A_245 = arith.constant 256 : i32
      %dma_wait3A_246 = tpu.memref_slice %arg32[%dma_wait3A_245] : memref<512xf32, #tpu.memory_space<vmem>> -> memref<128xf32, #tpu.memory_space<vmem>>
      %dma_wait3A_247 = arith.constant 256 : i32
      %dma_wait3A_248 = tpu.memref_slice %arg29[%dma_wait3A_247] : memref<512xi32, #tpu.memory_space<vmem>> -> memref<128xi32, #tpu.memory_space<vmem>>
      %dma_wait3A_249 = arith.constant 0 : i32
      %dma_wait3A_250 = tpu.memref_slice %arg2[%dma_wait3A_249] : memref<802816xf32, #tpu.memory_space<hbm>> -> memref<802816xf32, #tpu.memory_space<hbm>>
      tpu.wait_indirect_dma semaphore(%arg38 : memref<!tpu.dma_semaphore, #tpu.memory_space<semaphore_mem>>) src(%dma_wait3A_250 : memref<802816xf32, #tpu.memory_space<hbm>>) dst(%dma_wait3A_246 : memref<128xf32, #tpu.memory_space<vmem>>)
      %dma_wait3A_251 = arith.constant 384 : i32
      %dma_wait3A_252 = tpu.memref_slice %arg32[%dma_wait3A_251] : memref<512xf32, #tpu.memory_space<vmem>> -> memref<128xf32, #tpu.memory_space<vmem>>
      %dma_wait3A_253 = arith.constant 384 : i32
      %dma_wait3A_254 = tpu.memref_slice %arg29[%dma_wait3A_253] : memref<512xi32, #tpu.memory_space<vmem>> -> memref<128xi32, #tpu.memory_space<vmem>>
      %dma_wait3A_255 = arith.constant 0 : i32
      %dma_wait3A_256 = tpu.memref_slice %arg2[%dma_wait3A_255] : memref<802816xf32, #tpu.memory_space<hbm>> -> memref<802816xf32, #tpu.memory_space<hbm>>
      tpu.wait_indirect_dma semaphore(%arg39 : memref<!tpu.dma_semaphore, #tpu.memory_space<semaphore_mem>>) src(%dma_wait3A_256 : memref<802816xf32, #tpu.memory_space<hbm>>) dst(%dma_wait3A_252 : memref<128xf32, #tpu.memory_space<vmem>>)
      %dma_start3A_257 = arith.constant 0 : i32
      %dma_start3A_258 = tpu.memref_slice %arg32[%dma_start3A_257] : memref<512xf32, #tpu.memory_space<vmem>> -> memref<128xf32, #tpu.memory_space<vmem>>
      %dma_start3A_259 = arith.constant 0 : i32
      %dma_start3A_260 = tpu.memref_slice %arg30[%dma_start3A_259] : memref<512xi32, #tpu.memory_space<vmem>> -> memref<128xi32, #tpu.memory_space<vmem>>
      %dma_start3A_261 = arith.constant 0 : i32
      %dma_start3A_262 = tpu.memref_slice %arg3[%dma_start3A_261] : memref<2818048xf32, #tpu.memory_space<hbm>> -> memref<2818048xf32, #tpu.memory_space<hbm>>
      tpu.enqueue_indirect_dma source(%dma_start3A_258 : memref<128xf32, #tpu.memory_space<vmem>>) target(%dma_start3A_262 : memref<2818048xf32, #tpu.memory_space<hbm>>) offsets(%dma_start3A_260 : memref<128xi32, #tpu.memory_space<vmem>>) semaphore(%arg36 : memref<!tpu.dma_semaphore, #tpu.memory_space<semaphore_mem>>)
      %dma_start3A_263 = arith.constant 128 : i32
      %dma_start3A_264 = tpu.memref_slice %arg32[%dma_start3A_263] : memref<512xf32, #tpu.memory_space<vmem>> -> memref<128xf32, #tpu.memory_space<vmem>>
      %dma_start3A_265 = arith.constant 128 : i32
      %dma_start3A_266 = tpu.memref_slice %arg30[%dma_start3A_265] : memref<512xi32, #tpu.memory_space<vmem>> -> memref<128xi32, #tpu.memory_space<vmem>>
      %dma_start3A_267 = arith.constant 0 : i32
      %dma_start3A_268 = tpu.memref_slice %arg3[%dma_start3A_267] : memref<2818048xf32, #tpu.memory_space<hbm>> -> memref<2818048xf32, #tpu.memory_space<hbm>>
      tpu.enqueue_indirect_dma source(%dma_start3A_264 : memref<128xf32, #tpu.memory_space<vmem>>) target(%dma_start3A_268 : memref<2818048xf32, #tpu.memory_space<hbm>>) offsets(%dma_start3A_266 : memref<128xi32, #tpu.memory_space<vmem>>) semaphore(%arg37 : memref<!tpu.dma_semaphore, #tpu.memory_space<semaphore_mem>>)
      %dma_start3A_269 = arith.constant 256 : i32
      %dma_start3A_270 = tpu.memref_slice %arg32[%dma_start3A_269] : memref<512xf32, #tpu.memory_space<vmem>> -> memref<128xf32, #tpu.memory_space<vmem>>
      %dma_start3A_271 = arith.constant 256 : i32
      %dma_start3A_272 = tpu.memref_slice %arg30[%dma_start3A_271] : memref<512xi32, #tpu.memory_space<vmem>> -> memref<128xi32, #tpu.memory_space<vmem>>
      %dma_start3A_273 = arith.constant 0 : i32
      %dma_start3A_274 = tpu.memref_slice %arg3[%dma_start3A_273] : memref<2818048xf32, #tpu.memory_space<hbm>> -> memref<2818048xf32, #tpu.memory_space<hbm>>
      tpu.enqueue_indirect_dma source(%dma_start3A_270 : memref<128xf32, #tpu.memory_space<vmem>>) target(%dma_start3A_274 : memref<2818048xf32, #tpu.memory_space<hbm>>) offsets(%dma_start3A_272 : memref<128xi32, #tpu.memory_space<vmem>>) semaphore(%arg38 : memref<!tpu.dma_semaphore, #tpu.memory_space<semaphore_mem>>)
      %dma_start3A_275 = arith.constant 384 : i32
      %dma_start3A_276 = tpu.memref_slice %arg32[%dma_start3A_275] : memref<512xf32, #tpu.memory_space<vmem>> -> memref<128xf32, #tpu.memory_space<vmem>>
      %dma_start3A_277 = arith.constant 384 : i32
      %dma_start3A_278 = tpu.memref_slice %arg30[%dma_start3A_277] : memref<512xi32, #tpu.memory_space<vmem>> -> memref<128xi32, #tpu.memory_space<vmem>>
      %dma_start3A_279 = arith.constant 0 : i32
      %dma_start3A_280 = tpu.memref_slice %arg3[%dma_start3A_279] : memref<2818048xf32, #tpu.memory_space<hbm>> -> memref<2818048xf32, #tpu.memory_space<hbm>>
      tpu.enqueue_indirect_dma source(%dma_start3A_276 : memref<128xf32, #tpu.memory_space<vmem>>) target(%dma_start3A_280 : memref<2818048xf32, #tpu.memory_space<hbm>>) offsets(%dma_start3A_278 : memref<128xi32, #tpu.memory_space<vmem>>) semaphore(%arg39 : memref<!tpu.dma_semaphore, #tpu.memory_space<semaphore_mem>>)
      %dma_start3A_281 = arith.constant 0 : i32
      %dma_start3A_282 = tpu.memref_slice %arg4[%dma_start3A_281] : memref<24576xi32, #tpu.memory_space<hbm>> -> memref<24576xi32, #tpu.memory_space<hbm>>
      tpu.enqueue_indirect_dma source(%arg26 : memref<128xi32, #tpu.memory_space<vmem>>) target(%dma_start3A_282 : memref<24576xi32, #tpu.memory_space<hbm>>) offsets(%arg27 : memref<128xi32, #tpu.memory_space<vmem>>) semaphore(%arg40 : memref<!tpu.dma_semaphore, #tpu.memory_space<semaphore_mem>>)
      %dma_start3A_283 = arith.constant 0 : i32
      %dma_start3A_284 = tpu.memref_slice %arg31[%dma_start3A_283] : memref<384xi32, #tpu.memory_space<vmem>> -> memref<128xi32, #tpu.memory_space<vmem>>
      %dma_start3A_285 = arith.constant 0 : i32
      %dma_start3A_286 = tpu.memref_slice %arg5[%dma_start3A_285] : memref<73728xi32, #tpu.memory_space<hbm>> -> memref<73728xi32, #tpu.memory_space<hbm>>
      tpu.enqueue_indirect_dma source(%arg33 : memref<128xi32, #tpu.memory_space<vmem>>) target(%dma_start3A_286 : memref<73728xi32, #tpu.memory_space<hbm>>) offsets(%dma_start3A_284 : memref<128xi32, #tpu.memory_space<vmem>>) semaphore(%arg41 : memref<!tpu.dma_semaphore, #tpu.memory_space<semaphore_mem>>)
      %dma_start3A_287 = arith.constant 128 : i32
      %dma_start3A_288 = tpu.memref_slice %arg31[%dma_start3A_287] : memref<384xi32, #tpu.memory_space<vmem>> -> memref<128xi32, #tpu.memory_space<vmem>>
      %dma_start3A_289 = arith.constant 0 : i32
      %dma_start3A_290 = tpu.memref_slice %arg5[%dma_start3A_289] : memref<73728xi32, #tpu.memory_space<hbm>> -> memref<73728xi32, #tpu.memory_space<hbm>>
      tpu.enqueue_indirect_dma source(%arg34 : memref<128xi32, #tpu.memory_space<vmem>>) target(%dma_start3A_290 : memref<73728xi32, #tpu.memory_space<hbm>>) offsets(%dma_start3A_288 : memref<128xi32, #tpu.memory_space<vmem>>) semaphore(%arg42 : memref<!tpu.dma_semaphore, #tpu.memory_space<semaphore_mem>>)
      %dma_start3A_291 = arith.constant 256 : i32
      %dma_start3A_292 = tpu.memref_slice %arg31[%dma_start3A_291] : memref<384xi32, #tpu.memory_space<vmem>> -> memref<128xi32, #tpu.memory_space<vmem>>
      %dma_start3A_293 = arith.constant 0 : i32
      %dma_start3A_294 = tpu.memref_slice %arg5[%dma_start3A_293] : memref<73728xi32, #tpu.memory_space<hbm>> -> memref<73728xi32, #tpu.memory_space<hbm>>
      tpu.enqueue_indirect_dma source(%arg35 : memref<128xi32, #tpu.memory_space<vmem>>) target(%dma_start3A_294 : memref<73728xi32, #tpu.memory_space<hbm>>) offsets(%dma_start3A_292 : memref<128xi32, #tpu.memory_space<vmem>>) semaphore(%arg43 : memref<!tpu.dma_semaphore, #tpu.memory_space<semaphore_mem>>)
      %dma_wait3A_295 = arith.constant 0 : i32
      %dma_wait3A_296 = tpu.memref_slice %arg32[%dma_wait3A_295] : memref<512xf32, #tpu.memory_space<vmem>> -> memref<128xf32, #tpu.memory_space<vmem>>
      %dma_wait3A_297 = arith.constant 0 : i32
      %dma_wait3A_298 = tpu.memref_slice %arg30[%dma_wait3A_297] : memref<512xi32, #tpu.memory_space<vmem>> -> memref<128xi32, #tpu.memory_space<vmem>>
      %dma_wait3A_299 = arith.constant 0 : i32
      %dma_wait3A_300 = tpu.memref_slice %arg3[%dma_wait3A_299] : memref<2818048xf32, #tpu.memory_space<hbm>> -> memref<2818048xf32, #tpu.memory_space<hbm>>
      tpu.wait_indirect_dma semaphore(%arg36 : memref<!tpu.dma_semaphore, #tpu.memory_space<semaphore_mem>>) src(%dma_wait3A_296 : memref<128xf32, #tpu.memory_space<vmem>>) dst(%dma_wait3A_300 : memref<2818048xf32, #tpu.memory_space<hbm>>)
      %dma_wait3A_301 = arith.constant 128 : i32
      %dma_wait3A_302 = tpu.memref_slice %arg32[%dma_wait3A_301] : memref<512xf32, #tpu.memory_space<vmem>> -> memref<128xf32, #tpu.memory_space<vmem>>
      %dma_wait3A_303 = arith.constant 128 : i32
      %dma_wait3A_304 = tpu.memref_slice %arg30[%dma_wait3A_303] : memref<512xi32, #tpu.memory_space<vmem>> -> memref<128xi32, #tpu.memory_space<vmem>>
      %dma_wait3A_305 = arith.constant 0 : i32
      %dma_wait3A_306 = tpu.memref_slice %arg3[%dma_wait3A_305] : memref<2818048xf32, #tpu.memory_space<hbm>> -> memref<2818048xf32, #tpu.memory_space<hbm>>
      tpu.wait_indirect_dma semaphore(%arg37 : memref<!tpu.dma_semaphore, #tpu.memory_space<semaphore_mem>>) src(%dma_wait3A_302 : memref<128xf32, #tpu.memory_space<vmem>>) dst(%dma_wait3A_306 : memref<2818048xf32, #tpu.memory_space<hbm>>)
      %dma_wait3A_307 = arith.constant 256 : i32
      %dma_wait3A_308 = tpu.memref_slice %arg32[%dma_wait3A_307] : memref<512xf32, #tpu.memory_space<vmem>> -> memref<128xf32, #tpu.memory_space<vmem>>
      %dma_wait3A_309 = arith.constant 256 : i32
      %dma_wait3A_310 = tpu.memref_slice %arg30[%dma_wait3A_309] : memref<512xi32, #tpu.memory_space<vmem>> -> memref<128xi32, #tpu.memory_space<vmem>>
      %dma_wait3A_311 = arith.constant 0 : i32
      %dma_wait3A_312 = tpu.memref_slice %arg3[%dma_wait3A_311] : memref<2818048xf32, #tpu.memory_space<hbm>> -> memref<2818048xf32, #tpu.memory_space<hbm>>
      tpu.wait_indirect_dma semaphore(%arg38 : memref<!tpu.dma_semaphore, #tpu.memory_space<semaphore_mem>>) src(%dma_wait3A_308 : memref<128xf32, #tpu.memory_space<vmem>>) dst(%dma_wait3A_312 : memref<2818048xf32, #tpu.memory_space<hbm>>)
      %dma_wait3A_313 = arith.constant 384 : i32
      %dma_wait3A_314 = tpu.memref_slice %arg32[%dma_wait3A_313] : memref<512xf32, #tpu.memory_space<vmem>> -> memref<128xf32, #tpu.memory_space<vmem>>
      %dma_wait3A_315 = arith.constant 384 : i32
      %dma_wait3A_316 = tpu.memref_slice %arg30[%dma_wait3A_315] : memref<512xi32, #tpu.memory_space<vmem>> -> memref<128xi32, #tpu.memory_space<vmem>>
      %dma_wait3A_317 = arith.constant 0 : i32
      %dma_wait3A_318 = tpu.memref_slice %arg3[%dma_wait3A_317] : memref<2818048xf32, #tpu.memory_space<hbm>> -> memref<2818048xf32, #tpu.memory_space<hbm>>
      tpu.wait_indirect_dma semaphore(%arg39 : memref<!tpu.dma_semaphore, #tpu.memory_space<semaphore_mem>>) src(%dma_wait3A_314 : memref<128xf32, #tpu.memory_space<vmem>>) dst(%dma_wait3A_318 : memref<2818048xf32, #tpu.memory_space<hbm>>)
      %dma_wait3A_319 = arith.constant 0 : i32
      %dma_wait3A_320 = tpu.memref_slice %arg4[%dma_wait3A_319] : memref<24576xi32, #tpu.memory_space<hbm>> -> memref<24576xi32, #tpu.memory_space<hbm>>
      tpu.wait_indirect_dma semaphore(%arg40 : memref<!tpu.dma_semaphore, #tpu.memory_space<semaphore_mem>>) src(%arg26 : memref<128xi32, #tpu.memory_space<vmem>>) dst(%dma_wait3A_320 : memref<24576xi32, #tpu.memory_space<hbm>>)
      %dma_wait3A_321 = arith.constant 0 : i32
      %dma_wait3A_322 = tpu.memref_slice %arg31[%dma_wait3A_321] : memref<384xi32, #tpu.memory_space<vmem>> -> memref<128xi32, #tpu.memory_space<vmem>>
      %dma_wait3A_323 = arith.constant 0 : i32
      %dma_wait3A_324 = tpu.memref_slice %arg5[%dma_wait3A_323] : memref<73728xi32, #tpu.memory_space<hbm>> -> memref<73728xi32, #tpu.memory_space<hbm>>
      tpu.wait_indirect_dma semaphore(%arg41 : memref<!tpu.dma_semaphore, #tpu.memory_space<semaphore_mem>>) src(%arg33 : memref<128xi32, #tpu.memory_space<vmem>>) dst(%dma_wait3A_324 : memref<73728xi32, #tpu.memory_space<hbm>>)
      %dma_wait3A_325 = arith.constant 128 : i32
      %dma_wait3A_326 = tpu.memref_slice %arg31[%dma_wait3A_325] : memref<384xi32, #tpu.memory_space<vmem>> -> memref<128xi32, #tpu.memory_space<vmem>>
      %dma_wait3A_327 = arith.constant 0 : i32
      %dma_wait3A_328 = tpu.memref_slice %arg5[%dma_wait3A_327] : memref<73728xi32, #tpu.memory_space<hbm>> -> memref<73728xi32, #tpu.memory_space<hbm>>
      tpu.wait_indirect_dma semaphore(%arg42 : memref<!tpu.dma_semaphore, #tpu.memory_space<semaphore_mem>>) src(%arg34 : memref<128xi32, #tpu.memory_space<vmem>>) dst(%dma_wait3A_328 : memref<73728xi32, #tpu.memory_space<hbm>>)
      %dma_wait3A_329 = arith.constant 256 : i32
      %dma_wait3A_330 = tpu.memref_slice %arg31[%dma_wait3A_329] : memref<384xi32, #tpu.memory_space<vmem>> -> memref<128xi32, #tpu.memory_space<vmem>>
      %dma_wait3A_331 = arith.constant 0 : i32
      %dma_wait3A_332 = tpu.memref_slice %arg5[%dma_wait3A_331] : memref<73728xi32, #tpu.memory_space<hbm>> -> memref<73728xi32, #tpu.memory_space<hbm>>
      tpu.wait_indirect_dma semaphore(%arg43 : memref<!tpu.dma_semaphore, #tpu.memory_space<semaphore_mem>>) src(%arg35 : memref<128xi32, #tpu.memory_space<vmem>>) dst(%dma_wait3A_332 : memref<73728xi32, #tpu.memory_space<hbm>>)
      scf.yield %scan3A_202#0, %scan3A_202#1, %scan3A_202#2 : i32, i32, i32
    }
    %scan3A_187 = arith.constant 98 : i32
    return
  }
}

</mosaic_0001>

<sc_bundles>
// kernel: kernel.3.cloned.1.call-start
scs
__scs_entry_jumppad:
0x0: {  	(pc) =	sbr.rel $0x88, $3  }
0x1: {  	(tag) =	ssettag $0x0;
	lr =	simm.s32 $0x1  }
0x2: {  	[smem:$0x3FA0] =	sst lr;
	_ =	strace $0xD0000000  }
0x3: {  	_ = 	snop  }
0x4: {  	_ = 	snop  }
0x5: {  	_ = 	snop  }
0x6: {  	_ = 	snop  }
0x7: {  	_ = 	snop  }
__scs_overlays_trampoline_lowered:
0x8: {  	[smem:$0x3FAF] =	sst s0  }
0x9: {  	[smem:$0x3FB0] =	sst s1  }
0xa: {  	[smem:$0x3FB1] =	sst s2  }
0xb: {  	[smem:$0x3FB2] =	sst s3  }
0xc: {  	[smem:$0x3FB3] =	sst s4  }
0xd: {  	[smem:$0x3FB4] =	sst s5  }
0xe: {  	[smem:$0x3FB5] =	sst s6  }
0xf: {  	[smem:$0x3FB6] =	sst s7  }
0x10: {  	[smem:$0x3FB7] =	sst s8  }
0x11: {  	[smem:$0x3FB8] =	sst s9;
	s0 =	simm.s32 @!p0 $0x0  }
0x12: {  	s1 =	sld [smem:$0x3F9E];
	s0 =	simm.s32 @p0 $0x1  }
0x13: {  	[smem:$0x3FB9] =	sst s0;
	s0 =	simm.s32 @!p1 $0x0  }
0x14: {  	s2 =	sld [smem:$0x3F9D];
	s0 =	simm.s32 @p1 $0x1  }
0x15: {  	[smem:$0x3FBA] =	sst s0;
	s0 =	simm.s32 @!p2 $0x0  }
0x16: {  	s3 =	sld [smem:$0x3FDB];
	s0 =	simm.s32 @p2 $0x1  }
0x17: {  	s4 =	simm.s32 $0x1BF5;
	[smem:$0x3FBC] =	sst s0  }
0x18: {  	s0 =	sld [smem:$0x3F9F];
	_ =	swait.ge [sflag:s4], $0x0  }
0x19: {  	s7 =	sld [smem:$0x3FA0]  }
0x1a: {  	s8 =	sadd.s32 $0xFFFFE003, lr  }
0x1b: {  	s9 =	sadd.s32 $0xFFFFFEF7, lr;
	s5 =	simm.s32 $0xFFFFFFFF;
	p2 =	slt.u32 s8, $0xFFFFF086  }
0x1c: {  	p1 =	slt.u32 s9, $0xF7A;
	s5 =	simm.s32 @!p2 $0x0  }
0x1d: {  	s5 =	simm.s32 @p1 $0x1;
	p0 =	seq.s32 s7, s2  }
0x1e: {  	s7 =	smul.u32 @!p0 $0xF7A, s2;
	p2 =	seq.s32 @!p0 s5, $0x0  }
0x1f: {  	s9 =	smul.u32 $0xF7A, s1;
	s8 =	simm.s32 @!p0 $0x1BF5;
	p2 =	por !p2, p0  }
0x20: {  	[sflag:s8] =	ssyncset.s32 @!p0 $0xFFFFF086;
	s6 =	sadd.s32 @!p0 s3, s7;
	s7 =	simm.s32 @!p0 $0x108  }
0x21: {  	s3 =	sadd.s32 s3, s9;
	s6 =	sadd.s32 @!p0 $0x88, s6;
	s7 =	simm.s32 @p2 $0x1082  }
0x22: {  	[simem:s7], [sflag:s8] =	dma.local @!p0 [hbm:s6], $0xF7A  }
0x23: {  	s9 =	sor.u32 $0xD0000000, s2;
	s6 =	simm.s32 $0x108;
	_ =	swait.ge @!p0 [sflag:s8], $0x0  }
0x24: {  	s3 =	sadd.s32 $0x88, s3;
	s6 =	simm.s32 @!p1 $0x1082;
	[sflag:s4] =	ssyncset.s32 $0xFFFFF086  }
0x25: {  	[simem:s6], [sflag:s4] =	dma.local [hbm:s3], $0xF7A  }
0x26: {  	[smem:$0x3FA0] =	sst s1;
	(tag) =	ssettag s2;
	_ =	strace s9  }
0x27: {  	s1 =	sld [smem:$0x3FB0]  }
0x28: {  	s2 =	sld [smem:$0x3FB1]  }
0x29: {  	s4 =	sld [smem:$0x3FB3]  }
0x2a: {  	p0 =	seq.s32 s5, $0x0;
	s5 =	sld [smem:$0x3FB4]  }
0x2b: {  	s6 =	sld [smem:$0x3FB5]  }
0x2c: {  	s7 =	sld [smem:$0x3FB6]  }
0x2d: {  	s3 =	simm.s32 $0x108;
	s8 =	sld [smem:$0x3FB7]  }
0x2e: {  	s3 =	simm.s32 @!p0 $0x1082;
	s9 =	sld [smem:$0x3FB8]  }
0x2f: {  	lr =	sadd.s32 s0, s3;
	s0 =	sld [smem:$0x3FAF]  }
0x30: {  	s3 =	sld [smem:$0x3FB2]  }
0x31: {  	[smem:$0x3FBB] =	sst s10  }
0x32: {  	s10 =	sld [smem:$0x3FB9];
	_ =	sdelay $0x3  }
0x33: {  	p0 =	seq.s32 s10, $0x1;
	s10 =	sld [smem:$0x3FBB];
	_ =	sdelay $0x3  }
0x34: {  	[smem:$0x3FBB] =	sst s10  }
0x35: {  	s10 =	sld [smem:$0x3FBA];
	_ =	sdelay $0x3  }
0x36: {  	p1 =	seq.s32 s10, $0x1;
	s10 =	sld [smem:$0x3FBB];
	_ =	sdelay $0x3  }
0x37: {  	[smem:$0x3FBB] =	sst s10  }
0x38: {  	s10 =	sld [smem:$0x3FBC]  }
0x39: {  	_ = 	snop;
	(pc) =	sbr.ind lr, $3  }
0x3a: {  	_ = 	snop  }
0x3b: {  	_ = 	snop  }
0x3c: {  	p2 =	seq.s32 s10, $0x1;
	s10 =	sld [smem:$0x3FBB]  }
0x3d: {  	_ =	shalt  }
0x3e: {  	_ =	shalt  }
0x3f: {  	_ =	shalt  }
0x40: {  	_ =	shalt  }
0x41: {  	_ =	shalt  }
0x42: {  	_ =	shalt  }
0x43: {  	_ =	shalt  }
0x44: {  	_ =	shalt  }
0x45: {  	_ =	shalt  }
0x46: {  	_ =	shalt  }
0x47: {  	_ =	shalt  }
0x48: {  	_ =	shalt  }
0x49: {  	_ =	shalt  }
0x4a: {  	_ =	shalt  }
0x4b: {  	_ =	shalt  }
0x4c: {  	_ =	shalt  }
0x4d: {  	_ =	shalt  }
0x4e: {  	_ =	shalt  }
0x4f: {  	_ =	shalt  }
0x50: {  	_ =	shalt  }
0x51: {  	_ =	shalt  }
0x52: {  	_ =	shalt  }
0x53: {  	_ =	shalt  }
0x54: {  	_ =	shalt  }
0x55: {  	_ =	shalt  }
0x56: {  	_ =	shalt  }
0x57: {  	_ =	shalt  }
0x58: {  	_ =	shalt  }
0x59: {  	_ =	shalt  }
0x5a: {  	_ =	shalt  }
0x5b: {  	_ =	shalt  }
0x5c: {  	_ =	shalt  }
0x5d: {  	_ =	shalt  }
0x5e: {  	_ =	shalt  }
0x5f: {  	_ =	shalt  }
0x60: {  	_ =	shalt  }
0x61: {  	_ =	shalt  }
0x62: {  	_ =	shalt  }
0x63: {  	_ =	shalt  }
0x64: {  	_ =	shalt  }
0x65: {  	_ =	shalt  }
0x66: {  	_ =	shalt  }
0x67: {  	_ =	shalt  }
0x68: {  	_ =	shalt  }
0x69: {  	_ =	shalt  }
0x6a: {  	_ =	shalt  }
0x6b: {  	_ =	shalt  }
0x6c: {  	_ =	shalt  }
0x6d: {  	_ =	shalt  }
0x6e: {  	_ =	shalt  }
0x6f: {  	_ =	shalt  }
0x70: {  	_ =	shalt  }
0x71: {  	_ =	shalt  }
0x72: {  	_ =	shalt  }
0x73: {  	_ =	shalt  }
0x74: {  	_ =	shalt  }
0x75: {  	_ =	shalt  }
0x76: {  	_ =	shalt  }
0x77: {  	_ =	shalt  }
0x78: {  	_ =	shalt  }
0x79: {  	_ =	shalt  }
0x7a: {  	_ =	shalt  }
0x7b: {  	_ =	shalt  }
0x7c: {  	_ =	shalt  }
0x7d: {  	_ =	shalt  }
0x7e: {  	_ =	shalt  }
0x7f: {  	_ =	shalt  }
0x80: {  	_ =	shalt  }
0x81: {  	_ =	shalt  }
0x82: {  	_ =	shalt  }
0x83: {  	_ =	shalt  }
0x84: {  	_ =	shalt  }
0x85: {  	_ =	shalt  }
0x86: {  	_ =	shalt  }
0x87: {  	_ =	shalt  }
.Lfunc_end0:
.L_simem_size_0:
called_computation_lowered:
.L_overlay_start_0:
0x88: {  	s0 =	sld [smem:$0x3FD9]  }
0x89: {  	s1 =	sld [smem:$0x3FFE];
	_ =	sdelay $0x3  }
0x8a: {  	s0 =	sadd.s32 s1, s0  }
0x8b: {  	[smem:$0x3FC7] =	sst s0  }
0x8c: {  	_ = 	snop  }
0x8d: {  	s0 =	sld [smem:$0x3FD0];
	_ =	sdelay $0x2  }
0x8e: {  	s13 =	simm.s32 $0xA;
	s2 =	simm.s32 $0x10  }
0x8f: {  	[smem:s2], [sflag:s13] =	dma.local [hbm:s0], $0x1  }
0x90: {  	_ =	swait.eq [sflag:s13], $0x1  }
0x91: {  	[sflag:s13] =	ssyncset.done $0x0  }
0x92: {  	s14 =	sld [smem:$0x10];
	[sflag:s13] =	ssyncadd.s32 $0xFFFFFFFF  }
0x93: {  	s15 =	sld [smem:$0x11];
	(tm) =	ssettm $0x1  }
0x94: {  	s16 =	sld [smem:$0x3FFB];
	_ =	sdelay $0x3  }
0x95: {  	_ =	strace s16  }
0x96: {  	s2 =	sld [smem:$0x3FFC];
	_ =	sdelay $0x3  }
0x97: {  	_ =	strace s2  }
0x98: {  	s2 =	sld [smem:$0x3FFD];
	_ =	sdelay $0x3  }
0x99: {  	_ =	strace s2  }
0x9a: {  	_ =	strace $0x8FFFFFFF  }
0x9b: {  	s17 =	sld [smem:$0x3FDB];
	_ =	sdelay $0x1  }
0x9c: {  	s3 =	simm.s32 $_scs_section_size  }
0x9d: {  	s4 =	simm.s32 $_size__tile_overlayer_lowered;
	s5 =	simm.s32 $_tile_overlayer_lowered  }
0x9e: {  	s20 =	simm.s32 $0x1BFF;
	s19 =	sshll.u32 s5, $0x1;
	s2 =	sadd.s32 s3, s17  }
0x9f: {  	s6 =	simm.s32 $0x0;
	s18 =	sshll.u32 s4, $0x1;
	s4 =	sadd.s32 s19, s2  }
0xa0: {  	[timem:s6], [sflag:s20] =	dma.local [hbm:s4], s18  }
0xa1: {  	_ =	swait.ge [sflag:s20], s18  }
0xa2: {  	s3 =	ssub.s32 $0x0, s18;
	[sflag:s20] =	ssyncset.done $0x0  }
0xa3: {  	[sflag:s20] =	ssyncadd.s32 s3;
	_ =	sdelay $0x1  }
0xa4: {  	s21 =	simm.s32 $0x1B8B  }
0xa5: {  	_ =	swait.ge [sflag:s21], $0x1  }
0xa6: {  	[sflag:s21] =	ssyncset.done $0x0  }
0xa7: {  	s23 =	simm.s32 $0x1B8E;
	s22 =	sld [smem:$0x3FFE];
	[sflag:s21] =	ssyncadd.s32 $0xFFFFFFFF  }
0xa8: {  	s24 =	simm.s32 $execute0_lowered;
	[smem:$0x3FD2] =	sst s23  }
0xa9: {  	s4 =	sshll.u32 s24, $0x1;
	_ =	strace $0x80000046;
	[dreg:$0x1] =	wrdreg $0xFFFFFFFF  }
0xaa: {  	s25 =	simm.s32 $_size_execute0_lowered;
	s2 =	sadd.s32 s2, s4;
	[dreg:$0x0] =	wrdreg $0x0  }
0xab: {  	s4 =	sshll.u32 s25, $0x1;
	[dreg:$0x2] =	wrdreg s2  }
0xac: {  	[dreg:$0x3] =	wrdreg s4  }
0xad: {  	[dreg:$0x4] =	wrdreg $0xC0  }
0xae: {  	_ =	task [dreg:s6], $0x5FFFF  }
0xaf: {  	[dreg:$0x1] =	wrdreg $0xFFFFFFFF  }
0xb0: {  	[dreg:$0x0] =	wrdreg $0x60  }
0xb1: {  	[dreg:$0x2] =	wrdreg s14  }
0xb2: {  	[dreg:$0x3] =	wrdreg s22  }
0xb3: {  	[dreg:$0x4] =	wrdreg s15  }
0xb4: {  	[dreg:$0x5] =	wrdreg $0x0  }
0xb5: {  	[dreg:$0x6] =	wrdreg $0xC4080  }
0xb6: {  	[dreg:$0x7] =	wrdreg $0xF4080  }
0xb7: {  	[dreg:$0x8] =	wrdreg $0x31080  }
0xb8: {  	[dreg:$0x9] =	wrdreg $0x62080  }
0xb9: {  	[dreg:$0xa] =	wrdreg $0x93080  }
0xba: {  	[dreg:$0xb] =	wrdreg $0xF7080  }
0xbb: {  	[dreg:$0xc] =	wrdreg $0x9  }
0xbc: {  	_ =	task.clear_ibuf [dreg:s6], $0xDFFFF;
	_ =	strace $0x90000046  }
0xbd: {  	s26 =	simm.s32 $0x9;
	_ =	strace $0x80000048  }
0xbe: {  	_ =	swait.ge [sflag:s26], $0x1  }
0xbf: {  	[sflag:s26] =	ssyncadd.s32 $0xFFFFFFFF  }
0xc0: {  	_ =	strace $0x90000048  }
0xc1: {  	_ =	sfence  }
0xc2: {  	s28 =	sld [smem:$0x0];
	_ =	sdelay $0x1  }
0xc3: {  	s29 =	srdreg.scid  }
0xc4: {  	s30 =	sshll.u32 s29, $0xD;
	s31 =	sshrl.u32 s29, $0x2  }
0xc5: {  	s1 =	sand.u32 $0x1, s29;
	s2 =	sand.u32 $0x4000, s30;
	s0 =	sadd.s32 s31, s28  }
0xc6: {  	s1 =	sor.u32 s2, s1;
	s0 =	sshll.u32 s0, $0x11  }
0xc7: {  	s0 =	sor.u32 s0, s1  }
0xc8: {  	s0 =	sadd.s32 $0x8F2B, s0  }
0xc9: {  	[sflag:s0] =	ssyncadd.remote.s32 $0x1  }
0xca: {  	_ =	sfence.sel $0xFFFF  }
0xcb: {  	[dreg:$0x0] =	wrdreg $0xFFFFFFFF;
	(pc) =	sbr.abs _section_cstart, $3  }
0xcc: {  	[dreg:$0x1] =	wrdreg $0xFFFFFFFF  }
0xcd: {  	_ =	task.clear_ibuf [dreg:s6], $0x2FFFF;
	_ =	strace $0x9FFFFFFF  }
0xce: {  	(tm) =	ssettm $0x7FFFFFFF  }
0xcf: {  	_ =	shalt  }
tec
execute0_lowered:
.L_overlay_start_1:
0x0: {  	(tag) =	ssettag $0x1  }
0x1: {  	s1 =	rddreg [dreg:$0x1]  }
0x2: {  	s26 =	rddreg [dreg:$0x3]  }
0x3: {  	s8 =	rddreg [dreg:$0x4]  }
0x4: {  	s9 =	rddreg [dreg:$0x5]  }
0x5: {  	s2 =	rddreg [dreg:$0x6]  }
0x6: {  	s3 =	rddreg [dreg:$0x7]  }
0x7: {  	s28 =	rddreg [dreg:$0x8]  }
0x8: {  	s4 =	rddreg [dreg:$0x9];
	s0 =	simm.s32 $0x0;
	s7 =	stileid.u32  }
0x9: {  	s6 =	simm.s32 $0x0;
	[smem:$0x7FF] =	sst s0;
	s31 =	sadd.s32 $0x56000, s1  }
0xa: {  	v1 =	vimm.f32 $0.0e+00;
	v0 =	vimm.s32 $0x0;
	s0 =	simm.s32 $0x40;
	_ =	strace $0x80000047;
	[dreg:$0x17] =	wrdreg s31  }
.LBB2_1:
0xb: {  	p0 =	sne.s32 s0, $0x3FC0;
	[tilespmem:s6+$0xF718] =	vst v1;
	s1 =	smov.u32 s0;
	s0 =	sadd.s32 $0x40, s0  }
.Ltmp0:
0xc: {  	[tilespmem:s6+$0x18A18] =	vst v0;
	(pc) =	sbr.rel @p0 .LBB2_1-.Ltmp0, $2  }
0xd: {  	_ =	sdelay $0x2  }
0xe: {  	s6 =	sshra.s32 s1, $0x2  }
0xf: {  	s0 =	smul.u32 $0x5600, s7  }
0x10: {  	s1 =	rddreg [dreg:$0x1]  }
0x11: {  	[tilespmem:s6+$0xF718] =	vst v1;
	s5 =	simm.s32 $0x0;
	s1 =	sadd.s32 s0, s1  }
0x12: {  	[tilespmem:s6+$0x18A18] =	vst v0;
	s6 =	simm.s32 $0xF718;
	s0 =	simm.s32 $0x9;
	s10 =	sadd.s32 $0x0, s1  }
0x13: {  	[hbm4b:s10+s5] =	stream.linear.scatter [tilespmem:s6], [sflag:$0x9], $0x1000, $0x38;
	[tilespmem:$0x1FE18] =	vst v63  }
0x14: {  	_ =	swait.ge [sflag:s0], $0x1000  }
0x15: {  	s10 =	simm.s32 $0x200;
	[sflag:s0] =	ssyncset.done $0x0  }
.LBB2_3:
0x16: {  	s11 =	sadd.s32 s10, s1;
	[sflag:s0] =	ssyncadd.s32 $0xFFFFF000;
	p0 =	sne.s32 s10, $0x5400  }
0x17: {  	[hbm4b:s11+s5] =	stream.linear.scatter [tilespmem:s6], [sflag:$0x9], $0x1000, $0x38;
	[tilespmem:$0x1FE18] =	vst v63  }
.Ltmp1:
0x18: {  	_ = 	snop;
	(pc) =	sbr.rel @p0 .LBB2_3-.Ltmp1, $4  }
0x19: {  	_ = 	snop  }
0x1a: {  	s10 =	sadd.s32 $0x200, s10  }
0x1b: {  	_ =	swait.ge [sflag:s0], $0x1000  }
0x1c: {  	[sflag:s0] =	ssyncset.done $0x0  }
0x1d: {  	v0 =	vimm.f32 $5.000000070e-02  }
0x1e: {  	(erf) = vrcp.f32 v0;
	v0 =	vimm.f32 $1.000000010e-01  }
0x1f: {  	(erf) = vrcp.f32 v0;
	_ =	sdelay $0x5  }
0x20: {  	s1 =	smul.u32 $0xC0, s7  }
0x21: {  	[sflag:s0] =	ssyncadd.s32 $0xFFFFF000;
	s19 =	rddreg [dreg:$0x17];
	s20 =	simm.s32 $0x0  }
0x22: {  	s5 =	simm.s32 $0x18A18;
	s6 =	simm.s32 $0x9;
	s0 =	sadd.s32 s19, s1;
	v0 =	vpop (erf)  }
0x23: {  	[hbm4b:s0+s20] =	stream.linear.scatter [tilespmem:s5], [sflag:$0x9], $0x600, $0x38;
	v1 =	vpop (erf);
	[tilespmem:$0x1FE18] =	vst v63  }
0x24: {  	s21 =	smul.u32 $0x1200, s7;
	_ =	swait.ge [sflag:s6], $0x600  }
0x25: {  	[sflag:s6] =	ssyncset.done $0x0  }
0x26: {  	s0 =	sshrl.u32 s21, $0x3;
	s10 =	rddreg [dreg:$0x2]  }
0x27: {  	[sflag:s6] =	ssyncadd.s32 $0xFFFFFA00;
	s0 =	sadd.s32 s10, s0  }
0x28: {  	[hbm4b:s0+s20] =	stream.linear.scatter [tilespmem:s5], [sflag:$0x9], $0x1000, $0x38;
	[tilespmem:$0x1FE18] =	vst v63  }
0x29: {  	_ =	swait.ge [sflag:s6], $0x1000  }
0x2a: {  	[sflag:s6] =	ssyncset.done $0x0  }
0x2b: {  	s0 =	sadd.s32 $0x200, s0;
	[sflag:s6] =	ssyncadd.s32 $0xFFFFF000  }
0x2c: {  	[hbm4b:s0+s20] =	stream.linear.scatter [tilespmem:s5], [sflag:$0x9], $0x200, $0x38;
	[tilespmem:$0x1FE18] =	vst v63  }
0x2d: {  	s29 =	smul.u32 $0x3100, s7;
	_ =	swait.ge [sflag:s6], $0x200  }
0x2e: {  	[sflag:s6] =	ssyncset.done $0x0  }
0x2f: {  	s22 =	sshrl.u32 s29, $0x3;
	s23 =	rddreg [dreg:$0x0]  }
0x30: {  	s24 =	simm.s32 $0xF718;
	[sflag:s6] =	ssyncadd.s32 $0xFFFFFE00;
	s0 =	sadd.s32 s23, s22  }
0x31: {  	[tilespmem:s24], [sflag:$0x9] =	stream.linear.gather [hbm4b:s0+s20], $0x3100, $0x38;
	[tilespmem:$0x1FE18] =	vst v63  }
0x32: {  	_ =	swait.ge [sflag:s6], $0x3100  }
0x33: {  	[sflag:s6] =	ssyncset.done $0x0  }
0x34: {  	s30 =	simm.s32 $0x12818;
	s25 =	sadd.s32 $0x6200, s0;
	[sflag:s6] =	ssyncadd.s32 $0xFFFFCF00  }
0x35: {  	[tilespmem:s30], [sflag:$0x9] =	stream.linear.gather [hbm4b:s25+s20], $0x3100, $0x38;
	[tilespmem:$0x1FE18] =	vst v63  }
0x36: {  	_ =	swait.ge [sflag:s6], $0x3100  }
0x37: {  	[sflag:s6] =	ssyncset.done $0x0  }
0x38: {  	s31 =	simm.s32 $0x15918;
	s0 =	sadd.s32 $0xC400, s0;
	[sflag:s6] =	ssyncadd.s32 $0xFFFFCF00  }
0x39: {  	[tilespmem:s31], [sflag:$0x9] =	stream.linear.gather [hbm4b:s0+s20], $0x3100, $0x38;
	[tilespmem:$0x1FE18] =	vst v63  }
0x3a: {  	_ =	swait.ge [sflag:s6], $0x3100  }
0x3b: {  	[sflag:s6] =	ssyncset.done $0x0  }
0x3c: {  	s0 =	simm.s32 $0x0;
	[sflag:s6] =	ssyncadd.s32 $0xFFFFCF00  }
0x3d: {  	v2 =	vld [tilespmem:s0+$0x12818];
	_ =	sdelay $0x2  }
0x3e: {  	v4 =	vld [tilespmem:s0+$0x15918]  }
0x3f: {  	v3 =	vld [tilespmem:s0+$0xF718]  }
0x40: {  	s1 =	simm.s32 $0x10;
	v2 =	vadd.f32 $4.000000000e+01, v2  }
0x41: {  	v5 =	vld [tilespmem:s1+$0xF718]  }
0x42: {  	v2 =	vmul.f32 v2, v0  }
0x43: {  	v6 =	vld [tilespmem:s1+$0x12818];
	v4 =	vadd.f32 $3.000000000e+00, v4  }
0x44: {  	v3 =	vmul.f32 v3, v0;
	v2 =	vtrunc.f32 v2  }
0x45: {  	v4 =	vmul.f32 v4, v1;
	v2 =	vcvt.f32.s32 v2  }
0x46: {  	v7 =	vld [tilespmem:s1+$0x15918];
	v5 =	vmul.f32 v5, v0;
	v3 =	vtrunc.f32 v3  }
0x47: {  	s5 =	simm.s32 $0x20;
	v3 =	vcvt.f32.s32 v3;
	v4 =	vtrunc.f32 v4;
	v8 =	vmul.u32 $0x580, v2  }
0x48: {  	v6 =	vadd.f32 $4.000000000e+01, v6;
	v10 =	vcvt.f32.s32 v4;
	v4 =	vld [tilespmem:s5+$0xF718]  }
0x49: {  	v9 =	vtrunc.f32 v5;
	vm0 =	vlt.u32 v3, $0x580;
	v5 =	vadd.s32 v3, v8;
	v3 =	vld [tilespmem:s5+$0x15918]  }
0x4a: {  	v11 =	vmul.f32 v6, v0  }
0x4b: {  	v7 =	vadd.f32 $3.000000000e+00, v7;
	v6 =	vld [tilespmem:s5+$0x12818];
	vm1 =	vlt.u32 v2, $0x640  }
0x4c: {  	v2 =	vcvt.f32.s32 v9;
	v9 =	vtrunc.f32 v11;
	vm0 =	vmand vm0, vm1  }
0x4d: {  	s6 =	simm.s32 $0xC0;
	vm1 =	vlt.u32 v10, $0x28;
	v8 =	vmul.f32 v7, v1;
	v7 =	vmul.u32 $0x226000, v10  }
.LBB2_5:
0x4e: {  	s10 =	sshra.s32 s6, $0x2;
	p0 =	sne.s32 s6, $0xC3C0;
	s6 =	sadd.s32 $0x40, s6;
	v10 =	vmul.f32 v4, v0;
	v9 =	vcvt.f32.s32 v9;
	vm0 =	vmand vm0, vm1;
	v11 =	vmovc v3  }
0x4f: {  	v8 =	vtrunc.f32 v8;
	vm1 =	vlt.u32 v2, $0x580;
	v5 =	vadd.s32 v7, v5;
	v4 =	vld [tilespmem:s10+$0xF718]  }
.Ltmp2:
0x50: {  	v5 =	vnsel vm0, $0x55F0000, v5;
	v3 =	vld [tilespmem:s10+$0x15918];
	v7 =	vadd.f32 $4.000000000e+01, v6;
	v12 =	vmul.u32 $0x580, v9;
	(pc) =	sbr.rel @p0 .LBB2_5-.Ltmp2, $4  }
0x51: {  	v11 =	vadd.f32 $3.000000000e+00, v11;
	v13 =	vcvt.f32.s32 v8;
	v10 =	vtrunc.f32 v10;
	[tilespmem:s0+$0x18A18] =	vst v5;
	s0 =	smov.u32 s1;
	s1 =	smov.u32 s5;
	s5 =	smov.u32 s10  }
0x52: {  	vm0 =	vlt.u32 v9, $0x640;
	v6 =	vld [tilespmem:s5+$0x12818];
	v14 =	vmul.f32 v7, v0;
	v5 =	vadd.s32 v2, v12  }
0x53: {  	v8 =	vmul.f32 v11, v1;
	v2 =	vcvt.f32.s32 v10;
	v7 =	vmul.u32 $0x226000, v13  }
0x54: {  	vm0 =	vmand vm1, vm0;
	vm1 =	vlt.u32 v13, $0x28;
	v9 =	vtrunc.f32 v14  }
0x55: {  	_ = 	snop  }
0x56: {  	v4 =	vmul.f32 v4, v0;
	v9 =	vcvt.f32.s32 v9;
	vm0 =	vmand vm0, vm1  }
0x57: {  	v8 =	vtrunc.f32 v8;
	v5 =	vadd.s32 v7, v5;
	v6 =	vadd.f32 $4.000000000e+01, v6  }
0x58: {  	vm10 =	vlt.u32 v2, $0x580;
	v3 =	vadd.f32 $3.000000000e+00, v3;
	v5 =	vnsel vm0, $0x55F0000, v5  }
0x59: {  	v61 =	vcvt.f32.s32 v8;
	v60 =	vmul.u32 $0x580, v9;
	v0 =	vmul.f32 v6, v0  }
0x5a: {  	v4 =	vtrunc.f32 v4;
	vm11 =	vlt.u32 v9, $0x640;
	v1 =	vmul.f32 v3, v1  }
0x5b: {  	v3 =	vcvt.f32.s32 v4;
	v62 =	vmul.u32 $0x226000, v61;
	v0 =	vtrunc.f32 v0  }
0x5c: {  	vm0 =	vmand vm10, vm11;
	v1 =	vtrunc.f32 v1;
	v0 =	vcvt.f32.s32 v0  }
0x5d: {  	vm12 =	vlt.u32 v61, $0x28;
	v2 =	vadd.s32 v2, v60;
	v1 =	vcvt.f32.s32 v1  }
0x5e: {  	vm0 =	vmand vm0, vm12;
	vm13 =	vlt.u32 v3, $0x580;
	v63 =	vmul.u32 $0x580, v0  }
0x5f: {  	v2 =	vadd.s32 v62, v2;
	vm2 =	vlt.u32 v0, $0x640;
	v0 =	vmul.u32 $0x226000, v1  }
0x60: {  	vm14 =	vlt.u32 v1, $0x28;
	vm1 =	vmand vm13, vm2;
	v3 =	vadd.s32 v3, v63  }
0x61: {  	[tilespmem:s0+$0x18A18] =	vst v5;
	v1 =	vnsel vm0, $0x55F0000, v2;
	vm15 =	vmand vm1, vm14;
	v0 =	vadd.s32 v0, v3  }
0x62: {  	[tilespmem:s1+$0x18A18] =	vst v1;
	v0 =	vnsel vm15, $0x55F0000, v0  }
0x63: {  	s25 =	sadd.s32 s29, s26;
	s30 =	simm.s32 $0x18A18;
	s31 =	simm.s32 $0x9;
	[tilespmem:s5+$0x18A18] =	vst v0  }
0x64: {  	[spmem:s25] =	stream.linear.scatter [tilespmem:s30], [sflag:$0x9], $0x3100, $0x38;
	[tilespmem:$0x1FE18] =	vst v63  }
0x65: {  	_ =	swait.ge [sflag:s31], $0x3100  }
0x66: {  	[sflag:s31] =	ssyncset.done $0x0  }
0x67: {  	s0 =	simm.s32 $0x0;
	v0 =	vimm.s32 $0x0;
	[sflag:s31] =	ssyncadd.s32 $0xFFFFCF00  }
.LBB2_7:
0x68: {  	p0 =	sne.s32 s0, $0x7FC0  }
.Ltmp3:
0x69: {  	_ = 	snop;
	(pc) =	sbr.rel @p0 .LBB2_7-.Ltmp3, $3  }
0x6a: {  	_ =	sdelay $0x1  }
0x6b: {  	s1 =	sshra.s32 s0, $0x2  }
0x6c: {  	s0 =	sadd.s32 $0x40, s0;
	[tilespmem:s1+$0x1BB18] =	vst v0  }
0x6d: {  	s0 =	simm.s32 $0x0  }
0x6e: {  	v1 =	vld [tilespmem:s0+$0x18A18];
	_ =	sdelay $0x4  }
0x6f: {  	v0 =	vlaneseq.u32;
	v2 =	vshll.u32 v1, $0x4  }
0x70: {  	v1 =	vor.u32 $0x80000000, v0;
	v2 =	vand.u32 $0x1FFF0, v2  }
0x71: {  	v2 =	vor.u32 v1, v2  }
0x72: {  	(xrf1) =	vsort.ascd.msk.u32 $0xffff, v2, v0;
	_ =	sdelay $0x8  }
0x73: {  	v2 =	vimm.s32 $0xEDCBA987  }
0x74: {  	v3 =	vimm.s32 $0x65432100;
	v2 =	vunpack.c.l.s4.s8 v2  }
0x75: {  	v3 =	vunpack.c.l.s4.s8 v3  }
0x76: {  	v2 =	vunpack.c.0.s8.s32 v2  }
0x77: {  	v3 =	vunpack.c.0.s8.s32 v3  }
0x78: {  	v2 =	vand.u32 $0xF, v2;
	v6, _, _ =	vpop (xrf1)  }
0x79: {  	v2 =	vcombine.low v3, v2;
	v3 =	vshra.s32 v6, $0x4  }
0x7a: {  	v5 =	vxor.u32 $0xF8000000, v3  }
0x7b: {  	v3 =	vperm.xlane v5, v2;
	_ =	sdelay $0x1  }
0x7c: {  	v4 =	vimm.s32 $0x87654321;
	vm0 =	veq.s32 v5, v3;
	v3 =	vimm.s32 $0xFFEDCBA9  }
0x7d: {  	v4 =	vunpack.c.l.s4.s8 v4;
	v3 =	vunpack.c.l.s4.s8 v3;
	_ =	sdelay $0x1  }
0x7e: {  	v4 =	vunpack.c.0.s8.s32 v4;
	v3 =	vunpack.c.0.s8.s32 v3  }
0x7f: {  	v7 =	vsel vm0, $0x80000000, v1  }
0x80: {  	(xrf0) =	vmax.scan.msk.u32 $0xffff, v7;
	v4 =	vcombine.low v4, v3;
	_ =	sdelay $0x1  }
0x81: {  	v7 =	vperm.xlane v5, v4;
	_ =	sdelay $0x1  }
0x82: {  	v6 =	vand.u32 $0xF, v6;
	vm0 =	vcmask $0x3F3C;
	vm1 =	vne.s32 v5, v7  }
0x83: {  	vm1 =	vmor vm1, vm0  }
0x84: {  	v3, _, _ =	vpop (xrf0)  }
0x85: {  	v8 =	vxor.u32 $0x80000000, v3  }
0x86: {  	s0 =	simm.s32 $0x1F198;
	v3 =	vadd.s32 $0x1, v0;
	v7 =	vsub.s32 v0, v8  }
0x87: {  	s1 =	simm.s32 $0x1BB18;
	s5 =	simm.s32 $0x40;
	s6 =	simm.s32 $0x80;
	[tilespmem:v6+s0+$0x0] =	vst.idx.msk $0xffff, v7;
	v6 =	vsub.s32 v3, v8  }
.LBB2_9:
0x88: {  	p0 =	sne.s32 s6, $0xC3C0  }
0x89: {  	s10 =	sshra.s32 s5, $0x2;
	[tilespmem:v5+s1+$0x0] =	vst.idx.add.s32.msk vm1, v6;
	s5 =	smov.u32 s6;
	s6 =	sadd.s32 $0x40, s6  }
0x8a: {  	v5 =	vld [tilespmem:s10+$0x18A18];
	_ =	sdelay $0x4  }
0x8b: {  	v5 =	vshll.u32 v5, $0x4  }
0x8c: {  	v5 =	vand.u32 $0x1FFF0, v5  }
0x8d: {  	v5 =	vor.u32 v1, v5  }
0x8e: {  	(xrf1) =	vsort.ascd.msk.u32 $0xffff, v5, v0;
	_ =	sdelay $0xd  }
0x8f: {  	v6, _, _ =	vpop (xrf1)  }
0x90: {  	v5 =	vshra.s32 v6, $0x4  }
0x91: {  	v5 =	vxor.u32 $0xF8000000, v5  }
0x92: {  	v7 =	vperm.xlane v5, v2;
	v8 =	vperm.xlane v5, v4;
	_ =	sdelay $0x1  }
0x93: {  	vm1 =	veq.s32 v5, v7;
	vm2 =	vne.s32 v5, v8  }
0x94: {  	v7 =	vsel vm1, $0x80000000, v1  }
0x95: {  	(xrf0) =	vmax.scan.msk.u32 $0xffff, v7;
	_ =	sdelay $0x3  }
0x96: {  	v6 =	vand.u32 $0xF, v6;
	vm1 =	vmor vm2, vm0  }
.Ltmp4:
0x97: {  	(pc) =	sbr.rel @p0 .LBB2_9-.Ltmp4, $4  }
0x98: {  	v7, _, _ =	vpop (xrf0)  }
0x99: {  	v7 =	vxor.u32 $0x80000000, v7  }
0x9a: {  	v8 =	vsub.s32 v0, v7  }
0x9b: {  	[tilespmem:v6+s0+$0x0] =	vst.idx.msk $0xffff, v8;
	v6 =	vsub.s32 v3, v7  }
0x9c: {  	_ =	sdelay $0x4  }
0x9d: {  	s5 =	sshra.s32 s5, $0x2;
	[tilespmem:v5+s1+$0x0] =	vst.idx.add.s32.msk vm1, v6  }
0x9e: {  	v5 =	vld [tilespmem:s5+$0x18A18];
	_ =	sdelay $0x4  }
0x9f: {  	v5 =	vshll.u32 v5, $0x4  }
0xa0: {  	v5 =	vand.u32 $0x1FFF0, v5  }
0xa1: {  	v5 =	vor.u32 v1, v5  }
0xa2: {  	(xrf1) =	vsort.ascd.msk.u32 $0xffff, v5, v0;
	_ =	sdelay $0xd  }
0xa3: {  	v5, _, _ =	vpop (xrf1)  }
0xa4: {  	v57 =	vshra.s32 v5, $0x4  }
0xa5: {  	v6 =	vxor.u32 $0xF8000000, v57  }
0xa6: {  	v2 =	vperm.xlane v6, v2;
	_ =	sdelay $0x1  }
0xa7: {  	vm1 =	veq.s32 v6, v2  }
0xa8: {  	v58 =	vsel vm1, $0x80000000, v1  }
0xa9: {  	(xrf0) =	vmax.scan.msk.u32 $0xffff, v58  }
0xaa: {  	v59 =	vperm.xlane v6, v4;
	_ =	sdelay $0x1  }
0xab: {  	vm1 =	vne.s32 v6, v59  }
0xac: {  	v60 =	vand.u32 $0xF, v5;
	vm1 =	vmor vm1, vm0;
	_ =	sdelay $0x1  }
0xad: {  	v61, _, _ =	vpop (xrf0)  }
0xae: {  	s23 =	smul.u32 $0xC000, s7;
	v2 =	vxor.u32 $0x80000000, v61  }
0xaf: {  	s25 =	smax.u32 s7, $0x1;
	s30 =	simm.s32 $0x1BB18;
	v62 =	vsub.s32 v0, v2  }
0xb0: {  	p0 =	sne.s32 s7, $0x0;
	s31 =	smul.u32 $0xC400, s25;
	s24 =	sshrl.u32 s23, $0x2;
	v63 =	vsub.s32 v3, v2;
	[tilespmem:v60+s0+$0x0] =	vst.idx.msk $0xffff, v62  }
.Ltmp5:
0xb1: {  	s0 =	sadd.s32 s24, s8;
	[tilespmem:v6+s1+$0x0] =	vst.idx.add.s32.msk vm1, v63;
	s1 =	simm.s32 $0x9;
	(pc) =	sbr.rel @!p0 .LBB2_11-.Ltmp5, $4  }
0xb2: {  	[spmem:s0] =	stream.linear.scatter [tilespmem:s30], [sflag:$0x9], $0x2000, $0x38;
	[tilespmem:$0x1FE18] =	vst v63  }
0xb3: {  	_ =	swait.ge [sflag:s1], $0x2000  }
0xb4: {  	s5 =	sshrl.u32 s31, $0x2;
	[sflag:s1] =	ssyncset.done $0x0  }
0xb5: {  	s10 =	sshll.u32 s7, $0x4;
	s5 =	sadd.s32 s5, s26;
	[sflag:s1] =	ssyncadd.s32 $0xFFFFE000  }
.Ltmp6:
0xb6: {  	(pc) =	sbr.rel .LBB2_21-.Ltmp6, $2  }
0xb7: {  	_ =	sdelay $0x1  }
0xb8: {  	[bflag:$0x0] =	sbarrier.arrive $0xFFFF;
	_ =	sdelay $0x1  }
.LBB2_11:
0xb9: {  	v0 =	vimm.s32 $0x55F0000  }
0xba: {  	s6 =	sadd.s32 $0x31000, s26;
	s11 =	simm.s32 $0x1F218;
	[tilespmem:$0x1F218] =	vst v0  }
0xbb: {  	[spmem:s6] =	stream.linear.scatter [tilespmem:s11], [sflag:$0x9], $0x10, $0x38;
	[tilespmem:$0x1FE18] =	vst v63  }
0xbc: {  	_ =	swait.ge [sflag:s1], $0x10  }
0xbd: {  	[sflag:s1] =	ssyncset.done $0x0  }
0xbe: {  	[sflag:s1] =	ssyncadd.s32 $0xFFFFFFF0  }
0xbf: {  	s6 =	simm.s32 $0x0;
	[bflag:$0x0] =	sbarrier.arrive $0xFFFF  }
.LBB2_12:
0xc0: {  	s12 =	sshll.u32 s6, $0xA  }
0xc1: {  	s13 =	simm.s32 $0x0;
	s11 =	sadd.s32 s12, s8;
	s12 =	sadd.s32 $0x1BB18, s12  }
.LBB2_13:
0xc2: {  	s14 =	smul.u32 $0xC000, s13;
	_ =	sdelay $0x1  }
0xc3: {  	s14 =	sshra.s32 s14, $0x2  }
0xc4: {  	s31 =	simm.s32 $0x0;
	s15 =	sadd.s32 s14, s11;
	s14 =	simm.s32 $0x1EB18  }
0xc5: {  	[tilespmem:s14], [sflag:$0x9] =	stream.linear.gather [spmem:s15], $0x400, $0x38;
	[tilespmem:$0x1FE18] =	vst v63  }
0xc6: {  	s16 =	sand.u32 $0x380, s31;
	_ =	swait.ge [sflag:s1], $0x400  }
0xc7: {  	s16 =	sadd.s32 s16, s12;
	s15 =	sand.u32 $0x70, s31;
	[sflag:s1] =	ssyncset.done $0x0  }
0xc8: {  	s15 =	sadd.s32 s15, s16;
	[sflag:s1] =	ssyncadd.s32 $0xFFFFFC00  }
0xc9: {  	v1 =	vld [tilespmem:s15+$0x0]  }
0xca: {  	v0 =	vld [tilespmem:s14+$0x0];
	_ =	sdelay $0x2  }
0xcb: {  	p1 =	sgt.s32 s13, $0x0;
	s17 =	simm.s32 $0x10  }
0xcc: {  	s18 =	sand.u32 $0x380, s17;
	s16 =	simm.s32 $0x20;
	v1 =	vpsel !p1, $0x0, v1  }
.LBB2_14:
0xcd: {  	p2 =	sne.s32 s16, $0x3F0;
	s17 =	sand.u32 $0x70, s17;
	s18 =	sadd.s32 s18, s12;
	v0 =	vadd.s32 v0, v1  }
0xce: {  	[tilespmem:s15+$0x0] =	vst v0;
	s15 =	sadd.s32 s17, s18;
	s17 =	smov.u32 s16  }
0xcf: {  	s14 =	sadd.s32 $0x10, s14;
	v1 =	vld [tilespmem:s15+$0x0]  }
.Ltmp7:
0xd0: {  	v0 =	vld [tilespmem:s14+$0x0];
	(pc) =	sbr.rel @p2 .LBB2_14-.Ltmp7, $2  }
0xd1: {  	_ =	sdelay $0x2  }
0xd2: {  	s16 =	sadd.s32 $0x10, s16;
	s18 =	sand.u32 $0x380, s17;
	v1 =	vpsel !p1, $0x0, v1  }
0xd3: {  	s16 =	sand.u32 $0x70, s17;
	s31 =	sadd.s32 s18, s12;
	v0 =	vadd.s32 v0, v1  }
0xd4: {  	s16 =	sadd.s32 s16, s31;
	[tilespmem:s15+$0x0] =	vst v0  }
0xd5: {  	v0 =	vld [tilespmem:s16+$0x0];
	_ =	sdelay $0x2  }
0xd6: {  	s14 =	sadd.s32 $0x10, s14  }
0xd7: {  	s13 =	sadd.s32 $0x1, s13;
	v63 =	vld [tilespmem:s14+$0x0]  }
0xd8: {  	v0 =	vpsel !p1, $0x0, v0;
	p1 =	sne.s32 s13, $0x10  }
.Ltmp8:
0xd9: {  	_ = 	snop;
	(pc) =	sbr.rel @p1 .LBB2_13-.Ltmp8, $3  }
0xda: {  	_ =	sdelay $0x1  }
0xdb: {  	v0 =	vadd.s32 v63, v0  }
0xdc: {  	[tilespmem:s16+$0x0] =	vst v0  }
0xdd: {  	s6 =	sadd.s32 $0x1, s6  }
0xde: {  	p1 =	sne.s32 s6, $0x8  }
.Ltmp9:
0xdf: {  	_ = 	snop;
	(pc) =	sbr.rel @p1 .LBB2_12-.Ltmp9, $1  }
0xe0: {  	_ =	sdelay $0x3  }
0xe1: {  	s6 =	simm.s32 $0x0  }
0xe2: {  	v0 =	vld [tilespmem:s6+$0x1BB18];
	_ =	sdelay $0x4  }
0xe3: {  	(xrf0) =	vadd.scan.msk.s32 $0xffff, v0;
	_ =	sdelay $0x5  }
0xe4: {  	v1, _, _ =	vpop (xrf0)  }
0xe5: {  	v2 =	vxor.u32 $0x80000000, v1  }
0xe6: {  	(xrf0) =	vmax.scan.msk.u32 $0xffff, v2;
	_ =	sdelay $0x3  }
0xe7: {  	s1 =	simm.s32 $0x0  }
0xe8: {  	v0 =	vsub.s32 s1, v0  }
0xe9: {  	v0 =	vadd.s32 v1, v0;
	v63, _, _ =	vpop (xrf0)  }
0xea: {  	s11 =	simm.s32 $0x80;
	[tilespmem:s6+$0x1BB18] =	vst v0;
	s6 =	simm.s32 $0x10;
	(v2sf) =	vpush v63, $0xF  }
.LBB2_18:
0xeb: {  	p1 =	sne.s32 s11, $0x7FC0;
	v0 =	vld [tilespmem:s6+$0x1BB18];
	_ =	sdelay $0x4  }
0xec: {  	(xrf0) =	vadd.scan.msk.s32 $0xffff, v0;
	_ =	sdelay $0x5  }
0xed: {  	v1, _, _ =	vpop (xrf0)  }
0xee: {  	v2 =	vxor.u32 $0x80000000, v1  }
0xef: {  	(xrf0) =	vmax.scan.msk.u32 $0xffff, v2  }
0xf0: {  	s12 =	spop (v2sf)  }
0xf1: {  	s1 =	sadd.s32 s12, s1  }
.Ltmp10:
0xf2: {  	s1 =	sadd.s32 $0x80000000, s1;
	(pc) =	sbr.rel @p1 .LBB2_18-.Ltmp10, $4  }
0xf3: {  	v2 =	vsub.s32 s1, v0  }
0xf4: {  	v1 =	vadd.s32 v1, v2  }
0xf5: {  	[tilespmem:s6+$0x1BB18] =	vst v1;
	v0, _, _ =	vpop (xrf0)  }
0xf6: {  	s6 =	sshra.s32 s11, $0x2;
	s11 =	sadd.s32 $0x40, s11;
	(v2sf) =	vpush v0, $0xF  }
0xf7: {  	v0 =	vld [tilespmem:s6+$0x1BB18];
	_ =	sdelay $0x4  }
0xf8: {  	(xrf0) =	vadd.scan.msk.s32 $0xffff, v0;
	_ =	sdelay $0x5  }
0xf9: {  	v1, _, _ =	vpop (xrf0)  }
0xfa: {  	v2 =	vxor.u32 $0x80000000, v1  }
0xfb: {  	(xrf0) =	vmax.scan.msk.u32 $0xffff, v2;
	_ =	sdelay $0x5  }
0xfc: {  	v2, _, _ =	vpop (xrf0)  }
0xfd: {  	(v2sf) =	vpush v2, $0xF;
	_ =	sdelay $0x7  }
0xfe: {  	s11 =	spop (v2sf)  }
0xff: {  	s1 =	sadd.s32 s11, s1  }
0x100: {  	s1 =	sadd.s32 $0x80000000, s1  }
0x101: {  	v0 =	vsub.s32 s1, v0  }
0x102: {  	v0 =	vadd.s32 v1, v0  }
0x103: {  	s30 =	simm.s32 $0x1BB18;
	[tilespmem:s6+$0x1BB18] =	vst v0  }
0x104: {  	[spmem:s9] =	stream.linear.scatter [tilespmem:s30], [sflag:$0x9], $0x2000, $0x38;
	[tilespmem:$0x1FE18] =	vst v63  }
0x105: {  	s1 =	simm.s32 $0x9;
	s31 =	spop (v2sf)  }
0x106: {  	_ =	swait.ge [sflag:s1], $0x2000  }
0x107: {  	[sflag:s1] =	ssyncset.done $0x0  }
0x108: {  	[sflag:s1] =	ssyncadd.s32 $0xFFFFE000  }
.LBB2_21:
0x109: {  	[bflag:$0x0] =	sbarrier.arrive $0xFFFF;
	s1 =	simm.s32 $0x1BB18;
	s11 =	simm.s32 $0x9  }
0x10a: {  	[tilespmem:s1], [sflag:$0x9] =	stream.linear.gather [spmem:s9], $0x2000, $0x38;
	[tilespmem:$0x1FE18] =	vst v63  }
0x10b: {  	s6 =	sadd.s32 s29, s3;
	_ =	swait.ge [sflag:s11], $0x2000  }
0x10c: {  	s5 =	sadd.s32 $0xFFFFFFF0, s5;
	s10 =	sadd.s32 s10, s4;
	[sflag:s11] =	ssyncset.done $0x0  }
0x10d: {  	v1 =	vmov s7;
	s12 =	simm.s32 $0x0;
	s1 =	sadd.s32 s29, s2;
	[sflag:s11] =	ssyncadd.s32 $0xFFFFE000  }
.LBB2_22:
0x10e: {  	s14 =	sshll.u32 s12, $0xA  }
0x10f: {  	s15 =	simm.s32 $0x0;
	s13 =	sadd.s32 s14, s8;
	s14 =	sadd.s32 $0x1BB18, s14  }
.LBB2_23:
0x110: {  	s16 =	smul.u32 $0xC000, s15;
	_ =	sdelay $0x1  }
0x111: {  	s16 =	sshra.s32 s16, $0x2  }
0x112: {  	s17 =	simm.s32 $0x1EB18;
	s16 =	sadd.s32 s16, s13  }
0x113: {  	[tilespmem:s17], [sflag:$0x9] =	stream.linear.gather [spmem:s16], $0x400, $0x38;
	[tilespmem:$0x1FE18] =	vst v63  }
0x114: {  	s31 =	simm.s32 $0x0;
	_ =	swait.ge [sflag:s11], $0x400  }
0x115: {  	s18 =	sand.u32 $0x380, s31;
	[sflag:s11] =	ssyncset.done $0x0  }
0x116: {  	s18 =	sadd.s32 s18, s14;
	s16 =	sand.u32 $0x70, s31;
	[sflag:s11] =	ssyncadd.s32 $0xFFFFFC00  }
0x117: {  	s16 =	sadd.s32 s16, s18;
	v0 =	vld [tilespmem:s17+$0x0]  }
0x118: {  	v2 =	vld [tilespmem:s16+$0x0];
	_ =	sdelay $0x2  }
0x119: {  	p1 =	slt.s32 s15, s7  }
0x11a: {  	s19 =	simm.s32 $0x10;
	v0 =	vpsel !p1, $0x0, v0  }
0x11b: {  	s20 =	sand.u32 $0x380, s19;
	s18 =	simm.s32 $0x20;
	s17 =	simm.s32 $0x1EB28;
	v0 =	vadd.s32 v2, v0  }
.LBB2_24:
0x11c: {  	p2 =	sne.s32 s18, $0x3F0;
	s19 =	sand.u32 $0x70, s19;
	s20 =	sadd.s32 s20, s14;
	[tilespmem:s16+$0x0] =	vst v0  }
0x11d: {  	s16 =	sadd.s32 s19, s20;
	v0 =	vld [tilespmem:s17+$0x0];
	s19 =	smov.u32 s18  }
0x11e: {  	v2 =	vld [tilespmem:s16+$0x0]  }
.Ltmp11:
0x11f: {  	(pc) =	sbr.rel @p2 .LBB2_24-.Ltmp11, $3  }
0x120: {  	_ =	sdelay $0x1  }
0x121: {  	v0 =	vpsel !p1, $0x0, v0  }
0x122: {  	s18 =	sadd.s32 $0x10, s18;
	s17 =	sadd.s32 $0x10, s17;
	s20 =	sand.u32 $0x380, s19;
	v0 =	vadd.s32 v2, v0  }
0x123: {  	[tilespmem:s16+$0x0] =	vst v0  }
0x124: {  	v0 =	vld [tilespmem:s17+$0x0];
	_ =	sdelay $0x1  }
0x125: {  	s18 =	sand.u32 $0x70, s19;
	s30 =	sadd.s32 s20, s14  }
0x126: {  	s31 =	sadd.s32 s18, s30  }
0x127: {  	s15 =	sadd.s32 $0x1, s15;
	v2 =	vld [tilespmem:s31+$0x0]  }
0x128: {  	v0 =	vpsel !p1, $0x0, v0;
	p1 =	sne.s32 s15, $0x10  }
.Ltmp12:
0x129: {  	_ = 	snop;
	(pc) =	sbr.rel @p1 .LBB2_23-.Ltmp12, $3  }
0x12a: {  	_ =	sdelay $0x1  }
0x12b: {  	v0 =	vadd.s32 v2, v0  }
0x12c: {  	[tilespmem:s31+$0x0] =	vst v0  }
0x12d: {  	s12 =	sadd.s32 $0x1, s12  }
0x12e: {  	p1 =	sne.s32 s12, $0x8  }
.Ltmp13:
0x12f: {  	_ = 	snop;
	(pc) =	sbr.rel @p1 .LBB2_22-.Ltmp13, $1  }
0x130: {  	_ =	sdelay $0x3  }
0x131: {  	v0 =	vimm.s32 $0xEDCBA987  }
0x132: {  	v2 =	vimm.s32 $0x65432100;
	v3 =	vimm.s32 $0xFFEDCBA9;
	v4 =	vimm.s32 $0x87654321  }
0x133: {  	v0 =	vunpack.c.l.s4.s8 v0;
	v3 =	vunpack.c.l.s4.s8 v3;
	v4 =	vunpack.c.l.s4.s8 v4  }
0x134: {  	v2 =	vunpack.c.l.s4.s8 v2  }
0x135: {  	s11 =	simm.s32 $0x0;
	v0 =	vunpack.c.0.s8.s32 v0;
	v6 =	vunpack.c.0.s8.s32 v3;
	v4 =	vunpack.c.0.s8.s32 v4  }
0x136: {  	s12 =	simm.s32 $0x18A18;
	s13 =	simm.s32 $0x1F198;
	s14 =	simm.s32 $0x1BB18;
	v2 =	vunpack.c.0.s8.s32 v2  }
0x137: {  	s15 =	simm.s32 $0x80;
	s16 =	simm.s32 $0x1F298;
	s17 =	simm.s32 $0x1F398;
	v5 =	vand.u32 $0xF, v0;
	v0 =	vlaneseq.u32;
	v4 =	vcombine.low v4, v6  }
0x138: {  	s18 =	simm.s32 $0x9;
	s19 =	simm.s32 $0x1F418;
	s20 =	smov.u32 s29;
	v2 =	vcombine.low v2, v5;
	v3 =	vor.u32 $0x80000000, v0;
	v5 =	vadd.s32 $0x1, v0  }
.LBB2_28:
0x139: {  	v6 =	vmov s12;
	_ =	sdelay $0x3  }
0x13a: {  	s21 =	simm.s32 $0x0  }
0x13b: {  	v7 =	vld.idx.msk [tilespmem:v6+s21+$0x0 ss:$0x1], $0xffff;
	_ =	sdelay $0x4  }
0x13c: {  	v8 =	vshll.u32 v7, $0x4  }
0x13d: {  	v8 =	vand.u32 $0x1FFF0, v8  }
0x13e: {  	v8 =	vor.u32 v3, v8  }
0x13f: {  	(xrf1) =	vsort.ascd.msk.u32 $0xffff, v8, v0;
	_ =	sdelay $0xd  }
0x140: {  	v8, _, _ =	vpop (xrf1)  }
0x141: {  	v9 =	vshra.s32 v8, $0x4  }
0x142: {  	v9 =	vxor.u32 $0xF8000000, v9  }
0x143: {  	v10 =	vperm.xlane v9, v2;
	_ =	sdelay $0x1  }
0x144: {  	vm1 =	veq.s32 v9, v10  }
0x145: {  	v10 =	vsel vm1, $0x80000000, v3  }
0x146: {  	(xrf0) =	vmax.scan.msk.u32 $0xffff, v10;
	_ =	sdelay $0x3  }
0x147: {  	v8 =	vand.u32 $0xF, v8  }
0x148: {  	v11 =	vand.u32 $0x1FFF, v7;
	v61 =	vperm.xlane v9, v4  }
0x149: {  	v12, _, _ =	vpop (xrf0)  }
0x14a: {  	vm1 =	vne.s32 v9, v61;
	v62 =	vxor.u32 $0x80000000, v12  }
0x14b: {  	vm1 =	vmor vm1, vm0;
	v12 =	vsub.s32 v0, v62  }
0x14c: {  	[tilespmem:v8+s13+$0x0] =	vst.idx.msk $0xffff, v12  }
0x14d: {  	v8 =	vld.idx.msk [tilespmem:v11+s14+$0x0], $0xffff  }
0x14e: {  	v63 =	vld [tilespmem:$0x1F198];
	_ =	sdelay $0x1  }
0x14f: {  	v10 =	vsub.s32 v5, v62  }
0x150: {  	[tilespmem:v9+s14+$0x0] =	vst.idx.add.s32.msk vm1, v10  }
0x151: {  	[tilespmem:s21+$0x1F398] =	vst v7;
	v7 =	vor.u32 s20, v0  }
0x152: {  	s23 =	simm.s32 $0x40;
	s25 =	simm.s32 $0x80;
	s22 =	smov.u32 s20;
	[tilespmem:s21+$0x1F418] =	vst v7;
	v7 =	vadd.s32 v63, v8  }
.LBB2_29:
0x153: {  	[tilespmem:s21+$0x1F298] =	vst v7;
	s21 =	sshra.s32 s23, $0x2  }
0x154: {  	s22 =	sadd.s32 $0x10, s22;
	s23 =	smov.u32 s25;
	s24 =	sadd.s32 $0x40, s25  }
0x155: {  	p1 =	sne.s32 s25, $0x1C0;
	v7 =	vld.idx.msk [tilespmem:v6+s21+$0x0 ss:$0x1], $0xffff;
	_ =	sdelay $0x5  }
0x156: {  	v8 =	vshll.u32 v7, $0x4  }
0x157: {  	v8 =	vand.u32 $0x1FFF0, v8  }
0x158: {  	v8 =	vor.u32 v3, v8  }
0x159: {  	(xrf1) =	vsort.ascd.msk.u32 $0xffff, v8, v0;
	_ =	sdelay $0xd  }
0x15a: {  	v8, _, _ =	vpop (xrf1)  }
0x15b: {  	v9 =	vshra.s32 v8, $0x4  }
0x15c: {  	v9 =	vxor.u32 $0xF8000000, v9  }
0x15d: {  	v10 =	vperm.xlane v9, v2;
	v11 =	vperm.xlane v9, v4;
	_ =	sdelay $0x1  }
0x15e: {  	vm1 =	veq.s32 v9, v10;
	vm2 =	vne.s32 v9, v11  }
0x15f: {  	v10 =	vsel vm1, $0x80000000, v3  }
0x160: {  	(xrf0) =	vmax.scan.msk.u32 $0xffff, v10;
	_ =	sdelay $0x3  }
0x161: {  	v8 =	vand.u32 $0xF, v8  }
0x162: {  	v10 =	vand.u32 $0x1FFF, v7  }
0x163: {  	vm1 =	vmor vm2, vm0;
	v11, _, _ =	vpop (xrf0)  }
0x164: {  	v11 =	vxor.u32 $0x80000000, v11  }
0x165: {  	v12 =	vsub.s32 v0, v11  }
0x166: {  	[tilespmem:v8+s13+$0x0] =	vst.idx.msk $0xffff, v12  }
0x167: {  	v8 =	vld.idx.msk [tilespmem:v10+s14+$0x0], $0xffff  }
0x168: {  	v11 =	vsub.s32 v5, v11;
	v10 =	vld [tilespmem:$0x1F198]  }
.Ltmp14:
0x169: {  	[tilespmem:v9+s14+$0x0] =	vst.idx.add.s32.msk vm1, v11;
	(pc) =	sbr.rel @p1 .LBB2_29-.Ltmp14, $3  }
0x16a: {  	[tilespmem:s21+$0x1F398] =	vst v7;
	v7 =	vor.u32 s22, v0  }
0x16b: {  	[tilespmem:s21+$0x1F418] =	vst v7;
	_ =	sdelay $0x1  }
0x16c: {  	s25 =	smov.u32 s24;
	v7 =	vadd.s32 v10, v8  }
0x16d: {  	_ =	sdelay $0x2  }
0x16e: {  	s23 =	sshra.s32 s23, $0x2;
	[tilespmem:s21+$0x1F298] =	vst v7  }
0x16f: {  	v6 =	vld.idx.msk [tilespmem:v6+s23+$0x0 ss:$0x1], $0xffff;
	_ =	sdelay $0x4  }
0x170: {  	v7 =	vshll.u32 v6, $0x4  }
0x171: {  	v7 =	vand.u32 $0x1FFF0, v7  }
0x172: {  	v7 =	vor.u32 v3, v7  }
0x173: {  	(xrf1) =	vsort.ascd.msk.u32 $0xffff, v7, v0;
	_ =	sdelay $0xd  }
0x174: {  	v7, _, _ =	vpop (xrf1)  }
0x175: {  	v8 =	vshra.s32 v7, $0x4  }
0x176: {  	v8 =	vxor.u32 $0xF8000000, v8  }
0x177: {  	v9 =	vperm.xlane v8, v2;
	_ =	sdelay $0x1  }
0x178: {  	vm1 =	veq.s32 v8, v9  }
0x179: {  	v9 =	vsel vm1, $0x80000000, v3  }
0x17a: {  	(xrf0) =	vmax.scan.msk.u32 $0xffff, v9;
	_ =	sdelay $0x3  }
0x17b: {  	v7 =	vand.u32 $0xF, v7  }
0x17c: {  	v10 =	vand.u32 $0x1FFF, v6;
	v61 =	vperm.xlane v8, v4  }
0x17d: {  	v11, _, _ =	vpop (xrf0)  }
0x17e: {  	vm1 =	vne.s32 v8, v61;
	v62 =	vxor.u32 $0x80000000, v11  }
0x17f: {  	vm1 =	vmor vm1, vm0;
	v11 =	vsub.s32 v0, v62  }
0x180: {  	[tilespmem:v7+s13+$0x0] =	vst.idx.msk $0xffff, v11  }
0x181: {  	v7 =	vld.idx.msk [tilespmem:v10+s14+$0x0], $0xffff  }
0x182: {  	v63 =	vld [tilespmem:$0x1F198];
	_ =	sdelay $0x1  }
0x183: {  	v9 =	vsub.s32 v5, v62  }
0x184: {  	s31 =	sadd.s32 $0x10, s22;
	[tilespmem:v8+s14+$0x0] =	vst.idx.add.s32.msk vm1, v9  }
0x185: {  	[tilespmem:s23+$0x1F398] =	vst v6;
	v6 =	vor.u32 s31, v0  }
0x186: {  	[tilespmem:s23+$0x1F418] =	vst v6;
	v6 =	vadd.s32 v63, v7  }
0x187: {  	[tilespmem:s23+$0x1F298] =	vst v6  }
0x188: {  	[spmem:s2] =	stream.indirect.scatter [tilespmem:s17], [sflag:$0x9], $0x1, s16, s15, $0xb8;
	[tilespmem:$0x1FE18] =	vst v63  }
0x189: {  	s11 =	sadd.s32 $0x1, s11;
	_ =	swait.ge [sflag:s18], $0x80  }
0x18a: {  	p1 =	sne.s32 s11, $0x62;
	[sflag:s18] =	ssyncset.done $0x0  }
.Ltmp15:
0x18b: {  	[sflag:s18] =	ssyncadd.s32 $0xFFFFFF80;
	(pc) =	sbr.rel @p1 .LBB2_28-.Ltmp15, $4  }
0x18c: {  	[spmem:s3] =	stream.indirect.scatter [tilespmem:s19], [sflag:$0x9], $0x1, s16, s15, $0xb8;
	[tilespmem:$0x1FE18] =	vst v63  }
0x18d: {  	_ =	swait.ge [sflag:s18], $0x80  }
0x18e: {  	[sflag:s18] =	ssyncset.done $0x0  }
0x18f: {  	s20 =	sadd.s32 $0x80, s20;
	s12 =	sadd.s32 $0x80, s12;
	[sflag:s18] =	ssyncadd.s32 $0xFFFFFF80  }
0x190: {  	[bflag:$0x0] =	sbarrier.arrive $0xFFFF;
	s2 =	simm.s32 $0x18A18;
	s31 =	simm.s32 $0x9  }
0x191: {  	[tilespmem:s2], [sflag:$0x9] =	stream.linear.gather [spmem:s1], $0x3100, $0x38;
	[tilespmem:$0x1FE18] =	vst v63  }
0x192: {  	_ =	swait.ge [sflag:s31], $0x3100  }
0x193: {  	[sflag:s31] =	ssyncset.done $0x0  }
0x194: {  	v0 =	vimm.s32 $0x0;
	s1 =	simm.s32 $0x0;
	[sflag:s31] =	ssyncadd.s32 $0xFFFFCF00  }
.LBB2_32:
0x195: {  	p1 =	sne.s32 s1, $0xBFC0  }
.Ltmp16:
0x196: {  	_ = 	snop;
	(pc) =	sbr.rel @p1 .LBB2_32-.Ltmp16, $3  }
0x197: {  	_ =	sdelay $0x1  }
0x198: {  	s2 =	sshra.s32 s1, $0x2  }
0x199: {  	s1 =	sadd.s32 $0x40, s1;
	[tilespmem:s2+$0x1BB18] =	vst v0  }
0x19a: {  	s1 =	simm.s32 $0x0  }
0x19b: {  	v2 =	vld [tilespmem:s1+$0x18A18];
	_ =	sdelay $0x4  }
0x19c: {  	v0 =	vlaneseq.u32;
	v3 =	vshra.s32 v2, $0x9  }
0x19d: {  	v2 =	vor.u32 $0x80000000, v0;
	v3 =	vand.u32 $0xFFFFFFF0, v3  }
0x19e: {  	v3 =	vxor.u32 v2, v3  }
0x19f: {  	(xrf1) =	vsort.ascd.msk.u32 $0xffff, v3, v0;
	_ =	sdelay $0x8  }
0x1a0: {  	v3 =	vimm.s32 $0xEDCBA987  }
0x1a1: {  	v4 =	vimm.s32 $0x65432100;
	v3 =	vunpack.c.l.s4.s8 v3  }
0x1a2: {  	v4 =	vunpack.c.l.s4.s8 v4  }
0x1a3: {  	v3 =	vunpack.c.0.s8.s32 v3  }
0x1a4: {  	v4 =	vunpack.c.0.s8.s32 v4  }
0x1a5: {  	v3 =	vand.u32 $0xF, v3;
	v7, _, _ =	vpop (xrf1)  }
0x1a6: {  	v3 =	vcombine.low v4, v3;
	v4 =	vshra.s32 v7, $0x4  }
0x1a7: {  	v6 =	vxor.u32 $0xF8000000, v4  }
0x1a8: {  	v4 =	vperm.xlane v6, v3;
	_ =	sdelay $0x1  }
0x1a9: {  	v5 =	vimm.s32 $0x87654321;
	vm1 =	veq.s32 v6, v4;
	v4 =	vimm.s32 $0xFFEDCBA9  }
0x1aa: {  	v5 =	vunpack.c.l.s4.s8 v5;
	v4 =	vunpack.c.l.s4.s8 v4;
	_ =	sdelay $0x1  }
0x1ab: {  	v5 =	vunpack.c.0.s8.s32 v5;
	v4 =	vunpack.c.0.s8.s32 v4  }
0x1ac: {  	v8 =	vsel vm1, $0x80000000, v2  }
0x1ad: {  	(xrf0) =	vmax.scan.msk.u32 $0xffff, v8;
	v5 =	vcombine.low v5, v4;
	_ =	sdelay $0x1  }
0x1ae: {  	v8 =	vperm.xlane v6, v5;
	_ =	sdelay $0x1  }
0x1af: {  	v7 =	vand.u32 $0xF, v7;
	vm1 =	vne.s32 v6, v8  }
0x1b0: {  	vm1 =	vmor vm1, vm0  }
0x1b1: {  	v4, _, _ =	vpop (xrf0)  }
0x1b2: {  	v9 =	vxor.u32 $0x80000000, v4  }
0x1b3: {  	s1 =	simm.s32 $0x1F198;
	v4 =	vadd.s32 $0x1, v0;
	v8 =	vsub.s32 v0, v9  }
0x1b4: {  	s2 =	simm.s32 $0x1BB18;
	s3 =	simm.s32 $0x40;
	s11 =	simm.s32 $0x80;
	[tilespmem:v7+s1+$0x0] =	vst.idx.msk $0xffff, v8;
	v7 =	vsub.s32 v4, v9  }
.LBB2_34:
0x1b5: {  	p1 =	sne.s32 s11, $0xC3C0  }
0x1b6: {  	s12 =	sshra.s32 s3, $0x2;
	[tilespmem:v6+s2+$0x0] =	vst.idx.add.s32.msk vm1, v7;
	s3 =	smov.u32 s11;
	s11 =	sadd.s32 $0x40, s11  }
0x1b7: {  	v6 =	vld [tilespmem:s12+$0x18A18];
	_ =	sdelay $0x4  }
0x1b8: {  	v6 =	vshra.s32 v6, $0x9  }
0x1b9: {  	v6 =	vand.u32 $0xFFFFFFF0, v6  }
0x1ba: {  	v6 =	vxor.u32 v2, v6  }
0x1bb: {  	(xrf1) =	vsort.ascd.msk.u32 $0xffff, v6, v0;
	_ =	sdelay $0xd  }
0x1bc: {  	v7, _, _ =	vpop (xrf1)  }
0x1bd: {  	v6 =	vshra.s32 v7, $0x4  }
0x1be: {  	v6 =	vxor.u32 $0xF8000000, v6  }
0x1bf: {  	v8 =	vperm.xlane v6, v3;
	v9 =	vperm.xlane v6, v5;
	_ =	sdelay $0x1  }
0x1c0: {  	vm1 =	veq.s32 v6, v8;
	vm2 =	vne.s32 v6, v9  }
0x1c1: {  	v8 =	vsel vm1, $0x80000000, v2  }
0x1c2: {  	(xrf0) =	vmax.scan.msk.u32 $0xffff, v8;
	_ =	sdelay $0x3  }
0x1c3: {  	v7 =	vand.u32 $0xF, v7;
	vm1 =	vmor vm2, vm0  }
.Ltmp17:
0x1c4: {  	(pc) =	sbr.rel @p1 .LBB2_34-.Ltmp17, $4  }
0x1c5: {  	v8, _, _ =	vpop (xrf0)  }
0x1c6: {  	v8 =	vxor.u32 $0x80000000, v8  }
0x1c7: {  	v9 =	vsub.s32 v0, v8  }
0x1c8: {  	[tilespmem:v7+s1+$0x0] =	vst.idx.msk $0xffff, v9;
	v7 =	vsub.s32 v4, v8  }
0x1c9: {  	_ =	sdelay $0x4  }
0x1ca: {  	s3 =	sshra.s32 s3, $0x2;
	[tilespmem:v6+s2+$0x0] =	vst.idx.add.s32.msk vm1, v7  }
0x1cb: {  	v6 =	vld [tilespmem:s3+$0x18A18];
	_ =	sdelay $0x4  }
0x1cc: {  	v6 =	vshra.s32 v6, $0x9  }
0x1cd: {  	v6 =	vand.u32 $0xFFFFFFF0, v6  }
0x1ce: {  	v6 =	vxor.u32 v2, v6  }
0x1cf: {  	(xrf1) =	vsort.ascd.msk.u32 $0xffff, v6, v0;
	_ =	sdelay $0xd  }
0x1d0: {  	v6, _, _ =	vpop (xrf1)  }
0x1d1: {  	v63 =	vshra.s32 v6, $0x4  }
0x1d2: {  	v7 =	vxor.u32 $0xF8000000, v63  }
0x1d3: {  	v3 =	vperm.xlane v7, v3;
	_ =	sdelay $0x1  }
0x1d4: {  	vm1 =	veq.s32 v7, v3  }
0x1d5: {  	v2 =	vsel vm1, $0x80000000, v2  }
0x1d6: {  	(xrf0) =	vmax.scan.msk.u32 $0xffff, v2  }
0x1d7: {  	v2 =	vperm.xlane v7, v5;
	_ =	sdelay $0x1  }
0x1d8: {  	vm1 =	vne.s32 v7, v2  }
0x1d9: {  	v2 =	vand.u32 $0xF, v6;
	vm1 =	vmor vm1, vm0;
	_ =	sdelay $0x1  }
0x1da: {  	v3, _, _ =	vpop (xrf0)  }
0x1db: {  	v3 =	vxor.u32 $0x80000000, v3  }
0x1dc: {  	v0 =	vsub.s32 v0, v3  }
0x1dd: {  	[tilespmem:v2+s1+$0x0] =	vst.idx.msk $0xffff, v0;
	v0 =	vsub.s32 v4, v3  }
0x1de: {  	s1 =	simm.s32 $0x1BB18;
	[tilespmem:v7+s2+$0x0] =	vst.idx.add.s32.msk vm1, v0  }
0x1df: {  	[spmem:s0] =	stream.linear.scatter [tilespmem:s1], [sflag:$0x9], $0x3000, $0x38;
	[tilespmem:$0x1FE18] =	vst v63  }
0x1e0: {  	s0 =	simm.s32 $0x9  }
.Ltmp18:
0x1e1: {  	_ =	swait.ge [sflag:s0], $0x3000;
	(pc) =	sbr.rel @p0 .LBB2_45-.Ltmp18, $3  }
0x1e2: {  	[sflag:s0] =	ssyncset.done $0x0  }
0x1e3: {  	[sflag:s0] =	ssyncadd.s32 $0xFFFFD000  }
0x1e4: {  	[bflag:$0x0] =	sbarrier.arrive $0xFFFF;
	_ =	sdelay $0x1  }
0x1e5: {  	s2 =	simm.s32 $0x0;
	s3 =	simm.s32 $0x0  }
.LBB2_37:
0x1e6: {  	s12 =	sshll.u32 s3, $0xA  }
0x1e7: {  	s13 =	simm.s32 $0x0;
	s11 =	sadd.s32 s12, s8;
	s12 =	sadd.s32 $0x1BB18, s12  }
.LBB2_38:
0x1e8: {  	s14 =	smul.u32 $0xC000, s13;
	_ =	sdelay $0x1  }
0x1e9: {  	s14 =	sshra.s32 s14, $0x2  }
0x1ea: {  	s15 =	sadd.s32 s14, s11;
	s14 =	simm.s32 $0x1EB18  }
0x1eb: {  	[tilespmem:s14], [sflag:$0x9] =	stream.linear.gather [spmem:s15], $0x400, $0x38;
	[tilespmem:$0x1FE18] =	vst v63  }
0x1ec: {  	s31 =	sand.u32 $0x380, s2;
	_ =	swait.ge [sflag:s0], $0x400  }
0x1ed: {  	s16 =	sand.u32 $0x70, s2;
	s15 =	sadd.s32 s31, s12;
	[sflag:s0] =	ssyncset.done $0x0  }
0x1ee: {  	s15 =	sadd.s32 s16, s15;
	[sflag:s0] =	ssyncadd.s32 $0xFFFFFC00  }
0x1ef: {  	v2 =	vld [tilespmem:s15+$0x0]  }
0x1f0: {  	v0 =	vld [tilespmem:s14+$0x0];
	_ =	sdelay $0x2  }
0x1f1: {  	p1 =	sgt.s32 s13, $0x0;
	s17 =	simm.s32 $0x10  }
0x1f2: {  	s18 =	sand.u32 $0x380, s17;
	s16 =	simm.s32 $0x20;
	v2 =	vpsel !p1, $0x0, v2  }
.LBB2_39:
0x1f3: {  	p2 =	sne.s32 s16, $0x3F0;
	s17 =	sand.u32 $0x70, s17;
	s18 =	sadd.s32 s18, s12;
	v0 =	vadd.s32 v0, v2  }
0x1f4: {  	[tilespmem:s15+$0x0] =	vst v0;
	s15 =	sadd.s32 s17, s18;
	s17 =	smov.u32 s16  }
0x1f5: {  	s14 =	sadd.s32 $0x10, s14;
	v2 =	vld [tilespmem:s15+$0x0]  }
.Ltmp19:
0x1f6: {  	v0 =	vld [tilespmem:s14+$0x0];
	(pc) =	sbr.rel @p2 .LBB2_39-.Ltmp19, $2  }
0x1f7: {  	_ =	sdelay $0x2  }
0x1f8: {  	s16 =	sadd.s32 $0x10, s16;
	s18 =	sand.u32 $0x380, s17;
	v2 =	vpsel !p1, $0x0, v2  }
0x1f9: {  	s16 =	sand.u32 $0x70, s17;
	s31 =	sadd.s32 s18, s12;
	v0 =	vadd.s32 v0, v2  }
0x1fa: {  	s16 =	sadd.s32 s16, s31;
	[tilespmem:s15+$0x0] =	vst v0  }
0x1fb: {  	v0 =	vld [tilespmem:s16+$0x0];
	_ =	sdelay $0x2  }
0x1fc: {  	s14 =	sadd.s32 $0x10, s14  }
0x1fd: {  	s13 =	sadd.s32 $0x1, s13;
	v2 =	vld [tilespmem:s14+$0x0]  }
0x1fe: {  	v0 =	vpsel !p1, $0x0, v0;
	p1 =	sne.s32 s13, $0x10  }
.Ltmp20:
0x1ff: {  	_ = 	snop;
	(pc) =	sbr.rel @p1 .LBB2_38-.Ltmp20, $3  }
0x200: {  	_ =	sdelay $0x1  }
0x201: {  	v0 =	vadd.s32 v2, v0  }
0x202: {  	[tilespmem:s16+$0x0] =	vst v0  }
0x203: {  	s3 =	sadd.s32 $0x1, s3  }
0x204: {  	p1 =	sne.s32 s3, $0xC  }
.Ltmp21:
0x205: {  	_ = 	snop;
	(pc) =	sbr.rel @p1 .LBB2_37-.Ltmp21, $1  }
0x206: {  	_ =	sdelay $0x3  }
0x207: {  	s3 =	simm.s32 $0x0  }
0x208: {  	v0 =	vld [tilespmem:s3+$0x1BB18];
	_ =	sdelay $0x4  }
0x209: {  	(xrf0) =	vadd.scan.msk.s32 $0xffff, v0;
	_ =	sdelay $0x5  }
0x20a: {  	v2, _, _ =	vpop (xrf0)  }
0x20b: {  	v3 =	vxor.u32 $0x80000000, v2  }
0x20c: {  	(xrf0) =	vmax.scan.msk.u32 $0xffff, v3;
	_ =	sdelay $0x3  }
0x20d: {  	s2 =	simm.s32 $0x0  }
0x20e: {  	v0 =	vsub.s32 s2, v0  }
0x20f: {  	v0 =	vadd.s32 v2, v0;
	v2, _, _ =	vpop (xrf0)  }
0x210: {  	s11 =	simm.s32 $0x80;
	[tilespmem:s3+$0x1BB18] =	vst v0;
	s3 =	simm.s32 $0x10;
	(v2sf) =	vpush v2, $0xF  }
.LBB2_43:
0x211: {  	p1 =	sne.s32 s11, $0xBFC0;
	v0 =	vld [tilespmem:s3+$0x1BB18];
	_ =	sdelay $0x4  }
0x212: {  	(xrf0) =	vadd.scan.msk.s32 $0xffff, v0;
	_ =	sdelay $0x5  }
0x213: {  	v2, _, _ =	vpop (xrf0)  }
0x214: {  	v3 =	vxor.u32 $0x80000000, v2  }
0x215: {  	(xrf0) =	vmax.scan.msk.u32 $0xffff, v3  }
0x216: {  	s12 =	spop (v2sf)  }
0x217: {  	s2 =	sadd.s32 s12, s2  }
.Ltmp22:
0x218: {  	s2 =	sadd.s32 $0x80000000, s2;
	(pc) =	sbr.rel @p1 .LBB2_43-.Ltmp22, $4  }
0x219: {  	v3 =	vsub.s32 s2, v0  }
0x21a: {  	v2 =	vadd.s32 v2, v3  }
0x21b: {  	[tilespmem:s3+$0x1BB18] =	vst v2;
	v0, _, _ =	vpop (xrf0)  }
0x21c: {  	s3 =	sshra.s32 s11, $0x2;
	s11 =	sadd.s32 $0x40, s11;
	(v2sf) =	vpush v0, $0xF  }
0x21d: {  	v0 =	vld [tilespmem:s3+$0x1BB18];
	_ =	sdelay $0x4  }
0x21e: {  	(xrf0) =	vadd.scan.msk.s32 $0xffff, v0;
	_ =	sdelay $0x5  }
0x21f: {  	v2, _, _ =	vpop (xrf0)  }
0x220: {  	v3 =	vxor.u32 $0x80000000, v2  }
0x221: {  	(xrf0) =	vmax.scan.msk.u32 $0xffff, v3;
	_ =	sdelay $0x5  }
0x222: {  	v3, _, _ =	vpop (xrf0)  }
0x223: {  	(v2sf) =	vpush v3, $0xF;
	_ =	sdelay $0x7  }
0x224: {  	s11 =	spop (v2sf)  }
0x225: {  	s2 =	sadd.s32 s11, s2  }
0x226: {  	s2 =	sadd.s32 $0x80000000, s2  }
0x227: {  	v0 =	vsub.s32 s2, v0  }
0x228: {  	v0 =	vadd.s32 v2, v0  }
0x229: {  	s30 =	simm.s32 $0x1BB18;
	[tilespmem:s3+$0x1BB18] =	vst v0  }
0x22a: {  	[spmem:s9] =	stream.linear.scatter [tilespmem:s30], [sflag:$0x9], $0x3000, $0x38;
	[tilespmem:$0x1FE18] =	vst v63  }
0x22b: {  	s2 =	simm.s32 $0x9;
	s31 =	spop (v2sf)  }
0x22c: {  	_ =	swait.ge [sflag:s2], $0x3000  }
0x22d: {  	[sflag:s2] =	ssyncset.done $0x0  }
0x22e: {  	[sflag:s2] =	ssyncadd.s32 $0xFFFFD000  }
.LBB2_45:
0x22f: {  	[bflag:$0x0] =	sbarrier.arrive $0xFFFF  }
0x230: {  	[tilespmem:s1], [sflag:$0x9] =	stream.linear.gather [spmem:s9], $0x3000, $0x38;
	[tilespmem:$0x1FE18] =	vst v63  }
0x231: {  	_ =	swait.ge [sflag:s0], $0x3000  }
0x232: {  	[sflag:s0] =	ssyncset.done $0x0  }
0x233: {  	s1 =	simm.s32 $0x0;
	[sflag:s0] =	ssyncadd.s32 $0xFFFFD000  }
.LBB2_46:
0x234: {  	s3 =	sshll.u32 s1, $0xA  }
0x235: {  	s9 =	simm.s32 $0x0;
	s2 =	sadd.s32 s3, s8;
	s3 =	sadd.s32 $0x1BB18, s3  }
.LBB2_47:
0x236: {  	s11 =	smul.u32 $0xC000, s9;
	_ =	sdelay $0x1  }
0x237: {  	s11 =	sshra.s32 s11, $0x2  }
0x238: {  	s12 =	simm.s32 $0x1EB18;
	s11 =	sadd.s32 s11, s2  }
0x239: {  	[tilespmem:s12], [sflag:$0x9] =	stream.linear.gather [spmem:s11], $0x400, $0x38;
	[tilespmem:$0x1FE18] =	vst v63  }
0x23a: {  	s31 =	simm.s32 $0x0;
	_ =	swait.ge [sflag:s0], $0x400  }
0x23b: {  	s13 =	sand.u32 $0x380, s31;
	[sflag:s0] =	ssyncset.done $0x0  }
0x23c: {  	s13 =	sadd.s32 s13, s3;
	s11 =	sand.u32 $0x70, s31;
	[sflag:s0] =	ssyncadd.s32 $0xFFFFFC00  }
0x23d: {  	s11 =	sadd.s32 s11, s13;
	v0 =	vld [tilespmem:s12+$0x0]  }
0x23e: {  	v2 =	vld [tilespmem:s11+$0x0];
	_ =	sdelay $0x2  }
0x23f: {  	p1 =	slt.s32 s9, s7  }
0x240: {  	s14 =	simm.s32 $0x10;
	v0 =	vpsel !p1, $0x0, v0  }
0x241: {  	s15 =	sand.u32 $0x380, s14;
	s13 =	simm.s32 $0x20;
	s12 =	simm.s32 $0x1EB28;
	v0 =	vadd.s32 v2, v0  }
.LBB2_48:
0x242: {  	p2 =	sne.s32 s13, $0x3F0;
	s14 =	sand.u32 $0x70, s14;
	s15 =	sadd.s32 s15, s3;
	[tilespmem:s11+$0x0] =	vst v0  }
0x243: {  	s11 =	sadd.s32 s14, s15;
	v0 =	vld [tilespmem:s12+$0x0];
	s14 =	smov.u32 s13  }
0x244: {  	v2 =	vld [tilespmem:s11+$0x0]  }
.Ltmp23:
0x245: {  	(pc) =	sbr.rel @p2 .LBB2_48-.Ltmp23, $3  }
0x246: {  	_ =	sdelay $0x1  }
0x247: {  	v0 =	vpsel !p1, $0x0, v0  }
0x248: {  	s13 =	sadd.s32 $0x10, s13;
	s12 =	sadd.s32 $0x10, s12;
	s15 =	sand.u32 $0x380, s14;
	v0 =	vadd.s32 v2, v0  }
0x249: {  	[tilespmem:s11+$0x0] =	vst v0  }
0x24a: {  	v0 =	vld [tilespmem:s12+$0x0];
	_ =	sdelay $0x1  }
0x24b: {  	s13 =	sand.u32 $0x70, s14;
	s30 =	sadd.s32 s15, s3  }
0x24c: {  	s31 =	sadd.s32 s13, s30  }
0x24d: {  	s9 =	sadd.s32 $0x1, s9;
	v2 =	vld [tilespmem:s31+$0x0]  }
0x24e: {  	v0 =	vpsel !p1, $0x0, v0;
	p1 =	sne.s32 s9, $0x10  }
.Ltmp24:
0x24f: {  	_ = 	snop;
	(pc) =	sbr.rel @p1 .LBB2_47-.Ltmp24, $3  }
0x250: {  	_ =	sdelay $0x1  }
0x251: {  	v0 =	vadd.s32 v2, v0  }
0x252: {  	[tilespmem:s31+$0x0] =	vst v0  }
0x253: {  	s1 =	sadd.s32 $0x1, s1  }
0x254: {  	p1 =	sne.s32 s1, $0xC  }
.Ltmp25:
0x255: {  	_ = 	snop;
	(pc) =	sbr.rel @p1 .LBB2_46-.Ltmp25, $1  }
0x256: {  	_ =	sdelay $0x3  }
0x257: {  	v0 =	vimm.s32 $0xEDCBA987  }
0x258: {  	v2 =	vimm.s32 $0x65432100;
	v3 =	vimm.s32 $0xFFEDCBA9;
	v4 =	vimm.s32 $0x87654321  }
0x259: {  	v0 =	vunpack.c.l.s4.s8 v0;
	v3 =	vunpack.c.l.s4.s8 v3;
	v4 =	vunpack.c.l.s4.s8 v4  }
0x25a: {  	v2 =	vunpack.c.l.s4.s8 v2  }
0x25b: {  	s0 =	simm.s32 $0x0;
	v0 =	vunpack.c.0.s8.s32 v0;
	v6 =	vunpack.c.0.s8.s32 v3;
	v4 =	vunpack.c.0.s8.s32 v4  }
0x25c: {  	s1 =	simm.s32 $0x18A18;
	s2 =	simm.s32 $0x1F018;
	s3 =	simm.s32 $0x9;
	v2 =	vunpack.c.0.s8.s32 v2  }
0x25d: {  	s8 =	simm.s32 $0x1F198;
	s9 =	simm.s32 $0x1BB18;
	s11 =	simm.s32 $0x80;
	v5 =	vand.u32 $0xF, v0;
	v0 =	vlaneseq.u32;
	v4 =	vcombine.low v4, v6  }
0x25e: {  	s12 =	simm.s32 $0x1F298;
	s13 =	simm.s32 $0x1F398;
	s14 =	simm.s32 $0x1F418;
	v2 =	vcombine.low v2, v5;
	v3 =	vor.u32 $0x80000000, v0;
	v5 =	vadd.s32 $0x1, v0  }
.LBB2_52:
0x25f: {  	s15 =	sshll.u32 s0, $0x7  }
0x260: {  	v6 =	vmov s1;
	s15 =	sadd.s32 s15, s6  }
0x261: {  	[tilespmem:s2], [sflag:$0x9] =	stream.linear.gather [spmem:s15], $0x80, $0x38;
	[tilespmem:$0x1FE18] =	vst v63  }
0x262: {  	_ =	swait.ge [sflag:s3], $0x80  }
0x263: {  	[sflag:s3] =	ssyncset.done $0x0  }
0x264: {  	s15 =	simm.s32 $0x0;
	[sflag:s3] =	ssyncadd.s32 $0xFFFFFF80  }
0x265: {  	v9 =	vld.idx.msk [tilespmem:v6+s15+$0x0 ss:$0x1], $0xffff;
	_ =	sdelay $0x4  }
0x266: {  	v8 =	vshra.s32 v9, $0xD  }
0x267: {  	v7 =	vshll.u32 v8, $0x4  }
0x268: {  	v7 =	vxor.u32 v3, v7  }
0x269: {  	(xrf1) =	vsort.ascd.msk.u32 $0xffff, v7, v0;
	_ =	sdelay $0xd  }
0x26a: {  	v7, _, _ =	vpop (xrf1)  }
0x26b: {  	v10 =	vshra.s32 v7, $0x4  }
0x26c: {  	v10 =	vxor.u32 $0xF8000000, v10  }
0x26d: {  	v11 =	vperm.xlane v10, v2;
	_ =	sdelay $0x1  }
0x26e: {  	vm1 =	veq.s32 v10, v11  }
0x26f: {  	v11 =	vsel vm1, $0x80000000, v3  }
0x270: {  	(xrf0) =	vmax.scan.msk.u32 $0xffff, v11;
	_ =	sdelay $0x1  }
0x271: {  	v11 =	vperm.xlane v10, v4;
	_ =	sdelay $0x1  }
0x272: {  	v7 =	vand.u32 $0xF, v7  }
0x273: {  	vm1 =	vne.s32 v10, v11  }
0x274: {  	vm1 =	vmor vm1, vm0;
	v11, _, _ =	vpop (xrf0)  }
0x275: {  	v11 =	vxor.u32 $0x80000000, v11  }
0x276: {  	v12 =	vsub.s32 v0, v11  }
0x277: {  	[tilespmem:v7+s8+$0x0] =	vst.idx.msk $0xffff, v12  }
0x278: {  	v7 =	vld [tilespmem:$0x1F198]  }
0x279: {  	v11 =	vsub.s32 v5, v11;
	v8 =	vld.idx.msk [tilespmem:v8+s9+$0x0], $0xffff  }
0x27a: {  	[tilespmem:v10+s9+$0x0] =	vst.idx.add.s32.msk vm1, v11  }
0x27b: {  	s16 =	simm.s32 $0x40;
	[tilespmem:s15+$0x1F398] =	vst v9;
	v9 =	vld [tilespmem:s15+$0x1F018]  }
.LBB2_53:
0x27c: {  	_ =	sdelay $0x1  }
0x27d: {  	p1 =	sne.s32 s16, $0x1C0;
	s17 =	smov.u32 s16;
	s16 =	sadd.s32 $0x40, s16;
	v7 =	vadd.s32 v7, v8  }
0x27e: {  	[tilespmem:s15+$0x1F298] =	vst v7  }
0x27f: {  	[tilespmem:s15+$0x1F418] =	vst v9;
	s15 =	sshra.s32 s17, $0x2  }
0x280: {  	v9 =	vld.idx.msk [tilespmem:v6+s15+$0x0 ss:$0x1], $0xffff;
	_ =	sdelay $0x5  }
0x281: {  	v8 =	vshra.s32 v9, $0xD  }
0x282: {  	v7 =	vshll.u32 v8, $0x4  }
0x283: {  	v7 =	vxor.u32 v3, v7  }
0x284: {  	(xrf1) =	vsort.ascd.msk.u32 $0xffff, v7, v0;
	_ =	sdelay $0xd  }
0x285: {  	v7, _, _ =	vpop (xrf1)  }
0x286: {  	v10 =	vshra.s32 v7, $0x4  }
0x287: {  	v10 =	vxor.u32 $0xF8000000, v10  }
0x288: {  	v11 =	vperm.xlane v10, v2;
	v12 =	vperm.xlane v10, v4;
	_ =	sdelay $0x1  }
0x289: {  	vm1 =	veq.s32 v10, v11;
	vm2 =	vne.s32 v10, v12  }
0x28a: {  	v11 =	vsel vm1, $0x80000000, v3  }
0x28b: {  	(xrf0) =	vmax.scan.msk.u32 $0xffff, v11;
	_ =	sdelay $0x3  }
0x28c: {  	v7 =	vand.u32 $0xF, v7  }
0x28d: {  	vm1 =	vmor vm2, vm0  }
0x28e: {  	v11, _, _ =	vpop (xrf0)  }
0x28f: {  	v11 =	vxor.u32 $0x80000000, v11  }
0x290: {  	v12 =	vsub.s32 v0, v11  }
.Ltmp26:
0x291: {  	[tilespmem:v7+s8+$0x0] =	vst.idx.msk $0xffff, v12;
	(pc) =	sbr.rel @p1 .LBB2_53-.Ltmp26, $4  }
0x292: {  	v11 =	vsub.s32 v5, v11;
	v7 =	vld [tilespmem:$0x1F198]  }
0x293: {  	v8 =	vld.idx.msk [tilespmem:v8+s9+$0x0], $0xffff  }
0x294: {  	[tilespmem:v10+s9+$0x0] =	vst.idx.add.s32.msk vm1, v11  }
0x295: {  	[tilespmem:s15+$0x1F398] =	vst v9;
	v9 =	vld [tilespmem:s15+$0x1F018]  }
0x296: {  	_ =	sdelay $0x1  }
0x297: {  	v6 =	vadd.s32 v7, v8  }
0x298: {  	[tilespmem:s15+$0x1F298] =	vst v6  }
0x299: {  	[tilespmem:s15+$0x1F418] =	vst v9  }
0x29a: {  	[spmem:s26] =	stream.indirect.scatter [tilespmem:s13], [sflag:$0x9], $0x1, s12, s11, $0xb8;
	[tilespmem:$0x1FE18] =	vst v63  }
0x29b: {  	s0 =	sadd.s32 $0x1, s0;
	_ =	swait.ge [sflag:s3], $0x80  }
0x29c: {  	p1 =	sne.s32 s0, $0x62;
	[sflag:s3] =	ssyncset.done $0x0  }
.Ltmp27:
0x29d: {  	[sflag:s3] =	ssyncadd.s32 $0xFFFFFF80;
	(pc) =	sbr.rel @p1 .LBB2_52-.Ltmp27, $4  }
0x29e: {  	[spmem:s28] =	stream.indirect.scatter [tilespmem:s14], [sflag:$0x9], $0x1, s12, s11, $0xb8;
	[tilespmem:$0x1FE18] =	vst v63  }
0x29f: {  	_ =	swait.ge [sflag:s3], $0x80  }
0x2a0: {  	[sflag:s3] =	ssyncset.done $0x0  }
0x2a1: {  	s1 =	sadd.s32 $0x80, s1;
	[sflag:s3] =	ssyncadd.s32 $0xFFFFFF80  }
0x2a2: {  	[bflag:$0x0] =	sbarrier.arrive $0xFFFF;
	s0 =	simm.s32 $0x1F218  }
0x2a3: {  	[tilespmem:s0], [sflag:$0x9] =	stream.linear.gather [spmem:s5], $0x10, $0x38;
	[tilespmem:$0x1FE18] =	vst v63  }
0x2a4: {  	s0 =	simm.s32 $0x9  }
0x2a5: {  	_ =	swait.ge [sflag:s0], $0x10  }
0x2a6: {  	[sflag:s0] =	ssyncset.done $0x0  }
0x2a7: {  	[sflag:s0] =	ssyncadd.s32 $0xFFFFFFF0  }
0x2a8: {  	v0 =	vld [tilespmem:$0x1F218];
	_ =	sdelay $0x3  }
0x2a9: {  	vm0 =	vmmov $0x7fff  }
0x2aa: {  	v0 =	vsel vm0, $0x80000000, v0  }
0x2ab: {  	v0 =	vxor.u32 $0x80000000, v0  }
0x2ac: {  	(xrf0) =	vmax.scan.msk.u32 $0xffff, v0;
	_ =	sdelay $0x5  }
0x2ad: {  	v0, _, _ =	vpop (xrf0)  }
0x2ae: {  	(v2sf) =	vpush v0, $0xF;
	_ =	sdelay $0xb  }
0x2af: {  	v0 =	vimm.s32 $0xEDCBA987  }
0x2b0: {  	v2 =	vimm.s32 $0x65432100;
	v0 =	vunpack.c.l.s4.s8 v0  }
0x2b1: {  	v2 =	vunpack.c.l.s4.s8 v2  }
0x2b2: {  	v0 =	vunpack.c.0.s8.s32 v0;
	s1 =	spop (v2sf)  }
0x2b3: {  	p1 =	seq.s32 s7, $0x0;
	s6 =	simm.s32 $0x0;
	v2 =	vunpack.c.0.s8.s32 v2;
	s2 =	sxor.u32 $0x80000000, s1  }
0x2b4: {  	s7 =	simm.s32 $0xFFFFFFFF;
	s3 =	smov.u32 s29;
	v3 =	vand.u32 $0xF, v0;
	v0 =	vlaneseq.u32;
	s2 =	simm.s32 @p1 $0xFFFFFFFF  }
0x2b5: {  	s5 =	simm.s32 $0x0;
	v2 =	vcombine.low v2, v3;
	v3 =	vimm.s32 $0x0;
	v4 =	vor.u32 $0x80000000, v0;
	s1 =	simm.s32 $0x1EF18;
	s8 =	smov.u32 s2  }
.LBB2_56:
0x2b6: {  	s9 =	sshll.u32 s5, $0x7  }
0x2b7: {  	s9 =	sadd.s32 s29, s9  }
0x2b8: {  	s9 =	sadd.s32 s9, s26  }
0x2b9: {  	[tilespmem:s1], [sflag:$0x9] =	stream.linear.gather [spmem:s9], $0x80, $0x38;
	[tilespmem:$0x1FE18] =	vst v63  }
0x2ba: {  	_ =	swait.ge [sflag:s0], $0x80  }
0x2bb: {  	[sflag:s0] =	ssyncset.done $0x0  }
0x2bc: {  	s16 =	simm.s32 $0x0;
	[sflag:s0] =	ssyncadd.s32 $0xFFFFFF80  }
0x2bd: {  	v5 =	vld [tilespmem:s16+$0x1EF18];
	_ =	sdelay $0x4  }
0x2be: {  	v6 =	vsel vm0, $0x80000000, v5  }
0x2bf: {  	s17 =	simm.s32 $0x10;
	v6 =	vxor.u32 $0x80000000, v6  }
0x2c0: {  	v7 =	vld [tilespmem:s17+$0x1EF18];
	(xrf0) =	vmax.scan.msk.u32 $0xffff, v6;
	_ =	sdelay $0x4  }
0x2c1: {  	s18 =	simm.s32 $0x20;
	v6 =	vsel vm0, $0x80000000, v7  }
0x2c2: {  	v8 =	vld [tilespmem:s18+$0x1EF18];
	v6 =	vxor.u32 $0x80000000, v6;
	v9, _, _ =	vpop (xrf0)  }
0x2c3: {  	(xrf0) =	vmax.scan.msk.u32 $0xffff, v6;
	v6 =	vperm.xlane v5, v2;
	(v2sf) =	vpush v9, $0xF  }
0x2c4: {  	vm1 =	veq.s32 v0, $0x0  }
0x2c5: {  	v6 =	vsel vm1, s8, v6  }
0x2c6: {  	v10 =	vor.u32 s3, v4;
	vm2 =	vne.s32 v5, v6  }
0x2c7: {  	v6 =	vnsel vm2, $0x7FFFFFFF, v10;
	v9 =	vsel vm0, $0x80000000, v8  }
0x2c8: {  	v5 =	vxor.u32 $0x80000000, v9  }
0x2c9: {  	(xrf0) =	vmax.scan.msk.u32 $0xffff, v5  }
0x2ca: {  	v5 =	vsel vm2, $0x1, v3;
	(xrf0) =	vmax.scan.msk.u32 $0xffff, v6;
	v6, _, _ =	vpop (xrf0)  }
0x2cb: {  	(xrf0) =	vadd.scan.msk.s32 $0xffff, v5;
	(v2sf) =	vpush v6, $0xF;
	_ =	sdelay $0x2  }
0x2cc: {  	s19 =	simm.s32 $0x30  }
0x2cd: {  	v6 =	vld [tilespmem:s19+$0x1EF18];
	v5, _, _ =	vpop (xrf0)  }
0x2ce: {  	(v2sf) =	vpush v5, $0xF;
	v5, _, _ =	vpop (xrf0)  }
0x2cf: {  	v9, _, _ =	vpop (xrf0);
	(v2sf) =	vpush v5, $0xF  }
0x2d0: {  	(v2sf) =	vpush v9, $0xF;
	v9 =	vperm.xlane v7, v2;
	s21 =	spop (v2sf)  }
0x2d1: {  	s20 =	simm.s32 $0x40;
	s22 =	sxor.u32 $0x80000000, s21  }
0x2d2: {  	s23 =	sadd.s32 $0x10, s3;
	v10 =	vsel vm0, $0x80000000, v6;
	v5 =	vld [tilespmem:s20+$0x1EF18];
	v9 =	vsel vm1, s22, v9  }
0x2d3: {  	v11 =	vor.u32 s23, v4;
	vm2 =	vne.s32 v7, v9;
	v7 =	vxor.u32 $0x80000000, v10  }
0x2d4: {  	v9 =	vnsel vm2, $0x7FFFFFFF, v11;
	(xrf0) =	vmax.scan.msk.u32 $0xffff, v7  }
0x2d5: {  	v7 =	vsel vm2, $0x1, v3;
	(xrf0) =	vmax.scan.msk.u32 $0xffff, v9  }
0x2d6: {  	(xrf0) =	vadd.scan.msk.s32 $0xffff, v7  }
0x2d7: {  	v9 =	vsel vm0, $0x80000000, v5  }
0x2d8: {  	s24 =	spop (v2sf);
	v7 =	vxor.u32 $0x80000000, v9;
	v9 =	vperm.xlane v8, v2  }
0x2d9: {  	s8 =	sxor.u32 $0x80000000, s24  }
0x2da: {  	(xrf0) =	vmax.scan.msk.u32 $0xffff, v7;
	v7 =	vsel vm1, s8, v9;
	v10, _, _ =	vpop (xrf0)  }
0x2db: {  	s9 =	sadd.s32 $0x10, s23;
	vm2 =	vne.s32 v8, v7;
	(v2sf) =	vpush v10, $0xF;
	v8, _, _ =	vpop (xrf0)  }
0x2dc: {  	v11 =	vor.u32 s9, v4;
	v12, _, _ =	vpop (xrf0);
	(v2sf) =	vpush v8, $0xF  }
0x2dd: {  	s31 =	simm.s32 $0x50;
	s30 =	spop (v2sf);
	v10 =	vnsel vm2, $0x7FFFFFFF, v11;
	(v2sf) =	vpush v12, $0xF  }
0x2de: {  	v13 =	vsel vm2, $0x1, v3;
	(xrf0) =	vmax.scan.msk.u32 $0xffff, v10;
	v10 =	vld [tilespmem:s31+$0x1EF18]  }
0x2df: {  	s11 =	sadd.s32 $0x10, s9;
	(xrf0) =	vadd.scan.msk.s32 $0xffff, v13  }
0x2e0: {  	s25 =	sadd.s32 $0x10, s11;
	v11 =	vperm.xlane v6, v2  }
0x2e1: {  	s9 =	sadd.s32 $0x10, s25;
	v9 =	vor.u32 s11, v4;
	s11 =	sxor.u32 $0x80000000, s30;
	s13 =	spop (v2sf)  }
0x2e2: {  	s12 =	simm.s32 $0x180;
	v7 =	vor.u32 s25, v4;
	s8 =	sxor.u32 $0x80000000, s13;
	v8 =	vor.u32 s9, v4;
	v12, _, _ =	vpop (xrf0);
	v11 =	vsel vm1, s11, v11;
	s11 =	spop (v2sf)  }
.LBB2_57:
0x2e3: {  	s13 =	smov.u32 s7;
	v13 =	vsel vm0, $0x80000000, v10;
	vm2 =	vne.s32 v6, v11;
	s6 =	sadd.s32 s6, s11;
	p2 =	sgt.s32 s7, s8  }
0x2e4: {  	v6 =	vmov v5;
	v5 =	vmov v10;
	s11 =	smov.u32 s12;
	s14 =	sadd.s32 $0x40, s12;
	s7 =	smov.u32 s8;
	(v2sf) =	vpush v12, $0xF;
	v11, _, _ =	vpop (xrf0)  }
0x2e5: {  	p1 =	sne.s32 s12, $0x1C0;
	s9 =	sadd.s32 $0x10, s9;
	v10 =	vxor.u32 $0x80000000, v13;
	v12 =	vnsel vm2, $0x7FFFFFFF, v9;
	s7 =	smov.u32 @p2 s13;
	v9, _, _ =	vpop (xrf0);
	(v2sf) =	vpush v11, $0xF  }
0x2e6: {  	v13 =	vsel vm2, $0x1, v3;
	v11 =	vor.u32 s9, v4;
	(xrf0) =	vmax.scan.msk.u32 $0xffff, v10;
	(v2sf) =	vpush v9, $0xF;
	v9 =	vmovc v7  }
0x2e7: {  	s8 =	sshra.s32 s11, $0x2;
	v7 =	vmov v8;
	v8 =	vmov v11;
	(xrf0) =	vmax.scan.msk.u32 $0xffff, v12  }
.Ltmp28:
0x2e8: {  	v10 =	vld [tilespmem:s8+$0x1EF18];
	(xrf0) =	vadd.scan.msk.s32 $0xffff, v13;
	(pc) =	sbr.rel @p1 .LBB2_57-.Ltmp28, $4  }
0x2e9: {  	_ = 	snop  }
0x2ea: {  	v11 =	vperm.xlane v6, v2;
	s8 =	spop (v2sf)  }
0x2eb: {  	s8 =	sxor.u32 $0x80000000, s8;
	s11 =	spop (v2sf)  }
0x2ec: {  	s12 =	smov.u32 s14;
	v12, _, _ =	vpop (xrf0);
	v11 =	vsel vm1, s8, v11;
	s8 =	sxor.u32 $0x80000000, s11;
	s11 =	spop (v2sf)  }
0x2ed: {  	(v2sf) =	vpush v12, $0xF;
	_ =	sdelay $0xa  }
0x2ee: {  	v61 =	vsel vm0, $0x80000000, v10;
	v13 =	vperm.xlane v5, v2;
	s9 =	spop (v2sf)  }
0x2ef: {  	vm1 =	vne.s32 v6, v11;
	vm2 =	veq.s32 v0, $0x0;
	v6 =	vxor.u32 $0x80000000, v61;
	s9 =	sxor.u32 $0x80000000, s9  }
0x2f0: {  	(xrf0) =	vmax.scan.msk.u32 $0xffff, v6;
	s12 =	spop (v2sf);
	v6 =	vsel vm2, s9, v13  }
0x2f1: {  	v9 =	vnsel vm1, $0x7FFFFFFF, v9;
	v63 =	vsel vm1, $0x1, v3;
	s13 =	spop (v2sf);
	vm1 =	vne.s32 v5, v6  }
0x2f2: {  	v62 =	vperm.xlane v10, v2;
	v5 =	vnsel vm1, $0x7FFFFFFF, v7;
	s18 =	spop (v2sf)  }
0x2f3: {  	(xrf0) =	vmax.scan.msk.u32 $0xffff, v9;
	v7 =	vsel vm1, $0x1, v3;
	s9 =	sxor.u32 $0x80000000, s18  }
0x2f4: {  	(xrf0) =	vadd.scan.msk.s32 $0xffff, v63;
	v6 =	vsel vm2, s9, v62  }
0x2f5: {  	(xrf0) =	vmax.scan.msk.u32 $0xffff, v5;
	v5, _, _ =	vpop (xrf0);
	vm1 =	vne.s32 v10, v6  }
0x2f6: {  	(xrf0) =	vadd.scan.msk.s32 $0xffff, v7;
	v7, _, _ =	vpop (xrf0);
	(v2sf) =	vpush v5, $0xF;
	v6 =	vnsel vm1, $0x7FFFFFFF, v8  }
0x2f7: {  	v5, _, _ =	vpop (xrf0);
	(v2sf) =	vpush v7, $0xF;
	(xrf0) =	vmax.scan.msk.u32 $0xffff, v6  }
0x2f8: {  	(v2sf) =	vpush v5, $0xF;
	v5 =	vsel vm1, $0x1, v3  }
0x2f9: {  	v6, _, _ =	vpop (xrf0)  }
0x2fa: {  	v7, _, _ =	vpop (xrf0);
	(v2sf) =	vpush v6, $0xF  }
0x2fb: {  	(xrf0) =	vadd.scan.msk.s32 $0xffff, v5;
	v5, _, _ =	vpop (xrf0);
	(v2sf) =	vpush v7, $0xF  }
0x2fc: {  	v6, _, _ =	vpop (xrf0);
	(v2sf) =	vpush v5, $0xF  }
0x2fd: {  	(v2sf) =	vpush v6, $0xF;
	v5, _, _ =	vpop (xrf0)  }
0x2fe: {  	(v2sf) =	vpush v5, $0xF;
	_ =	sdelay $0x5  }
0x2ff: {  	v5, _, _ =	vpop (xrf0)  }
0x300: {  	p1 =	sgt.s32 s7, s8;
	(v2sf) =	vpush v5, $0xF  }
0x301: {  	s8 =	smov.u32 @p1 s7;
	s7 =	sxor.u32 $0x80000000, s12;
	s19 =	spop (v2sf)  }
0x302: {  	p1 =	sgt.s32 s8, s7;
	s20 =	spop (v2sf)  }
0x303: {  	s7 =	smov.u32 @p1 s8;
	s9 =	sxor.u32 $0x80000000, s19;
	s21 =	spop (v2sf)  }
0x304: {  	p1 =	sgt.s32 s7, s9;
	s22 =	spop (v2sf)  }
0x305: {  	s9 =	smov.u32 @p1 s7;
	s7 =	sxor.u32 $0x80000000, s22;
	s23 =	spop (v2sf)  }
0x306: {  	p1 =	sgt.s32 s9, s7;
	s24 =	spop (v2sf)  }
0x307: {  	s7 =	smov.u32 @p1 s9;
	s9 =	sxor.u32 $0x80000000, s24;
	s25 =	spop (v2sf)  }
0x308: {  	p1 =	sgt.s32 s7, s9;
	s30 =	spop (v2sf)  }
0x309: {  	s9 =	smov.u32 @p1 s7;
	s7 =	sxor.u32 $0x80000000, s30  }
0x30a: {  	s5 =	sadd.s32 $0x1, s5;
	p1 =	sgt.s32 s9, s7  }
0x30b: {  	s6 =	sadd.s32 s6, s11;
	s7 =	smov.u32 @p1 s9;
	p1 =	sne.s32 s5, $0x62  }
.Ltmp29:
0x30c: {  	s6 =	sadd.s32 s6, s13;
	(pc) =	sbr.rel @p1 .LBB2_56-.Ltmp29, $4  }
0x30d: {  	s6 =	sadd.s32 s6, s20  }
0x30e: {  	s6 =	sadd.s32 s6, s23  }
0x30f: {  	s6 =	sadd.s32 s6, s25;
	s31 =	spop (v2sf)  }
0x310: {  	s3 =	sadd.s32 $0x80, s3;
	s8 =	sxor.u32 $0x80000000, s21;
	s6 =	sadd.s32 s6, s31  }
0x311: {  	v0 =	vmov s6;
	vm7 =	vcmask $0x300  }
0x312: {  	vm4 =	vcmask $0x704;
	v0 =	vnsel vm7, $0x0, v0  }
0x313: {  	v0 =	vsel vm4, s7, v0  }
0x314: {  	s0 =	simm.s32 $0x1F218;
	s1 =	simm.s32 $0x9;
	[tilespmem:$0x1F218] =	vst v0  }
0x315: {  	[spmem:s10] =	stream.linear.scatter [tilespmem:s0], [sflag:$0x9], $0x10, $0x38;
	[tilespmem:$0x1FE18] =	vst v63  }
0x316: {  	_ =	swait.ge [sflag:s1], $0x10  }
0x317: {  	v0 =	vlaneseq.u32;
	[sflag:s1] =	ssyncset.done $0x0  }
0x318: {  	v2 =	vmul.u32 $0x10, v0;
	[sflag:s1] =	ssyncadd.s32 $0xFFFFFFF0  }
0x319: {  	s30 =	simm.s32 $0x1F098;
	[bflag:$0x0] =	sbarrier.arrive $0xFFFF  }
0x31a: {  	v3 =	vor.u32 $0x1, v2;
	[tilespmem:s30], [sflag:$0x9] =	stream.linear.gather [spmem:s4], $0x100, $0x38;
	[tilespmem:$0x1FE18] =	vst v63  }
0x31b: {  	_ =	swait.ge [sflag:s1], $0x100  }
0x31c: {  	[sflag:s1] =	ssyncset.done $0x0  }
0x31d: {  	[sflag:s1] =	ssyncadd.s32 $0xFFFFFF00  }
0x31e: {  	v2 =	vld.idx.msk [tilespmem:v2+s30+$0x0], $0xffff  }
0x31f: {  	v3 =	vld.idx.msk [tilespmem:v3+s30+$0x0], $0xffff;
	_ =	sdelay $0x3  }
0x320: {  	vm2 =	vgt.u32 v1, v0  }
0x321: {  	v1 =	vnsel vm2, $0x0, v2;
	v2 =	vxor.u32 $0x80000000, v3  }
0x322: {  	(xrf0) =	vadd.scan.msk.s32 $0xffff, v1;
	v1 =	vnsel vm2, $0x7FFFFFFF, v2  }
0x323: {  	(xrf0) =	vmax.scan.msk.u32 $0xffff, v1;
	_ =	sdelay $0x4  }
0x324: {  	v1, _, _ =	vpop (xrf0)  }
0x325: {  	(v2sf) =	vpush v1, $0xF;
	v1, _, _ =	vpop (xrf0)  }
0x326: {  	(v2sf) =	vpush v1, $0xF;
	_ =	sdelay $0x6  }
0x327: {  	vm10 =	vcmask $0xB08;
	vm5 =	vcmask $0x1310  }
0x328: {  	vm14 =	vcmask $0x1B18;
	vm6 =	vcmask $0x2320;
	vm3 =	vcmask $0x2B28  }
0x329: {  	vm9 =	vcmask $0x3330;
	vm1 =	vmmov $0xff;
	vm15 =	vcmask $0x1714  }
0x32a: {  	vm11 =	vcmask $0x1F1C;
	vm12 =	vcmask $0x2724;
	v1 =	vimm.s32 $0xEDCBA987  }
0x32b: {  	v6 =	vimm.s32 $0x0;
	v2 =	vimm.s32 $0x65432100;
	v1 =	vunpack.c.l.s4.s8 v1  }
0x32c: {  	v6 =	vsel vm0, $0xFFFFFFFF, v6;
	v5 =	vmul.u32 $0x2, v0;
	v2 =	vunpack.c.l.s4.s8 v2  }
0x32d: {  	[tilespmem:$0x1FFE0] =	vst v6;
	v6 =	vimm.s32 $0x0;
	v3 =	vimm.s32 $0xECA86420;
	v1 =	vunpack.c.0.s8.s32 v1  }
0x32e: {  	v6 =	vsel vm1, $0xFFFFFFFF, v6;
	v4 =	vunpack.c.l.s4.s8 v3;
	v2 =	vunpack.c.0.s8.s32 v2;
	s3 =	spop (v2sf)  }
0x32f: {  	s11 =	smov.u32 s29;
	v3 =	vor.u32 $0x80000000, v0;
	vm2 =	vcmask $0x3734;
	v1 =	vand.u32 $0xF, v1;
	s31 =	spop (v2sf)  }
0x330: {  	[dreg:$0x18] =	wrdreg s29;
	s1 =	simm.s32 $0x0;
	[tilespmem:$0x1FFF0] =	vst v6;
	v4 =	vunpack.c.0.s8.s32 v4;
	v1 =	vcombine.low v2, v1;
	v2 =	vimm.s32 $0x0;
	s0 =	sxor.u32 $0x80000000, s31  }
.LBB2_60:
0x331: {  	s18 =	sshll.u32 s1, $0x7  }
0x332: {  	[dreg:$0x19] =	wrdreg s1;
	s1 =	sadd.s32 s29, s18  }
0x333: {  	s5 =	simm.s32 $0x1EF18;
	s19 =	simm.s32 $0x9;
	s4 =	sadd.s32 s1, s26  }
0x334: {  	[tilespmem:s5], [sflag:$0x9] =	stream.linear.gather [spmem:s4], $0x90, $0x38;
	[tilespmem:$0x1FE18] =	vst v63  }
0x335: {  	_ =	swait.ge [sflag:s19], $0x90  }
0x336: {  	[sflag:s19] =	ssyncset.done $0x0  }
0x337: {  	s20 =	simm.s32 $0x1F018;
	s1 =	sadd.s32 s1, s28;
	[sflag:s19] =	ssyncadd.s32 $0xFFFFFF70  }
0x338: {  	[tilespmem:s20], [sflag:$0x9] =	stream.linear.gather [spmem:s1], $0x80, $0x38;
	[tilespmem:$0x1FE18] =	vst v63  }
0x339: {  	_ =	swait.ge [sflag:s19], $0x80  }
0x33a: {  	[sflag:s19] =	ssyncset.done $0x0  }
0x33b: {  	s29 =	simm.s32 $0x0;
	[sflag:s19] =	ssyncadd.s32 $0xFFFFFF80  }
0x33c: {  	v6 =	vld [tilespmem:s29+$0x1EF18];
	_ =	sdelay $0x4  }
0x33d: {  	(v2sf) =	vpush v6, $0x7;
	_ =	sdelay $0x1  }
0x33e: {  	(v2sf) =	vpush v6, $0x0;
	_ =	sdelay $0x1  }
0x33f: {  	(v2sf) =	vpush v6, $0x1  }
0x340: {  	(v2sf) =	vpush v6, $0x2  }
0x341: {  	(v2sf) =	vpush v6, $0x3  }
0x342: {  	(v2sf) =	vpush v6, $0x4;
	_ =	sdelay $0x1  }
0x343: {  	(v2sf) =	vpush v6, $0xC;
	_ =	sdelay $0x2  }
0x344: {  	(v2sf) =	vpush v6, $0x8;
	_ =	sdelay $0x1  }
0x345: {  	(v2sf) =	vpush v6, $0xD  }
0x346: {  	s21 =	spop (v2sf)  }
0x347: {  	(v2sf) =	vpush v6, $0x9;
	s22 =	smulhi.u32 $0x77280773, s21;
	s1 =	sshra.s32 s21, $0x1F  }
0x348: {  	s23 =	spop (v2sf);
	s1 =	smul.u32 $0x77280773, s1  }
0x349: {  	s6 =	sshra.s32 s23, $0x1F;
	s5 =	smulhi.u32 $0x77280773, s23  }
0x34a: {  	(v2sf) =	vpush v6, $0x5;
	s7 =	spop (v2sf);
	s6 =	smul.u32 $0x77280773, s6  }
0x34b: {  	(v2sf) =	vpush v6, $0xE;
	s8 =	spop (v2sf);
	s9 =	sshra.s32 s7, $0x1F;
	s7 =	smulhi.u32 $0x77280773, s7  }
0x34c: {  	s10 =	spop (v2sf);
	s1 =	sadd.s32 s1, s22;
	s24 =	smul.u32 $0x77280773, s9  }
0x34d: {  	(v2sf) =	vpush v6, $0xA;
	s12 =	sshra.s32 s8, $0x1F;
	s8 =	smulhi.u32 $0x77280773, s8;
	s25 =	spop (v2sf)  }
0x34e: {  	s13 =	sadd.s32 s6, s5;
	s5 =	sshra.s32 s1, $0x1F;
	s26 =	smul.u32 $0x77280773, s12  }
0x34f: {  	s14 =	sshra.s32 s10, $0x1F;
	s10 =	smulhi.u32 $0x77280773, s10;
	s12 =	spop (v2sf)  }
0x350: {  	(v2sf) =	vpush v6, $0xF;
	s15 =	sshra.s32 s13, $0x14;
	s14 =	smul.u32 $0x77280773, s14;
	s18 =	sshra.s32 s25, $0x1F  }
0x351: {  	s19 =	sshra.s32 s13, $0x1F;
	s21 =	sadd.s32 s24, s7;
	s7 =	smulhi.u32 $0x77280773, s25  }
0x352: {  	v7 =	vperm.xlane v6, v1;
	s16 =	spop (v2sf);
	s18 =	smul.u32 $0x77280773, s18;
	s28 =	sshra.s32 s12, $0x1F  }
0x353: {  	vm13 =	vmmov vm2;
	vm2 =	veq.s32 v0, $0x0;
	(v2sf) =	vpush v6, $0xB;
	s24 =	sshra.s32 s21, $0x14;
	s26 =	sadd.s32 s26, s8;
	s8 =	smulhi.u32 $0x77280773, s12  }
0x354: {  	v7 =	vsel vm2, s2, v7;
	s17 =	spop (v2sf);
	s22 =	sshra.s32 s16, $0x1F;
	s23 =	smul.u32 $0x77280773, s28  }
0x355: {  	vm2 =	vne.s32 v6, v7;
	v8 =	vmov s5;
	s28 =	sshra.s32 s21, $0x1F;
	s6 =	sadd.s32 s14, s10;
	s12 =	smulhi.u32 $0x77280773, s16  }
0x356: {  	v7 =	vor.u32 s11, v3;
	(v2sf) =	vpush v6, $0x6;
	v8 =	vsel vm7, s15, v8;
	s21 =	sshrl.u32 s21, $0x1F;
	s20 =	spop (v2sf);
	s22 =	smul.u32 $0x77280773, s22  }
0x357: {  	v7 =	vnsel vm2, $0x7FFFFFFF, v7;
	v8 =	vsel vm4, s19, v8;
	s10 =	sshra.s32 s17, $0x1F;
	s4 =	sadd.s32 s18, s7;
	s16 =	smulhi.u32 $0x77280773, s17  }
0x358: {  	(xrf0) =	vmax.scan.msk.u32 $0xffff, v7;
	s15 =	sshra.s32 s6, $0x14;
	v7 =	vsel vm10, s24, v8;
	s24 =	sshrl.u32 s26, $0x1F;
	s10 =	smul.u32 $0x77280773, s10  }
0x359: {  	s9 =	spop (v2sf);
	s18 =	sshra.s32 s20, $0x1F;
	s20 =	smulhi.u32 $0x77280773, s20  }
0x35a: {  	s17 =	sadd.s32 s23, s8;
	s25 =	spop (v2sf);
	s18 =	smul.u32 $0x77280773, s18  }
0x35b: {  	vm8 =	vmmov vm3;
	vm3 =	vcmask $0xF0C;
	s23 =	sshra.s32 s9, $0x1F;
	s12 =	sadd.s32 s22, s12;
	s2 =	smulhi.u32 $0x77280773, s9  }
0x35c: {  	v7 =	vsel vm3, s28, v7;
	s9 =	sshrl.u32 s13, $0x1F;
	s28 =	sshrl.u32 s17, $0x1F;
	s14 =	spop (v2sf)  }
0x35d: {  	s22 =	smul.u32 $0x77280773, s23;
	s10 =	sadd.s32 s10, s16;
	s16 =	sshra.s32 s26, $0x14  }
0x35e: {  	s23 =	sshra.s32 s26, $0x1F;
	s19 =	sshra.s32 s25, $0x1F;
	v8 =	vmov s9;
	s9 =	sshra.s32 s17, $0x14  }
0x35f: {  	s17 =	smulhi.u32 $0x77280773, s25;
	s7 =	spop (v2sf);
	s13 =	sadd.s32 s18, s20  }
0x360: {  	s18 =	sshra.s32 s6, $0x1F;
	s20 =	sshra.s32 s14, $0x1F;
	s19 =	smul.u32 $0x77280773, s19  }
0x361: {  	s14 =	smulhi.u32 $0x77280773, s14;
	s25 =	sshrl.u32 s10, $0x1F;
	s6 =	sshrl.u32 s6, $0x1F  }
0x362: {  	v9 =	vmov s3;
	s10 =	sshra.s32 s10, $0x14;
	s8 =	spop (v2sf);
	s2 =	sadd.s32 s22, s2  }
0x363: {  	v9 =	vadd.s32 $0xFFFFFFFF, v9;
	v7 =	vsel vm5, s16, v7;
	s22 =	sshra.s32 s4, $0x14;
	s26 =	sshra.s32 s7, $0x1F;
	s16 =	smul.u32 $0x77280773, s20  }
0x364: {  	v9 =	vbroadcast v9, $0x0;
	v8 =	vnsel vm7, $0x0, v8;
	v7 =	vsel vm15, s23, v7;
	s23 =	sshrl.u32 s12, $0x1F;
	s12 =	sshra.s32 s12, $0x14;
	s7 =	smulhi.u32 $0x77280773, s7  }
0x365: {  	v12 =	vsel vm2, $0x1, v2;
	v10, _, _ =	vpop (xrf0);
	v11 =	vmov s28;
	v8 =	vsel vm10, s21, v8;
	s5 =	spop (v2sf);
	s20 =	sshra.s32 s8, $0x1F;
	s21 =	smul.u32 $0x77280773, s26  }
0x366: {  	v10 =	vxor.u32 $0x80000000, v10;
	v14 =	vmov s9;
	v11 =	vsel vm10, s25, v11;
	s26 =	sshrl.u32 s13, $0x1F;
	s13 =	sshra.s32 s13, $0x14;
	s28 =	sshra.s32 s2, $0x14  }
0x367: {  	v14 =	vsel vm10, s10, v14;
	vm15 =	vcmask $0x2F2C;
	v7 =	vsel vm14, s15, v7;
	s17 =	sadd.s32 s19, s17;
	s8 =	smulhi.u32 $0x77280773, s8;
	s15 =	sshra.s32 s5, $0x1F  }
0x368: {  	v13 =	vmov s23;
	v8 =	vsel vm5, s24, v8;
	v7 =	vsel vm11, s18, v7;
	s18 =	sshra.s32 s4, $0x1F;
	s20 =	smul.u32 $0x77280773, s20;
	s19 =	sshrl.u32 s17, $0x1F  }
0x369: {  	v15 =	vmov s12;
	vm11 =	vgt.s32 v10, s0;
	s4 =	sshrl.u32 s4, $0x1F;
	s5 =	smulhi.u32 $0x77280773, s5;
	s25 =	sshra.s32 s17, $0x14;
	v7 =	vsel vm6, s22, v7  }
0x36a: {  	v13 =	vsel vm10, s26, v13;
	v8 =	vsel vm14, s6, v8;
	s26 =	sshra.s32 s2, $0x1F;
	s2 =	sshrl.u32 s2, $0x1F;
	v7 =	vsel vm12, s18, v7;
	s18 =	sadd.s32 s16, s14  }
0x36b: {  	v15 =	vsel vm10, s13, v15;
	s15 =	smul.u32 $0x77280773, s15;
	s7 =	sadd.s32 s21, s7;
	v11 =	vsel vm5, s19, v11;
	v8 =	vsel vm6, s4, v8;
	s24 =	sshrl.u32 s18, $0x1F  }
0x36c: {  	(xrf0) =	vadd.scan.msk.s32 $0xffff, v12;
	s8 =	sadd.s32 s20, s8;
	s10 =	sshra.s32 s7, $0x14;
	v8 =	vsel vm8, s2, v8;
	v7 =	vsel vm8, s28, v7;
	s9 =	sshra.s32 s18, $0x14;
	v12 =	vsel vm5, s24, v13  }
0x36d: {  	s28 =	sshrl.u32 s7, $0x1F;
	s5 =	sadd.s32 s15, s5;
	v13 =	vsel vm5, s25, v14;
	v14 =	vsel vm5, s9, v15;
	v7 =	vsel vm15, s26, v7;
	s9 =	sshrl.u32 s8, $0x1F  }
0x36e: {  	s14 =	sshra.s32 s8, $0x14;
	v11 =	vsel vm14, s28, v11;
	s12 =	sshrl.u32 s5, $0x1F;
	s13 =	sshra.s32 s5, $0x14;
	v12 =	vsel vm14, s9, v12;
	v13 =	vsel vm14, s10, v13  }
0x36f: {  	s15 =	sshra.s32 s5, $0x1F;
	v8 =	vsel vm9, s12, v8;
	v7 =	vsel vm9, s13, v7;
	v14 =	vsel vm14, s14, v14  }
0x370: {  	s16 =	sshrl.u32 s1, $0x1F;
	s1 =	sshra.s32 s1, $0x14;
	v11 =	vcombine.low v12, v11;
	v7 =	vsel vm13, s15, v7;
	vm13 =	vcmask $0x3B38  }
0x371: {  	v12 =	vcombine.low v14, v13;
	v8 =	vsel vm13, s16, v8;
	v7 =	vsel vm13, s1, v7  }
0x372: {  	v10 =	vnsel vm11, s0, v10;
	v13, _, _ =	vpop (xrf0);
	v8 =	vperm.xlane v8, v5;
	v7 =	vperm.xlane v7, v5  }
0x373: {  	v11 =	vperm.xlane v11, v4;
	v12 =	vperm.xlane v12, v4;
	v14 =	vxor.u32 $0x80000000, v13  }
0x374: {  	vm11 =	vlt.s32 v6, $0x55F0000;
	v16 =	vxor.u32 $0x80000000, v10;
	v15 =	vsub.s32 $0x0, v6;
	(xrf0) =	vmax.scan.msk.u32 $0xffff, v14  }
0x375: {  	vm15 =	vmmov vm4;
	v8 =	vsel vm1, v8, v11;
	v7 =	vsel vm1, v7, v12;
	(xrf0) =	vmax.scan.msk.u32 $0xffff, v16  }
0x376: {  	v9 =	vadd.s32 v13, v9;
	v12 =	vsel vm0, $0x80000000, v6;
	v7 =	vadd.s32 v8, v7  }
0x377: {  	v11 =	vor.u32 s11, v0;
	v8 =	vxor.u32 $0x80000000, v12;
	v12 =	vmul.u32 $0xFFDDA000, v7  }
0x378: {  	vm9 =	vmmov vm12;
	vm13 =	vlt.s32 v6, $0x1;
	vm12 =	vlt.s32 v9, $0x4E20;
	(xrf0) =	vmax.scan.msk.u32 $0xffff, v8  }
0x379: {  	v13 =	vld [tilespmem:s29+$0x1EF19];
	vm11 =	vmand vm11, vm12;
	v14 =	vand.u32 $0xFFF, v11;
	vm12 =	vne.s32 v12, v15  }
0x37a: {  	v10 =	vsub.s32 v11, v10;
	v8 =	vmul.u32 $0x23, v9;
	vm12 =	vmand vm13, vm12;
	v11, _, _ =	vpop (xrf0)  }
0x37b: {  	vm2 =	vmand vm11, vm2;
	v12 =	vld [tilespmem:s29+$0x1F018];
	v16 =	vsel vm12, $0xFFFFFFFF, v2;
	(v2sf) =	vpush v11, $0xF;
	v11, _, _ =	vpop (xrf0)  }
0x37c: {  	vm4 =	vlt.s32 v10, $0x23;
	(v2sf) =	vpush v11, $0xF;
	v11 =	vadd.s32 v16, v7  }
0x37d: {  	v15 =	vadd.s32 $0x4E20, v14;
	v8 =	vadd.s32 v8, v10;
	v7 =	vmul.u32 $0xFFDDA000, v11  }
0x37e: {  	v10 =	vadd.s32 $0x1, v10;
	vm12 =	vne.s32 v6, v13;
	v13 =	vsel vm2, v9, v15;
	v16, _, _ =	vpop (xrf0)  }
0x37f: {  	v13 =	vmul.u32 $0x3, v13;
	(v2sf) =	vpush v16, $0xF;
	v7 =	vadd.s32 v6, v7  }
0x380: {  	v14 =	vshll.u32 v14, $0x2;
	vm2 =	vmand vm11, vm4;
	[tilespmem:s29+$0x1F318] =	vst v12;
	(v2sf) =	vpush v7, $0x7  }
0x381: {  	[tilespmem:s29+$0x1F498] =	vst v13;
	v6 =	vshll.u32 v8, $0x2;
	v8 =	vadd.s32 $0x2AB980, v14;
	(v2sf) =	vpush v7, $0x0  }
0x382: {  	vm13 =	vlt.s32 v10, $0x23;
	[tilespmem:s29+$0x1FC98] =	vst v11;
	v6 =	vsel vm2, v6, v8;
	(v2sf) =	vpush v7, $0x1  }
0x383: {  	vm2 =	vmand vm12, vm11;
	v8 =	vnsel vm13, $0x23, v10;
	[tilespmem:s29+$0x1F298] =	vst v6;
	(v2sf) =	vpush v7, $0x2  }
0x384: {  	v6 =	vsel vm2, v9, v15;
	[tilespmem:s29+$0x1F398] =	vst v8;
	(v2sf) =	vpush v7, $0x3  }
0x385: {  	s17 =	simm.s32 $0x10;
	[tilespmem:s29+$0x1F418] =	vst v6;
	(v2sf) =	vpush v7, $0x4  }
0x386: {  	v6 =	vld [tilespmem:s17+$0x1EF18];
	(v2sf) =	vpush v7, $0xC  }
0x387: {  	(v2sf) =	vpush v7, $0x8  }
0x388: {  	(v2sf) =	vpush v7, $0xD  }
0x389: {  	(v2sf) =	vpush v7, $0x9  }
0x38a: {  	(v2sf) =	vpush v7, $0x5  }
0x38b: {  	(v2sf) =	vpush v6, $0x7  }
0x38c: {  	s0 =	spop (v2sf)  }
0x38d: {  	s7 =	spop (v2sf);
	(v2sf) =	vpush v6, $0x0  }
0x38e: {  	s5 =	spop (v2sf)  }
0x38f: {  	(v2sf) =	vpush v6, $0x1;
	s18 =	spop (v2sf)  }
0x390: {  	(v2sf) =	vpush v6, $0x2;
	s19 =	spop (v2sf)  }
0x391: {  	s20 =	spop (v2sf)  }
0x392: {  	s16 =	spop (v2sf)  }
0x393: {  	(v2sf) =	vpush v6, $0x3;
	s9 =	spop (v2sf)  }
0x394: {  	s14 =	smulhi.u32 $0x2E8BA2E9, s18;
	s2 =	sshra.s32 s18, $0x1F;
	s12 =	spop (v2sf)  }
0x395: {  	s15 =	smul.u32 $0x2E8BA2E9, s2;
	(v2sf) =	vpush v6, $0x4;
	s21 =	spop (v2sf)  }
0x396: {  	s22 =	sshra.s32 s19, $0x1F;
	s4 =	smulhi.u32 $0x2E8BA2E9, s19;
	s10 =	spop (v2sf)  }
0x397: {  	s17 =	smul.u32 $0x2E8BA2E9, s22;
	(v2sf) =	vpush v6, $0xC;
	s23 =	spop (v2sf)  }
0x398: {  	s24 =	sshra.s32 s20, $0x1F;
	s20 =	smulhi.u32 $0x2E8BA2E9, s20;
	s25 =	spop (v2sf)  }
0x399: {  	s19 =	smul.u32 $0x2E8BA2E9, s24;
	(v2sf) =	vpush v6, $0x8;
	s26 =	spop (v2sf)  }
0x39a: {  	[smem:$0x7FA] =	sst s21;
	s28 =	spop (v2sf)  }
0x39b: {  	[smem:$0x7FB] =	sst s23;
	(v2sf) =	vpush v6, $0xD;
	s21 =	smulhi.u32 $0x77280773, s28;
	s13 =	sshra.s32 s28, $0x1F  }
0x39c: {  	s29 =	spop (v2sf);
	s23 =	smul.u32 $0x77280773, s13  }
0x39d: {  	[smem:$0x7FD] =	sst s26;
	(v2sf) =	vpush v6, $0x9;
	s1 =	sshra.s32 s29, $0x1F;
	s24 =	smulhi.u32 $0x77280773, s29  }
0x39e: {  	s2 =	spop (v2sf);
	s22 =	smul.u32 $0x77280773, s1  }
0x39f: {  	(v2sf) =	vpush v6, $0x5;
	s6 =	sshra.s32 s2, $0x1F;
	s8 =	spop (v2sf);
	s26 =	smulhi.u32 $0x77280773, s2  }
0x3a0: {  	[smem:$0x7FC] =	sst s25;
	(v2sf) =	vpush v6, $0xE;
	s25 =	smul.u32 $0x77280773, s6;
	s29 =	sshra.s32 s8, $0x1F  }
0x3a1: {  	[dreg:$0x1a] =	wrdreg s11;
	s5 =	sxor.u32 $0x80000000, s5;
	s28 =	smul.u32 $0x77280773, s29  }
0x3a2: {  	s18 =	sadd.s32 s0, s3;
	s1 =	spop (v2sf);
	s29 =	smulhi.u32 $0x77280773, s8  }
0x3a3: {  	s8 =	sadd.s32 s15, s14;
	s30 =	sshra.s32 s1, $0x1F;
	s14 =	smulhi.u32 $0x77280773, s1  }
0x3a4: {  	s3 =	sadd.s32 s19, s20;
	s30 =	smul.u32 $0x77280773, s30;
	s2 =	spop (v2sf)  }
0x3a5: {  	v8 =	vperm.xlane v6, v1;
	s13 =	sadd.s32 s17, s4;
	s6 =	sshra.s32 s2, $0x1F;
	s31 =	smulhi.u32 $0x77280773, s2  }
0x3a6: {  	vm0 =	veq.s32 v0, $0x0;
	s4 =	sadd.s32 s23, s21;
	s15 =	smul.u32 $0x77280773, s6;
	s0 =	spop (v2sf)  }
0x3a7: {  	v8 =	vsel vm0, s5, v8;
	s22 =	sadd.s32 s22, s24;
	s6 =	sshra.s32 s0, $0x1F;
	s5 =	smulhi.u32 $0x77280773, s0  }
0x3a8: {  	s26 =	sadd.s32 s25, s26;
	s1 =	spop (v2sf);
	s2 =	smul.u32 $0x77280773, s6  }
0x3a9: {  	(v2sf) =	vpush v6, $0xA;
	s25 =	sadd.s32 s28, s29;
	s20 =	sshra.s32 s1, $0x1F;
	s1 =	smulhi.u32 $0x77280773, s1  }
0x3aa: {  	s28 =	sadd.s32 s30, s14;
	s21 =	smul.u32 $0x77280773, s20;
	s17 =	spop (v2sf)  }
0x3ab: {  	s6 =	sadd.s32 $0x10, s11;
	s0 =	sshra.s32 s17, $0x1F;
	s14 =	smulhi.u32 $0x77280773, s17  }
0x3ac: {  	vm11 =	vne.s32 v6, v8;
	s29 =	sadd.s32 s15, s31;
	v8 =	vor.u32 s6, v3;
	s23 =	spop (v2sf);
	s19 =	smul.u32 $0x77280773, s0  }
0x3ad: {  	v8 =	vnsel vm11, $0x7FFFFFFF, v8;
	s2 =	sadd.s32 s2, s5;
	s11 =	sshra.s32 s23, $0x1F;
	s5 =	smulhi.u32 $0x77280773, s23  }
0x3ae: {  	(xrf0) =	vmax.scan.msk.u32 $0xffff, v8;
	v8 =	vsel vm11, $0x1, v2;
	s20 =	spop (v2sf);
	s23 =	sadd.s32 s21, s1;
	s0 =	smul.u32 $0x77280773, s11  }
0x3af: {  	(xrf0) =	vadd.scan.msk.s32 $0xffff, v8;
	s11 =	sshra.s32 s20, $0x1F;
	s15 =	spop (v2sf);
	s17 =	smulhi.u32 $0x77280773, s20  }
0x3b0: {  	s21 =	sshra.s32 s4, $0x1F;
	s24 =	smul.u32 $0x77280773, s11;
	s11 =	sshra.s32 s15, $0x1F  }
0x3b1: {  	(v2sf) =	vpush v6, $0xF;
	s20 =	sxor.u32 $0x80000000, s7;
	s1 =	sadd.s32 s19, s14;
	s19 =	smul.u32 $0x77280773, s11  }
0x3b2: {  	(v2sf) =	vpush v6, $0xB;
	v8 =	vmov s21;
	s7 =	sshrl.u32 s26, $0x1F;
	s21 =	sadd.s32 s0, s5;
	s11 =	smulhi.u32 $0x77280773, s15  }
0x3b3: {  	vm1 =	vmmov vm7;
	vm12 =	vlt.s32 v6, $0x55F0000;
	s15 =	sshra.s32 s22, $0x14;
	s5 =	sadd.s32 $0x80000000, s18;
	s0 =	sshrl.u32 s22, $0x1F  }
0x3b4: {  	vm0 =	vlt.s32 v7, $0x1;
	(v2sf) =	vpush v6, $0x6;
	v19 =	vor.u32 s6, v0;
	v9, _, _ =	vpop (xrf0);
	s14 =	sadd.s32 s24, s17;
	s24 =	sshra.s32 s16, $0x1F;
	s17 =	sadd.s32 s19, s11  }
0x3b5: {  	v20 =	vand.u32 $0xFFF, v19;
	v8 =	vsel vm7, s15, v8;
	v9 =	vxor.u32 $0x80000000, v9;
	v10, _, _ =	vpop (xrf0);
	s15 =	smul.u32 $0x2E8BA2E9, s24;
	s11 =	sshra.s32 s22, $0x1F;
	s19 =	sshra.s32 s26, $0x14  }
0x3b6: {  	s24 =	smov.u32 s8;
	s22 =	sshra.s32 s26, $0x1F;
	s26 =	sshra.s32 s3, $0x8;
	vm2 =	vgt.s32 v9, s20;
	v11 =	vxor.u32 $0x80000000, v10;
	v8 =	vsel vm15, s11, v8  }
0x3b7: {  	s11 =	sshra.s32 s25, $0x14;
	v12 =	vnsel vm2, s20, v9;
	v8 =	vsel vm10, s19, v8;
	s20 =	sshra.s32 s8, $0x1F;
	s8 =	sshra.s32 s13, $0x8;
	vm2 =	vcmask $0x1F1C  }
0x3b8: {  	(xrf0) =	vmax.scan.msk.u32 $0xffff, v11;
	s19 =	spop (v2sf);
	v9 =	vxor.u32 $0x80000000, v12;
	v11 =	vmov s20;
	v8 =	vsel vm3, s22, v8;
	s20 =	sshra.s32 s13, $0x1F;
	s22 =	sshra.s32 s25, $0x1F  }
0x3b9: {  	v12 =	vsub.s32 v19, v12;
	(xrf0) =	vmax.scan.msk.u32 $0xffff, v9;
	v9 =	vsel vm7, s8, v11;
	v8 =	vsel vm5, s11, v8;
	s8 =	sshra.s32 s28, $0x14;
	s11 =	sshra.s32 s19, $0x1F;
	s19 =	smulhi.u32 $0x77280773, s19  }
0x3ba: {  	v11 =	vmov s0;
	v9 =	vsel vm15, s20, v9;
	vm15 =	vcmask $0x1714;
	s0 =	smul.u32 $0x77280773, s11;
	s20 =	sshra.s32 s3, $0x1F;
	s11 =	sshra.s32 s9, $0x1F  }
0x3bb: {  	v11 =	vnsel vm7, $0x0, v11;
	v8 =	vsel vm15, s22, v8;
	v9 =	vsel vm10, s26, v9;
	s22 =	sshra.s32 s28, $0x1F;
	s26 =	sshrl.u32 s25, $0x1F;
	s25 =	sshrl.u32 s23, $0x1F  }
0x3bc: {  	vm7 =	vcmask $0x3734;
	v11 =	vsel vm10, s7, v11;
	s18 =	smul.u32 $0x2E8BA2E9, s11;
	s7 =	sshra.s32 s29, $0x1F;
	s11 =	sshrl.u32 s28, $0x1F;
	v13 =	vsel vm14, s8, v8  }
0x3bd: {  	s28 =	sshra.s32 s14, $0x14;
	v8 =	vsel vm3, s20, v9;
	s8 =	sshra.s32 s29, $0x14;
	v14 =	vmov s25;
	v11 =	vsel vm5, s26, v11;
	s26 =	sshra.s32 s23, $0x14  }
0x3be: {  	s0 =	sadd.s32 s0, s19;
	s20 =	sshrl.u32 s21, $0x1F;
	s23 =	sshra.s32 s21, $0x14;
	vm3 =	vcmask $0x3B38;
	v9 =	vsel vm2, s22, v13;
	v17 =	vmov s26  }
0x3bf: {  	s22 =	sshrl.u32 s2, $0x1F;
	s2 =	sshra.s32 s2, $0x14;
	v14 =	vsel vm10, s20, v14;
	v11 =	vsel vm14, s11, v11;
	s11 =	sshrl.u32 s0, $0x1F;
	v9 =	vsel vm6, s8, v9  }
0x3c0: {  	s26 =	sshrl.u32 s29, $0x1F;
	s0 =	sshra.s32 s0, $0x14;
	v16 =	vmov s2;
	s2 =	spop (v2sf);
	v17 =	vsel vm10, s23, v17;
	v14 =	vsel vm5, s11, v14;
	v13, _, _ =	vpop (xrf0)  }
0x3c1: {  	v9 =	vsel vm9, s7, v9;
	s7 =	spop (v2sf);
	(v2sf) =	vpush v13, $0xF;
	v13 =	vmov s22;
	s22 =	sshra.s32 s2, $0x1F;
	s2 =	smulhi.u32 $0x77280773, s2  }
0x3c2: {  	s8 =	sshrl.u32 s1, $0x1F;
	s1 =	sshra.s32 s1, $0x14;
	v11 =	vsel vm6, s26, v11;
	v17 =	vsel vm5, s0, v17;
	v15, _, _ =	vpop (xrf0);
	v18 =	vsel vm8, s28, v9;
	s26 =	smulhi.u32 $0x77280773, s7  }
0x3c3: {  	s25 =	sshra.s32 s7, $0x1F;
	v9 =	vimm.s32 $0x0;
	(v2sf) =	vpush v15, $0xF;
	v15 =	vsel vm10, s1, v16;
	s1 =	smul.u32 $0x77280773, s22  }
0x3c4: {  	s29 =	spop (v2sf);
	v13 =	vsel vm10, s8, v13;
	v16 =	vmov s5;
	s19 =	smul.u32 $0x77280773, s25;
	v9 =	vsel vm0, $0xFFFFFFFF, v9  }
0x3c5: {  	s8 =	sshrl.u32 s17, $0x1F;
	s25 =	sshra.s32 s29, $0x1F;
	s17 =	sshra.s32 s17, $0x14;
	vm0 =	vcmask $0x2F2C;
	(v2sf) =	vpush v7, $0xE;
	v16 =	vadd.s32 $0xFFFFFFFF, v16  }
0x3c6: {  	s28 =	smulhi.u32 $0x77280773, s29;
	s29 =	sshra.s32 s14, $0x1F;
	s14 =	sshrl.u32 s14, $0x1F;
	v13 =	vsel vm5, s8, v13;
	v15 =	vsel vm5, s17, v15;
	(v2sf) =	vpush v7, $0xA  }
0x3c7: {  	s20 =	smul.u32 $0x77280773, s25;
	v18 =	vsel vm0, s29, v18;
	v16 =	vbroadcast v16, $0x0;
	s1 =	sadd.s32 s1, s2;
	s2 =	sadd.s32 s19, s26;
	(v2sf) =	vpush v7, $0xF  }
0x3c8: {  	v11 =	vsel vm8, s14, v11;
	vm8 =	vcmask $0x3330;
	s8 =	sshrl.u32 s1, $0x1F;
	s11 =	sshrl.u32 s2, $0x1F;
	(v2sf) =	vpush v7, $0xB  }
0x3c9: {  	s7 =	sadd.s32 s20, s28;
	s1 =	sshra.s32 s1, $0x14;
	s20 =	sshra.s32 s2, $0x14;
	v10 =	vadd.s32 v10, v16;
	v13 =	vsel vm14, s8, v13;
	v14 =	vsel vm14, s11, v14  }
0x3ca: {  	v61 =	vld [tilespmem:$0x1FFE0];
	s14 =	sshrl.u32 s7, $0x1F;
	s17 =	sshra.s32 s7, $0x14;
	v15 =	vsel vm14, s1, v15;
	v17 =	vsel vm14, s20, v17;
	vm4 =	vlt.s32 v10, $0x4E20  }
0x3cb: {  	v22 =	vld [tilespmem:$0x1FFF0];
	s16 =	smulhi.u32 $0x2E8BA2E9, s16;
	s21 =	sshra.s32 s7, $0x1F;
	v21 =	vmul.u32 $0x23, v10;
	v11 =	vsel vm8, s14, v11;
	v18 =	vsel vm8, s17, v18  }
0x3cc: {  	s31 =	simm.s32 $0x20;
	s23 =	sshrl.u32 s4, $0x1F;
	s25 =	sshra.s32 s4, $0x14;
	v13 =	vcombine.low v14, v13;
	v15 =	vcombine.low v17, v15;
	v14 =	vsel vm7, s21, v18  }
0x3cd: {  	s4 =	sadd.s32 s15, s16;
	s26 =	smulhi.u32 $0x2E8BA2E9, s9;
	s28 =	sshra.s32 s12, $0x1F;
	vm12 =	vmand vm12, vm4;
	v11 =	vsel vm3, s23, v11;
	v14 =	vsel vm3, s25, v14  }
0x3ce: {  	s9 =	sld [smem:$0x7FA];
	s8 =	simm.s32 $0x10;
	s1 =	smul.u32 $0x2E8BA2E9, s28;
	vm4 =	vmand vm12, vm11;
	v11 =	vperm.xlane v11, v5;
	v13 =	vperm.xlane v13, v4  }
0x3cf: {  	s18 =	sadd.s32 s18, s26;
	s28 =	smulhi.u32 $0x2E8BA2E9, s12;
	s20 =	sld [smem:$0x7FB];
	v15 =	vperm.xlane v15, v4;
	vm11 =	vnez.u8 v61;
	v14 =	vperm.xlane v14, v5  }
0x3d0: {  	s26 =	sshra.s32 s10, $0x1F;
	s10 =	smulhi.u32 $0x2E8BA2E9, s10;
	s21 =	sshrl.u32 s13, $0x1F;
	v19 =	vadd.s32 v21, v12;
	v21 =	vsel vm11, $0x80000000, v6;
	vm11 =	vnez.u8 v22  }
0x3d1: {  	s29 =	sshra.s32 s4, $0x8;
	v17 =	vld [tilespmem:s8+$0x1EF19];
	s2 =	smul.u32 $0x2E8BA2E9, s26;
	v11 =	vsel vm11, v11, v13;
	v13 =	vsel vm11, v14, v15;
	v15 =	vmov s21;
	s21 =	sld [smem:$0x7FC]  }
0x3d2: {  	vm13 =	vlt.s32 v6, $0x1;
	s25 =	sshra.s32 s9, $0x1F;
	s23 =	sshra.s32 s20, $0x1F;
	s20 =	smulhi.u32 $0x2E8BA2E9, s20  }
0x3d3: {  	s3 =	sshrl.u32 s3, $0x1F;
	[tilespmem:$0x1FFB0] =	vst v9;
	v9 =	vsub.s32 $0x0, v7;
	v8 =	vsel vm5, s29, v8;
	(v2sf) =	vpush v7, $0x6;
	s2 =	sadd.s32 s2, s10;
	s29 =	smul.u32 $0x2E8BA2E9, s25  }
0x3d4: {  	vm0 =	vmmov vm15;
	vm15 =	vlt.s32 v12, $0x23;
	v16 =	vsub.s32 $0x0, v6;
	s25 =	sshra.s32 s21, $0x1F;
	s21 =	smulhi.u32 $0x2E8BA2E9, s21;
	s19 =	spop (v2sf)  }
0x3d5: {  	v18 =	vadd.s32 $0x4E20, v20;
	v12 =	vadd.s32 $0x1, v12;
	v11 =	vadd.s32 v11, v13;
	s13 =	smul.u32 $0x2E8BA2E9, s25;
	s22 =	sadd.s32 s19, s5;
	s14 =	spop (v2sf)  }
0x3d6: {  	v21 =	vxor.u32 $0x80000000, v21;
	vm11 =	vne.s32 v6, v17;
	v13 =	vmul.u32 $0xFFDDA000, v11;
	s5 =	sshra.s32 s4, $0x1F;
	s19 =	smulhi.u32 $0x2E8BA2E9, s9;
	s9 =	sadd.s32 s1, s28  }
0x3d7: {  	(xrf0) =	vmax.scan.msk.u32 $0xffff, v21;
	v14 =	vsel vm4, v10, v18;
	vm4 =	vmand vm12, vm15;
	v17 =	vshll.u32 v19, $0x2;
	s28 =	sshra.s32 s18, $0x1F;
	s4 =	sshrl.u32 s4, $0x1F;
	s11 =	sadd.s32 $0x80000000, s22  }
0x3d8: {  	v14 =	vmul.u32 $0x3, v14;
	vm15 =	vne.s32 v13, v16;
	v16 =	vld [tilespmem:s8+$0x1F018];
	s17 =	spop (v2sf);
	v8 =	vsel vm0, s5, v8;
	s22 =	sshra.s32 s18, $0x8;
	s5 =	smul.u32 $0x2E8BA2E9, s23  }
0x3d9: {  	v15 =	vnsel vm1, $0x0, v15;
	vm11 =	vmand vm11, vm12;
	vm15 =	vmand vm13, vm15;
	s8 =	sshra.s32 s9, $0x8;
	s13 =	sadd.s32 s13, s21;
	s18 =	sshrl.u32 s18, $0x1F  }
0x3da: {  	vm1 =	vcmask $0x2B28;
	v19 =	vsel vm15, $0xFFFFFFFF, v2;
	s16 =	spop (v2sf);
	v8 =	vsel vm14, s22, v8;
	s22 =	sld [smem:$0x7FD];
	s0 =	sadd.s32 s29, s19  }
0x3db: {  	v15 =	vsel vm10, s3, v15;
	v13 =	vshll.u32 v20, $0x2;
	s29 =	sshra.s32 s17, $0x1F;
	v11 =	vadd.s32 v19, v11;
	[dreg:$0xc] =	wrdreg s11;
	s15 =	spop (v2sf)  }
0x3dc: {  	v13 =	vadd.s32 $0x2AB980, v13;
	v8 =	vsel vm2, s28, v8;
	s23 =	sshra.s32 s16, $0x1F;
	s25 =	sshrl.u32 s0, $0x1F;
	v19 =	vmul.u32 $0xFFDDA000, v11;
	s28 =	simm.s32 $0x10  }
0x3dd: {  	v10 =	vsel vm11, v10, v18;
	vm13 =	vlt.s32 v12, $0x23;
	v20, _, _ =	vpop (xrf0);
	v13 =	vsel vm4, v17, v13;
	s5 =	sadd.s32 s5, s20;
	s0 =	sshra.s32 s0, $0x8;
	s19 =	smul.u32 $0x2E8BA2E9, s29;
	[tilespmem:s28+$0x1F318] =	vst v16  }
0x3de: {  	v15 =	vsel vm5, s4, v15;
	(v2sf) =	vpush v20, $0xF;
	s29 =	sshra.s32 s9, $0x1F;
	s16 =	smulhi.u32 $0x2E8BA2E9, s16;
	s9 =	sshrl.u32 s9, $0x1F;
	[tilespmem:s28+$0x1F498] =	vst v14;
	v6 =	vadd.s32 v6, v19  }
0x3df: {  	v12 =	vnsel vm13, $0x23, v12;
	v18 =	vmov s11;
	s7 =	spop (v2sf);
	s3 =	sshra.s32 s15, $0x1F;
	s10 =	smul.u32 $0x2E8BA2E9, s23;
	[tilespmem:s28+$0x1F298] =	vst v13;
	(v2sf) =	vpush v6, $0x7  }
0x3e0: {  	v15 =	vsel vm14, s18, v15;
	v8 =	vsel vm6, s8, v8;
	v20 =	vmov s25;
	v14 =	vld [tilespmem:$0x1FFB0];
	s11 =	sshrl.u32 s5, $0x1F;
	s23 =	smulhi.u32 $0x2E8BA2E9, s17;
	[tilespmem:s28+$0x1F398] =	vst v12;
	s25 =	sshrl.u32 s13, $0x1F  }
0x3e1: {  	v16 =	vadd.s32 $0xFFFFFFFF, v18;
	v13 =	vmov s0;
	[tilespmem:s28+$0x1F418] =	vst v10;
	s28 =	sshra.s32 s5, $0x8;
	s26 =	sshra.s32 s22, $0x1F;
	s22 =	smulhi.u32 $0x2E8BA2E9, s22;
	(v2sf) =	vpush v6, $0x0  }
0x3e2: {  	v15 =	vsel vm6, s9, v15;
	s17 =	sadd.s32 $0x10, s6;
	s12 =	spop (v2sf);
	v12 =	vsel vm9, s29, v8;
	v10 =	vsel vm10, s11, v20;
	s0 =	smul.u32 $0x2E8BA2E9, s3  }
0x3e3: {  	s4 =	sshra.s32 s7, $0x1F;
	s29 =	sshra.s32 s13, $0x8;
	v13 =	vsel vm10, s28, v13;
	v20 =	vimm.s32 $0x0;
	s1 =	smul.u32 $0x2E8BA2E9, s26;
	(v2sf) =	vpush v6, $0x1  }
0x3e4: {  	s13 =	simm.s32 $0x10;
	s7 =	smulhi.u32 $0x2E8BA2E9, s7;
	s26 =	sshrl.u32 s2, $0x1F;
	vm11 =	vlt.s32 v6, $0x1;
	v8 =	vsub.s32 $0x0, v6;
	(v2sf) =	vpush v6, $0x2  }
0x3e5: {  	s4 =	smul.u32 $0x2E8BA2E9, s4;
	v17 =	vmov s26;
	s26 =	simm.s32 $0x10;
	s1 =	sadd.s32 s1, s22;
	vm0 =	vnez.u8 v14;
	(v2sf) =	vpush v6, $0x3  }
0x3e6: {  	s20 =	sshra.s32 s12, $0x1F;
	s28 =	smulhi.u32 $0x2E8BA2E9, s12;
	[tilespmem:s26+$0x1FC98] =	vst v11;
	v17 =	vsel vm10, s25, v17;
	v14 =	vimm.s32 $0x0;
	s18 =	sshra.s32 s1, $0x8;
	vm0 =	vmmov vm0  }
0x3e7: {  	s2 =	sshra.s32 s2, $0x8;
	[dreg:$0xb] =	wrdreg s13;
	s22 =	smul.u32 $0x2E8BA2E9, s20;
	v11 =	vld [tilespmem:s31+$0x1EF18];
	v12 =	vsel vm1, s18, v12;
	v14 =	vsel vm0, $0xFFFFFFFF, v14;
	(v2sf) =	vpush v6, $0x4  }
0x3e8: {  	s25 =	smulhi.u32 $0x2E8BA2E9, s15;
	[tilespmem:$0x1FFC0] =	vst v14;
	v14 =	vbroadcast v16, $0x0;
	v16 =	vmov s2;
	s2 =	sadd.s32 s19, s23;
	s19 =	sadd.s32 s10, s16;
	(v2sf) =	vpush v6, $0xC  }
0x3e9: {  	s3 =	sadd.s32 s4, s7;
	vm0 =	vcmask $0x2F2C;
	v16 =	vsel vm10, s29, v16;
	s21 =	sshrl.u32 s2, $0x1F;
	s23 =	sshrl.u32 s19, $0x1F;
	(v2sf) =	vpush v6, $0x8  }
0x3ea: {  	s2 =	sshra.s32 s2, $0x8;
	s26 =	sshra.s32 s19, $0x8;
	s29 =	sshra.s32 s1, $0x1F;
	v10 =	vsel vm5, s21, v10;
	v17 =	vsel vm5, s23, v17;
	(v2sf) =	vpush v6, $0xD  }
0x3eb: {  	s0 =	sadd.s32 s0, s25;
	s5 =	sadd.s32 s22, s28;
	s1 =	sshrl.u32 s1, $0x1F;
	v13 =	vsel vm5, s2, v13;
	v16 =	vsel vm5, s26, v16;
	v18 =	vsel vm0, s29, v12  }
0x3ec: {  	s12 =	sshrl.u32 s3, $0x1F;
	s8 =	sshrl.u32 s0, $0x1F;
	s11 =	sshra.s32 s5, $0x8;
	v15 =	vsel vm1, s1, v15;
	v19 =	vperm.xlane v11, v1;
	(v2sf) =	vpush v6, $0x9  }
0x3ed: {  	s0 =	sshra.s32 s0, $0x8;
	s15 =	sshrl.u32 s5, $0x1F;
	v12 =	vsub.s32 $0x0, v11;
	vm0 =	vlt.s32 v11, $0x1;
	(v2sf) =	vpush v6, $0x5;
	s9 =	spop (v2sf)  }
0x3ee: {  	s5 =	sshra.s32 s5, $0x1F;
	v20 =	vsel vm0, $0xFFFFFFFF, v20;
	vm0 =	veq.s32 v0, $0x0;
	(v2sf) =	vpush v11, $0x7;
	s10 =	sxor.u32 $0x80000000, s9;
	s20 =	spop (v2sf)  }
0x3ef: {  	s16 =	sshrl.u32 s24, $0x1F;
	v10 =	vsel vm14, s8, v10;
	(v2sf) =	vpush v11, $0x0;
	v19 =	vsel vm0, s10, v19;
	s21 =	smulhi.u32 $0x2E8BA2E9, s20;
	s8 =	sshra.s32 s20, $0x1F  }
0x3f0: {  	s19 =	sshra.s32 s24, $0x8;
	(v2sf) =	vpush v11, $0x1;
	vm15 =	vne.s32 v11, v19;
	v19 =	vor.u32 s17, v3;
	s22 =	spop (v2sf);
	s24 =	smul.u32 $0x2E8BA2E9, s8  }
0x3f1: {  	s2 =	sxor.u32 $0x80000000, s14;
	v18 =	vsel vm8, s11, v18;
	(v2sf) =	vpush v11, $0x2;
	v19 =	vnsel vm15, $0x7FFFFFFF, v19;
	s23 =	sshra.s32 s22, $0x1F;
	s29 =	smulhi.u32 $0x2E8BA2E9, s22  }
0x3f2: {  	s14 =	sshra.s32 s3, $0x8;
	v13 =	vsel vm14, s0, v13;
	(v2sf) =	vpush v11, $0x3;
	(xrf0) =	vmax.scan.msk.u32 $0xffff, v19;
	v19 =	vsel vm15, $0x1, v2;
	s25 =	spop (v2sf);
	s0 =	smul.u32 $0x2E8BA2E9, s23  }
0x3f3: {  	v17 =	vsel vm14, s12, v17;
	v16 =	vsel vm14, s14, v16;
	(v2sf) =	vpush v11, $0x4;
	(xrf0) =	vadd.scan.msk.s32 $0xffff, v19;
	v19 =	vld [tilespmem:s31+$0x1F018];
	s26 =	sshra.s32 s25, $0x1F;
	s28 =	spop (v2sf);
	s10 =	smulhi.u32 $0x2E8BA2E9, s25  }
0x3f4: {  	v15 =	vsel vm8, s15, v15;
	v18 =	vsel vm7, s5, v18;
	(v2sf) =	vpush v11, $0xC;
	s1 =	sadd.s32 s24, s21;
	s18 =	spop (v2sf);
	s5 =	smul.u32 $0x2E8BA2E9, s26  }
0x3f5: {  	v10 =	vcombine.low v17, v10;
	v13 =	vcombine.low v16, v13;
	(v2sf) =	vpush v11, $0x8;
	s11 =	sshra.s32 s28, $0x1F;
	s22 =	smulhi.u32 $0x2E8BA2E9, s28;
	[dreg:$0xd] =	wrdreg s1  }
0x3f6: {  	v15 =	vsel vm3, s16, v15;
	v16 =	vsel vm3, s19, v18;
	(v2sf) =	vpush v11, $0xD;
	s7 =	sshra.s32 s1, $0x1F;
	s1 =	spop (v2sf);
	s9 =	sadd.s32 s0, s29  }
0x3f7: {  	[tilespmem:$0x1FFD0] =	vst v20;
	v18 =	vperm.xlane v15, v5;
	v16 =	vperm.xlane v16, v5;
	(v2sf) =	vpush v11, $0x9;
	s4 =	smul.u32 $0x2E8BA2E9, s11;
	s23 =	sshra.s32 s18, $0x1F;
	[dreg:$0xe] =	wrdreg s9  }
0x3f8: {  	v20 =	vperm.xlane v10, v4;
	v62 =	vperm.xlane v13, v4;
	(v2sf) =	vpush v11, $0x5;
	s20 =	spop (v2sf);
	s14 =	sshra.s32 s9, $0x8;
	[dreg:$0x11] =	wrdreg s22;
	[tilespmem:s31+$0x1F318] =	vst v19;
	v19 =	vld [tilespmem:$0x1FFF0]  }
0x3f9: {  	vm0 =	vcmask $0x300;
	v17 =	vmov s7;
	s8 =	sadd.s32 s5, s10;
	s26 =	smul.u32 $0x2E8BA2E9, s23;
	v15, _, _ =	vpop (xrf0);
	(v2sf) =	vpush v11, $0xE;
	[dreg:$0x10] =	wrdreg s4  }
0x3fa: {  	s15 =	sshra.s32 s9, $0x1F;
	s0 =	spop (v2sf);
	v13 =	vsel vm0, s14, v17;
	vm0 =	vcmask $0x704;
	[dreg:$0xf] =	wrdreg s8;
	v10 =	vxor.u32 $0x80000000, v15  }
0x3fb: {  	s19 =	sshra.s32 s8, $0x8;
	(v2sf) =	vpush v11, $0xA;
	s16 =	spop (v2sf);
	v63 =	vsel vm0, s15, v13;
	[dreg:$0x12] =	wrdreg s26;
	vm2 =	vgt.s32 v10, s2  }
0x3fc: {  	s28 =	sshra.s32 s8, $0x1F;
	vm0 =	vcmask $0xF0C;
	[dreg:$0x13] =	wrdreg s16;
	s21 =	spop (v2sf);
	v15 =	vnsel vm2, s2, v10;
	v10 =	vsel vm10, s19, v63  }
0x3fd: {  	s30 =	simm.s32 $0xC0;
	v17, _, _ =	vpop (xrf0);
	(v2sf) =	vpush v11, $0xF;
	[dreg:$0x14] =	wrdreg s21;
	s24 =	spop (v2sf);
	v10 =	vsel vm0, s28, v10;
	vm0 =	vnez.u8 v19  }
0x3fe: {  	s13 =	simm.s32 $0x0;
	v23 =	vxor.u32 $0x80000000, v17;
	[dreg:$0x15] =	wrdreg s24;
	s25 =	spop (v2sf);
	v18 =	vsel vm0, v18, v20;
	v16 =	vsel vm0, v16, v62  }
0x3ff: {  	(v2sf) =	vpush v11, $0xB;
	v14 =	vadd.s32 v17, v14;
	s4 =	smulhi.u32 $0x77280773, s25;
	s5 =	sshra.s32 s25, $0x1F;
	s7 =	spop (v2sf);
	v16 =	vadd.s32 v18, v16  }
0x400: {  	vm2 =	vlt.s32 v11, $0x55F0000;
	v24 =	vxor.u32 $0x80000000, v15;
	(xrf0) =	vmax.scan.msk.u32 $0xffff, v23;
	s29 =	sshra.s32 s7, $0x1F;
	s5 =	smul.u32 $0x77280773, s5;
	s12 =	spop (v2sf);
	v18 =	vmul.u32 $0xFFFFFA80, v16  }
0x401: {  	v13 =	vld [tilespmem:s31+$0x1EF19];
	s19 =	simm.s32 $0x100;
	v17 =	vor.u32 s17, v0;
	(v2sf) =	vpush v11, $0x6;
	vm12 =	vlt.s32 v14, $0x4E20;
	(xrf0) =	vmax.scan.msk.u32 $0xffff, v24;
	s6 =	smul.u32 $0x77280773, s29;
	s8 =	spop (v2sf)  }
.LBB2_61:
0x402: {  	s21 =	smulhi.u32 $0x77280773, s7;
	vm0 =	vne.s32 v18, v9;
	v18 =	vld [tilespmem:$0x1FFC0]  }
0x403: {  	s26 =	smulhi.u32 $0x77280773, s12  }
0x404: {  	[dreg:$0x16] =	wrdreg s30;
	s22 =	sshra.s32 s12, $0x1F;
	s3 =	smulhi.u32 $0x77280773, s8  }
0x405: {  	s29 =	sshra.s32 s8, $0x1F;
	s16 =	smul.u32 $0x77280773, s22;
	s9 =	spop (v2sf)  }
0x406: {  	v19 =	vand.u32 $0xFFF, v17;
	s7 =	sadd.s32 s5, s4;
	s12 =	smul.u32 $0x77280773, s29;
	s4 =	spop (v2sf)  }
0x407: {  	v20 =	vmul.u32 $0x23, v14;
	v15 =	vsub.s32 v17, v15;
	s14 =	sadd.s32 s6, s21;
	s15 =	sshra.s32 s7, $0x1F;
	s25 =	spop (v2sf);
	vm1 =	vnez.u8 v18  }
0x408: {  	vm6 =	vcmask $0x300;
	s29 =	smov.u32 s31;
	s24 =	sshra.s32 s14, $0x14;
	v17, _, _ =	vpop (xrf0);
	v18 =	vmov s15;
	s28 =	spop (v2sf);
	vm0 =	vmand vm1, vm0  }
0x409: {  	s2 =	sshra.s32 s14, $0x1F;
	s11 =	sshra.s32 s9, $0x1F;
	(v2sf) =	vpush v17, $0xF;
	v17, _, _ =	vpop (xrf0);
	v18 =	vsel vm6, s24, v18;
	s23 =	spop (v2sf);
	v21 =	vsel vm0, $0xFFFFFFFF, v2  }
0x40a: {  	s6 =	sadd.s32 s16, s26;
	s11 =	smul.u32 $0x77280773, s11;
	(v2sf) =	vpush v17, $0xF;
	vm1 =	vcmask $0x704;
	s24 =	spop (v2sf);
	v16 =	vadd.s32 v21, v16  }
0x40b: {  	v17 =	vadd.s32 v20, v15;
	s15 =	sshra.s32 s24, $0x1F;
	v20 =	vmul.u32 $0xFFFFFA80, v16;
	[tilespmem:s13+$0x1FD18] =	vst v16;
	v16 =	vsel vm1, s2, v18;
	s2 =	sshra.s32 s4, $0x1F;
	s4 =	smulhi.u32 $0x77280773, s4  }
0x40c: {  	s30 =	sadd.s32 s12, s3;
	s26 =	spop (v2sf);
	s15 =	smul.u32 $0x77280773, s15  }
0x40d: {  	s10 =	sshra.s32 s6, $0x14;
	s5 =	sshra.s32 s26, $0x1F;
	s26 =	smulhi.u32 $0x77280773, s26  }
0x40e: {  	vm2 =	vmand vm2, vm12;
	vm3 =	vcmask $0xF0C;
	s14 =	sshrl.u32 s14, $0x1F;
	s12 =	sshra.s32 s6, $0x1F;
	v16 =	vsel vm10, s10, v16;
	s10 =	smulhi.u32 $0x77280773, s9  }
0x40f: {  	vm12 =	vmand vm2, vm15;
	v9 =	vmovc v8;
	vm15 =	vlt.s32 v15, $0x23;
	v8 =	vadd.s32 $0x4E20, v19;
	s3 =	sshra.s32 s30, $0x1F;
	s21 =	spop (v2sf);
	s2 =	smul.u32 $0x77280773, s2  }
0x410: {  	s6 =	sshrl.u32 s6, $0x1F;
	v15 =	vadd.s32 $0x1, v15;
	vm0 =	vne.s32 v11, v13;
	v13 =	vsel vm12, v14, v8;
	s22 =	spop (v2sf);
	s5 =	smul.u32 $0x77280773, s5  }
0x411: {  	vm12 =	vmand vm2, vm15;
	v13 =	vmul.u32 $0x3, v13;
	v16 =	vsel vm3, s12, v16;
	s12 =	sshra.s32 s30, $0x14;
	s8 =	spop (v2sf);
	s30 =	sshrl.u32 s30, $0x1F  }
0x412: {  	v17 =	vshll.u32 v17, $0x2;
	vm13 =	vlt.s32 v15, $0x23;
	v18 =	vshll.u32 v19, $0x2;
	s9 =	spop (v2sf);
	s11 =	sadd.s32 s11, s10;
	s10 =	sshra.s32 s23, $0x1F  }
0x413: {  	v18 =	vadd.s32 $0x2AB980, v18;
	[tilespmem:s31+$0x1F498] =	vst v13;
	v13 =	vsel vm5, s12, v16;
	v16 =	vadd.s32 v7, v20;
	s4 =	sadd.s32 s2, s4;
	s2 =	smulhi.u32 $0x77280773, s28;
	s5 =	sadd.s32 s5, s26  }
0x414: {  	vm0 =	vmand vm0, vm2;
	v17 =	vsel vm12, v17, v18;
	vm12 =	vcmask $0x1714;
	s12 =	spop (v2sf);
	[tilespmem:s13+$0x1FD98] =	vst v16;
	s13 =	sshra.s32 s28, $0x1F;
	s10 =	smul.u32 $0x77280773, s10  }
0x415: {  	v7 =	vmovc v6;
	v6 =	vsel vm0, v14, v8;
	v8 =	vnsel vm13, $0x23, v15;
	v13 =	vsel vm12, s3, v13;
	s16 =	sshra.s32 s11, $0x14;
	[tilespmem:s31+$0x1F298] =	vst v17;
	s31 =	sshra.s32 s25, $0x1F;
	s3 =	smul.u32 $0x77280773, s13  }
0x416: {  	s28 =	sshra.s32 s4, $0x14;
	s13 =	sshra.s32 s11, $0x1F;
	[tilespmem:s29+$0x1F398] =	vst v8;
	s31 =	smul.u32 $0x77280773, s31  }
0x417: {  	vm13 =	vcmask $0x1F1C;
	s11 =	sshrl.u32 s11, $0x1F;
	[tilespmem:s29+$0x1F418] =	vst v6;
	v6 =	vmov s14;
	v8 =	vsel vm14, s16, v13;
	s14 =	smulhi.u32 $0x77280773, s25;
	s16 =	sshra.s32 s21, $0x1F  }
0x418: {  	vm15 =	vcmask $0x2320;
	v8 =	vsel vm13, s13, v8;
	s13 =	sshra.s32 s22, $0x1F;
	s2 =	sadd.s32 s3, s2;
	s16 =	smul.u32 $0x77280773, s16  }
0x419: {  	v6 =	vnsel vm6, $0x0, v6;
	s3 =	sshra.s32 s8, $0x1F;
	s8 =	smulhi.u32 $0x77280773, s8;
	v8 =	vsel vm15, s28, v8;
	s28 =	rddreg [dreg:$0xc]  }
0x41a: {  	v6 =	vsel vm10, s6, v6;
	s14 =	sadd.s32 s31, s14;
	s13 =	smul.u32 $0x77280773, s13;
	s25 =	spop (v2sf)  }
0x41b: {  	s31 =	sshra.s32 s12, $0x1F;
	s3 =	smul.u32 $0x77280773, s3;
	v6 =	vsel vm5, s30, v6;
	s6 =	sadd.s32 s25, s28  }
0x41c: {  	v6 =	vsel vm14, s11, v6;
	s11 =	smul.u32 $0x77280773, s31;
	s28 =	spop (v2sf);
	s6 =	sadd.s32 $0x80000000, s6  }
0x41d: {  	s3 =	sadd.s32 s3, s8;
	[dreg:$0xc] =	wrdreg s6;
	v13 =	vmov s6;
	s6 =	smulhi.u32 $0x77280773, s23  }
0x41e: {  	vm0 =	vmmov vm11;
	v14 =	vimm.s32 $0x0;
	s25 =	sxor.u32 $0x80000000, s28;
	s28 =	sshrl.u32 s14, $0x1F;
	s23 =	smulhi.u32 $0x77280773, s24  }
0x41f: {  	v14 =	vsel vm0, $0xFFFFFFFF, v14;
	s14 =	sshra.s32 s14, $0x14;
	s24 =	sshra.s32 s9, $0x1F;
	s9 =	smulhi.u32 $0x77280773, s9;
	v13 =	vadd.s32 $0xFFFFFFFF, v13  }
0x420: {  	[tilespmem:$0x1FFC0] =	vst v14;
	v14 =	vbroadcast v13, $0x0;
	v13 =	vmov s28;
	s28 =	sshrl.u32 s2, $0x1F;
	s2 =	sshra.s32 s2, $0x14;
	s6 =	sadd.s32 s10, s6  }
0x421: {  	vm8 =	vcmask $0x2B28;
	vm7 =	vcmask $0x2F2C;
	vm9 =	vcmask $0x3330;
	s10 =	smulhi.u32 $0x77280773, s21;
	s21 =	sshra.s32 s4, $0x1F;
	s4 =	sshrl.u32 s4, $0x1F  }
0x422: {  	vm4 =	vmmov vm10;
	vm2 =	vcmask $0x3734;
	v15 =	vmov s28;
	s28 =	sadd.s32 s15, s23;
	s15 =	smulhi.u32 $0x77280773, s22;
	s22 =	sshrl.u32 s6, $0x1F  }
0x423: {  	vm11 =	vcmask $0x2724;
	(v2sf) =	vpush v7, $0xE;
	v17 =	vmov s2;
	s2 =	smul.u32 $0x77280773, s24;
	s6 =	sshra.s32 s6, $0x14;
	s23 =	sshrl.u32 s28, $0x1F  }
0x424: {  	(v2sf) =	vpush v7, $0xA;
	v16 =	vmov s14;
	v8 =	vsel vm11, s21, v8;
	s26 =	sshra.s32 s28, $0x14;
	s28 =	sshra.s32 s5, $0x14;
	s10 =	sadd.s32 s16, s10  }
0x425: {  	v6 =	vsel vm15, s4, v6;
	v13 =	vsel vm10, s22, v13;
	v15 =	vsel vm10, s23, v15;
	s13 =	sadd.s32 s13, s15;
	s21 =	sshrl.u32 s10, $0x1F;
	s23 =	smulhi.u32 $0x77280773, s12  }
0x426: {  	v16 =	vsel vm10, s6, v16;
	v17 =	vsel vm10, s26, v17;
	v8 =	vsel vm8, s28, v8;
	s10 =	sshra.s32 s10, $0x14;
	s26 =	sshra.s32 s5, $0x1F;
	s28 =	sshrl.u32 s3, $0x1F  }
0x427: {  	s2 =	sadd.s32 s2, s9;
	s22 =	sshrl.u32 s13, $0x1F;
	v13 =	vsel vm5, s21, v13;
	v16 =	vsel vm5, s10, v16;
	s24 =	sshra.s32 s13, $0x14;
	v8 =	vsel vm7, s26, v8  }
0x428: {  	s3 =	sshra.s32 s3, $0x14;
	s12 =	sshrl.u32 s2, $0x1F;
	s2 =	sshra.s32 s2, $0x14;
	v15 =	vsel vm5, s22, v15;
	v17 =	vsel vm5, s24, v17;
	v13 =	vsel vm14, s28, v13  }
0x429: {  	s5 =	sshrl.u32 s5, $0x1F;
	s6 =	sadd.s32 s11, s23;
	v16 =	vsel vm14, s3, v16;
	v15 =	vsel vm14, s12, v15;
	v17 =	vsel vm14, s2, v17  }
0x42a: {  	v6 =	vsel vm8, s5, v6;
	s22 =	rddreg [dreg:$0x10];
	s13 =	sshrl.u32 s6, $0x1F;
	s14 =	sshra.s32 s6, $0x14;
	v13 =	vcombine.low v15, v13;
	v15 =	vcombine.low v17, v16;
	v17 =	vld [tilespmem:$0x1FFF0]  }
0x42b: {  	s15 =	sshrl.u32 s7, $0x1F;
	vm10 =	vcmask $0x3B38;
	s23 =	rddreg [dreg:$0x11];
	s16 =	sshra.s32 s6, $0x1F;
	v6 =	vsel vm9, s13, v6;
	v8 =	vsel vm9, s14, v8  }
0x42c: {  	(v2sf) =	vpush v7, $0xF;
	s21 =	sshra.s32 s7, $0x14;
	s4 =	sadd.s32 s22, s23;
	v8 =	vsel vm2, s16, v8;
	v6 =	vsel vm10, s15, v6  }
0x42d: {  	s28 =	sshra.s32 s4, $0x8;
	v8 =	vsel vm10, s21, v8;
	v6 =	vperm.xlane v6, v5;
	v13 =	vperm.xlane v13, v4  }
0x42e: {  	s10 =	sshra.s32 s4, $0x1F;
	v16 =	vld [tilespmem:$0x1FFE0];
	v10 =	vsel vm5, s28, v10;
	v15 =	vperm.xlane v15, v4;
	v8 =	vperm.xlane v8, v5  }
0x42f: {  	(v2sf) =	vpush v7, $0xB;
	v10 =	vsel vm12, s10, v10;
	vm12 =	vnez.u8 v17  }
0x430: {  	p1 =	seq.s32 s19, $0x1C0;
	(v2sf) =	vpush v7, $0x6;
	s26 =	sshra.s32 s1, $0x1F;
	s24 =	smulhi.u32 $0x2E8BA2E9, s18;
	v6 =	vsel vm12, v6, v13;
	v8 =	vsel vm12, v8, v15  }
0x431: {  	s9 =	rddreg [dreg:$0x12];
	s11 =	sshra.s32 s20, $0x1F;
	s12 =	smul.u32 $0x2E8BA2E9, s26;
	v6 =	vadd.s32 v6, v8  }
0x432: {  	s17 =	sadd.s32 $0x10, s17;
	s18 =	rddreg [dreg:$0xe];
	s5 =	smul.u32 $0x2E8BA2E9, s11;
	v13 =	vmul.u32 $0xFFDDA000, v6  }
0x433: {  	s26 =	rddreg [dreg:$0x15];
	s14 =	sshra.s32 s0, $0x1F;
	s16 =	smulhi.u32 $0x2E8BA2E9, s1;
	vm0 =	vnez.u8 v16  }
0x434: {  	s8 =	sadd.s32 s9, s24;
	s9 =	sshrl.u32 s18, $0x1F;
	s11 =	smul.u32 $0x2E8BA2E9, s14;
	v16 =	vsel vm0, $0x80000000, v11;
	vm0 =	vne.s32 v13, v12;
	v12 =	vld [tilespmem:$0x1FFD0]  }
0x435: {  	s18 =	rddreg [dreg:$0x13];
	s13 =	sshra.s32 s26, $0x1F;
	s28 =	smulhi.u32 $0x2E8BA2E9, s0  }
0x436: {  	s23 =	rddreg [dreg:$0x14];
	s22 =	sshra.s32 s18, $0x1F;
	s13 =	smul.u32 $0x2E8BA2E9, s13  }
0x437: {  	s15 =	sshra.s32 s23, $0x1F;
	s23 =	smulhi.u32 $0x2E8BA2E9, s23;
	s21 =	sshra.s32 s8, $0x8;
	v16 =	vxor.u32 $0x80000000, v16  }
0x438: {  	s24 =	sshra.s32 s8, $0x1F;
	s10 =	smul.u32 $0x2E8BA2E9, s22;
	v10 =	vsel vm14, s21, v10;
	s0 =	sadd.s32 s12, s16;
	(xrf0) =	vmax.scan.msk.u32 $0xffff, v16  }
0x439: {  	s21 =	smulhi.u32 $0x2E8BA2E9, s20;
	s6 =	spop (v2sf);
	v10 =	vsel vm13, s24, v10;
	s24 =	sshra.s32 s0, $0x8;
	vm13 =	vnez.u8 v12  }
0x43a: {  	s22 =	rddreg [dreg:$0xf];
	s20 =	sshra.s32 s6, $0x1F;
	v10 =	vsel vm15, s24, v10;
	s24 =	smulhi.u32 $0x2E8BA2E9, s6;
	vm0 =	vmand vm13, vm0  }
0x43b: {  	s4 =	sshrl.u32 s4, $0x1F;
	s7 =	spop (v2sf);
	s20 =	smul.u32 $0x2E8BA2E9, s20;
	v12 =	vsel vm0, $0xFFFFFFFF, v2  }
0x43c: {  	s8 =	sshrl.u32 s8, $0x1F;
	s12 =	sshra.s32 s7, $0x1F;
	s7 =	smulhi.u32 $0x2E8BA2E9, s7;
	v6 =	vadd.s32 v12, v6  }
0x43d: {  	s14 =	sshrl.u32 s22, $0x1F;
	s2 =	spop (v2sf);
	v8 =	vmov s9;
	s9 =	smul.u32 $0x2E8BA2E9, s15;
	v12 =	vmul.u32 $0xFFDDA000, v6  }
0x43e: {  	s11 =	sadd.s32 s11, s28;
	s3 =	spop (v2sf);
	s22 =	smul.u32 $0x2E8BA2E9, s12;
	v13, _, _ =	vpop (xrf0)  }
0x43f: {  	s15 =	sshra.s32 s2, $0x1F;
	s2 =	smulhi.u32 $0x2E8BA2E9, s2;
	s1 =	spop (v2sf);
	(v2sf) =	vpush v13, $0xF;
	[tilespmem:s29+$0x1FC98] =	vst v6;
	v6 =	vadd.s32 v11, v12  }
0x440: {  	s5 =	sadd.s32 s5, s21;
	v8 =	vnsel vm6, $0x0, v8;
	s16 =	sshra.s32 s3, $0x1F;
	s3 =	smulhi.u32 $0x2E8BA2E9, s3;
	(v2sf) =	vpush v6, $0x7  }
0x441: {  	s28 =	sshrl.u32 s5, $0x1F;
	s5 =	sshra.s32 s5, $0x8;
	v8 =	vsel vm4, s14, v8;
	s14 =	smulhi.u32 $0x2E8BA2E9, s18  }
0x442: {  	s21 =	sshra.s32 s1, $0x1F;
	s18 =	sshrl.u32 s11, $0x1F;
	s9 =	sadd.s32 s9, s23;
	(v2sf) =	vpush v6, $0x0  }
0x443: {  	s7 =	sadd.s32 s22, s7;
	s22 =	smulhi.u32 $0x2E8BA2E9, s1;
	s10 =	sadd.s32 s10, s14  }
0x444: {  	v15 =	vmov s18;
	s18 =	rddreg [dreg:$0x16];
	s23 =	sshrl.u32 s10, $0x1F;
	v13 =	vmov s28;
	s28 =	smulhi.u32 $0x2E8BA2E9, s26;
	(v2sf) =	vpush v6, $0x1  }
0x445: {  	s14 =	sshra.s32 s9, $0x8;
	s26 =	sshrl.u32 s9, $0x1F;
	v17 =	vsel vm4, s23, v13;
	s23 =	sshra.s32 s7, $0x8  }
0x446: {  	s6 =	sadd.s32 s13, s28;
	s28 =	smul.u32 $0x2E8BA2E9, s15;
	s13 =	sshra.s32 s10, $0x8;
	(v2sf) =	vpush v6, $0x2  }
0x447: {  	v22 =	vimm.s32 $0x0;
	s15 =	smul.u32 $0x2E8BA2E9, s16;
	s10 =	rddreg [dreg:$0xd];
	s16 =	sshra.s32 s6, $0x8;
	(v2sf) =	vpush v6, $0x3  }
0x448: {  	v15 =	vsel vm4, s26, v15;
	s12 =	sshra.s32 s10, $0x8;
	s2 =	sadd.s32 s28, s2;
	v12 =	vmov s5;
	s5 =	sshra.s32 s11, $0x8;
	(v2sf) =	vpush v6, $0x4  }
0x449: {  	s3 =	sadd.s32 s15, s3;
	s15 =	smov.u32 s29;
	v11 =	vsel vm5, s4, v8;
	s11 =	sshra.s32 s0, $0x1F;
	v16 =	vmov s5;
	(v2sf) =	vpush v6, $0xC  }
0x44a: {  	s26 =	sshrl.u32 s2, $0x1F;
	s28 =	sshrl.u32 s3, $0x1F;
	s4 =	sshra.s32 s18, $0x2;
	v10 =	vsel vm11, s11, v10;
	vm11 =	vlt.s32 v6, $0x1;
	v8 =	vsub.s32 $0x0, v6  }
0x44b: {  	s2 =	sshra.s32 s2, $0x8;
	s0 =	sshrl.u32 s0, $0x1F;
	v18 =	vsel vm14, s8, v11;
	s5 =	sadd.s32 s20, s24;
	v12 =	vsel vm4, s13, v12;
	v11 =	vld [tilespmem:s4+$0x1EF18];
	(v2sf) =	vpush v6, $0x8  }
0x44c: {  	s20 =	smul.u32 $0x2E8BA2E9, s21;
	s11 =	sshrl.u32 s7, $0x1F;
	v16 =	vsel vm4, s14, v16;
	v10 =	vsel vm8, s16, v10;
	s21 =	sshrl.u32 s5, $0x1F;
	(v2sf) =	vpush v6, $0xD  }
0x44d: {  	s3 =	sshra.s32 s3, $0x8;
	s24 =	sshra.s32 s6, $0x1F;
	v15 =	vsel vm5, s11, v15;
	s5 =	sshra.s32 s5, $0x8;
	v18 =	vsel vm15, s0, v18;
	v17 =	vsel vm5, s21, v17  }
0x44e: {  	v19 =	vld [tilespmem:s4+$0x1F018];
	s6 =	sshrl.u32 s6, $0x1F;
	s31 =	smov.u32 s4;
	v20 =	vsel vm5, s5, v12;
	v16 =	vsel vm5, s23, v16;
	s8 =	spop (v2sf);
	(v2sf) =	vpush v6, $0x9  }
0x44f: {  	s11 =	sshrl.u32 s10, $0x1F;
	s14 =	rddreg [dreg:$0xb];
	v10 =	vsel vm7, s24, v10;
	v18 =	vsel vm8, s6, v18;
	(v2sf) =	vpush v6, $0x5;
	s16 =	spop (v2sf)  }
0x450: {  	s0 =	sadd.s32 s20, s22;
	v15 =	vsel vm14, s28, v15;
	v61 =	vperm.xlane v11, v1;
	vm0 =	vlt.s32 v11, $0x1;
	s18 =	smulhi.u32 $0x2E8BA2E9, s16;
	s20 =	sshra.s32 s16, $0x1F  }
0x451: {  	v22 =	vsel vm0, $0xFFFFFFFF, v22;
	vm0 =	veq.s32 v0, $0x0;
	s6 =	sxor.u32 $0x80000000, s8;
	(v2sf) =	vpush v11, $0x7;
	s21 =	spop (v2sf);
	s23 =	smul.u32 $0x2E8BA2E9, s20  }
0x452: {  	[dreg:$0xb] =	wrdreg s15;
	v17 =	vsel vm14, s26, v17;
	v21 =	vsel vm0, s6, v61;
	(v2sf) =	vpush v11, $0x0;
	s22 =	sshra.s32 s21, $0x1F;
	s8 =	smulhi.u32 $0x2E8BA2E9, s21  }
0x453: {  	s1 =	sshrl.u32 s0, $0x1F;
	[tilespmem:s4+$0x1F318] =	vst v19;
	v19 =	vor.u32 s17, v3;
	vm15 =	vne.s32 v11, v21;
	(v2sf) =	vpush v11, $0x1;
	s24 =	spop (v2sf);
	s26 =	smul.u32 $0x2E8BA2E9, s22  }
0x454: {  	s9 =	sshra.s32 s0, $0x8;
	v16 =	vsel vm14, s3, v16;
	v19 =	vnsel vm15, $0x7FFFFFFF, v19;
	(v2sf) =	vpush v11, $0x2;
	s28 =	sshra.s32 s24, $0x1F;
	s10 =	smulhi.u32 $0x2E8BA2E9, s24  }
0x455: {  	s0 =	sshra.s32 s0, $0x1F;
	v10 =	vsel vm9, s9, v10;
	v15 =	vcombine.low v15, v17;
	(xrf0) =	vmax.scan.msk.u32 $0xffff, v19;
	v19 =	vsel vm14, s2, v20;
	s29 =	spop (v2sf);
	s2 =	smul.u32 $0x2E8BA2E9, s28  }
0x456: {  	v13 =	vld [tilespmem:s4+$0x1EF19];
	v17 =	vsel vm9, s1, v18;
	v12 =	vsub.s32 $0x0, v11;
	v10 =	vsel vm2, s0, v10;
	s4 =	sadd.s32 s23, s18;
	s18 =	spop (v2sf);
	s22 =	smulhi.u32 $0x2E8BA2E9, s29  }
0x457: {  	v17 =	vsel vm10, s11, v17;
	v10 =	vsel vm10, s12, v10;
	v20 =	vsel vm15, $0x1, v2;
	s11 =	sshra.s32 s29, $0x1F;
	[dreg:$0xd] =	wrdreg s4;
	s1 =	spop (v2sf)  }
0x458: {  	v17 =	vperm.xlane v17, v5;
	(xrf0) =	vadd.scan.msk.s32 $0xffff, v20;
	v16 =	vcombine.low v16, v19;
	(v2sf) =	vpush v11, $0x3;
	s3 =	sshra.s32 s4, $0x1F;
	s8 =	sadd.s32 s26, s8;
	s20 =	spop (v2sf)  }
0x459: {  	s30 =	smov.u32 s19;
	v18 =	vperm.xlane v10, v5;
	(v2sf) =	vpush v11, $0x4;
	v10 =	vmov s3;
	[dreg:$0xe] =	wrdreg s8;
	s3 =	smul.u32 $0x2E8BA2E9, s11  }
0x45a: {  	v20 =	vperm.xlane v15, v4;
	v16 =	vperm.xlane v16, v4;
	(v2sf) =	vpush v11, $0xC;
	s4 =	sadd.s32 s2, s10;
	[dreg:$0x11] =	wrdreg s22;
	s0 =	spop (v2sf)  }
0x45b: {  	vm2 =	vlt.s32 v11, $0x55F0000;
	vm10 =	vmmov vm4;
	(v2sf) =	vpush v11, $0x8;
	s23 =	sshra.s32 s18, $0x1F;
	[dreg:$0xf] =	wrdreg s4;
	s15 =	spop (v2sf)  }
0x45c: {  	s13 =	smov.u32 s14;
	v17 =	vsel vm12, v17, v20;
	v16 =	vsel vm12, v18, v16;
	(v2sf) =	vpush v11, $0xD;
	[dreg:$0x10] =	wrdreg s3;
	s3 =	smul.u32 $0x2E8BA2E9, s23  }
0x45d: {  	v19, _, _ =	vpop (xrf0);
	v16 =	vadd.s32 v17, v16;
	v17 =	vor.u32 s17, v0;
	(v2sf) =	vpush v11, $0x9;
	s12 =	sshra.s32 s8, $0x8;
	[dreg:$0x13] =	wrdreg s15;
	s21 =	spop (v2sf)  }
0x45e: {  	v15 =	vxor.u32 $0x80000000, v19;
	v19, _, _ =	vpop (xrf0);
	v18 =	vmul.u32 $0xFFFFFA80, v16;
	(v2sf) =	vpush v11, $0x5;
	s14 =	sshra.s32 s8, $0x1F;
	[dreg:$0x14] =	wrdreg s21;
	s24 =	spop (v2sf)  }
.Ltmp30:
0x45f: {  	vm0 =	vgt.s32 v15, s25;
	v62 =	vxor.u32 $0x80000000, v19;
	(v2sf) =	vpush v11, $0xE;
	s16 =	sshra.s32 s4, $0x8;
	[dreg:$0x12] =	wrdreg s3;
	(pc) =	sbr.rel @!p1 .LBB2_61-.Ltmp30, $4  }
0x460: {  	v10 =	vsel vm6, s12, v10;
	v15 =	vnsel vm0, s25, v15;
	s26 =	sshra.s32 s4, $0x1F;
	(v2sf) =	vpush v11, $0xA;
	[dreg:$0x15] =	wrdreg s24;
	s25 =	spop (v2sf)  }
0x461: {  	[tilespmem:$0x1FFD0] =	vst v22;
	v14 =	vadd.s32 v19, v14;
	v10 =	vsel vm1, s14, v10;
	(v2sf) =	vpush v11, $0xF;
	s4 =	smulhi.u32 $0x77280773, s25;
	s28 =	sshra.s32 s25, $0x1F;
	s7 =	spop (v2sf)  }
0x462: {  	(xrf0) =	vmax.scan.msk.u32 $0xffff, v62;
	v63 =	vxor.u32 $0x80000000, v15;
	v10 =	vsel vm4, s16, v10;
	(v2sf) =	vpush v11, $0xB;
	s29 =	sshra.s32 s7, $0x1F;
	s5 =	smul.u32 $0x77280773, s28;
	s12 =	spop (v2sf)  }
0x463: {  	s19 =	sadd.s32 $0x40, s19;
	vm12 =	vlt.s32 v14, $0x4E20;
	(xrf0) =	vmax.scan.msk.u32 $0xffff, v63;
	v10 =	vsel vm3, s26, v10;
	(v2sf) =	vpush v11, $0x6;
	s6 =	smul.u32 $0x77280773, s29;
	s8 =	spop (v2sf)  }
0x464: {  	s2 =	smulhi.u32 $0x77280773, s7  }
0x465: {  	s9 =	smulhi.u32 $0x77280773, s12  }
0x466: {  	s3 =	sshra.s32 s12, $0x1F;
	s21 =	sshra.s32 s8, $0x1F;
	s8 =	smulhi.u32 $0x77280773, s8  }
0x467: {  	s3 =	smul.u32 $0x77280773, s3  }
0x468: {  	s10 =	smul.u32 $0x77280773, s21;
	s22 =	spop (v2sf)  }
0x469: {  	s29 =	smov.u32 s13;
	s11 =	sshra.s32 s22, $0x1F;
	s13 =	smulhi.u32 $0x77280773, s22  }
0x46a: {  	s23 =	spop (v2sf);
	s11 =	smul.u32 $0x77280773, s11  }
0x46b: {  	s24 =	sshra.s32 s23, $0x1F;
	s12 =	smulhi.u32 $0x77280773, s23  }
0x46c: {  	s25 =	spop (v2sf);
	s14 =	smul.u32 $0x77280773, s24  }
0x46d: {  	s7 =	sadd.s32 s5, s4;
	s16 =	sshra.s32 s25, $0x1F;
	s21 =	smulhi.u32 $0x77280773, s25  }
0x46e: {  	s2 =	sadd.s32 s6, s2;
	s15 =	spop (v2sf);
	s16 =	smul.u32 $0x77280773, s16  }
0x46f: {  	s3 =	sadd.s32 s3, s9;
	s19 =	sshra.s32 s15, $0x1F;
	s15 =	smulhi.u32 $0x77280773, s15  }
0x470: {  	s10 =	sadd.s32 s10, s8;
	s22 =	spop (v2sf);
	s19 =	smul.u32 $0x77280773, s19  }
0x471: {  	s23 =	spop (v2sf);
	s26 =	sshra.s32 s22, $0x1F;
	s8 =	smulhi.u32 $0x77280773, s22  }
0x472: {  	s4 =	sadd.s32 s14, s12;
	s24 =	smul.u32 $0x77280773, s26;
	s26 =	sshra.s32 s23, $0x1F  }
0x473: {  	s25 =	spop (v2sf);
	s16 =	sadd.s32 s16, s21;
	s26 =	smul.u32 $0x77280773, s26  }
0x474: {  	s5 =	sshra.s32 s25, $0x1F;
	s12 =	smulhi.u32 $0x77280773, s25;
	s15 =	sadd.s32 s19, s15  }
0x475: {  	s9 =	smul.u32 $0x77280773, s5;
	s5 =	sadd.s32 s11, s13;
	s13 =	spop (v2sf)  }
0x476: {  	s11 =	smulhi.u32 $0x77280773, s23;
	s23 =	spop (v2sf);
	s25 =	sshra.s32 s13, $0x1F  }
0x477: {  	s6 =	sadd.s32 s24, s8;
	s14 =	smul.u32 $0x77280773, s25;
	s22 =	sshra.s32 s23, $0x1F  }
0x478: {  	s8 =	sadd.s32 s26, s11;
	s11 =	smulhi.u32 $0x77280773, s13;
	s21 =	spop (v2sf)  }
0x479: {  	s13 =	smulhi.u32 $0x77280773, s23;
	s23 =	sshra.s32 s7, $0x1F;
	s25 =	sshra.s32 s2, $0x14  }
0x47a: {  	s9 =	sadd.s32 s9, s12;
	s19 =	smul.u32 $0x77280773, s22;
	s24 =	sshra.s32 s21, $0x1F  }
0x47b: {  	vm3 =	vcmask $0x300;
	v42 =	vld [tilespmem:$0x1FFC0];
	v19 =	vmov s23;
	s23 =	sshra.s32 s2, $0x1F;
	s2 =	sshrl.u32 s2, $0x1F;
	s22 =	smul.u32 $0x77280773, s24  }
0x47c: {  	vm0 =	vcmask $0x704;
	vm4 =	vcmask $0x1F1C;
	vm13 =	vcmask $0x2724;
	s24 =	spop (v2sf);
	s11 =	sadd.s32 s14, s11;
	s14 =	smulhi.u32 $0x77280773, s21  }
0x47d: {  	vm7 =	vcmask $0x2B28;
	vm8 =	vcmask $0x3330;
	v43 =	vld [tilespmem:$0x1FFF0];
	v19 =	vsel vm3, s25, v19;
	s26 =	sshra.s32 s24, $0x1F;
	s13 =	sadd.s32 s19, s13;
	s19 =	smulhi.u32 $0x77280773, s24  }
0x47e: {  	vm9 =	vcmask $0x3B38;
	vm2 =	vmand vm2, vm12;
	s25 =	spop (v2sf);
	v19 =	vsel vm0, s23, v19;
	s23 =	smul.u32 $0x77280773, s26;
	s26 =	sshra.s32 s3, $0x14  }
0x47f: {  	v46 =	vand.u32 $0xFFF, v17;
	vm0 =	vcmask $0xF0C;
	s28 =	sshra.s32 s25, $0x1F;
	s25 =	smulhi.u32 $0x77280773, s25;
	v19 =	vsel vm10, s26, v19;
	s26 =	sshra.s32 s3, $0x1F  }
0x480: {  	vm1 =	vnez.u8 v42;
	v20 =	vmov s2;
	s21 =	sshrl.u32 s5, $0x1F;
	s12 =	smul.u32 $0x77280773, s28;
	v19 =	vsel vm0, s26, v19;
	s26 =	sshra.s32 s10, $0x14  }
0x481: {  	s24 =	sshra.s32 s10, $0x1F;
	v20 =	vnsel vm3, $0x0, v20;
	s2 =	sadd.s32 s22, s14;
	s3 =	sshrl.u32 s3, $0x1F;
	vm0 =	vcmask $0x1714;
	v19 =	vsel vm5, s26, v19  }
0x482: {  	vm6 =	vnez.u8 v43;
	v20 =	vsel vm10, s3, v20;
	s26 =	sshra.s32 s5, $0x14;
	s12 =	sadd.s32 s12, s25;
	s25 =	sshrl.u32 s16, $0x1F;
	v19 =	vsel vm0, s24, v19  }
0x483: {  	s24 =	sshrl.u32 s10, $0x1F;
	v21 =	vmov s25;
	s10 =	sshra.s32 s16, $0x14;
	s16 =	sshra.s32 s15, $0x14;
	vm0 =	vcmask $0x2F2C;
	v19 =	vsel vm14, s26, v19  }
0x484: {  	s22 =	sshra.s32 s5, $0x1F;
	s14 =	sadd.s32 s23, s19;
	s26 =	sshrl.u32 s15, $0x1F;
	v20 =	vsel vm5, s24, v20;
	v23 =	vmov s10;
	v24 =	vmov s16  }
0x485: {  	s23 =	sshra.s32 s4, $0x14;
	s25 =	sshra.s32 s8, $0x14;
	s24 =	sshra.s32 s6, $0x14;
	v19 =	vsel vm4, s22, v19;
	vm4 =	vcmask $0x2320;
	v22 =	vmov s26  }
0x486: {  	s19 =	sshra.s32 s4, $0x1F;
	s16 =	sshra.s32 s11, $0x14;
	s22 =	sshrl.u32 s6, $0x1F;
	v20 =	vsel vm14, s21, v20;
	v23 =	vsel vm10, s24, v23;
	v24 =	vsel vm10, s25, v24  }
0x487: {  	s10 =	sshrl.u32 s11, $0x1F;
	s26 =	sshra.s32 s9, $0x14;
	v19 =	vsel vm4, s23, v19;
	s23 =	sshrl.u32 s8, $0x1F;
	v21 =	vsel vm10, s22, v21;
	v23 =	vsel vm5, s16, v23  }
0x488: {  	s8 =	sshrl.u32 s4, $0x1F;
	s22 =	sshrl.u32 s2, $0x1F;
	s2 =	sshra.s32 s2, $0x14;
	v19 =	vsel vm13, s19, v19;
	v22 =	vsel vm10, s23, v22;
	v21 =	vsel vm5, s10, v21  }
0x489: {  	s15 =	sshrl.u32 s13, $0x1F;
	v20 =	vsel vm4, s8, v20;
	s19 =	sshra.s32 s13, $0x14;
	v23 =	vsel vm14, s2, v23;
	v19 =	vsel vm7, s26, v19  }
0x48a: {  	s21 =	sshra.s32 s9, $0x1F;
	s24 =	sshrl.u32 s9, $0x1F;
	s23 =	sshrl.u32 s14, $0x1F;
	v22 =	vsel vm5, s15, v22;
	v24 =	vsel vm5, s19, v24;
	v21 =	vsel vm14, s22, v21  }
0x48b: {  	s5 =	sshra.s32 s14, $0x14;
	s25 =	sshrl.u32 s12, $0x1F;
	v20 =	vsel vm7, s24, v20;
	v19 =	vsel vm0, s21, v19;
	v22 =	vsel vm14, s23, v22  }
0x48c: {  	s8 =	sshrl.u32 s7, $0x1F;
	s26 =	sshra.s32 s12, $0x14;
	v20 =	vsel vm8, s25, v20;
	v24 =	vsel vm14, s5, v24;
	vm0 =	vcmask $0x3734  }
0x48d: {  	v50 =	vld [tilespmem:$0x1FFE0];
	s6 =	sshra.s32 s12, $0x1F;
	v19 =	vsel vm8, s26, v19;
	v21 =	vcombine.low v22, v21;
	v20 =	vsel vm9, s8, v20  }
0x48e: {  	s9 =	sshra.s32 s7, $0x14;
	v41 =	vcombine.low v24, v23;
	v19 =	vsel vm0, s6, v19;
	v20 =	vperm.xlane v20, v5  }
0x48f: {  	vm0 =	vne.s32 v18, v9;
	v19 =	vsel vm9, s9, v19;
	v21 =	vperm.xlane v21, v4  }
0x490: {  	v51, _, _ =	vpop (xrf0);
	v22 =	vperm.xlane v41, v4;
	vm0 =	vmand vm1, vm0;
	v19 =	vperm.xlane v19, v5  }
0x491: {  	v54 =	vld [tilespmem:$0x1FFD0];
	(v2sf) =	vpush v51, $0xF;
	v45 =	vsel vm0, $0xFFFFFFFF, v2;
	vm0 =	vmand vm2, vm15  }
0x492: {  	vm15 =	vnez.u8 v50;
	v9 =	vsel vm6, v20, v21;
	v44 =	vsel vm6, v19, v22  }
0x493: {  	v47 =	vmul.u32 $0x23, v14;
	v23 =	vsel vm15, $0x80000000, v11;
	v9 =	vadd.s32 v9, v44  }
0x494: {  	v52 =	vsub.s32 v17, v15;
	v53, _, _ =	vpop (xrf0);
	v23 =	vxor.u32 $0x80000000, v23;
	v48 =	vmul.u32 $0xFFDDA000, v9  }
0x495: {  	v49 =	vadd.s32 $0x4E20, v46;
	vm12 =	vlt.s32 v52, $0x23;
	(v2sf) =	vpush v53, $0xF;
	(xrf0) =	vmax.scan.msk.u32 $0xffff, v23  }
0x496: {  	vm1 =	vnez.u8 v54;
	v25 =	vsel vm0, v14, v49;
	vm0 =	vne.s32 v48, v12  }
0x497: {  	v62 =	vshll.u32 v46, $0x2;
	(v2sf) =	vpush v6, $0xE;
	vm0 =	vmand vm1, vm0  }
0x498: {  	v56 =	vadd.s32 v47, v52;
	(v2sf) =	vpush v6, $0xA;
	v58 =	vsel vm0, $0xFFFFFFFF, v2  }
0x499: {  	vm12 =	vmand vm2, vm12;
	(v2sf) =	vpush v6, $0xF;
	v59 =	vadd.s32 v58, v9  }
0x49a: {  	(v2sf) =	vpush v6, $0xB;
	v55 =	vadd.s32 v45, v16;
	v9 =	vmul.u32 $0xFFDDA000, v59  }
0x49b: {  	(v2sf) =	vpush v6, $0x6;
	v57 =	vmul.u32 $0xFFFFFA80, v55;
	v60 =	vmul.u32 $0x3, v25;
	v61, _, _ =	vpop (xrf0)  }
0x49c: {  	v63 =	vadd.s32 $0x2AB980, v62;
	[tilespmem:s29+$0x1FD18] =	vst v55;
	(v2sf) =	vpush v61, $0xF;
	v9 =	vadd.s32 v11, v9  }
0x49d: {  	[tilespmem:s31+$0x1F498] =	vst v60;
	v7 =	vadd.s32 v7, v57;
	vm0 =	vne.s32 v11, v13;
	(v2sf) =	vpush v9, $0x7  }
0x49e: {  	v16 =	vshll.u32 v56, $0x2;
	[tilespmem:s29+$0x1FD98] =	vst v7;
	vm0 =	vmand vm0, vm2;
	(v2sf) =	vpush v9, $0x0  }
0x49f: {  	v12 =	vadd.s32 $0x1, v52;
	v15 =	vsel vm0, v14, v49;
	[tilespmem:s31+$0x1FC98] =	vst v59;
	(v2sf) =	vpush v9, $0x1  }
0x4a0: {  	[tilespmem:s31+$0x1F418] =	vst v15;
	v11 =	vsel vm12, v16, v63;
	vm12 =	vlt.s32 v12, $0x23;
	(v2sf) =	vpush v9, $0x2  }
0x4a1: {  	s11 =	spop (v2sf);
	s16 =	sshra.s32 s20, $0x1F;
	s20 =	smulhi.u32 $0x2E8BA2E9, s20;
	v7 =	vnsel vm12, $0x23, v12;
	[tilespmem:s31+$0x1F298] =	vst v11;
	(v2sf) =	vpush v9, $0x3  }
0x4a2: {  	s10 =	sshra.s32 s30, $0x2;
	s13 =	smulhi.u32 $0x2E8BA2E9, s18;
	s14 =	sshra.s32 s1, $0x1F;
	[tilespmem:s31+$0x1F398] =	vst v7;
	(v2sf) =	vpush v9, $0x4  }
0x4a3: {  	[smem:$0x7B6] =	sst s11;
	s2 =	smul.u32 $0x2E8BA2E9, s14;
	v7 =	vld [tilespmem:s10+$0x1EF18];
	(v2sf) =	vpush v9, $0xC  }
0x4a4: {  	[dreg:$0x1b] =	wrdreg s10;
	s15 =	smulhi.u32 $0x2E8BA2E9, s1;
	(v2sf) =	vpush v9, $0x8  }
0x4a5: {  	s12 =	spop (v2sf);
	s1 =	smul.u32 $0x2E8BA2E9, s16;
	(v2sf) =	vpush v9, $0xD  }
0x4a6: {  	[smem:$0x7AC] =	sst s12;
	s26 =	spop (v2sf);
	(v2sf) =	vpush v9, $0x9  }
0x4a7: {  	[smem:$0x7B7] =	sst s13;
	s25 =	spop (v2sf);
	(v2sf) =	vpush v9, $0x5  }
0x4a8: {  	s23 =	smulhi.u32 $0x2E8BA2E9, s0;
	s11 =	spop (v2sf);
	(v2sf) =	vpush v7, $0x7  }
0x4a9: {  	[smem:$0x7B8] =	sst s2;
	s12 =	spop (v2sf);
	(v2sf) =	vpush v7, $0x0  }
0x4aa: {  	[smem:$0x7B9] =	sst s15;
	s14 =	spop (v2sf);
	(v2sf) =	vpush v7, $0x1  }
0x4ab: {  	s19 =	spop (v2sf);
	[smem:$0x7BA] =	sst s1  }
0x4ac: {  	[smem:$0x7BB] =	sst s20  }
0x4ad: {  	[smem:$0x7BD] =	sst s23  }
0x4ae: {  	[dreg:$0x1c] =	wrdreg s31  }
0x4af: {  	s18 =	sshra.s32 s0, $0x1F;
	s30 =	rddreg [dreg:$0x13]  }
0x4b0: {  	s1 =	smul.u32 $0x2E8BA2E9, s18;
	s5 =	rddreg [dreg:$0x14]  }
0x4b1: {  	s21 =	spop (v2sf);
	s8 =	rddreg [dreg:$0x15]  }
0x4b2: {  	s24 =	spop (v2sf);
	s15 =	smulhi.u32 $0x2E8BA2E9, s30  }
0x4b3: {  	s3 =	sshra.s32 s30, $0x1F;
	s18 =	smulhi.u32 $0x2E8BA2E9, s5;
	s22 =	spop (v2sf)  }
0x4b4: {  	s0 =	smul.u32 $0x2E8BA2E9, s3;
	[smem:$0x7AD] =	sst s22  }
0x4b5: {  	s4 =	spop (v2sf);
	[smem:$0x7BF] =	sst s15  }
0x4b6: {  	s6 =	sshra.s32 s5, $0x1F;
	[smem:$0x7C1] =	sst s18;
	s22 =	smulhi.u32 $0x2E8BA2E9, s8  }
0x4b7: {  	(v2sf) =	vpush v7, $0x2;
	[smem:$0x7BE] =	sst s0;
	s0 =	smul.u32 $0x2E8BA2E9, s6  }
0x4b8: {  	(v2sf) =	vpush v7, $0x3;
	[smem:$0x7AE] =	sst s4;
	s7 =	spop (v2sf)  }
0x4b9: {  	s9 =	sshra.s32 s8, $0x1F;
	s10 =	spop (v2sf);
	[smem:$0x7C0] =	sst s0  }
0x4ba: {  	(v2sf) =	vpush v7, $0x4;
	s0 =	smul.u32 $0x2E8BA2E9, s9;
	s13 =	spop (v2sf)  }
0x4bb: {  	s23 =	sshra.s32 s26, $0x1F;
	[smem:$0x7AF] =	sst s7;
	s16 =	spop (v2sf)  }
0x4bc: {  	[smem:$0x7C2] =	sst s0;
	s0 =	smul.u32 $0x2E8BA2E9, s23  }
0x4bd: {  	(v2sf) =	vpush v7, $0xC;
	[smem:$0x7B0] =	sst s10;
	s20 =	spop (v2sf)  }
0x4be: {  	s2 =	sshra.s32 s25, $0x1F;
	s30 =	spop (v2sf);
	[smem:$0x7C4] =	sst s0  }
0x4bf: {  	(v2sf) =	vpush v7, $0x8;
	s3 =	spop (v2sf);
	s0 =	smul.u32 $0x2E8BA2E9, s2  }
0x4c0: {  	[smem:$0x7B1] =	sst s13;
	s4 =	spop (v2sf)  }
0x4c1: {  	(v2sf) =	vpush v7, $0xD;
	[smem:$0x7C5] =	sst s0;
	s9 =	smulhi.u32 $0x77280773, s4;
	s0 =	sshra.s32 s4, $0x1F  }
0x4c2: {  	s5 =	spop (v2sf);
	s8 =	smul.u32 $0x77280773, s0  }
0x4c3: {  	(v2sf) =	vpush v7, $0x9;
	[smem:$0x7B5] =	sst s3;
	s6 =	sshra.s32 s5, $0x1F;
	s2 =	smulhi.u32 $0x77280773, s5  }
0x4c4: {  	s7 =	spop (v2sf);
	s3 =	smul.u32 $0x77280773, s6  }
0x4c5: {  	[smem:$0x7B2] =	sst s16;
	(v2sf) =	vpush v7, $0x5;
	s10 =	sshra.s32 s7, $0x1F;
	s4 =	smulhi.u32 $0x77280773, s7  }
0x4c6: {  	s5 =	smul.u32 $0x77280773, s10;
	s13 =	spop (v2sf)  }
0x4c7: {  	(v2sf) =	vpush v7, $0xE;
	s15 =	sshra.s32 s13, $0x1F;
	s16 =	spop (v2sf);
	s13 =	smulhi.u32 $0x77280773, s13  }
0x4c8: {  	[smem:$0x7B3] =	sst s20;
	s10 =	smul.u32 $0x77280773, s15;
	s18 =	sshra.s32 s16, $0x1F  }
0x4c9: {  	(v2sf) =	vpush v7, $0xA;
	s20 =	spop (v2sf);
	s15 =	smul.u32 $0x77280773, s18  }
0x4ca: {  	[smem:$0x7C3] =	sst s22;
	s18 =	smulhi.u32 $0x77280773, s16;
	s23 =	sshra.s32 s20, $0x1F  }
0x4cb: {  	[smem:$0x7B4] =	sst s30;
	s22 =	smul.u32 $0x77280773, s23  }
0x4cc: {  	(v2sf) =	vpush v7, $0xF;
	s30 =	spop (v2sf);
	s23 =	smulhi.u32 $0x77280773, s20  }
0x4cd: {  	[smem:$0x7BC] =	sst s1;
	s0 =	sshra.s32 s30, $0x1F;
	s30 =	smulhi.u32 $0x77280773, s30  }
0x4ce: {  	s28 =	smul.u32 $0x77280773, s0;
	s16 =	spop (v2sf)  }
0x4cf: {  	(v2sf) =	vpush v7, $0xB;
	s3 =	sadd.s32 s3, s2;
	s1 =	sshra.s32 s16, $0x1F;
	s31 =	smulhi.u32 $0x77280773, s16  }
0x4d0: {  	s2 =	sadd.s32 s5, s4;
	s29 =	smul.u32 $0x77280773, s1;
	s20 =	spop (v2sf)  }
0x4d1: {  	(v2sf) =	vpush v7, $0x6;
	s4 =	sadd.s32 s10, s13;
	s16 =	sshra.s32 s20, $0x1F;
	s10 =	smulhi.u32 $0x77280773, s20  }
0x4d2: {  	s0 =	spop (v2sf);
	s7 =	smul.u32 $0x77280773, s16  }
0x4d3: {  	s1 =	sshra.s32 s0, $0x1F;
	s0 =	smulhi.u32 $0x77280773, s0  }
0x4d4: {  	s8 =	sadd.s32 s8, s9;
	s6 =	spop (v2sf);
	s16 =	smul.u32 $0x77280773, s1  }
0x4d5: {  	s20 =	sadd.s32 s15, s18;
	s1 =	sshra.s32 s6, $0x1F;
	s6 =	smulhi.u32 $0x77280773, s6  }
0x4d6: {  	s18 =	sadd.s32 s22, s23;
	s13 =	spop (v2sf);
	s9 =	smul.u32 $0x77280773, s1  }
0x4d7: {  	s1 =	sadd.s32 s28, s30;
	s28 =	sadd.s32 s7, s10;
	s7 =	smulhi.u32 $0x77280773, s13  }
0x4d8: {  	s15 =	spop (v2sf);
	s5 =	sshra.s32 s13, $0x1F;
	s13 =	smulhi.u32 $0x2E8BA2E9, s25  }
0x4d9: {  	s22 =	smul.u32 $0x77280773, s5;
	s23 =	sshra.s32 s15, $0x1F;
	s5 =	sadd.s32 s29, s31  }
0x4da: {  	v16 =	vperm.xlane v7, v1;
	s30 =	sadd.s32 s16, s0;
	s0 =	smulhi.u32 $0x77280773, s15;
	s16 =	sxor.u32 $0x80000000, s19  }
0x4db: {  	vm0 =	veq.s32 v0, $0x0;
	s31 =	smul.u32 $0x77280773, s23;
	s23 =	spop (v2sf);
	s29 =	sadd.s32 s9, s6  }
0x4dc: {  	v11 =	vsel vm0, s16, v16;
	s6 =	sadd.s32 $0x10, s17;
	s16 =	smulhi.u32 $0x2E8BA2E9, s26;
	s15 =	sshra.s32 s23, $0x1F  }
0x4dd: {  	[smem:$0x7EF] =	sst s6;
	s19 =	smul.u32 $0x77280773, s15  }
0x4de: {  	s25 =	sshra.s32 s3, $0x1F;
	s17 =	spop (v2sf);
	s15 =	smulhi.u32 $0x77280773, s23  }
0x4df: {  	s23 =	sadd.s32 s22, s7;
	s22 =	sshra.s32 s17, $0x1F;
	s10 =	smulhi.u32 $0x77280773, s17  }
0x4e0: {  	s26 =	sadd.s32 s31, s0;
	s31 =	spop (v2sf);
	s9 =	smul.u32 $0x77280773, s22  }
0x4e1: {  	v17 =	vor.u32 s6, v3;
	s22 =	sshra.s32 s8, $0x1F;
	s17 =	sshra.s32 s31, $0x1F;
	s6 =	smulhi.u32 $0x77280773, s31  }
0x4e2: {  	vm2 =	vne.s32 v7, v11;
	s31 =	sshra.s32 s11, $0x1F;
	s19 =	sadd.s32 s19, s15;
	s0 =	smul.u32 $0x77280773, s17  }
0x4e3: {  	v11 =	vnsel vm2, $0x7FFFFFFF, v17;
	v19 =	vmov s22;
	s15 =	sshra.s32 s3, $0x14;
	s17 =	smul.u32 $0x2E8BA2E9, s31;
	s31 =	sshra.s32 s4, $0x14  }
0x4e4: {  	vm0 =	vcmask $0x704;
	(xrf0) =	vmax.scan.msk.u32 $0xffff, v11;
	s3 =	sshrl.u32 s3, $0x1F;
	v11 =	vsel vm3, s15, v19;
	s22 =	sadd.s32 s9, s10;
	s10 =	sshra.s32 s2, $0x14  }
0x4e5: {  	vm1 =	vmmov vm3;
	s15 =	sshra.s32 s12, $0x1F;
	s9 =	sshra.s32 s14, $0x1F;
	v22 =	vmov s3;
	v11 =	vsel vm0, s25, v11;
	s25 =	sshra.s32 s2, $0x1F  }
0x4e6: {  	s7 =	smul.u32 $0x2E8BA2E9, s15;
	s15 =	sld [smem:$0x7AC];
	v14 =	vnsel vm1, $0x0, v22;
	s2 =	sshrl.u32 s2, $0x1F  }
0x4e7: {  	s3 =	sshrl.u32 s4, $0x1F;
	vm0 =	vcmask $0xF0C;
	v11 =	vsel vm10, s10, v11;
	s10 =	sshra.s32 s4, $0x1F;
	v26 =	vsel vm10, s2, v14;
	s4 =	sshra.s32 s5, $0x14  }
0x4e8: {  	v11 =	vsel vm0, s25, v11;
	s25 =	sadd.s32 s0, s6;
	s6 =	sshra.s32 s20, $0x1F;
	v13 =	vsel vm5, s3, v26;
	s3 =	sshra.s32 s29, $0x14  }
0x4e9: {  	vm3 =	vcmask $0x1714;
	v30 =	vmov s4;
	s4 =	sshrl.u32 s23, $0x1F;
	v11 =	vsel vm5, s31, v11;
	s0 =	sxor.u32 $0x80000000, s15;
	s31 =	sshra.s32 s20, $0x14  }
0x4ea: {  	s15 =	sshrl.u32 s1, $0x1F;
	s1 =	sshra.s32 s1, $0x14;
	v11 =	vsel vm3, s10, v11;
	s10 =	sshra.s32 s18, $0x14  }
0x4eb: {  	v18 =	vimm.s32 $0x0;
	v27 =	vmov s15;
	v29 =	vmov s1;
	s15 =	sshrl.u32 s20, $0x1F;
	s20 =	sshra.s32 s28, $0x14;
	s1 =	smulhi.u32 $0x2E8BA2E9, s12  }
0x4ec: {  	v12 =	vsel vm2, $0xFFFFFFFF, v18;
	vm1 =	vcmask $0x1F1C;
	s12 =	smulhi.u32 $0x2E8BA2E9, s14;
	s14 =	sshra.s32 s26, $0x14;
	v24 =	vsel vm14, s31, v11;
	s31 =	sshrl.u32 s5, $0x1F  }
0x4ed: {  	s5 =	sshra.s32 s18, $0x1F;
	v13 =	vsel vm14, s15, v13;
	v16 =	vsel vm10, s20, v29;
	s15 =	sshra.s32 s29, $0x1F;
	s20 =	sshrl.u32 s19, $0x1F;
	v25 =	vsel vm1, s6, v24  }
0x4ee: {  	v20 =	vsel vm2, $0x1, v2;
	[tilespmem:$0x1FFA0] =	vst v12;
	v28 =	vmov s31;
	s6 =	sshrl.u32 s28, $0x1F;
	s31 =	sshra.s32 s30, $0x14;
	v12 =	vsel vm4, s10, v25;
	s10 =	sshrl.u32 s30, $0x1F  }
0x4ef: {  	v21, _, _ =	vpop (xrf0);
	(xrf0) =	vadd.scan.msk.s32 $0xffff, v20;
	v14 =	vsel vm10, s6, v27;
	v17 =	vsel vm10, s31, v30;
	s6 =	sshrl.u32 s26, $0x1F;
	s26 =	sshra.s32 s19, $0x14;
	s31 =	sshra.s32 s25, $0x14  }
0x4f0: {  	vm12 =	vcmask $0x2F2C;
	v31 =	vsel vm13, s5, v12;
	v15 =	vsel vm10, s10, v28;
	s5 =	sshrl.u32 s18, $0x1F;
	s10 =	sshra.s32 s23, $0x14;
	s18 =	sshrl.u32 s29, $0x1F  }
0x4f1: {  	v23 =	vxor.u32 $0x80000000, v21;
	v17 =	vsel vm5, s14, v17;
	s23 =	sshrl.u32 s22, $0x1F;
	s14 =	smulhi.u32 $0x2E8BA2E9, s21;
	v18 =	vsel vm7, s3, v31;
	s3 =	sshra.s32 s22, $0x14  }
0x4f2: {  	vm0 =	vgt.s32 v23, s0;
	v15 =	vsel vm5, s6, v15;
	v13 =	vsel vm4, s5, v13;
	s5 =	sshrl.u32 s8, $0x1F;
	s6 =	sshra.s32 s21, $0x1F;
	s22 =	sld [smem:$0x7AE]  }
0x4f3: {  	v11 =	vnsel vm0, s0, v23;
	v16 =	vsel vm5, s10, v16;
	s10 =	sshra.s32 s8, $0x14;
	s21 =	smulhi.u32 $0x2E8BA2E9, s24;
	v13 =	vsel vm7, s18, v13;
	s18 =	sld [smem:$0x7AD]  }
0x4f4: {  	vm0 =	vcmask $0x3734;
	v18 =	vsel vm12, s15, v18;
	v16 =	vsel vm14, s26, v16;
	s8 =	smul.u32 $0x2E8BA2E9, s6;
	s15 =	sshra.s32 s24, $0x1F;
	s26 =	sld [smem:$0x7AF]  }
0x4f5: {  	v14 =	vsel vm5, s4, v14;
	s4 =	sshra.s32 s25, $0x1F;
	v12, _, _ =	vpop (xrf0);
	v17 =	vsel vm14, s3, v17;
	s3 =	sld [smem:$0x7B0];
	v18 =	vsel vm8, s31, v18;
	s19 =	smul.u32 $0x2E8BA2E9, s15  }
0x4f6: {  	s2 =	sld [smem:$0x7B8];
	s30 =	sshrl.u32 s25, $0x1F;
	v32 =	vxor.u32 $0x80000000, v12;
	v18 =	vsel vm0, s4, v18;
	s29 =	smulhi.u32 $0x2E8BA2E9, s22  }
0x4f7: {  	v14 =	vsel vm14, s20, v14;
	(xrf0) =	vmax.scan.msk.u32 $0xffff, v32;
	v18 =	vsel vm9, s10, v18;
	s20 =	sshra.s32 s18, $0x1F;
	s24 =	smulhi.u32 $0x2E8BA2E9, s18;
	s10 =	sld [smem:$0x7B1]  }
0x4f8: {  	v33 =	vxor.u32 $0x80000000, v11;
	s31 =	sshra.s32 s26, $0x1F;
	s6 =	smulhi.u32 $0x2E8BA2E9, s3;
	s18 =	sld [smem:$0x7B2]  }
0x4f9: {  	v13 =	vsel vm8, s30, v13;
	(xrf0) =	vmax.scan.msk.u32 $0xffff, v33;
	s4 =	sshra.s32 s3, $0x1F;
	s30 =	smul.u32 $0x2E8BA2E9, s31;
	s31 =	sld [smem:$0x7B3]  }
0x4fa: {  	s0 =	smul.u32 $0x2E8BA2E9, s4;
	s4 =	sld [smem:$0x7B4]  }
0x4fb: {  	v13 =	vsel vm9, s5, v13;
	s5 =	smulhi.u32 $0x2E8BA2E9, s26;
	[smem:$0x7C7] =	sst s6  }
0x4fc: {  	s25 =	sshra.s32 s22, $0x1F;
	[smem:$0x7C6] =	sst s0;
	s22 =	smulhi.u32 $0x2E8BA2E9, s10  }
0x4fd: {  	s15 =	sshra.s32 s10, $0x1F;
	s26 =	smulhi.u32 $0x2E8BA2E9, s18;
	s10 =	sld [smem:$0x7B5];
	v35, _, _ =	vpop (xrf0)  }
0x4fe: {  	[smem:$0x7C9] =	sst s22;
	(v2sf) =	vpush v35, $0xF  }
0x4ff: {  	s0 =	smul.u32 $0x2E8BA2E9, s15;
	[smem:$0x7CB] =	sst s26;
	v37, _, _ =	vpop (xrf0)  }
0x500: {  	v15 =	vsel vm14, s23, v15;
	s23 =	smul.u32 $0x2E8BA2E9, s20;
	s20 =	sshra.s32 s18, $0x1F;
	s26 =	rddreg [dreg:$0xc];
	(v2sf) =	vpush v37, $0xF  }
0x501: {  	[smem:$0x7C8] =	sst s0;
	s0 =	smul.u32 $0x2E8BA2E9, s20  }
0x502: {  	s3 =	sshra.s32 s31, $0x1F;
	s20 =	smulhi.u32 $0x2E8BA2E9, s31;
	s31 =	sld [smem:$0x7B6];
	(v2sf) =	vpush v9, $0xE  }
0x503: {  	[smem:$0x7CA] =	sst s0;
	s0 =	smul.u32 $0x2E8BA2E9, s3  }
0x504: {  	s6 =	sshra.s32 s4, $0x1F;
	[smem:$0x7CD] =	sst s20;
	s3 =	smulhi.u32 $0x2E8BA2E9, s4  }
0x505: {  	(v2sf) =	vpush v9, $0xA;
	[smem:$0x7CC] =	sst s0;
	s0 =	smul.u32 $0x2E8BA2E9, s6  }
0x506: {  	[smem:$0x7CF] =	sst s3;
	s6 =	smulhi.u32 $0x2E8BA2E9, s10  }
0x507: {  	s15 =	sshra.s32 s10, $0x1F;
	[smem:$0x7CE] =	sst s0  }
0x508: {  	s0 =	smul.u32 $0x2E8BA2E9, s15;
	[smem:$0x7D1] =	sst s6  }
0x509: {  	(v2sf) =	vpush v9, $0xF;
	s15 =	rddreg [dreg:$0x10]  }
0x50a: {  	[smem:$0x7D0] =	sst s0  }
0x50b: {  	s0 =	sadd.s32 s31, s26;
	s26 =	rddreg [dreg:$0x12]  }
0x50c: {  	s31 =	sld [smem:$0x7B7]  }
0x50d: {  	(v2sf) =	vpush v9, $0xB;
	[smem:$0x7F9] =	sst s0;
	s18 =	spop (v2sf)  }
0x50e: {  	[dreg:$0x1e] =	wrdreg s18  }
0x50f: {  	s22 =	spop (v2sf);
	s18 =	rddreg [dreg:$0x11]  }
0x510: {  	[dreg:$0x1d] =	wrdreg s22  }
0x511: {  	s3 =	spop (v2sf);
	s15 =	sadd.s32 s15, s18;
	s18 =	sadd.s32 s26, s31  }
0x512: {  	s31 =	sld [smem:$0x7BB];
	s10 =	sshra.s32 s3, $0x1F;
	s6 =	smulhi.u32 $0x2E8BA2E9, s3  }
0x513: {  	s20 =	smul.u32 $0x2E8BA2E9, s10;
	s10 =	sld [smem:$0x7B9]  }
0x514: {  	s4 =	spop (v2sf);
	[smem:$0x7D3] =	sst s6  }
0x515: {  	s22 =	sshra.s32 s4, $0x1F;
	[smem:$0x7D2] =	sst s20  }
0x516: {  	v14 =	vcombine.low v15, v14;
	s20 =	smul.u32 $0x2E8BA2E9, s22;
	s22 =	sld [smem:$0x7BA]  }
0x517: {  	v34 =	vcombine.low v17, v16;
	(v2sf) =	vpush v9, $0x6;
	s26 =	sadd.s32 s2, s10;
	s10 =	smulhi.u32 $0x2E8BA2E9, s4;
	s2 =	sld [smem:$0x7BE]  }
0x518: {  	v13 =	vperm.xlane v13, v5;
	v14 =	vperm.xlane v14, v4;
	s3 =	spop (v2sf);
	[smem:$0x7D4] =	sst s20  }
0x519: {  	v39 =	vsel vm15, $0x80000000, v7;
	v15 =	vperm.xlane v34, v4;
	v36 =	vperm.xlane v18, v5;
	s20 =	sshra.s32 s3, $0x1F;
	s3 =	smulhi.u32 $0x2E8BA2E9, s3;
	[smem:$0x7D5] =	sst s10  }
0x51a: {  	v40 =	vxor.u32 $0x80000000, v39;
	s0 =	sadd.s32 s22, s31;
	s22 =	smul.u32 $0x2E8BA2E9, s20;
	s20 =	sld [smem:$0x7BC]  }
0x51b: {  	v13 =	vsel vm6, v13, v14;
	v38 =	vsel vm6, v36, v15;
	(xrf0) =	vmax.scan.msk.u32 $0xffff, v40;
	[smem:$0x7DD] =	sst s0  }
0x51c: {  	v13 =	vadd.s32 v13, v38;
	s6 =	spop (v2sf);
	[smem:$0x7D7] =	sst s3  }
0x51d: {  	v41 =	vmul.u32 $0xFFDDA000, v13;
	s31 =	sshra.s32 s6, $0x1F;
	s6 =	smulhi.u32 $0x2E8BA2E9, s6;
	[smem:$0x7D6] =	sst s22  }
0x51e: {  	v42 =	vsub.s32 $0x0, v7;
	s22 =	sld [smem:$0x7BD]  }
0x51f: {  	vm0 =	vlt.s32 v7, $0x1;
	s25 =	smul.u32 $0x2E8BA2E9, s25;
	vm2 =	vne.s32 v41, v42;
	[smem:$0x7D9] =	sst s6  }
0x520: {  	vm0 =	vmand vm0, vm2;
	s31 =	smul.u32 $0x2E8BA2E9, s31;
	s6 =	sld [smem:$0x7C7]  }
0x521: {  	s25 =	sadd.s32 s25, s29;
	v43 =	vsel vm0, $0xFFFFFFFF, v2;
	v44, _, _ =	vpop (xrf0);
	s29 =	sld [smem:$0x7D7]  }
0x522: {  	v13 =	vadd.s32 v43, v13;
	(v2sf) =	vpush v44, $0xF;
	[smem:$0x7D8] =	sst s31  }
0x523: {  	v14 =	vmul.u32 $0xFFDDA000, v13;
	s31 =	sld [smem:$0x7C1]  }
0x524: {  	s0 =	sadd.s32 s20, s22;
	s20 =	sld [smem:$0x7BF]  }
0x525: {  	v14 =	vadd.s32 v7, v14;
	s22 =	sld [smem:$0x7C0]  }
0x526: {  	(v2sf) =	vpush v14, $0x7;
	s10 =	spop (v2sf);
	[smem:$0x7DE] =	sst s0  }
0x527: {  	(v2sf) =	vpush v14, $0x0;
	s4 =	sshra.s32 s10, $0x1F;
	s0 =	sadd.s32 s2, s20;
	s2 =	sld [smem:$0x7C4]  }
0x528: {  	s20 =	smul.u32 $0x2E8BA2E9, s4;
	s4 =	sld [smem:$0x7C5]  }
0x529: {  	(v2sf) =	vpush v14, $0x1;
	[smem:$0x7DF] =	sst s0  }
0x52a: {  	(v2sf) =	vpush v14, $0x2;
	s0 =	sadd.s32 s22, s31;
	s22 =	sld [smem:$0x7C2]  }
0x52b: {  	(v2sf) =	vpush v14, $0x3;
	s31 =	sld [smem:$0x7C3]  }
0x52c: {  	s11 =	smulhi.u32 $0x2E8BA2E9, s11;
	[smem:$0x7E0] =	sst s0  }
0x52d: {  	[smem:$0x7DA] =	sst s20;
	s0 =	sadd.s32 s2, s16  }
0x52e: {  	s16 =	sadd.s32 s17, s11;
	s11 =	sadd.s32 s8, s14;
	s8 =	sld [smem:$0x7C8]  }
0x52f: {  	[smem:$0x7E1] =	sst s0  }
0x530: {  	(v2sf) =	vpush v14, $0x4;
	s17 =	smulhi.u32 $0x2E8BA2E9, s10;
	s0 =	sadd.s32 s4, s13;
	[smem:$0x7E5] =	sst s11  }
0x531: {  	(v2sf) =	vpush v14, $0xC;
	s13 =	spop (v2sf);
	[smem:$0x7E2] =	sst s0  }
0x532: {  	[dreg:$0x1f] =	wrdreg s13  }
0x533: {  	s9 =	smul.u32 $0x2E8BA2E9, s9;
	s4 =	sadd.s32 s7, s1;
	[smem:$0x7DB] =	sst s17  }
0x534: {  	s22 =	sadd.s32 s22, s31;
	[smem:$0x7E4] =	sst s4  }
0x535: {  	s20 =	spop (v2sf);
	s17 =	sadd.s32 s9, s12;
	s9 =	sld [smem:$0x7C9]  }
0x536: {  	s31 =	smulhi.u32 $0x2E8BA2E9, s20;
	s3 =	sshra.s32 s20, $0x1F;
	s2 =	spop (v2sf)  }
0x537: {  	s28 =	smul.u32 $0x2E8BA2E9, s3;
	s3 =	sadd.s32 s30, s5;
	s5 =	sld [smem:$0x7C6]  }
0x538: {  	s21 =	sadd.s32 s19, s21;
	s10 =	spop (v2sf);
	s30 =	sld [smem:$0x7CB]  }
0x539: {  	s23 =	sadd.s32 s23, s24;
	(v2sf) =	vpush v14, $0x8;
	[smem:$0x7DC] =	sst s31;
	s13 =	spop (v2sf)  }
0x53a: {  	(v2sf) =	vpush v14, $0xD;
	s7 =	sshra.s32 s2, $0x1F;
	[smem:$0x7E8] =	sst s3;
	s24 =	spop (v2sf)  }
0x53b: {  	s4 =	sshra.s32 s24, $0x1F;
	s11 =	smulhi.u32 $0x2E8BA2E9, s24;
	s24 =	sld [smem:$0x7CA]  }
0x53c: {  	s20 =	smulhi.u32 $0x2E8BA2E9, s2;
	s2 =	sadd.s32 s5, s6;
	s5 =	sld [smem:$0x7CC]  }
0x53d: {  	s31 =	smul.u32 $0x2E8BA2E9, s7;
	s12 =	sshra.s32 s10, $0x1F;
	s6 =	sld [smem:$0x7CD]  }
0x53e: {  	s19 =	smul.u32 $0x2E8BA2E9, s12;
	[smem:$0x7EB] =	sst s2;
	s2 =	sadd.s32 s8, s9  }
0x53f: {  	s7 =	spop (v2sf);
	[smem:$0x7E6] =	sst s2  }
0x540: {  	s1 =	spop (v2sf);
	s2 =	sadd.s32 s24, s30;
	s24 =	sld [smem:$0x7CE]  }
0x541: {  	s12 =	smul.u32 $0x2E8BA2E9, s4;
	s4 =	sshra.s32 s1, $0x1F;
	s30 =	sld [smem:$0x7CF]  }
0x542: {  	s8 =	smul.u32 $0x2E8BA2E9, s4;
	s4 =	sld [smem:$0x7D0]  }
0x543: {  	[smem:$0x7E7] =	sst s2  }
0x544: {  	s2 =	sadd.s32 s5, s6;
	s5 =	sld [smem:$0x7D1]  }
0x545: {  	s6 =	sld [smem:$0x7D2]  }
0x546: {  	s3 =	sadd.s32 s24, s30;
	s24 =	sld [smem:$0x7D3]  }
0x547: {  	(v2sf) =	vpush v14, $0x9;
	[smem:$0x7E9] =	sst s2  }
0x548: {  	(v2sf) =	vpush v14, $0x5;
	s0 =	spop (v2sf);
	[smem:$0x7EA] =	sst s3  }
0x549: {  	s2 =	sadd.s32 s6, s24;
	s6 =	smulhi.u32 $0x2E8BA2E9, s1;
	s1 =	spop (v2sf)  }
0x54a: {  	s3 =	sadd.s32 s4, s5;
	s4 =	sld [smem:$0x7D4];
	s30 =	sshra.s32 s1, $0x1F  }
0x54b: {  	s24 =	smul.u32 $0x2E8BA2E9, s30;
	s30 =	sld [smem:$0x7D5]  }
0x54c: {  	[smem:$0x7E3] =	sst s16;
	s11 =	sadd.s32 s12, s11  }
0x54d: {  	[smem:$0x7F6] =	sst s11  }
0x54e: {  	(v2sf) =	vpush v14, $0xE;
	s4 =	sadd.s32 s4, s30;
	s30 =	sld [smem:$0x7D6]  }
0x54f: {  	s16 =	smulhi.u32 $0x2E8BA2E9, s10;
	s10 =	sshra.s32 s7, $0x1F;
	s11 =	rddreg [dreg:$0xf]  }
0x550: {  	s9 =	smulhi.u32 $0x2E8BA2E9, s7;
	s7 =	sshra.s32 s0, $0x1F;
	[smem:$0x7EE] =	sst s3  }
0x551: {  	s7 =	smul.u32 $0x2E8BA2E9, s7;
	s30 =	sadd.s32 s30, s29;
	s29 =	sld [smem:$0x7D9]  }
0x552: {  	s5 =	smulhi.u32 $0x2E8BA2E9, s0;
	[smem:$0x7F0] =	sst s30  }
0x553: {  	s14 =	sshra.s32 s13, $0x1F;
	s13 =	smulhi.u32 $0x2E8BA2E9, s13;
	s30 =	sld [smem:$0x7D8]  }
0x554: {  	s14 =	smul.u32 $0x2E8BA2E9, s14;
	s5 =	sadd.s32 s7, s5;
	[smem:$0x7EC] =	sst s2  }
0x555: {  	s10 =	smul.u32 $0x2E8BA2E9, s10;
	[smem:$0x7F5] =	sst s5  }
0x556: {  	s0 =	spop (v2sf);
	s30 =	sadd.s32 s30, s29;
	s29 =	sld [smem:$0x7DB]  }
0x557: {  	s20 =	sadd.s32 s31, s20;
	s2 =	spop (v2sf);
	[smem:$0x7F1] =	sst s30  }
0x558: {  	s3 =	sshra.s32 s0, $0x1F;
	s0 =	smulhi.u32 $0x2E8BA2E9, s0;
	s30 =	sld [smem:$0x7DA]  }
0x559: {  	s6 =	sadd.s32 s8, s6;
	[smem:$0x7ED] =	sst s4;
	s4 =	smul.u32 $0x2E8BA2E9, s3  }
0x55a: {  	[smem:$0x7F4] =	sst s6;
	s3 =	sshra.s32 s2, $0x1F;
	s2 =	smulhi.u32 $0x2E8BA2E9, s2  }
0x55b: {  	s0 =	sadd.s32 s4, s0;
	s30 =	sadd.s32 s30, s29;
	s29 =	sld [smem:$0x7DC]  }
0x55c: {  	s16 =	sadd.s32 s19, s16;
	s3 =	smul.u32 $0x2E8BA2E9, s3;
	[smem:$0x7F8] =	sst s0  }
0x55d: {  	s12 =	sshra.s32 s15, $0x8;
	[smem:$0x7F2] =	sst s30;
	s30 =	spop (v2sf)  }
0x55e: {  	s31 =	sshra.s32 s30, $0x1F;
	s8 =	smulhi.u32 $0x2E8BA2E9, s30;
	s28 =	sadd.s32 s28, s29  }
0x55f: {  	s19 =	smul.u32 $0x2E8BA2E9, s31;
	s31 =	sadd.s32 s10, s9;
	s10 =	rddreg [dreg:$0xe]  }
0x560: {  	s5 =	sshrl.u32 s15, $0x1F;
	[smem:$0x7F3] =	sst s28;
	s28 =	smulhi.u32 $0x2E8BA2E9, s1  }
0x561: {  	s1 =	sadd.s32 s14, s13;
	s0 =	sshrl.u32 s10, $0x1F;
	s14 =	sld [smem:$0x7DD]  }
0x562: {  	s13 =	sshra.s32 s15, $0x1F;
	s15 =	sld [smem:$0x7DE];
	s10 =	sshra.s32 s22, $0x1F  }
0x563: {  	v10 =	vsel vm5, s12, v10;
	s30 =	sadd.s32 s19, s8;
	s19 =	sshra.s32 s18, $0x8;
	s9 =	sadd.s32 s24, s28  }
0x564: {  	v10 =	vsel vm3, s13, v10;
	s28 =	sadd.s32 s3, s2;
	s2 =	sshrl.u32 s11, $0x1F;
	s24 =	sshra.s32 s18, $0x1F  }
0x565: {  	s11 =	sshrl.u32 s18, $0x1F;
	s18 =	sld [smem:$0x7E0];
	v10 =	vsel vm14, s19, v10;
	s19 =	sshra.s32 s26, $0x8  }
0x566: {  	vm4 =	vcmask $0x300;
	v45 =	vmov s0;
	[smem:$0x7F7] =	sst s9;
	s6 =	sshrl.u32 s14, $0x1F;
	s7 =	sshra.s32 s14, $0x8  }
0x567: {  	vm0 =	vcmask $0x2320;
	v15 =	vnsel vm4, $0x0, v45;
	s8 =	sshrl.u32 s15, $0x1F;
	s9 =	sshra.s32 s15, $0x8;
	s15 =	sld [smem:$0x7DF];
	v10 =	vsel vm1, s24, v10  }
0x568: {  	s14 =	sshra.s32 s26, $0x1F;
	v15 =	vsel vm10, s2, v15;
	s24 =	sld [smem:$0x7E1];
	v10 =	vsel vm0, s19, v10;
	s19 =	sshra.s32 s22, $0x8  }
0x569: {  	(v2sf) =	vpush v14, $0xA;
	v15 =	vsel vm5, s5, v15;
	s5 =	sshrl.u32 s22, $0x1F;
	s22 =	sld [smem:$0x7E3];
	s4 =	sshrl.u32 s18, $0x1F  }
0x56a: {  	(v2sf) =	vpush v14, $0xF;
	s13 =	sshra.s32 s18, $0x8;
	v10 =	vsel vm13, s14, v10;
	s14 =	sshrl.u32 s17, $0x1F;
	v15 =	vsel vm14, s11, v15;
	s11 =	sshra.s32 s17, $0x1F  }
0x56b: {  	vm11 =	vmmov vm11;
	vm15 =	vcmask $0x704;
	(v2sf) =	vpush v14, $0xB;
	s12 =	sshrl.u32 s15, $0x1F;
	s0 =	sshra.s32 s15, $0x8;
	s15 =	sshrl.u32 s26, $0x1F  }
0x56c: {  	vm2 =	vmmov vm3;
	(v2sf) =	vpush v14, $0x6;
	v46 =	vmov s6;
	s2 =	sshrl.u32 s24, $0x1F;
	s3 =	sshra.s32 s24, $0x8;
	s26 =	sld [smem:$0x7E2]  }
0x56d: {  	v48 =	vmov s7;
	v49 =	vmov s9;
	s24 =	sld [smem:$0x7E4];
	v10 =	vsel vm7, s19, v10;
	s7 =	sshrl.u32 s22, $0x1F;
	s9 =	sshra.s32 s22, $0x8  }
0x56e: {  	v18 =	vsel vm10, s0, v48;
	s0 =	sshra.s32 s17, $0x8;
	v15 =	vsel vm0, s15, v15;
	s22 =	sshra.s32 s23, $0x8;
	v50 =	vsel vm12, s10, v10;
	s10 =	sshrl.u32 s23, $0x1F  }
0x56f: {  	v47 =	vmov s8;
	s15 =	sshra.s32 s25, $0x8;
	v18 =	vsel vm5, s3, v18;
	s3 =	sshrl.u32 s21, $0x1F;
	v52 =	vsel vm7, s5, v15;
	s5 =	sshra.s32 s25, $0x1F  }
0x570: {  	vm3 =	vmmov vm12;
	v17 =	vsel vm10, s4, v47;
	v16 =	vsel vm10, s12, v46;
	s18 =	sshrl.u32 s26, $0x1F;
	s6 =	sshra.s32 s26, $0x8;
	s26 =	rddreg [dreg:$0xd]  }
0x571: {  	v19 =	vsel vm10, s13, v49;
	vm0 =	vcmask $0xF0C;
	v16 =	vsel vm5, s2, v16;
	s13 =	sshrl.u32 s26, $0x1F;
	s2 =	sshra.s32 s26, $0x8;
	s26 =	sld [smem:$0x7E5]  }
0x572: {  	vm12 =	vcmask $0x3734;
	v20 =	vsel vm8, s0, v50;
	s4 =	sshrl.u32 s24, $0x1F;
	v53 =	vsel vm14, s7, v16;
	s7 =	sshrl.u32 s25, $0x1F;
	s25 =	sld [smem:$0x7E6]  }
0x573: {  	s12 =	sshra.s32 s24, $0x8;
	s24 =	sshra.s32 s23, $0x1F;
	v56 =	vsel vm14, s9, v18;
	s23 =	sld [smem:$0x7E9];
	v59 =	vsel vm12, s11, v20;
	v60 =	vsel vm8, s14, v52  }
0x574: {  	s19 =	sshra.s32 s21, $0x1F;
	v61 =	vmov s3;
	v17 =	vsel vm5, s18, v17;
	s18 =	sshra.s32 s21, $0x8;
	v19 =	vsel vm5, s6, v19;
	s21 =	sshra.s32 s26, $0x1F  }
0x575: {  	v55 =	vsel vm14, s4, v17;
	v58 =	vsel vm14, s12, v19;
	s8 =	sshrl.u32 s25, $0x1F;
	s0 =	sshra.s32 s25, $0x8;
	s25 =	sld [smem:$0x7EB];
	v51 =	vmov s21  }
0x576: {  	v19 =	vsel vm9, s2, v59;
	v20 =	vsel vm9, s13, v60;
	s6 =	sshrl.u32 s23, $0x1F;
	s12 =	sshra.s32 s23, $0x8;
	s23 =	sld [smem:$0x7EC];
	v54 =	vsel vm4, s18, v51  }
0x577: {  	v31 =	vmov s8;
	v33 =	vmov s0;
	s0 =	sshrl.u32 s26, $0x1F;
	s21 =	sld [smem:$0x7E7];
	v21 =	vsel vm15, s19, v54  }
0x578: {  	v23 =	vsel vm10, s6, v31;
	s6 =	sshra.s32 s26, $0x8;
	v25 =	vsel vm10, s12, v33;
	s12 =	sshra.s32 s20, $0x1F;
	v57 =	vsel vm10, s22, v21;
	s22 =	sld [smem:$0x7E8]  }
0x579: {  	v10 =	vcombine.low v55, v53;
	v34 =	vcombine.low v58, v56;
	s14 =	sshra.s32 s25, $0x8;
	s2 =	sshrl.u32 s25, $0x1F;
	v17 =	vsel vm0, s24, v57;
	s24 =	sld [smem:$0x7EA]  }
0x57a: {  	v36 =	vperm.xlane v19, v5;
	s17 =	sshrl.u32 s21, $0x1F;
	s19 =	sshra.s32 s21, $0x8;
	v21 =	vnsel vm4, $0x0, v61;
	v17 =	vsel vm5, s15, v17;
	s15 =	sshra.s32 s25, $0x1F  }
0x57b: {  	v37 =	vperm.xlane v20, v5;
	v10 =	vperm.xlane v10, v4;
	v21 =	vsel vm10, s10, v21;
	s25 =	sld [smem:$0x7EF];
	s4 =	sshra.s32 s22, $0x8;
	s18 =	sshrl.u32 s22, $0x1F  }
0x57c: {  	v15 =	vperm.xlane v34, v4;
	v21 =	vsel vm5, s7, v21;
	v17 =	vsel vm2, s5, v17;
	s21 =	sshrl.u32 s24, $0x1F;
	s11 =	sshra.s32 s24, $0x8;
	s24 =	sld [smem:$0x7ED]  }
0x57d: {  	s13 =	sshra.s32 s23, $0x8;
	v26 =	vmov s19;
	s19 =	sshra.s32 s16, $0x8;
	s9 =	sshra.s32 s22, $0x1F;
	v62 =	vsel vm14, s4, v17;
	v21 =	vsel vm14, s18, v21  }
0x57e: {  	s5 =	sshrl.u32 s23, $0x1F;
	s18 =	sshrl.u32 s20, $0x1F;
	v63 =	vor.u32 s25, v0;
	v22 =	vsel vm1, s9, v62;
	s25 =	sld [smem:$0x7F0];
	vm1 =	vcmask $0x2320  }
0x57f: {  	v32 =	vmov s17;
	v23 =	vsel vm5, s5, v23;
	v22 =	vsel vm1, s14, v22;
	s3 =	sshrl.u32 s24, $0x1F;
	s4 =	sshra.s32 s24, $0x8;
	s24 =	sld [smem:$0x7EE]  }
0x580: {  	s5 =	sshra.s32 s16, $0x1F;
	v24 =	vsel vm10, s21, v32;
	v26 =	vsel vm10, s11, v26;
	s11 =	sshrl.u32 s16, $0x1F;
	v22 =	vsel vm13, s15, v22;
	s15 =	sshra.s32 s20, $0x8  }
0x581: {  	v10 =	vsel vm6, v37, v10;
	v15 =	vsel vm6, v36, v15;
	s20 =	sld [smem:$0x7F3];
	s8 =	sshra.s32 s25, $0x8;
	v24 =	vsel vm5, s3, v24;
	s3 =	spop (v2sf)  }
0x582: {  	v52 =	vsub.s32 $0x0, v9;
	v25 =	vsel vm5, s13, v25;
	v10 =	vadd.s32 v10, v15;
	s21 =	sshra.s32 s3, $0x1F;
	s22 =	sshra.s32 s24, $0x8;
	s9 =	sshra.s32 s24, $0x1F  }
0x583: {  	v15 =	vmul.u32 $0xFFFFFA80, v10;
	v28 =	vmov s18;
	v21 =	vsel vm1, s2, v21;
	s23 =	sshrl.u32 s24, $0x1F;
	s24 =	sshrl.u32 s25, $0x1F;
	s25 =	sld [smem:$0x7F1]  }
0x584: {  	s16 =	sshra.s32 s1, $0x1F;
	v28 =	vnsel vm4, $0x0, v28;
	v39 =	vand.u32 $0xFFF, v63;
	v26 =	vsel vm5, s4, v26;
	s4 =	smul.u32 $0x2E8BA2E9, s21;
	s21 =	sld [smem:$0x7F6]  }
0x585: {  	s2 =	sshra.s32 s1, $0x8;
	v11 =	vsub.s32 v63, v11;
	v28 =	vsel vm10, s11, v28;
	s26 =	sshra.s32 s20, $0x1F;
	v22 =	vsel vm7, s22, v22;
	s22 =	sld [smem:$0x7F4]  }
0x586: {  	s1 =	sshrl.u32 s1, $0x1F;
	v40 =	vshll.u32 v39, $0x2;
	v48 =	vadd.s32 $0x4E20, v39;
	s3 =	smulhi.u32 $0x2E8BA2E9, s3;
	v27 =	vmov s26;
	s26 =	sld [smem:$0x7F5]  }
0x587: {  	v28 =	vsel vm5, s1, v28;
	v17 =	vadd.s32 $0x2AB980, v40;
	v27 =	vsel vm4, s15, v27;
	s10 =	sshrl.u32 s25, $0x1F;
	s14 =	sshra.s32 s25, $0x8;
	s25 =	sld [smem:$0x7F2]  }
0x588: {  	v21 =	vsel vm7, s23, v21;
	v22 =	vsel vm3, s9, v22;
	v27 =	vsel vm15, s12, v27;
	s23 =	sshra.s32 s21, $0x1F;
	s13 =	sshrl.u32 s22, $0x1F;
	s9 =	sshra.s32 s22, $0x8  }
0x589: {  	v25 =	vsel vm14, s8, v25;
	v23 =	vsel vm14, s24, v23;
	s12 =	sshrl.u32 s26, $0x1F;
	v27 =	vsel vm10, s19, v27;
	s15 =	sshra.s32 s26, $0x8;
	s19 =	sld [smem:$0x7F8]  }
0x58a: {  	vm15 =	vmmov vm2;
	s22 =	sshra.s32 s21, $0x8;
	v27 =	vsel vm0, s5, v27;
	v31 =	vmov s9;
	s9 =	sadd.s32 s4, s3;
	s7 =	sshrl.u32 s25, $0x1F  }
0x58b: {  	v24 =	vsel vm14, s10, v24;
	v26 =	vsel vm14, s14, v26;
	s17 =	sshra.s32 s25, $0x8;
	s25 =	sshra.s32 s25, $0x1F;
	v27 =	vsel vm5, s2, v27;
	s2 =	sshrl.u32 s21, $0x1F  }
0x58c: {  	vm0 =	vcmask $0x1F1C;
	s1 =	sshra.s32 s9, $0x8;
	v22 =	vsel vm8, s17, v22;
	s17 =	spop (v2sf);
	v27 =	vsel vm2, s16, v27;
	s21 =	sshrl.u32 s19, $0x1F  }
0x58d: {  	v29 =	vmov s13;
	v30 =	vmov s12;
	s24 =	sshra.s32 s17, $0x1F;
	s14 =	spop (v2sf);
	v27 =	vsel vm14, s22, v27;
	s22 =	smulhi.u32 $0x2E8BA2E9, s17  }
0x58e: {  	v32 =	vmov s15;
	v42 =	vcombine.low v24, v23;
	v22 =	vsel vm12, s25, v22;
	s25 =	sld [smem:$0x7F7];
	s17 =	sshrl.u32 s30, $0x1F;
	s10 =	smul.u32 $0x2E8BA2E9, s24  }
0x58f: {  	v21 =	vsel vm8, s7, v21;
	v30 =	vsel vm10, s21, v30;
	s26 =	sshra.s32 s14, $0x1F;
	v22 =	vsel vm9, s6, v22;
	s6 =	sshra.s32 s19, $0x8;
	s21 =	smulhi.u32 $0x2E8BA2E9, s14  }
0x590: {  	v47 =	vld [tilespmem:$0x1FFA0];
	v43 =	vcombine.low v26, v25;
	v21 =	vsel vm9, s0, v21;
	v27 =	vsel vm0, s23, v27;
	s8 =	spop (v2sf);
	s23 =	sshra.s32 s31, $0x8;
	s18 =	smul.u32 $0x2E8BA2E9, s26  }
0x591: {  	v28 =	vsel vm14, s2, v28;
	s19 =	sshrl.u32 s9, $0x1F;
	vm0 =	vlt.s32 v7, $0x55F0000;
	v44 =	vperm.xlane v21, v5;
	s24 =	sshra.s32 s8, $0x1F;
	s8 =	smulhi.u32 $0x2E8BA2E9, s8  }
0x592: {  	v27 =	vsel vm1, s23, v27;
	v32 =	vsel vm10, s6, v32;
	v30 =	vsel vm5, s19, v30;
	s7 =	sshrl.u32 s25, $0x1F;
	s16 =	sshra.s32 s25, $0x8;
	s25 =	sshra.s32 s31, $0x1F  }
0x593: {  	v22 =	vperm.xlane v22, v5;
	s0 =	sadd.s32 s10, s22;
	s22 =	sshrl.u32 s31, $0x1F;
	v32 =	vsel vm5, s1, v32;
	v29 =	vsel vm10, s7, v29;
	s7 =	sld [smem:$0x7F9]  }
0x594: {  	s26 =	sshra.s32 s28, $0x8;
	s23 =	sshra.s32 s30, $0x8;
	s15 =	smul.u32 $0x2E8BA2E9, s24;
	v27 =	vsel vm13, s25, v27;
	v31 =	vsel vm10, s16, v31;
	v28 =	vsel vm1, s22, v28  }
0x595: {  	s25 =	sshra.s32 s28, $0x1F;
	s31 =	sshrl.u32 s0, $0x1F;
	s0 =	sshra.s32 s0, $0x8;
	vm1 =	vnez.u8 v47;
	v27 =	vsel vm7, s26, v27;
	v31 =	vsel vm5, s23, v31  }
0x596: {  	s24 =	sadd.s32 s18, s21;
	v29 =	vsel vm5, s17, v29;
	s26 =	sshrl.u32 s28, $0x1F;
	v27 =	vsel vm3, s25, v27;
	v31 =	vsel vm14, s0, v31;
	s0 =	sadd.s32 $0x80000000, s7  }
0x597: {  	s30 =	sadd.s32 s15, s8;
	s5 =	sshrl.u32 s24, $0x1F;
	s8 =	sshra.s32 s24, $0x8;
	v28 =	vsel vm7, s26, v28;
	v29 =	vsel vm14, s31, v29;
	v35 =	vmov s0  }
0x598: {  	s6 =	sshra.s32 s30, $0x8;
	v30 =	vsel vm14, s5, v30;
	v38 =	vsel vm14, s8, v32;
	s9 =	sshrl.u32 s30, $0x1F;
	v16 =	vadd.s32 $0xFFFFFFFF, v35  }
0x599: {  	s2 =	sshra.s32 s30, $0x1F;
	v27 =	vsel vm8, s6, v27;
	v28 =	vsel vm8, s9, v28;
	v16 =	vbroadcast v16, $0x0  }
0x59a: {  	s12 =	sshrl.u32 s20, $0x1F;
	s10 =	sshra.s32 s20, $0x8;
	v50 =	vcombine.low v30, v29;
	v20 =	vcombine.low v38, v31;
	v27 =	vsel vm12, s2, v27  }
0x59b: {  	v28 =	vsel vm9, s12, v28;
	v27 =	vsel vm9, s10, v27;
	v12 =	vadd.s32 v12, v16  }
0x59c: {  	s11 =	rddreg [dreg:$0x1b];
	v54 =	vperm.xlane v28, v5;
	v18 =	vperm.xlane v50, v4;
	v16 =	vmul.u32 $0x23, v12  }
0x59d: {  	v41 =	vld [tilespmem:s11+$0x1EF19];
	v20 =	vperm.xlane v20, v4;
	v53 =	vperm.xlane v27, v5;
	vm2 =	vlt.s32 v12, $0x4E20  }
0x59e: {  	vm2 =	vmand vm0, vm2;
	vm0 =	vlt.s32 v11, $0x23;
	v16 =	vadd.s32 v16, v11  }
0x59f: {  	v18 =	vsel vm6, v54, v18;
	vm0 =	vmand vm2, vm0;
	v16 =	vshll.u32 v16, $0x2  }
0x5a0: {  	v11 =	vadd.s32 $0x1, v11;
	v16 =	vsel vm0, v16, v17;
	vm0 =	vne.s32 v15, v8  }
0x5a1: {  	v51 =	vld [tilespmem:s11+$0x1F018];
	v17 =	vperm.xlane v42, v4;
	v8 =	vperm.xlane v43, v4;
	vm0 =	vmand vm11, vm0  }
0x5a2: {  	vm11 =	vmand vm2, vm1;
	v45 =	vsel vm0, $0xFFFFFFFF, v2;
	vm0 =	vne.s32 v7, v41  }
0x5a3: {  	v46 =	vsel vm6, v44, v17;
	v8 =	vsel vm6, v22, v8;
	v49 =	vsel vm11, v12, v48  }
0x5a4: {  	vm11 =	vlt.s32 v9, $0x1;
	v7 =	vadd.s32 v45, v10;
	v8 =	vadd.s32 v46, v8  }
0x5a5: {  	vm0 =	vmand vm0, vm2;
	vm2 =	vlt.s32 v11, $0x23;
	v17 =	vmul.u32 $0x3, v49  }
0x5a6: {  	[tilespmem:s11+$0x1F318] =	vst v51;
	s13 =	rddreg [dreg:$0xb];
	v10 =	vsel vm6, v53, v20;
	v55 =	vmul.u32 $0xFFFFFA80, v7;
	v56 =	vmul.u32 $0xFFFFFA80, v8  }
0x5a7: {  	[tilespmem:s13+$0x1FD18] =	vst v7;
	v7 =	vnsel vm2, $0x23, v11;
	v10 =	vadd.s32 v18, v10;
	vm2 =	vmmov vm11  }
0x5a8: {  	[tilespmem:s11+$0x1F498] =	vst v17;
	v57 =	vmul.u32 $0xFFFFFA80, v10;
	v6 =	vadd.s32 v6, v55;
	vm11 =	vne.s32 v56, v52  }
0x5a9: {  	[tilespmem:s13+$0x1FD98] =	vst v6;
	vm2 =	vmand vm2, vm11;
	vm11 =	vlt.s32 v14, $0x1;
	v6 =	vsub.s32 $0x0, v14  }
0x5aa: {  	[tilespmem:s11+$0x1F298] =	vst v16;
	v58 =	vsel vm2, $0xFFFFFFFF, v2;
	vm2 =	vmmov vm11;
	vm11 =	vne.s32 v57, v6  }
0x5ab: {  	v6 =	vsel vm0, v12, v48;
	[tilespmem:s11+$0x1F398] =	vst v7;
	vm0 =	vmand vm2, vm11  }
0x5ac: {  	[tilespmem:s11+$0x1FC98] =	vst v13;
	v7 =	vadd.s32 v58, v8;
	v59 =	vsel vm0, $0xFFFFFFFF, v2  }
0x5ad: {  	s14 =	rddreg [dreg:$0x1c];
	[tilespmem:s11+$0x1F418] =	vst v6;
	v6 =	vmul.u32 $0xFFFFFA80, v7;
	v8 =	vadd.s32 v59, v10  }
0x5ae: {  	[tilespmem:s14+$0x1FD18] =	vst v7;
	v7 =	vmul.u32 $0xFFFFFA80, v8  }
0x5af: {  	v6 =	vadd.s32 v9, v6  }
0x5b0: {  	[tilespmem:s14+$0x1FD98] =	vst v6;
	v6 =	vadd.s32 v14, v7  }
0x5b1: {  	[tilespmem:s11+$0x1FD98] =	vst v6;
	v6 =	vld [tilespmem:$0x1FFE0];
	_ =	sdelay $0x1  }
0x5b2: {  	[tilespmem:s11+$0x1FD18] =	vst v8  }
0x5b3: {  	v7 =	vld [tilespmem:$0x1F298]  }
0x5b4: {  	v8 =	vld [tilespmem:$0x1F318]  }
0x5b5: {  	vm0 =	vnez.u8 v6;
	v6 =	vld [tilespmem:$0x1F318]  }
0x5b6: {  	v12 =	vld [tilespmem:$0x1F498]  }
0x5b7: {  	v60 =	vld [tilespmem:$0x1F298]  }
0x5b8: {  	v61 =	vld [tilespmem:$0x1F318]  }
0x5b9: {  	v62 =	vld [tilespmem:$0x1F298];
	[tilespmem:$0x1F718] =	vst v7  }
0x5ba: {  	[tilespmem:$0x1F518] =	vst v6;
	v6 =	vld [tilespmem:$0x1F318]  }
0x5bb: {  	v63 =	vld [tilespmem:$0x1F298];
	v7 =	vadd.s32 $0x31000, v8;
	[tilespmem:$0x1F918] =	vst v12  }
0x5bc: {  	v14 =	vld [tilespmem:$0x1F2A8];
	[tilespmem:$0x1F598] =	vst v7;
	v7 =	vadd.s32 $0x1, v60  }
0x5bd: {  	v20 =	vld [tilespmem:$0x1F4A8];
	[tilespmem:$0x1F798] =	vst v7;
	v7 =	vadd.s32 $0x62000, v61  }
0x5be: {  	v22 =	vld [tilespmem:$0x1F2B8];
	[tilespmem:$0x1F618] =	vst v7;
	v7 =	vadd.s32 $0x2, v62  }
0x5bf: {  	v27 =	vld [tilespmem:$0x1F4B8];
	[tilespmem:$0x1F818] =	vst v7;
	v6 =	vadd.s32 $0x93000, v6  }
0x5c0: {  	v7 =	vld [tilespmem:$0x1F328];
	[tilespmem:$0x1F698] =	vst v6;
	v6 =	vadd.s32 $0x3, v63  }
0x5c1: {  	[tilespmem:$0x1F898] =	vst v6;
	v6 =	vld [tilespmem:$0x1F328]  }
0x5c2: {  	v15 =	vld [tilespmem:$0x1F2A8];
	[tilespmem:$0x1F728] =	vst v14  }
0x5c3: {  	v17 =	vld [tilespmem:$0x1F328];
	[tilespmem:$0x1F928] =	vst v20  }
0x5c4: {  	v18 =	vld [tilespmem:$0x1F2A8];
	[tilespmem:$0x1F738] =	vst v22  }
0x5c5: {  	[tilespmem:$0x1F528] =	vst v7;
	v7 =	vld [tilespmem:$0x1F328]  }
0x5c6: {  	v19 =	vld [tilespmem:$0x1F2A8];
	[tilespmem:$0x1F938] =	vst v27;
	v6 =	vadd.s32 $0x31000, v6  }
0x5c7: {  	v29 =	vld [tilespmem:$0x1F2C8];
	[tilespmem:$0x1F5A8] =	vst v6;
	v6 =	vadd.s32 $0x1, v15  }
0x5c8: {  	v34 =	vld [tilespmem:$0x1F4C8];
	[tilespmem:$0x1F7A8] =	vst v6;
	v6 =	vadd.s32 $0x62000, v17  }
0x5c9: {  	v36 =	vld [tilespmem:$0x1F2D8];
	[tilespmem:$0x1F628] =	vst v6;
	v6 =	vadd.s32 $0x2, v18  }
0x5ca: {  	v41 =	vld [tilespmem:$0x1F4D8];
	[tilespmem:$0x1F828] =	vst v6;
	v6 =	vadd.s32 $0x93000, v7  }
0x5cb: {  	v7 =	vld [tilespmem:$0x1F338];
	[tilespmem:$0x1F6A8] =	vst v6;
	v6 =	vadd.s32 $0x3, v19  }
0x5cc: {  	[tilespmem:$0x1F8A8] =	vst v6;
	v6 =	vld [tilespmem:$0x1F338]  }
0x5cd: {  	v23 =	vld [tilespmem:$0x1F2B8];
	[tilespmem:$0x1F748] =	vst v29  }
0x5ce: {  	v24 =	vld [tilespmem:$0x1F338];
	[tilespmem:$0x1F948] =	vst v34  }
0x5cf: {  	v25 =	vld [tilespmem:$0x1F2B8];
	[tilespmem:$0x1F758] =	vst v36  }
0x5d0: {  	[tilespmem:$0x1F538] =	vst v7;
	v7 =	vld [tilespmem:$0x1F338]  }
0x5d1: {  	v26 =	vld [tilespmem:$0x1F2B8];
	[tilespmem:$0x1F958] =	vst v41;
	v6 =	vadd.s32 $0x31000, v6  }
0x5d2: {  	v43 =	vld [tilespmem:$0x1F2E8];
	[tilespmem:$0x1F5B8] =	vst v6;
	v6 =	vadd.s32 $0x1, v23  }
0x5d3: {  	v48 =	vld [tilespmem:$0x1F4E8];
	[tilespmem:$0x1F7B8] =	vst v6;
	v6 =	vadd.s32 $0x62000, v24  }
0x5d4: {  	v50 =	vld [tilespmem:$0x1F2F8];
	[tilespmem:$0x1F638] =	vst v6;
	v6 =	vadd.s32 $0x2, v25  }
0x5d5: {  	v55 =	vld [tilespmem:$0x1F4F8];
	[tilespmem:$0x1F838] =	vst v6;
	v6 =	vadd.s32 $0x93000, v7  }
0x5d6: {  	v7 =	vld [tilespmem:$0x1F348];
	[tilespmem:$0x1F6B8] =	vst v6;
	v6 =	vadd.s32 $0x3, v26  }
0x5d7: {  	[tilespmem:$0x1F8B8] =	vst v6;
	v6 =	vld [tilespmem:$0x1F348]  }
0x5d8: {  	v30 =	vld [tilespmem:$0x1F2C8];
	[tilespmem:$0x1F768] =	vst v43  }
0x5d9: {  	v31 =	vld [tilespmem:$0x1F348];
	[tilespmem:$0x1F968] =	vst v48  }
0x5da: {  	v32 =	vld [tilespmem:$0x1F2C8];
	[tilespmem:$0x1F778] =	vst v50  }
0x5db: {  	[tilespmem:$0x1F548] =	vst v7;
	v7 =	vld [tilespmem:$0x1F348]  }
0x5dc: {  	v33 =	vld [tilespmem:$0x1F2C8];
	[tilespmem:$0x1F978] =	vst v55;
	v6 =	vadd.s32 $0x31000, v6  }
0x5dd: {  	[tilespmem:$0x1F5C8] =	vst v6;
	v6 =	vadd.s32 $0x1, v30  }
0x5de: {  	v57 =	vld [tilespmem:$0x1F308];
	[tilespmem:$0x1F7C8] =	vst v6;
	v6 =	vadd.s32 $0x62000, v31  }
0x5df: {  	v13 =	vld [tilespmem:$0x1F498];
	[tilespmem:$0x1F648] =	vst v6;
	v6 =	vadd.s32 $0x2, v32  }
0x5e0: {  	[tilespmem:$0x1F848] =	vst v6;
	v6 =	vadd.s32 $0x93000, v7  }
0x5e1: {  	v7 =	vld [tilespmem:$0x1F358];
	[tilespmem:$0x1F6C8] =	vst v6;
	v6 =	vadd.s32 $0x3, v33  }
0x5e2: {  	[tilespmem:$0x1F8C8] =	vst v6;
	v6 =	vld [tilespmem:$0x1F358]  }
0x5e3: {  	v37 =	vld [tilespmem:$0x1F2D8];
	v9 =	vadd.s32 $0x1, v12;
	[tilespmem:$0x1F788] =	vst v57  }
0x5e4: {  	v38 =	vld [tilespmem:$0x1F358];
	v16 =	vadd.s32 $0x2, v13;
	[tilespmem:$0x1F998] =	vst v9  }
0x5e5: {  	v39 =	vld [tilespmem:$0x1F2D8];
	[tilespmem:$0x1FA18] =	vst v16  }
0x5e6: {  	v10 =	vadd.s32 $0x1, v20;
	[tilespmem:$0x1F558] =	vst v7;
	v7 =	vld [tilespmem:$0x1F358]  }
0x5e7: {  	v40 =	vld [tilespmem:$0x1F2D8];
	[tilespmem:$0x1F9A8] =	vst v10;
	v6 =	vadd.s32 $0x31000, v6  }
0x5e8: {  	v21 =	vld [tilespmem:$0x1F4A8];
	[tilespmem:$0x1F5D8] =	vst v6;
	v6 =	vadd.s32 $0x1, v37  }
0x5e9: {  	[tilespmem:$0x1F7D8] =	vst v6;
	v6 =	vadd.s32 $0x62000, v38  }
0x5ea: {  	v28 =	vld [tilespmem:$0x1F4B8];
	[tilespmem:$0x1F658] =	vst v6;
	v6 =	vadd.s32 $0x2, v39  }
0x5eb: {  	[tilespmem:$0x1F858] =	vst v6;
	v6 =	vadd.s32 $0x93000, v7  }
0x5ec: {  	v7 =	vld [tilespmem:$0x1F368];
	[tilespmem:$0x1F6D8] =	vst v6;
	v6 =	vadd.s32 $0x3, v40  }
0x5ed: {  	v9 =	vadd.s32 $0x2, v21;
	[tilespmem:$0x1F8D8] =	vst v6;
	v6 =	vld [tilespmem:$0x1F368]  }
0x5ee: {  	v44 =	vld [tilespmem:$0x1F2E8];
	v10 =	vadd.s32 $0x1, v27;
	[tilespmem:$0x1FA28] =	vst v9  }
0x5ef: {  	v45 =	vld [tilespmem:$0x1F368];
	[tilespmem:$0x1F9B8] =	vst v10;
	v9 =	vadd.s32 $0x2, v28  }
0x5f0: {  	v46 =	vld [tilespmem:$0x1F2E8];
	[tilespmem:$0x1FA38] =	vst v9  }
0x5f1: {  	v10 =	vadd.s32 $0x1, v34;
	[tilespmem:$0x1F568] =	vst v7;
	v7 =	vld [tilespmem:$0x1F368]  }
0x5f2: {  	v47 =	vld [tilespmem:$0x1F2E8];
	[tilespmem:$0x1F9C8] =	vst v10;
	v6 =	vadd.s32 $0x31000, v6  }
0x5f3: {  	v35 =	vld [tilespmem:$0x1F4C8];
	[tilespmem:$0x1F5E8] =	vst v6;
	v6 =	vadd.s32 $0x1, v44  }
0x5f4: {  	[tilespmem:$0x1F7E8] =	vst v6;
	v6 =	vadd.s32 $0x62000, v45  }
0x5f5: {  	v42 =	vld [tilespmem:$0x1F4D8];
	[tilespmem:$0x1F668] =	vst v6;
	v6 =	vadd.s32 $0x2, v46  }
0x5f6: {  	[tilespmem:$0x1F868] =	vst v6;
	v6 =	vadd.s32 $0x93000, v7  }
0x5f7: {  	v7 =	vld [tilespmem:$0x1F378];
	[tilespmem:$0x1F6E8] =	vst v6;
	v6 =	vadd.s32 $0x3, v47  }
0x5f8: {  	v9 =	vadd.s32 $0x2, v35;
	[tilespmem:$0x1F8E8] =	vst v6;
	v6 =	vld [tilespmem:$0x1F378]  }
0x5f9: {  	v51 =	vld [tilespmem:$0x1F2F8];
	v10 =	vadd.s32 $0x1, v41;
	[tilespmem:$0x1FA48] =	vst v9  }
0x5fa: {  	v52 =	vld [tilespmem:$0x1F378];
	[tilespmem:$0x1F9D8] =	vst v10;
	v9 =	vadd.s32 $0x2, v42  }
0x5fb: {  	v53 =	vld [tilespmem:$0x1F2F8];
	[tilespmem:$0x1FA58] =	vst v9  }
0x5fc: {  	v10 =	vadd.s32 $0x1, v48;
	[tilespmem:$0x1F578] =	vst v7;
	v7 =	vld [tilespmem:$0x1F378]  }
0x5fd: {  	v54 =	vld [tilespmem:$0x1F2F8];
	[tilespmem:$0x1F9E8] =	vst v10;
	v6 =	vadd.s32 $0x31000, v6  }
0x5fe: {  	v49 =	vld [tilespmem:$0x1F4E8];
	[tilespmem:$0x1F5F8] =	vst v6;
	v6 =	vadd.s32 $0x1, v51  }
0x5ff: {  	[tilespmem:$0x1F7F8] =	vst v6;
	v6 =	vadd.s32 $0x62000, v52  }
0x600: {  	v56 =	vld [tilespmem:$0x1F4F8];
	[tilespmem:$0x1F678] =	vst v6;
	v6 =	vadd.s32 $0x2, v53  }
0x601: {  	v62 =	vld [tilespmem:$0x1F508];
	[tilespmem:$0x1F878] =	vst v6;
	v6 =	vadd.s32 $0x93000, v7  }
0x602: {  	v7 =	vld [tilespmem:$0x1F388];
	[tilespmem:$0x1F6F8] =	vst v6;
	v6 =	vadd.s32 $0x3, v54  }
0x603: {  	v9 =	vadd.s32 $0x2, v49;
	[tilespmem:$0x1F8F8] =	vst v6;
	v6 =	vld [tilespmem:$0x1F388]  }
0x604: {  	v58 =	vld [tilespmem:$0x1F308];
	v10 =	vadd.s32 $0x1, v55;
	[tilespmem:$0x1FA68] =	vst v9  }
0x605: {  	v59 =	vld [tilespmem:$0x1F388];
	[tilespmem:$0x1F9F8] =	vst v10;
	v9 =	vadd.s32 $0x2, v56  }
0x606: {  	v60 =	vld [tilespmem:$0x1F308];
	[tilespmem:$0x1FA78] =	vst v9  }
0x607: {  	[tilespmem:$0x1F588] =	vst v7;
	v7 =	vld [tilespmem:$0x1F388]  }
0x608: {  	v61 =	vld [tilespmem:$0x1F308];
	[tilespmem:$0x1F988] =	vst v62;
	v6 =	vadd.s32 $0x31000, v6  }
0x609: {  	[tilespmem:$0x1F608] =	vst v6;
	v6 =	vadd.s32 $0x1, v58  }
0x60a: {  	v63 =	vld [tilespmem:$0x1F508];
	[tilespmem:$0x1F808] =	vst v6;
	v6 =	vadd.s32 $0x62000, v59  }
0x60b: {  	[tilespmem:$0x1F688] =	vst v6;
	v6 =	vadd.s32 $0x2, v60  }
0x60c: {  	[tilespmem:$0x1F888] =	vst v6;
	v6 =	vadd.s32 $0x93000, v7  }
0x60d: {  	[tilespmem:$0x1F708] =	vst v6;
	v6 =	vadd.s32 $0x3, v61  }
0x60e: {  	[tilespmem:$0x1F908] =	vst v6;
	v6 =	vadd.s32 $0x1, v62  }
0x60f: {  	s4 =	simm.s32 $0x80;
	[tilespmem:$0x1FA08] =	vst v6;
	v6 =	vadd.s32 $0x2, v63  }
0x610: {  	s19 =	simm.s32 $0x1F518;
	s20 =	simm.s32 $0x1FA98;
	s18 =	rddreg [dreg:$0x0];
	[tilespmem:$0x1FA88] =	vst v6  }
0x611: {  	[tilespmem:s20], [sflag:$0x1] =	stream.indirect.gather [hbm4b:s18+s4], $0x1, s19, s4, $0xb8;
	[tilespmem:$0x1FE18] =	vst v63  }
0x612: {  	s16 =	rddreg [dreg:$0x1d];
	s21 =	simm.s32 $0x1F598;
	s22 =	simm.s32 $0x1FB18  }
0x613: {  	[tilespmem:s22], [sflag:$0x2] =	stream.indirect.gather [hbm4b:s18+s4], $0x1, s21, s4, $0xb8;
	[tilespmem:$0x1FE18] =	vst v63  }
0x614: {  	s15 =	rddreg [dreg:$0x1e];
	s8 =	simm.s32 $0x1F618;
	s9 =	simm.s32 $0x1FB98  }
0x615: {  	[tilespmem:s9], [sflag:$0x3] =	stream.indirect.gather [hbm4b:s18+s4], $0x1, s8, s4, $0xb8;
	[tilespmem:$0x1FE18] =	vst v63  }
0x616: {  	s12 =	simm.s32 $0x1;
	s10 =	simm.s32 $0x1F698;
	s11 =	simm.s32 $0x1FC18  }
0x617: {  	[tilespmem:s11], [sflag:$0x4] =	stream.indirect.gather [hbm4b:s18+s4], $0x1, s10, s4, $0xb8;
	[tilespmem:$0x1FE18] =	vst v63  }
0x618: {  	s17 =	rddreg [dreg:$0x1f];
	_ =	swait.ge [sflag:s12], $0x80  }
0x619: {  	[sflag:s12] =	ssyncset.done $0x0  }
0x61a: {  	s23 =	simm.s32 $0x2;
	[sflag:s12] =	ssyncadd.s32 $0xFFFFFF80  }
0x61b: {  	_ =	swait.ge [sflag:s23], $0x80  }
0x61c: {  	[sflag:s23] =	ssyncset.done $0x0  }
0x61d: {  	s24 =	simm.s32 $0x3;
	[sflag:s23] =	ssyncadd.s32 $0xFFFFFF80  }
0x61e: {  	_ =	swait.ge [sflag:s24], $0x80  }
0x61f: {  	[sflag:s24] =	ssyncset.done $0x0  }
0x620: {  	s25 =	simm.s32 $0x4;
	[sflag:s24] =	ssyncadd.s32 $0xFFFFFF80  }
0x621: {  	_ =	swait.ge [sflag:s25], $0x80  }
0x622: {  	[sflag:s25] =	ssyncset.done $0x0  }
0x623: {  	[sflag:s25] =	ssyncadd.s32 $0xFFFFFF80  }
0x624: {  	s30 =	simm.s32 $0x1F718;
	s26 =	rddreg [dreg:$0x1]  }
0x625: {  	[hbm4b:s26+s4] =	stream.indirect.scatter [tilespmem:s20], [sflag:$0x1], $0x1, s30, s4, $0xb8;
	[tilespmem:$0x1FE18] =	vst v63  }
0x626: {  	s31 =	simm.s32 $0x1F798  }
0x627: {  	[hbm4b:s26+s4] =	stream.indirect.scatter [tilespmem:s22], [sflag:$0x2], $0x1, s31, s4, $0xb8;
	[tilespmem:$0x1FE18] =	vst v63  }
0x628: {  	s7 =	simm.s32 $0x1F818;
	s0 =	sadd.s32 s15, s0;
	s2 =	sxor.u32 $0x80000000, s17  }
0x629: {  	[hbm4b:s26+s4] =	stream.indirect.scatter [tilespmem:s9], [sflag:$0x3], $0x1, s7, s4, $0xb8;
	[tilespmem:$0x1FE18] =	vst v63  }
0x62a: {  	s15 =	simm.s32 $0x1F398;
	s17 =	simm.s32 $0x1F918;
	s8 =	simm.s32 $0x1F898  }
0x62b: {  	[hbm4b:s26+s4] =	stream.indirect.scatter [tilespmem:s11], [sflag:$0x4], $0x1, s8, s4, $0xb8;
	[tilespmem:$0x1FE18] =	vst v63  }
0x62c: {  	s3 =	sadd.s32 $0x80000000, s0;
	s14 =	simm.s32 $0x1F418;
	s13 =	rddreg [dreg:$0x17]  }
0x62d: {  	[hbm4b:s13+s4] =	stream.indirect.scatter [tilespmem:s15], [sflag:$0x5], $0x1, s14, s4, $0xb8;
	[tilespmem:$0x1FE18] =	vst v63  }
0x62e: {  	s0 =	sxor.u32 $0x80000000, s16;
	s18 =	simm.s32 $0x1FC98;
	s16 =	rddreg [dreg:$0x2]  }
0x62f: {  	[hbm4b:s16+s4] =	stream.indirect.scatter [tilespmem:s18], [sflag:$0x6], $0x1, s17, s4, $0xb8;
	[tilespmem:$0x1FE18] =	vst v63  }
0x630: {  	s19 =	simm.s32 $0x1F998;
	s20 =	simm.s32 $0x1FD18  }
0x631: {  	[hbm4b:s16+s4] =	stream.indirect.scatter [tilespmem:s20], [sflag:$0x7], $0x1, s19, s4, $0xb8;
	[tilespmem:$0x1FE18] =	vst v63  }
0x632: {  	s21 =	simm.s32 $0x1FA18;
	s22 =	simm.s32 $0x1FD98  }
0x633: {  	[hbm4b:s16+s4] =	stream.indirect.scatter [tilespmem:s22], [sflag:$0x8], $0x1, s21, s4, $0xb8;
	[tilespmem:$0x1FE18] =	vst v63  }
0x634: {  	_ =	swait.ge [sflag:s12], $0x80  }
0x635: {  	[sflag:s12] =	ssyncset.done $0x0  }
0x636: {  	[sflag:s12] =	ssyncadd.s32 $0xFFFFFF80  }
0x637: {  	_ =	swait.ge [sflag:s23], $0x80  }
0x638: {  	[sflag:s23] =	ssyncset.done $0x0  }
0x639: {  	[sflag:s23] =	ssyncadd.s32 $0xFFFFFF80  }
0x63a: {  	_ =	swait.ge [sflag:s24], $0x80  }
0x63b: {  	[sflag:s24] =	ssyncset.done $0x0  }
0x63c: {  	[sflag:s24] =	ssyncadd.s32 $0xFFFFFF80  }
0x63d: {  	_ =	swait.ge [sflag:s25], $0x80  }
0x63e: {  	[sflag:s25] =	ssyncset.done $0x0  }
0x63f: {  	s23 =	simm.s32 $0x5;
	[sflag:s25] =	ssyncadd.s32 $0xFFFFFF80  }
0x640: {  	_ =	swait.ge [sflag:s23], $0x80  }
0x641: {  	[sflag:s23] =	ssyncset.done $0x0  }
0x642: {  	s24 =	simm.s32 $0x6;
	[sflag:s23] =	ssyncadd.s32 $0xFFFFFF80  }
0x643: {  	_ =	swait.ge [sflag:s24], $0x80  }
0x644: {  	[sflag:s24] =	ssyncset.done $0x0  }
0x645: {  	s25 =	simm.s32 $0x7;
	[sflag:s24] =	ssyncadd.s32 $0xFFFFFF80  }
0x646: {  	_ =	swait.ge [sflag:s25], $0x80  }
0x647: {  	[sflag:s25] =	ssyncset.done $0x0  }
0x648: {  	s26 =	simm.s32 $0x8;
	[sflag:s25] =	ssyncadd.s32 $0xFFFFFF80  }
0x649: {  	_ =	swait.ge [sflag:s26], $0x80  }
0x64a: {  	s30 =	rddreg [dreg:$0x19]  }
0x64b: {  	s1 =	sadd.s32 $0x1, s30  }
0x64c: {  	p1 =	seq.s32 s1, $0x62  }
.Ltmp31:
0x64d: {  	_ = 	snop;
	(pc) =	sbr.rel @!p1 .LBB2_60-.Ltmp31, $4  }
0x64e: {  	[sflag:s26] =	ssyncset.done $0x0;
	s31 =	rddreg [dreg:$0x1a]  }
0x64f: {  	vm4 =	vcmask $0x704;
	vm3 =	vmmov vm7;
	vm7 =	vcmask $0x300;
	s29 =	rddreg [dreg:$0x18];
	[sflag:s26] =	ssyncadd.s32 $0xFFFFFF80  }
0x650: {  	vm9 =	vcmask $0x3330;
	vm1 =	vmmov vm6;
	vm6 =	vcmask $0x2320;
	s26 =	rddreg [dreg:$0x3]  }
0x651: {  	vm2 =	vmmov vm12;
	vm11 =	vcmask $0x1F1C;
	vm12 =	vcmask $0x2724;
	s11 =	sadd.s32 $0x80, s31;
	s28 =	rddreg [dreg:$0x8]  }
0x652: {  	_ =	sfence.sel $0x180000  }
0x653: {  	[bflag:$0x0] =	sbarrier.arrive $0xFFFF  }
0x654: {  	_ =	strace $0x90000047  }
0x655: {  	[bflag:$0x2] =	sbarrier.arrive $0xFFFF  }
0x656: {  	s0 =	rddreg [dreg:$0xa]  }
0x657: {  	s0 =	sadd.s32 @!p0 $0x100000, s0  }
0x658: {  	[sflag:s0] =	ssyncadd.tile.s32 @!p0 $0x1;
	_ =	shalt  }
.Lfunc_end2:
_tile_overlayer_lowered:
.L_overlay_start_2:
0x659: {  	(tag) =	ssettag $0x2  }
0x65a: {  	s0 =	rddreg [dreg:$0x0];
	s2 =	stileid.u32  }
0x65b: {  	s1 =	rddreg [dreg:$0x1];
	p0 =	sne.s32 s2, $0x0  }
0x65c: {  	s3 =	rddreg [dreg:$0x2];
	[bflag:$0x3] =	sbarrier.arrive $0xFFFF;
	s2 =	simm.s32 @!p0 $0x1C09  }
0x65d: {  	[timem:s3], [sflag:s2] =	dma.local @!p0 [hbm:s0], s1  }
0x65e: {  	s0 =	simm.s32 @!p0 $0x9  }
0x65f: {  	_ =	swait.ge @!p0 [sflag:s0], s1  }
0x660: {  	s1 =	ssub.s32 @!p0 $0x0, s1;
	[sflag:s0] =	ssyncset.done @!p0 $0x0  }
0x661: {  	[sflag:s0] =	ssyncadd.s32 @!p0 s1  }
0x662: {  	[bflag:$0x3] =	sbarrier.arrive $0xFFFF  }
0x663: {  	_ =	shalt  }

</sc_bundles>
